<compile_context>
chip_gen: v7x
topology: tpu7x:2x2x1
jax: 0.10.2.dev20260603
libtpu: 0.0.44.dev20260713+nightly
codegen_flags: <defaults>
</compile_context>

<pallas_src>
import functools

import jax
import jax.numpy as jnp
from jax import lax
from jax.experimental import pallas as pl
from jax.experimental.pallas import tpu as pltpu
from jax.experimental.pallas import tpu_sc as plsc

D_MODEL_ = 1024
BLOCK_S = 512
TC_BATCHES = 3

CHUNK_ROWS = 16
CHUNK = CHUNK_ROWS * D_MODEL_
XNBUF = 4
TNBUF = 2
PREFETCH = 3


def _tc_add_kernel(x_ref, t_ref, o_ref):
    o_ref[...] = x_ref[...] + t_ref[...][None, :, :]


def _tc_add(x, table):
    batch, seq_len, d_model = x.shape
    grid = (seq_len // BLOCK_S,)
    return pl.pallas_call(
        _tc_add_kernel,
        grid=grid,
        in_specs=[
            pl.BlockSpec((batch, BLOCK_S, d_model), lambda i: (0, i, 0)),
            pl.BlockSpec((BLOCK_S, d_model), lambda i: (i, 0)),
        ],
        out_specs=pl.BlockSpec((batch, BLOCK_S, d_model), lambda i: (0, i, 0)),
        out_shape=jax.ShapeDtypeStruct((batch, seq_len, d_model), x.dtype),
    )(x, table)


def _sc_add_kernel(x_hbm, t_hbm, o_hbm, xbuf, tbuf, semx, semt, semo,
                   *, seq_rows_per_worker, seq_len, batch):
    wid = lax.axis_index("s") * 2 + lax.axis_index("c")
    trow0 = wid * seq_rows_per_worker
    n_chunks = seq_rows_per_worker // CHUNK_ROWS
    n_units = n_chunks * batch

    def x_row(g, b):
        return b * seq_len + trow0 + g * CHUNK_ROWS

    def start_x(u, slot):
        g, b = divmod(u, batch)
        return pltpu.async_copy(
            x_hbm.at[pl.ds(x_row(g, b), CHUNK_ROWS), :], xbuf.at[slot],
            semx.at[slot])

    def start_t(g, slot):
        return pltpu.async_copy(
            t_hbm.at[pl.ds(trow0 + g * CHUNK_ROWS, CHUNK_ROWS), :],
            tbuf.at[slot], semt.at[slot])

    def start_out(u, slot):
        g, b = divmod(u, batch)
        return pltpu.async_copy(
            xbuf.at[slot], o_hbm.at[pl.ds(x_row(g, b), CHUNK_ROWS), :],
            semo.at[slot])

    pend_x = [start_x(u, u % XNBUF) for u in range(min(PREFETCH, n_units))]
    pend_x += [None] * (XNBUF - len(pend_x))
    pend_t = [start_t(g, g % TNBUF) for g in range(min(TNBUF, n_chunks))]
    pend_o = [None] * XNBUF

    for u in range(n_units):
        g, b = divmod(u, batch)
        slot = u % XNBUF
        tslot = g % TNBUF

        r = u + PREFETCH
        if r < n_units:
            rslot = r % XNBUF
            if pend_o[rslot] is not None:
                pend_o[rslot].wait()
                pend_o[rslot] = None
            pend_x[rslot] = start_x(r, rslot)

        pend_x[slot].wait()
        if b == 0:
            pend_t[tslot].wait()

        @plsc.parallel_loop(0, D_MODEL_ // 16, unroll=2)
        def add_body(i):
            s = i * 16
            for row in range(CHUNK_ROWS):
                plsc.addupdate(xbuf.at[slot, row, pl.ds(s, 16)],
                               tbuf[tslot, row, pl.ds(s, 16)])

        pend_o[slot] = start_out(u, slot)
        if b == batch - 1 and g + TNBUF < n_chunks:
            pend_t[tslot] = start_t(g + TNBUF, tslot)

    for slot in range(XNBUF):
        if pend_o[slot] is not None:
            pend_o[slot].wait()


def _sc_add(x2d, table, batch, seq_len, d_model):
    n_workers = 32
    seq_rows_per_worker = seq_len // n_workers

    mesh = plsc.VectorSubcoreMesh(core_axis_name="c", subcore_axis_name="s")
    sc_call = pl.kernel(
        functools.partial(
            _sc_add_kernel,
            seq_rows_per_worker=seq_rows_per_worker,
            seq_len=seq_len,
            batch=batch,
        ),
        mesh=mesh,
        out_type=jax.ShapeDtypeStruct((batch * seq_len, d_model), jnp.float32),
        scratch_types=[
            pltpu.VMEM((XNBUF, CHUNK_ROWS, D_MODEL_), jnp.float32),
            pltpu.VMEM((TNBUF, CHUNK_ROWS, D_MODEL_), jnp.float32),
            pltpu.SemaphoreType.DMA((XNBUF,)),
            pltpu.SemaphoreType.DMA((TNBUF,)),
            pltpu.SemaphoreType.DMA((XNBUF,)),
        ],
        compiler_params=pltpu.CompilerParams(use_tc_tiling_on_sc=True),
    )
    return sc_call(x2d, table)


def kernel(x, table):
    batch, seq_len, d_model = x.shape
    t = table[:seq_len]
    tc_out = _tc_add(x[:TC_BATCHES], t)
    sc_batches = batch - TC_BATCHES
    sc_out = _sc_add(
        x[TC_BATCHES:].reshape(sc_batches * seq_len, d_model), t,
        sc_batches, seq_len, d_model)
    return jnp.concatenate(
        [tc_out, sc_out.reshape(sc_batches, seq_len, d_model)], axis=0)

# --- scband reference (transcript-rebuilt; emitter-appended) ---
"""Pipeline reference for scband-positional-encoding-64433099374746 (READ-ONLY COPY).

The authoritative reference and input builder live on the scoring server;
editing this copy changes nothing except your own understanding.
"""

import jax, jax.numpy as jnp
import numpy as np

D_MODEL = 1024
MAX_LEN = 4096
BATCH = 4
SEQ_LEN = 4096

def setup_inputs(seed: int = 0) -> dict:
    key = jax.random.key(seed)
    k1, k2 = jax.random.split(key)
    x = jax.random.normal(k1, (BATCH, SEQ_LEN, D_MODEL), dtype=jnp.float32)
    # learned positional embedding table, as in nn.Embedding(max_len, d_model)
    table = jax.random.normal(k2, (MAX_LEN, D_MODEL), dtype=jnp.float32)
    return {"x": x, "table": table}

def reference(x, table):
    batch_size, seq_len, _ = x.shape
    positions = jnp.arange(seq_len)[None, :]  # (1, seq_len)
    pos_emb = jnp.take(table, positions, axis=0)  # (1, seq_len, d_model) gather
    return x + pos_emb

if __name__ == "__main__":
    import jax
    _d = setup_inputs()
    print(jax.jit(kernel)(*tuple(_d.values())))

</pallas_src>

<mosaic_0001>
#map = affine_map<(d0, d1) -> (0, 0)>
module attributes {stable_mosaic.version = 14 : i64} {
  func.func @_sc_add_kernel(%arg0: i32, %arg1: i32, %arg2: memref<4096x1024xf32, #tpu.memory_space<hbm>>, %arg3: memref<4096x1024xf32, #tpu.memory_space<hbm>>, %arg4: memref<4096x1024xf32, #tpu.memory_space<hbm>>, %arg5: memref<4x16x1024xf32, #tpu.memory_space<vmem>>, %arg6: memref<2x16x1024xf32, #tpu.memory_space<vmem>>, %arg7: memref<4x!tpu.dma_semaphore, #tpu.memory_space<semaphore_mem>>, %arg8: memref<2x!tpu.dma_semaphore, #tpu.memory_space<semaphore_mem>>, %arg9: memref<4x!tpu.dma_semaphore, #tpu.memory_space<semaphore_mem>>) attributes {dimension_semantics = [#tpu.dimension_semantics<core_parallel>, #tpu.dimension_semantics<subcore_parallel>], iteration_bounds = array<i64: 2, 16>, scalar_prefetch = 0 : i64, scratch_operands = 5 : i64, tpu.core_type = #tpu.core_type<sc_vector_subcore>, window_params = [{transform_indices = #map}, {transform_indices = #map}, {transform_indices = #map}]} {
    %mul3A = arith.constant 2 : i32
    %mul3A_0 = arith.muli %arg1, %mul3A : i32
    %add3A = arith.addi %mul3A_0, %arg0 : i32
    %mul3A_1 = arith.constant 128 : i32
    %mul3A_2 = arith.muli %add3A, %mul3A_1 : i32
    %add3A_3 = arith.constant 0 : i32
    %add3A_4 = arith.addi %add3A_3, %mul3A_2 : i32
    %add3A_5 = arith.constant 0 : i32
    %add3A_6 = arith.addi %add3A_4, %add3A_5 : i32
    %dma_start3A = arith.constant 0 : i32
    %dma_start3A_7 = arith.constant 0 : i32
    %dma_start3A_8 = arith.constant 0 : i32
    %dma_start3A_9 = arith.constant 0 : i32
    %dma_start3A_10 = tpu.memref_slice %arg5[%dma_start3A, %dma_start3A_8, %dma_start3A_9] : memref<4x16x1024xf32, #tpu.memory_space<vmem>> -> memref<1x16x1024xf32, #tpu.memory_space<vmem>>
    %dma_start3A_11 = tpu.memref_squeeze %dma_start3A_10 : memref<1x16x1024xf32, #tpu.memory_space<vmem>> -> memref<16x1024xf32, #tpu.memory_space<vmem>>
    %dma_start3A_12 = arith.constant 0 : i32
    %dma_start3A_13 = tpu.memref_slice %arg2[%add3A_6, %dma_start3A_12] : memref<4096x1024xf32, #tpu.memory_space<hbm>> -> memref<16x1024xf32, #tpu.memory_space<hbm>>
    %dma_start3A_14 = tpu.memref_slice %arg7[%dma_start3A_7] : memref<4x!tpu.dma_semaphore, #tpu.memory_space<semaphore_mem>> -> memref<1x!tpu.dma_semaphore, #tpu.memory_space<semaphore_mem>>
    %dma_start3A_15 = tpu.memref_squeeze %dma_start3A_14 : memref<1x!tpu.dma_semaphore, #tpu.memory_space<semaphore_mem>> -> memref<!tpu.dma_semaphore, #tpu.memory_space<semaphore_mem>>
    %dma_start3A_16 = arith.constant 0 : i32
    %dma_start3A_17 = arith.constant 0 : i32
    %dma_start3A_18 = tpu.memref_slice %arg5[%dma_start3A, %dma_start3A_16, %dma_start3A_17] : memref<4x16x1024xf32, #tpu.memory_space<vmem>> -> memref<1x16x1024xf32, #tpu.memory_space<vmem>>
    %dma_start3A_19 = tpu.memref_squeeze %dma_start3A_18 : memref<1x16x1024xf32, #tpu.memory_space<vmem>> -> memref<16x1024xf32, #tpu.memory_space<vmem>>
    %dma_start3A_20 = arith.constant 0 : i32
    %dma_start3A_21 = tpu.memref_slice %arg2[%add3A_6, %dma_start3A_20] : memref<4096x1024xf32, #tpu.memory_space<hbm>> -> memref<16x1024xf32, #tpu.memory_space<hbm>>
    tpu.enqueue_dma source(%dma_start3A_21 : memref<16x1024xf32, #tpu.memory_space<hbm>>) target(%dma_start3A_19 : memref<16x1024xf32, #tpu.memory_space<vmem>>) target_semaphore(%dma_start3A_15 : memref<!tpu.dma_semaphore, #tpu.memory_space<semaphore_mem>>)
    %add3A_22 = arith.constant 0 : i32
    %add3A_23 = arith.addi %add3A_22, %mul3A_2 : i32
    %add3A_24 = arith.constant 16 : i32
    %add3A_25 = arith.addi %add3A_23, %add3A_24 : i32
    %dma_start3A_26 = arith.constant 1 : i32
    %dma_start3A_27 = arith.constant 1 : i32
    %dma_start3A_28 = arith.constant 0 : i32
    %dma_start3A_29 = arith.constant 0 : i32
    %dma_start3A_30 = tpu.memref_slice %arg5[%dma_start3A_26, %dma_start3A_28, %dma_start3A_29] : memref<4x16x1024xf32, #tpu.memory_space<vmem>> -> memref<1x16x1024xf32, #tpu.memory_space<vmem>>
    %dma_start3A_31 = tpu.memref_squeeze %dma_start3A_30 : memref<1x16x1024xf32, #tpu.memory_space<vmem>> -> memref<16x1024xf32, #tpu.memory_space<vmem>>
    %dma_start3A_32 = arith.constant 0 : i32
    %dma_start3A_33 = tpu.memref_slice %arg2[%add3A_25, %dma_start3A_32] : memref<4096x1024xf32, #tpu.memory_space<hbm>> -> memref<16x1024xf32, #tpu.memory_space<hbm>>
    %dma_start3A_34 = tpu.memref_slice %arg7[%dma_start3A_27] : memref<4x!tpu.dma_semaphore, #tpu.memory_space<semaphore_mem>> -> memref<1x!tpu.dma_semaphore, #tpu.memory_space<semaphore_mem>>
    %dma_start3A_35 = tpu.memref_squeeze %dma_start3A_34 : memref<1x!tpu.dma_semaphore, #tpu.memory_space<semaphore_mem>> -> memref<!tpu.dma_semaphore, #tpu.memory_space<semaphore_mem>>
    %dma_start3A_36 = arith.constant 0 : i32
    %dma_start3A_37 = arith.constant 0 : i32
    %dma_start3A_38 = tpu.memref_slice %arg5[%dma_start3A_26, %dma_start3A_36, %dma_start3A_37] : memref<4x16x1024xf32, #tpu.memory_space<vmem>> -> memref<1x16x1024xf32, #tpu.memory_space<vmem>>
    %dma_start3A_39 = tpu.memref_squeeze %dma_start3A_38 : memref<1x16x1024xf32, #tpu.memory_space<vmem>> -> memref<16x1024xf32, #tpu.memory_space<vmem>>
    %dma_start3A_40 = arith.constant 0 : i32
    %dma_start3A_41 = tpu.memref_slice %arg2[%add3A_25, %dma_start3A_40] : memref<4096x1024xf32, #tpu.memory_space<hbm>> -> memref<16x1024xf32, #tpu.memory_space<hbm>>
    tpu.enqueue_dma source(%dma_start3A_41 : memref<16x1024xf32, #tpu.memory_space<hbm>>) target(%dma_start3A_39 : memref<16x1024xf32, #tpu.memory_space<vmem>>) target_semaphore(%dma_start3A_35 : memref<!tpu.dma_semaphore, #tpu.memory_space<semaphore_mem>>)
    %add3A_42 = arith.constant 0 : i32
    %add3A_43 = arith.addi %add3A_42, %mul3A_2 : i32
    %add3A_44 = arith.constant 32 : i32
    %add3A_45 = arith.addi %add3A_43, %add3A_44 : i32
    %dma_start3A_46 = arith.constant 2 : i32
    %dma_start3A_47 = arith.constant 2 : i32
    %dma_start3A_48 = arith.constant 0 : i32
    %dma_start3A_49 = arith.constant 0 : i32
    %dma_start3A_50 = tpu.memref_slice %arg5[%dma_start3A_46, %dma_start3A_48, %dma_start3A_49] : memref<4x16x1024xf32, #tpu.memory_space<vmem>> -> memref<1x16x1024xf32, #tpu.memory_space<vmem>>
    %dma_start3A_51 = tpu.memref_squeeze %dma_start3A_50 : memref<1x16x1024xf32, #tpu.memory_space<vmem>> -> memref<16x1024xf32, #tpu.memory_space<vmem>>
    %dma_start3A_52 = arith.constant 0 : i32
    %dma_start3A_53 = tpu.memref_slice %arg2[%add3A_45, %dma_start3A_52] : memref<4096x1024xf32, #tpu.memory_space<hbm>> -> memref<16x1024xf32, #tpu.memory_space<hbm>>
    %dma_start3A_54 = tpu.memref_slice %arg7[%dma_start3A_47] : memref<4x!tpu.dma_semaphore, #tpu.memory_space<semaphore_mem>> -> memref<1x!tpu.dma_semaphore, #tpu.memory_space<semaphore_mem>>
    %dma_start3A_55 = tpu.memref_squeeze %dma_start3A_54 : memref<1x!tpu.dma_semaphore, #tpu.memory_space<semaphore_mem>> -> memref<!tpu.dma_semaphore, #tpu.memory_space<semaphore_mem>>
    %dma_start3A_56 = arith.constant 0 : i32
    %dma_start3A_57 = arith.constant 0 : i32
    %dma_start3A_58 = tpu.memref_slice %arg5[%dma_start3A_46, %dma_start3A_56, %dma_start3A_57] : memref<4x16x1024xf32, #tpu.memory_space<vmem>> -> memref<1x16x1024xf32, #tpu.memory_space<vmem>>
    %dma_start3A_59 = tpu.memref_squeeze %dma_start3A_58 : memref<1x16x1024xf32, #tpu.memory_space<vmem>> -> memref<16x1024xf32, #tpu.memory_space<vmem>>
    %dma_start3A_60 = arith.constant 0 : i32
    %dma_start3A_61 = tpu.memref_slice %arg2[%add3A_45, %dma_start3A_60] : memref<4096x1024xf32, #tpu.memory_space<hbm>> -> memref<16x1024xf32, #tpu.memory_space<hbm>>
    tpu.enqueue_dma source(%dma_start3A_61 : memref<16x1024xf32, #tpu.memory_space<hbm>>) target(%dma_start3A_59 : memref<16x1024xf32, #tpu.memory_space<vmem>>) target_semaphore(%dma_start3A_55 : memref<!tpu.dma_semaphore, #tpu.memory_space<semaphore_mem>>)
    %add3A_62 = arith.constant 0 : i32
    %add3A_63 = arith.addi %mul3A_2, %add3A_62 : i32
    %dma_start3A_64 = arith.constant 0 : i32
    %dma_start3A_65 = arith.constant 0 : i32
    %dma_start3A_66 = arith.constant 0 : i32
    %dma_start3A_67 = arith.constant 0 : i32
    %dma_start3A_68 = tpu.memref_slice %arg6[%dma_start3A_64, %dma_start3A_66, %dma_start3A_67] : memref<2x16x1024xf32, #tpu.memory_space<vmem>> -> memref<1x16x1024xf32, #tpu.memory_space<vmem>>
    %dma_start3A_69 = tpu.memref_squeeze %dma_start3A_68 : memref<1x16x1024xf32, #tpu.memory_space<vmem>> -> memref<16x1024xf32, #tpu.memory_space<vmem>>
    %dma_start3A_70 = arith.constant 0 : i32
    %dma_start3A_71 = tpu.memref_slice %arg3[%add3A_63, %dma_start3A_70] : memref<4096x1024xf32, #tpu.memory_space<hbm>> -> memref<16x1024xf32, #tpu.memory_space<hbm>>
    %dma_start3A_72 = tpu.memref_slice %arg8[%dma_start3A_65] : memref<2x!tpu.dma_semaphore, #tpu.memory_space<semaphore_mem>> -> memref<1x!tpu.dma_semaphore, #tpu.memory_space<semaphore_mem>>
    %dma_start3A_73 = tpu.memref_squeeze %dma_start3A_72 : memref<1x!tpu.dma_semaphore, #tpu.memory_space<semaphore_mem>> -> memref<!tpu.dma_semaphore, #tpu.memory_space<semaphore_mem>>
    %dma_start3A_74 = arith.constant 0 : i32
    %dma_start3A_75 = arith.constant 0 : i32
    %dma_start3A_76 = tpu.memref_slice %arg6[%dma_start3A_64, %dma_start3A_74, %dma_start3A_75] : memref<2x16x1024xf32, #tpu.memory_space<vmem>> -> memref<1x16x1024xf32, #tpu.memory_space<vmem>>
    %dma_start3A_77 = tpu.memref_squeeze %dma_start3A_76 : memref<1x16x1024xf32, #tpu.memory_space<vmem>> -> memref<16x1024xf32, #tpu.memory_space<vmem>>
    %dma_start3A_78 = arith.constant 0 : i32
    %dma_start3A_79 = tpu.memref_slice %arg3[%add3A_63, %dma_start3A_78] : memref<4096x1024xf32, #tpu.memory_space<hbm>> -> memref<16x1024xf32, #tpu.memory_space<hbm>>
    tpu.enqueue_dma source(%dma_start3A_79 : memref<16x1024xf32, #tpu.memory_space<hbm>>) target(%dma_start3A_77 : memref<16x1024xf32, #tpu.memory_space<vmem>>) target_semaphore(%dma_start3A_73 : memref<!tpu.dma_semaphore, #tpu.memory_space<semaphore_mem>>)
    %add3A_80 = arith.constant 16 : i32
    %add3A_81 = arith.addi %mul3A_2, %add3A_80 : i32
    %dma_start3A_82 = arith.constant 1 : i32
    %dma_start3A_83 = arith.constant 1 : i32
    %dma_start3A_84 = arith.constant 0 : i32
    %dma_start3A_85 = arith.constant 0 : i32
    %dma_start3A_86 = tpu.memref_slice %arg6[%dma_start3A_82, %dma_start3A_84, %dma_start3A_85] : memref<2x16x1024xf32, #tpu.memory_space<vmem>> -> memref<1x16x1024xf32, #tpu.memory_space<vmem>>
    %dma_start3A_87 = tpu.memref_squeeze %dma_start3A_86 : memref<1x16x1024xf32, #tpu.memory_space<vmem>> -> memref<16x1024xf32, #tpu.memory_space<vmem>>
    %dma_start3A_88 = arith.constant 0 : i32
    %dma_start3A_89 = tpu.memref_slice %arg3[%add3A_81, %dma_start3A_88] : memref<4096x1024xf32, #tpu.memory_space<hbm>> -> memref<16x1024xf32, #tpu.memory_space<hbm>>
    %dma_start3A_90 = tpu.memref_slice %arg8[%dma_start3A_83] : memref<2x!tpu.dma_semaphore, #tpu.memory_space<semaphore_mem>> -> memref<1x!tpu.dma_semaphore, #tpu.memory_space<semaphore_mem>>
    %dma_start3A_91 = tpu.memref_squeeze %dma_start3A_90 : memref<1x!tpu.dma_semaphore, #tpu.memory_space<semaphore_mem>> -> memref<!tpu.dma_semaphore, #tpu.memory_space<semaphore_mem>>
    %dma_start3A_92 = arith.constant 0 : i32
    %dma_start3A_93 = arith.constant 0 : i32
    %dma_start3A_94 = tpu.memref_slice %arg6[%dma_start3A_82, %dma_start3A_92, %dma_start3A_93] : memref<2x16x1024xf32, #tpu.memory_space<vmem>> -> memref<1x16x1024xf32, #tpu.memory_space<vmem>>
    %dma_start3A_95 = tpu.memref_squeeze %dma_start3A_94 : memref<1x16x1024xf32, #tpu.memory_space<vmem>> -> memref<16x1024xf32, #tpu.memory_space<vmem>>
    %dma_start3A_96 = arith.constant 0 : i32
    %dma_start3A_97 = tpu.memref_slice %arg3[%add3A_81, %dma_start3A_96] : memref<4096x1024xf32, #tpu.memory_space<hbm>> -> memref<16x1024xf32, #tpu.memory_space<hbm>>
    tpu.enqueue_dma source(%dma_start3A_97 : memref<16x1024xf32, #tpu.memory_space<hbm>>) target(%dma_start3A_95 : memref<16x1024xf32, #tpu.memory_space<vmem>>) target_semaphore(%dma_start3A_91 : memref<!tpu.dma_semaphore, #tpu.memory_space<semaphore_mem>>)
    %add3A_98 = arith.constant 0 : i32
    %add3A_99 = arith.addi %add3A_98, %mul3A_2 : i32
    %add3A_100 = arith.constant 48 : i32
    %add3A_101 = arith.addi %add3A_99, %add3A_100 : i32
    %dma_start3A_102 = arith.constant 3 : i32
    %dma_start3A_103 = arith.constant 3 : i32
    %dma_start3A_104 = arith.constant 0 : i32
    %dma_start3A_105 = arith.constant 0 : i32
    %dma_start3A_106 = tpu.memref_slice %arg5[%dma_start3A_102, %dma_start3A_104, %dma_start3A_105] : memref<4x16x1024xf32, #tpu.memory_space<vmem>> -> memref<1x16x1024xf32, #tpu.memory_space<vmem>>
    %dma_start3A_107 = tpu.memref_squeeze %dma_start3A_106 : memref<1x16x1024xf32, #tpu.memory_space<vmem>> -> memref<16x1024xf32, #tpu.memory_space<vmem>>
    %dma_start3A_108 = arith.constant 0 : i32
    %dma_start3A_109 = tpu.memref_slice %arg2[%add3A_101, %dma_start3A_108] : memref<4096x1024xf32, #tpu.memory_space<hbm>> -> memref<16x1024xf32, #tpu.memory_space<hbm>>
    %dma_start3A_110 = tpu.memref_slice %arg7[%dma_start3A_103] : memref<4x!tpu.dma_semaphore, #tpu.memory_space<semaphore_mem>> -> memref<1x!tpu.dma_semaphore, #tpu.memory_space<semaphore_mem>>
    %dma_start3A_111 = tpu.memref_squeeze %dma_start3A_110 : memref<1x!tpu.dma_semaphore, #tpu.memory_space<semaphore_mem>> -> memref<!tpu.dma_semaphore, #tpu.memory_space<semaphore_mem>>
    %dma_start3A_112 = arith.constant 0 : i32
    %dma_start3A_113 = arith.constant 0 : i32
    %dma_start3A_114 = tpu.memref_slice %arg5[%dma_start3A_102, %dma_start3A_112, %dma_start3A_113] : memref<4x16x1024xf32, #tpu.memory_space<vmem>> -> memref<1x16x1024xf32, #tpu.memory_space<vmem>>
    %dma_start3A_115 = tpu.memref_squeeze %dma_start3A_114 : memref<1x16x1024xf32, #tpu.memory_space<vmem>> -> memref<16x1024xf32, #tpu.memory_space<vmem>>
    %dma_start3A_116 = arith.constant 0 : i32
    %dma_start3A_117 = tpu.memref_slice %arg2[%add3A_101, %dma_start3A_116] : memref<4096x1024xf32, #tpu.memory_space<hbm>> -> memref<16x1024xf32, #tpu.memory_space<hbm>>
    tpu.enqueue_dma source(%dma_start3A_117 : memref<16x1024xf32, #tpu.memory_space<hbm>>) target(%dma_start3A_115 : memref<16x1024xf32, #tpu.memory_space<vmem>>) target_semaphore(%dma_start3A_111 : memref<!tpu.dma_semaphore, #tpu.memory_space<semaphore_mem>>)
    %dma_wait3A = arith.constant 0 : i32
    %dma_wait3A_118 = arith.constant 0 : i32
    %dma_wait3A_119 = arith.constant 0 : i32
    %dma_wait3A_120 = arith.constant 0 : i32
    %dma_wait3A_121 = tpu.memref_slice %arg5[%dma_wait3A, %dma_wait3A_119, %dma_wait3A_120] : memref<4x16x1024xf32, #tpu.memory_space<vmem>> -> memref<1x16x1024xf32, #tpu.memory_space<vmem>>
    %dma_wait3A_122 = tpu.memref_squeeze %dma_wait3A_121 : memref<1x16x1024xf32, #tpu.memory_space<vmem>> -> memref<16x1024xf32, #tpu.memory_space<vmem>>
    %dma_wait3A_123 = arith.constant 0 : i32
    %dma_wait3A_124 = tpu.memref_slice %arg2[%add3A_6, %dma_wait3A_123] : memref<4096x1024xf32, #tpu.memory_space<hbm>> -> memref<16x1024xf32, #tpu.memory_space<hbm>>
    %dma_wait3A_125 = tpu.memref_slice %arg7[%dma_wait3A_118] : memref<4x!tpu.dma_semaphore, #tpu.memory_space<semaphore_mem>> -> memref<1x!tpu.dma_semaphore, #tpu.memory_space<semaphore_mem>>
    %dma_wait3A_126 = tpu.memref_squeeze %dma_wait3A_125 : memref<1x!tpu.dma_semaphore, #tpu.memory_space<semaphore_mem>> -> memref<!tpu.dma_semaphore, #tpu.memory_space<semaphore_mem>>
    %dma_wait3A_127 = arith.constant 0 : i32
    %dma_wait3A_128 = arith.constant 0 : i32
    %dma_wait3A_129 = tpu.memref_slice %arg5[%dma_wait3A, %dma_wait3A_127, %dma_wait3A_128] : memref<4x16x1024xf32, #tpu.memory_space<vmem>> -> memref<1x16x1024xf32, #tpu.memory_space<vmem>>
    %dma_wait3A_130 = tpu.memref_squeeze %dma_wait3A_129 : memref<1x16x1024xf32, #tpu.memory_space<vmem>> -> memref<16x1024xf32, #tpu.memory_space<vmem>>
    %dma_wait3A_131 = arith.constant 0 : i32
    %dma_wait3A_132 = tpu.memref_slice %arg2[%add3A_6, %dma_wait3A_131] : memref<4096x1024xf32, #tpu.memory_space<hbm>> -> memref<16x1024xf32, #tpu.memory_space<hbm>>
    tpu.wait_dma2 semaphore(%dma_wait3A_126 : memref<!tpu.dma_semaphore, #tpu.memory_space<semaphore_mem>>) src(%dma_wait3A_132 : memref<16x1024xf32, #tpu.memory_space<hbm>>) dst(%dma_wait3A_130 : memref<16x1024xf32, #tpu.memory_space<vmem>>)
    %dma_wait3A_133 = arith.constant 0 : i32
    %dma_wait3A_134 = arith.constant 0 : i32
    %dma_wait3A_135 = arith.constant 0 : i32
    %dma_wait3A_136 = arith.constant 0 : i32
    %dma_wait3A_137 = tpu.memref_slice %arg6[%dma_wait3A_133, %dma_wait3A_135, %dma_wait3A_136] : memref<2x16x1024xf32, #tpu.memory_space<vmem>> -> memref<1x16x1024xf32, #tpu.memory_space<vmem>>
    %dma_wait3A_138 = tpu.memref_squeeze %dma_wait3A_137 : memref<1x16x1024xf32, #tpu.memory_space<vmem>> -> memref<16x1024xf32, #tpu.memory_space<vmem>>
    %dma_wait3A_139 = arith.constant 0 : i32
    %dma_wait3A_140 = tpu.memref_slice %arg3[%add3A_63, %dma_wait3A_139] : memref<4096x1024xf32, #tpu.memory_space<hbm>> -> memref<16x1024xf32, #tpu.memory_space<hbm>>
    %dma_wait3A_141 = tpu.memref_slice %arg8[%dma_wait3A_134] : memref<2x!tpu.dma_semaphore, #tpu.memory_space<semaphore_mem>> -> memref<1x!tpu.dma_semaphore, #tpu.memory_space<semaphore_mem>>
    %dma_wait3A_142 = tpu.memref_squeeze %dma_wait3A_141 : memref<1x!tpu.dma_semaphore, #tpu.memory_space<semaphore_mem>> -> memref<!tpu.dma_semaphore, #tpu.memory_space<semaphore_mem>>
    %dma_wait3A_143 = arith.constant 0 : i32
    %dma_wait3A_144 = arith.constant 0 : i32
    %dma_wait3A_145 = tpu.memref_slice %arg6[%dma_wait3A_133, %dma_wait3A_143, %dma_wait3A_144] : memref<2x16x1024xf32, #tpu.memory_space<vmem>> -> memref<1x16x1024xf32, #tpu.memory_space<vmem>>
    %dma_wait3A_146 = tpu.memref_squeeze %dma_wait3A_145 : memref<1x16x1024xf32, #tpu.memory_space<vmem>> -> memref<16x1024xf32, #tpu.memory_space<vmem>>
    %dma_wait3A_147 = arith.constant 0 : i32
    %dma_wait3A_148 = tpu.memref_slice %arg3[%add3A_63, %dma_wait3A_147] : memref<4096x1024xf32, #tpu.memory_space<hbm>> -> memref<16x1024xf32, #tpu.memory_space<hbm>>
    tpu.wait_dma2 semaphore(%dma_wait3A_142 : memref<!tpu.dma_semaphore, #tpu.memory_space<semaphore_mem>>) src(%dma_wait3A_148 : memref<16x1024xf32, #tpu.memory_space<hbm>>) dst(%dma_wait3A_146 : memref<16x1024xf32, #tpu.memory_space<vmem>>)
    %parallel_loop3A = arith.constant 0 : i32
    %parallel_loop3A_149 = arith.constant 64 : i32
    %parallel_loop3A_150 = arith.constant 1 : i32
    scf.for %parallel_loop3A_872 = %parallel_loop3A to %parallel_loop3A_149 step %parallel_loop3A_150  : i32 {
      %parallel_loop3A_873 = arith.constant 16 : i32
      %parallel_loop3A_874 = arith.muli %parallel_loop3A_872, %parallel_loop3A_873 : i32
      %parallel_loop3A_875 = arith.constant 0 : i32
      %parallel_loop3A_876 = arith.constant 0 : i32
      %parallel_loop3A_877 = arith.index_cast %parallel_loop3A_875 : i32 to index
      %parallel_loop3A_878 = arith.index_cast %parallel_loop3A_876 : i32 to index
      %parallel_loop3A_879 = arith.index_cast %parallel_loop3A_874 : i32 to index
      %parallel_loop3A_880 = tpu.vector_load %arg6[%parallel_loop3A_877, %parallel_loop3A_878, %parallel_loop3A_879] {strides = array<i32>} : memref<2x16x1024xf32, #tpu.memory_space<vmem>>, vector<1x1x16xf32>,
      %parallel_loop3A_881 = vector.shape_cast %parallel_loop3A_880 : vector<1x1x16xf32> to vector<16xf32>
      %parallel_loop3A_882 = arith.constant 0 : i32
      %parallel_loop3A_883 = arith.constant 0 : i32
      %parallel_loop3A_884 = arith.index_cast %parallel_loop3A_882 : i32 to index
      %parallel_loop3A_885 = arith.index_cast %parallel_loop3A_883 : i32 to index
      %parallel_loop3A_886 = arith.index_cast %parallel_loop3A_874 : i32 to index
      %parallel_loop3A_887 = tpu.vector_load %arg5[%parallel_loop3A_884, %parallel_loop3A_885, %parallel_loop3A_886] {strides = array<i32>} : memref<4x16x1024xf32, #tpu.memory_space<vmem>>, vector<1x1x16xf32>,
      %parallel_loop3A_888 = vector.shape_cast %parallel_loop3A_887 : vector<1x1x16xf32> to vector<16xf32>
      %parallel_loop3A_889 = vector.shape_cast %parallel_loop3A_881 : vector<16xf32> to vector<1x1x16xf32>
      tpu.vector_store %arg5[%parallel_loop3A_884, %parallel_loop3A_885, %parallel_loop3A_886], %parallel_loop3A_889 {add = true, strides = array<i32>} : memref<4x16x1024xf32, #tpu.memory_space<vmem>>, vector<1x1x16xf32>,
      %parallel_loop3A_890 = arith.constant 0 : i32
      %parallel_loop3A_891 = arith.constant 1 : i32
      %parallel_loop3A_892 = arith.index_cast %parallel_loop3A_890 : i32 to index
      %parallel_loop3A_893 = arith.index_cast %parallel_loop3A_891 : i32 to index
      %parallel_loop3A_894 = arith.index_cast %parallel_loop3A_874 : i32 to index
      %parallel_loop3A_895 = tpu.vector_load %arg6[%parallel_loop3A_892, %parallel_loop3A_893, %parallel_loop3A_894] {strides = array<i32>} : memref<2x16x1024xf32, #tpu.memory_space<vmem>>, vector<1x1x16xf32>,
      %parallel_loop3A_896 = vector.shape_cast %parallel_loop3A_895 : vector<1x1x16xf32> to vector<16xf32>
      %parallel_loop3A_897 = arith.constant 0 : i32
      %parallel_loop3A_898 = arith.constant 1 : i32
      %parallel_loop3A_899 = arith.index_cast %parallel_loop3A_897 : i32 to index
      %parallel_loop3A_900 = arith.index_cast %parallel_loop3A_898 : i32 to index
      %parallel_loop3A_901 = arith.index_cast %parallel_loop3A_874 : i32 to index
      %parallel_loop3A_902 = tpu.vector_load %arg5[%parallel_loop3A_899, %parallel_loop3A_900, %parallel_loop3A_901] {strides = array<i32>} : memref<4x16x1024xf32, #tpu.memory_space<vmem>>, vector<1x1x16xf32>,
      %parallel_loop3A_903 = vector.shape_cast %parallel_loop3A_902 : vector<1x1x16xf32> to vector<16xf32>
      %parallel_loop3A_904 = vector.shape_cast %parallel_loop3A_896 : vector<16xf32> to vector<1x1x16xf32>
      tpu.vector_store %arg5[%parallel_loop3A_899, %parallel_loop3A_900, %parallel_loop3A_901], %parallel_loop3A_904 {add = true, strides = array<i32>} : memref<4x16x1024xf32, #tpu.memory_space<vmem>>, vector<1x1x16xf32>,
      %parallel_loop3A_905 = arith.constant 0 : i32
      %parallel_loop3A_906 = arith.constant 2 : i32
      %parallel_loop3A_907 = arith.index_cast %parallel_loop3A_905 : i32 to index
      %parallel_loop3A_908 = arith.index_cast %parallel_loop3A_906 : i32 to index
      %parallel_loop3A_909 = arith.index_cast %parallel_loop3A_874 : i32 to index
      %parallel_loop3A_910 = tpu.vector_load %arg6[%parallel_loop3A_907, %parallel_loop3A_908, %parallel_loop3A_909] {strides = array<i32>} : memref<2x16x1024xf32, #tpu.memory_space<vmem>>, vector<1x1x16xf32>,
      %parallel_loop3A_911 = vector.shape_cast %parallel_loop3A_910 : vector<1x1x16xf32> to vector<16xf32>
      %parallel_loop3A_912 = arith.constant 0 : i32
      %parallel_loop3A_913 = arith.constant 2 : i32
      %parallel_loop3A_914 = arith.index_cast %parallel_loop3A_912 : i32 to index
      %parallel_loop3A_915 = arith.index_cast %parallel_loop3A_913 : i32 to index
      %parallel_loop3A_916 = arith.index_cast %parallel_loop3A_874 : i32 to index
      %parallel_loop3A_917 = tpu.vector_load %arg5[%parallel_loop3A_914, %parallel_loop3A_915, %parallel_loop3A_916] {strides = array<i32>} : memref<4x16x1024xf32, #tpu.memory_space<vmem>>, vector<1x1x16xf32>,
      %parallel_loop3A_918 = vector.shape_cast %parallel_loop3A_917 : vector<1x1x16xf32> to vector<16xf32>
      %parallel_loop3A_919 = vector.shape_cast %parallel_loop3A_911 : vector<16xf32> to vector<1x1x16xf32>
      tpu.vector_store %arg5[%parallel_loop3A_914, %parallel_loop3A_915, %parallel_loop3A_916], %parallel_loop3A_919 {add = true, strides = array<i32>} : memref<4x16x1024xf32, #tpu.memory_space<vmem>>, vector<1x1x16xf32>,
      %parallel_loop3A_920 = arith.constant 0 : i32
      %parallel_loop3A_921 = arith.constant 3 : i32
      %parallel_loop3A_922 = arith.index_cast %parallel_loop3A_920 : i32 to index
      %parallel_loop3A_923 = arith.index_cast %parallel_loop3A_921 : i32 to index
      %parallel_loop3A_924 = arith.index_cast %parallel_loop3A_874 : i32 to index
      %parallel_loop3A_925 = tpu.vector_load %arg6[%parallel_loop3A_922, %parallel_loop3A_923, %parallel_loop3A_924] {strides = array<i32>} : memref<2x16x1024xf32, #tpu.memory_space<vmem>>, vector<1x1x16xf32>,
      %parallel_loop3A_926 = vector.shape_cast %parallel_loop3A_925 : vector<1x1x16xf32> to vector<16xf32>
      %parallel_loop3A_927 = arith.constant 0 : i32
      %parallel_loop3A_928 = arith.constant 3 : i32
      %parallel_loop3A_929 = arith.index_cast %parallel_loop3A_927 : i32 to index
      %parallel_loop3A_930 = arith.index_cast %parallel_loop3A_928 : i32 to index
      %parallel_loop3A_931 = arith.index_cast %parallel_loop3A_874 : i32 to index
      %parallel_loop3A_932 = tpu.vector_load %arg5[%parallel_loop3A_929, %parallel_loop3A_930, %parallel_loop3A_931] {strides = array<i32>} : memref<4x16x1024xf32, #tpu.memory_space<vmem>>, vector<1x1x16xf32>,
      %parallel_loop3A_933 = vector.shape_cast %parallel_loop3A_932 : vector<1x1x16xf32> to vector<16xf32>
      %parallel_loop3A_934 = vector.shape_cast %parallel_loop3A_926 : vector<16xf32> to vector<1x1x16xf32>
      tpu.vector_store %arg5[%parallel_loop3A_929, %parallel_loop3A_930, %parallel_loop3A_931], %parallel_loop3A_934 {add = true, strides = array<i32>} : memref<4x16x1024xf32, #tpu.memory_space<vmem>>, vector<1x1x16xf32>,
      %parallel_loop3A_935 = arith.constant 0 : i32
      %parallel_loop3A_936 = arith.constant 4 : i32
      %parallel_loop3A_937 = arith.index_cast %parallel_loop3A_935 : i32 to index
      %parallel_loop3A_938 = arith.index_cast %parallel_loop3A_936 : i32 to index
      %parallel_loop3A_939 = arith.index_cast %parallel_loop3A_874 : i32 to index
      %parallel_loop3A_940 = tpu.vector_load %arg6[%parallel_loop3A_937, %parallel_loop3A_938, %parallel_loop3A_939] {strides = array<i32>} : memref<2x16x1024xf32, #tpu.memory_space<vmem>>, vector<1x1x16xf32>,
      %parallel_loop3A_941 = vector.shape_cast %parallel_loop3A_940 : vector<1x1x16xf32> to vector<16xf32>
      %parallel_loop3A_942 = arith.constant 0 : i32
      %parallel_loop3A_943 = arith.constant 4 : i32
      %parallel_loop3A_944 = arith.index_cast %parallel_loop3A_942 : i32 to index
      %parallel_loop3A_945 = arith.index_cast %parallel_loop3A_943 : i32 to index
      %parallel_loop3A_946 = arith.index_cast %parallel_loop3A_874 : i32 to index
      %parallel_loop3A_947 = tpu.vector_load %arg5[%parallel_loop3A_944, %parallel_loop3A_945, %parallel_loop3A_946] {strides = array<i32>} : memref<4x16x1024xf32, #tpu.memory_space<vmem>>, vector<1x1x16xf32>,
      %parallel_loop3A_948 = vector.shape_cast %parallel_loop3A_947 : vector<1x1x16xf32> to vector<16xf32>
      %parallel_loop3A_949 = vector.shape_cast %parallel_loop3A_941 : vector<16xf32> to vector<1x1x16xf32>
      tpu.vector_store %arg5[%parallel_loop3A_944, %parallel_loop3A_945, %parallel_loop3A_946], %parallel_loop3A_949 {add = true, strides = array<i32>} : memref<4x16x1024xf32, #tpu.memory_space<vmem>>, vector<1x1x16xf32>,
      %parallel_loop3A_950 = arith.constant 0 : i32
      %parallel_loop3A_951 = arith.constant 5 : i32
      %parallel_loop3A_952 = arith.index_cast %parallel_loop3A_950 : i32 to index
      %parallel_loop3A_953 = arith.index_cast %parallel_loop3A_951 : i32 to index
      %parallel_loop3A_954 = arith.index_cast %parallel_loop3A_874 : i32 to index
      %parallel_loop3A_955 = tpu.vector_load %arg6[%parallel_loop3A_952, %parallel_loop3A_953, %parallel_loop3A_954] {strides = array<i32>} : memref<2x16x1024xf32, #tpu.memory_space<vmem>>, vector<1x1x16xf32>,
      %parallel_loop3A_956 = vector.shape_cast %parallel_loop3A_955 : vector<1x1x16xf32> to vector<16xf32>
      %parallel_loop3A_957 = arith.constant 0 : i32
      %parallel_loop3A_958 = arith.constant 5 : i32
      %parallel_loop3A_959 = arith.index_cast %parallel_loop3A_957 : i32 to index
      %parallel_loop3A_960 = arith.index_cast %parallel_loop3A_958 : i32 to index
      %parallel_loop3A_961 = arith.index_cast %parallel_loop3A_874 : i32 to index
      %parallel_loop3A_962 = tpu.vector_load %arg5[%parallel_loop3A_959, %parallel_loop3A_960, %parallel_loop3A_961] {strides = array<i32>} : memref<4x16x1024xf32, #tpu.memory_space<vmem>>, vector<1x1x16xf32>,
      %parallel_loop3A_963 = vector.shape_cast %parallel_loop3A_962 : vector<1x1x16xf32> to vector<16xf32>
      %parallel_loop3A_964 = vector.shape_cast %parallel_loop3A_956 : vector<16xf32> to vector<1x1x16xf32>
      tpu.vector_store %arg5[%parallel_loop3A_959, %parallel_loop3A_960, %parallel_loop3A_961], %parallel_loop3A_964 {add = true, strides = array<i32>} : memref<4x16x1024xf32, #tpu.memory_space<vmem>>, vector<1x1x16xf32>,
      %parallel_loop3A_965 = arith.constant 0 : i32
      %parallel_loop3A_966 = arith.constant 6 : i32
      %parallel_loop3A_967 = arith.index_cast %parallel_loop3A_965 : i32 to index
      %parallel_loop3A_968 = arith.index_cast %parallel_loop3A_966 : i32 to index
      %parallel_loop3A_969 = arith.index_cast %parallel_loop3A_874 : i32 to index
      %parallel_loop3A_970 = tpu.vector_load %arg6[%parallel_loop3A_967, %parallel_loop3A_968, %parallel_loop3A_969] {strides = array<i32>} : memref<2x16x1024xf32, #tpu.memory_space<vmem>>, vector<1x1x16xf32>,
      %parallel_loop3A_971 = vector.shape_cast %parallel_loop3A_970 : vector<1x1x16xf32> to vector<16xf32>
      %parallel_loop3A_972 = arith.constant 0 : i32
      %parallel_loop3A_973 = arith.constant 6 : i32
      %parallel_loop3A_974 = arith.index_cast %parallel_loop3A_972 : i32 to index
      %parallel_loop3A_975 = arith.index_cast %parallel_loop3A_973 : i32 to index
      %parallel_loop3A_976 = arith.index_cast %parallel_loop3A_874 : i32 to index
      %parallel_loop3A_977 = tpu.vector_load %arg5[%parallel_loop3A_974, %parallel_loop3A_975, %parallel_loop3A_976] {strides = array<i32>} : memref<4x16x1024xf32, #tpu.memory_space<vmem>>, vector<1x1x16xf32>,
      %parallel_loop3A_978 = vector.shape_cast %parallel_loop3A_977 : vector<1x1x16xf32> to vector<16xf32>
      %parallel_loop3A_979 = vector.shape_cast %parallel_loop3A_971 : vector<16xf32> to vector<1x1x16xf32>
      tpu.vector_store %arg5[%parallel_loop3A_974, %parallel_loop3A_975, %parallel_loop3A_976], %parallel_loop3A_979 {add = true, strides = array<i32>} : memref<4x16x1024xf32, #tpu.memory_space<vmem>>, vector<1x1x16xf32>,
      %parallel_loop3A_980 = arith.constant 0 : i32
      %parallel_loop3A_981 = arith.constant 7 : i32
      %parallel_loop3A_982 = arith.index_cast %parallel_loop3A_980 : i32 to index
      %parallel_loop3A_983 = arith.index_cast %parallel_loop3A_981 : i32 to index
      %parallel_loop3A_984 = arith.index_cast %parallel_loop3A_874 : i32 to index
      %parallel_loop3A_985 = tpu.vector_load %arg6[%parallel_loop3A_982, %parallel_loop3A_983, %parallel_loop3A_984] {strides = array<i32>} : memref<2x16x1024xf32, #tpu.memory_space<vmem>>, vector<1x1x16xf32>,
      %parallel_loop3A_986 = vector.shape_cast %parallel_loop3A_985 : vector<1x1x16xf32> to vector<16xf32>
      %parallel_loop3A_987 = arith.constant 0 : i32
      %parallel_loop3A_988 = arith.constant 7 : i32
      %parallel_loop3A_989 = arith.index_cast %parallel_loop3A_987 : i32 to index
      %parallel_loop3A_990 = arith.index_cast %parallel_loop3A_988 : i32 to index
      %parallel_loop3A_991 = arith.index_cast %parallel_loop3A_874 : i32 to index
      %parallel_loop3A_992 = tpu.vector_load %arg5[%parallel_loop3A_989, %parallel_loop3A_990, %parallel_loop3A_991] {strides = array<i32>} : memref<4x16x1024xf32, #tpu.memory_space<vmem>>, vector<1x1x16xf32>,
      %parallel_loop3A_993 = vector.shape_cast %parallel_loop3A_992 : vector<1x1x16xf32> to vector<16xf32>
      %parallel_loop3A_994 = vector.shape_cast %parallel_loop3A_986 : vector<16xf32> to vector<1x1x16xf32>
      tpu.vector_store %arg5[%parallel_loop3A_989, %parallel_loop3A_990, %parallel_loop3A_991], %parallel_loop3A_994 {add = true, strides = array<i32>} : memref<4x16x1024xf32, #tpu.memory_space<vmem>>, vector<1x1x16xf32>,
      %parallel_loop3A_995 = arith.constant 0 : i32
      %parallel_loop3A_996 = arith.constant 8 : i32
      %parallel_loop3A_997 = arith.index_cast %parallel_loop3A_995 : i32 to index
      %parallel_loop3A_998 = arith.index_cast %parallel_loop3A_996 : i32 to index
      %parallel_loop3A_999 = arith.index_cast %parallel_loop3A_874 : i32 to index
      %parallel_loop3A_1000 = tpu.vector_load %arg6[%parallel_loop3A_997, %parallel_loop3A_998, %parallel_loop3A_999] {strides = array<i32>} : memref<2x16x1024xf32, #tpu.memory_space<vmem>>, vector<1x1x16xf32>,
      %parallel_loop3A_1001 = vector.shape_cast %parallel_loop3A_1000 : vector<1x1x16xf32> to vector<16xf32>
      %parallel_loop3A_1002 = arith.constant 0 : i32
      %parallel_loop3A_1003 = arith.constant 8 : i32
      %parallel_loop3A_1004 = arith.index_cast %parallel_loop3A_1002 : i32 to index
      %parallel_loop3A_1005 = arith.index_cast %parallel_loop3A_1003 : i32 to index
      %parallel_loop3A_1006 = arith.index_cast %parallel_loop3A_874 : i32 to index
      %parallel_loop3A_1007 = tpu.vector_load %arg5[%parallel_loop3A_1004, %parallel_loop3A_1005, %parallel_loop3A_1006] {strides = array<i32>} : memref<4x16x1024xf32, #tpu.memory_space<vmem>>, vector<1x1x16xf32>,
      %parallel_loop3A_1008 = vector.shape_cast %parallel_loop3A_1007 : vector<1x1x16xf32> to vector<16xf32>
      %parallel_loop3A_1009 = vector.shape_cast %parallel_loop3A_1001 : vector<16xf32> to vector<1x1x16xf32>
      tpu.vector_store %arg5[%parallel_loop3A_1004, %parallel_loop3A_1005, %parallel_loop3A_1006], %parallel_loop3A_1009 {add = true, strides = array<i32>} : memref<4x16x1024xf32, #tpu.memory_space<vmem>>, vector<1x1x16xf32>,
      %parallel_loop3A_1010 = arith.constant 0 : i32
      %parallel_loop3A_1011 = arith.constant 9 : i32
      %parallel_loop3A_1012 = arith.index_cast %parallel_loop3A_1010 : i32 to index
      %parallel_loop3A_1013 = arith.index_cast %parallel_loop3A_1011 : i32 to index
      %parallel_loop3A_1014 = arith.index_cast %parallel_loop3A_874 : i32 to index
      %parallel_loop3A_1015 = tpu.vector_load %arg6[%parallel_loop3A_1012, %parallel_loop3A_1013, %parallel_loop3A_1014] {strides = array<i32>} : memref<2x16x1024xf32, #tpu.memory_space<vmem>>, vector<1x1x16xf32>,
      %parallel_loop3A_1016 = vector.shape_cast %parallel_loop3A_1015 : vector<1x1x16xf32> to vector<16xf32>
      %parallel_loop3A_1017 = arith.constant 0 : i32
      %parallel_loop3A_1018 = arith.constant 9 : i32
      %parallel_loop3A_1019 = arith.index_cast %parallel_loop3A_1017 : i32 to index
      %parallel_loop3A_1020 = arith.index_cast %parallel_loop3A_1018 : i32 to index
      %parallel_loop3A_1021 = arith.index_cast %parallel_loop3A_874 : i32 to index
      %parallel_loop3A_1022 = tpu.vector_load %arg5[%parallel_loop3A_1019, %parallel_loop3A_1020, %parallel_loop3A_1021] {strides = array<i32>} : memref<4x16x1024xf32, #tpu.memory_space<vmem>>, vector<1x1x16xf32>,
      %parallel_loop3A_1023 = vector.shape_cast %parallel_loop3A_1022 : vector<1x1x16xf32> to vector<16xf32>
      %parallel_loop3A_1024 = vector.shape_cast %parallel_loop3A_1016 : vector<16xf32> to vector<1x1x16xf32>
      tpu.vector_store %arg5[%parallel_loop3A_1019, %parallel_loop3A_1020, %parallel_loop3A_1021], %parallel_loop3A_1024 {add = true, strides = array<i32>} : memref<4x16x1024xf32, #tpu.memory_space<vmem>>, vector<1x1x16xf32>,
      %parallel_loop3A_1025 = arith.constant 0 : i32
      %parallel_loop3A_1026 = arith.constant 10 : i32
      %parallel_loop3A_1027 = arith.index_cast %parallel_loop3A_1025 : i32 to index
      %parallel_loop3A_1028 = arith.index_cast %parallel_loop3A_1026 : i32 to index
      %parallel_loop3A_1029 = arith.index_cast %parallel_loop3A_874 : i32 to index
      %parallel_loop3A_1030 = tpu.vector_load %arg6[%parallel_loop3A_1027, %parallel_loop3A_1028, %parallel_loop3A_1029] {strides = array<i32>} : memref<2x16x1024xf32, #tpu.memory_space<vmem>>, vector<1x1x16xf32>,
      %parallel_loop3A_1031 = vector.shape_cast %parallel_loop3A_1030 : vector<1x1x16xf32> to vector<16xf32>
      %parallel_loop3A_1032 = arith.constant 0 : i32
      %parallel_loop3A_1033 = arith.constant 10 : i32
      %parallel_loop3A_1034 = arith.index_cast %parallel_loop3A_1032 : i32 to index
      %parallel_loop3A_1035 = arith.index_cast %parallel_loop3A_1033 : i32 to index
      %parallel_loop3A_1036 = arith.index_cast %parallel_loop3A_874 : i32 to index
      %parallel_loop3A_1037 = tpu.vector_load %arg5[%parallel_loop3A_1034, %parallel_loop3A_1035, %parallel_loop3A_1036] {strides = array<i32>} : memref<4x16x1024xf32, #tpu.memory_space<vmem>>, vector<1x1x16xf32>,
      %parallel_loop3A_1038 = vector.shape_cast %parallel_loop3A_1037 : vector<1x1x16xf32> to vector<16xf32>
      %parallel_loop3A_1039 = vector.shape_cast %parallel_loop3A_1031 : vector<16xf32> to vector<1x1x16xf32>
      tpu.vector_store %arg5[%parallel_loop3A_1034, %parallel_loop3A_1035, %parallel_loop3A_1036], %parallel_loop3A_1039 {add = true, strides = array<i32>} : memref<4x16x1024xf32, #tpu.memory_space<vmem>>, vector<1x1x16xf32>,
      %parallel_loop3A_1040 = arith.constant 0 : i32
      %parallel_loop3A_1041 = arith.constant 11 : i32
      %parallel_loop3A_1042 = arith.index_cast %parallel_loop3A_1040 : i32 to index
      %parallel_loop3A_1043 = arith.index_cast %parallel_loop3A_1041 : i32 to index
      %parallel_loop3A_1044 = arith.index_cast %parallel_loop3A_874 : i32 to index
      %parallel_loop3A_1045 = tpu.vector_load %arg6[%parallel_loop3A_1042, %parallel_loop3A_1043, %parallel_loop3A_1044] {strides = array<i32>} : memref<2x16x1024xf32, #tpu.memory_space<vmem>>, vector<1x1x16xf32>,
      %parallel_loop3A_1046 = vector.shape_cast %parallel_loop3A_1045 : vector<1x1x16xf32> to vector<16xf32>
      %parallel_loop3A_1047 = arith.constant 0 : i32
      %parallel_loop3A_1048 = arith.constant 11 : i32
      %parallel_loop3A_1049 = arith.index_cast %parallel_loop3A_1047 : i32 to index
      %parallel_loop3A_1050 = arith.index_cast %parallel_loop3A_1048 : i32 to index
      %parallel_loop3A_1051 = arith.index_cast %parallel_loop3A_874 : i32 to index
      %parallel_loop3A_1052 = tpu.vector_load %arg5[%parallel_loop3A_1049, %parallel_loop3A_1050, %parallel_loop3A_1051] {strides = array<i32>} : memref<4x16x1024xf32, #tpu.memory_space<vmem>>, vector<1x1x16xf32>,
      %parallel_loop3A_1053 = vector.shape_cast %parallel_loop3A_1052 : vector<1x1x16xf32> to vector<16xf32>
      %parallel_loop3A_1054 = vector.shape_cast %parallel_loop3A_1046 : vector<16xf32> to vector<1x1x16xf32>
      tpu.vector_store %arg5[%parallel_loop3A_1049, %parallel_loop3A_1050, %parallel_loop3A_1051], %parallel_loop3A_1054 {add = true, strides = array<i32>} : memref<4x16x1024xf32, #tpu.memory_space<vmem>>, vector<1x1x16xf32>,
      %parallel_loop3A_1055 = arith.constant 0 : i32
      %parallel_loop3A_1056 = arith.constant 12 : i32
      %parallel_loop3A_1057 = arith.index_cast %parallel_loop3A_1055 : i32 to index
      %parallel_loop3A_1058 = arith.index_cast %parallel_loop3A_1056 : i32 to index
      %parallel_loop3A_1059 = arith.index_cast %parallel_loop3A_874 : i32 to index
      %parallel_loop3A_1060 = tpu.vector_load %arg6[%parallel_loop3A_1057, %parallel_loop3A_1058, %parallel_loop3A_1059] {strides = array<i32>} : memref<2x16x1024xf32, #tpu.memory_space<vmem>>, vector<1x1x16xf32>,
      %parallel_loop3A_1061 = vector.shape_cast %parallel_loop3A_1060 : vector<1x1x16xf32> to vector<16xf32>
      %parallel_loop3A_1062 = arith.constant 0 : i32
      %parallel_loop3A_1063 = arith.constant 12 : i32
      %parallel_loop3A_1064 = arith.index_cast %parallel_loop3A_1062 : i32 to index
      %parallel_loop3A_1065 = arith.index_cast %parallel_loop3A_1063 : i32 to index
      %parallel_loop3A_1066 = arith.index_cast %parallel_loop3A_874 : i32 to index
      %parallel_loop3A_1067 = tpu.vector_load %arg5[%parallel_loop3A_1064, %parallel_loop3A_1065, %parallel_loop3A_1066] {strides = array<i32>} : memref<4x16x1024xf32, #tpu.memory_space<vmem>>, vector<1x1x16xf32>,
      %parallel_loop3A_1068 = vector.shape_cast %parallel_loop3A_1067 : vector<1x1x16xf32> to vector<16xf32>
      %parallel_loop3A_1069 = vector.shape_cast %parallel_loop3A_1061 : vector<16xf32> to vector<1x1x16xf32>
      tpu.vector_store %arg5[%parallel_loop3A_1064, %parallel_loop3A_1065, %parallel_loop3A_1066], %parallel_loop3A_1069 {add = true, strides = array<i32>} : memref<4x16x1024xf32, #tpu.memory_space<vmem>>, vector<1x1x16xf32>,
      %parallel_loop3A_1070 = arith.constant 0 : i32
      %parallel_loop3A_1071 = arith.constant 13 : i32
      %parallel_loop3A_1072 = arith.index_cast %parallel_loop3A_1070 : i32 to index
      %parallel_loop3A_1073 = arith.index_cast %parallel_loop3A_1071 : i32 to index
      %parallel_loop3A_1074 = arith.index_cast %parallel_loop3A_874 : i32 to index
      %parallel_loop3A_1075 = tpu.vector_load %arg6[%parallel_loop3A_1072, %parallel_loop3A_1073, %parallel_loop3A_1074] {strides = array<i32>} : memref<2x16x1024xf32, #tpu.memory_space<vmem>>, vector<1x1x16xf32>,
      %parallel_loop3A_1076 = vector.shape_cast %parallel_loop3A_1075 : vector<1x1x16xf32> to vector<16xf32>
      %parallel_loop3A_1077 = arith.constant 0 : i32
      %parallel_loop3A_1078 = arith.constant 13 : i32
      %parallel_loop3A_1079 = arith.index_cast %parallel_loop3A_1077 : i32 to index
      %parallel_loop3A_1080 = arith.index_cast %parallel_loop3A_1078 : i32 to index
      %parallel_loop3A_1081 = arith.index_cast %parallel_loop3A_874 : i32 to index
      %parallel_loop3A_1082 = tpu.vector_load %arg5[%parallel_loop3A_1079, %parallel_loop3A_1080, %parallel_loop3A_1081] {strides = array<i32>} : memref<4x16x1024xf32, #tpu.memory_space<vmem>>, vector<1x1x16xf32>,
      %parallel_loop3A_1083 = vector.shape_cast %parallel_loop3A_1082 : vector<1x1x16xf32> to vector<16xf32>
      %parallel_loop3A_1084 = vector.shape_cast %parallel_loop3A_1076 : vector<16xf32> to vector<1x1x16xf32>
      tpu.vector_store %arg5[%parallel_loop3A_1079, %parallel_loop3A_1080, %parallel_loop3A_1081], %parallel_loop3A_1084 {add = true, strides = array<i32>} : memref<4x16x1024xf32, #tpu.memory_space<vmem>>, vector<1x1x16xf32>,
      %parallel_loop3A_1085 = arith.constant 0 : i32
      %parallel_loop3A_1086 = arith.constant 14 : i32
      %parallel_loop3A_1087 = arith.index_cast %parallel_loop3A_1085 : i32 to index
      %parallel_loop3A_1088 = arith.index_cast %parallel_loop3A_1086 : i32 to index
      %parallel_loop3A_1089 = arith.index_cast %parallel_loop3A_874 : i32 to index
      %parallel_loop3A_1090 = tpu.vector_load %arg6[%parallel_loop3A_1087, %parallel_loop3A_1088, %parallel_loop3A_1089] {strides = array<i32>} : memref<2x16x1024xf32, #tpu.memory_space<vmem>>, vector<1x1x16xf32>,
      %parallel_loop3A_1091 = vector.shape_cast %parallel_loop3A_1090 : vector<1x1x16xf32> to vector<16xf32>
      %parallel_loop3A_1092 = arith.constant 0 : i32
      %parallel_loop3A_1093 = arith.constant 14 : i32
      %parallel_loop3A_1094 = arith.index_cast %parallel_loop3A_1092 : i32 to index
      %parallel_loop3A_1095 = arith.index_cast %parallel_loop3A_1093 : i32 to index
      %parallel_loop3A_1096 = arith.index_cast %parallel_loop3A_874 : i32 to index
      %parallel_loop3A_1097 = tpu.vector_load %arg5[%parallel_loop3A_1094, %parallel_loop3A_1095, %parallel_loop3A_1096] {strides = array<i32>} : memref<4x16x1024xf32, #tpu.memory_space<vmem>>, vector<1x1x16xf32>,
      %parallel_loop3A_1098 = vector.shape_cast %parallel_loop3A_1097 : vector<1x1x16xf32> to vector<16xf32>
      %parallel_loop3A_1099 = vector.shape_cast %parallel_loop3A_1091 : vector<16xf32> to vector<1x1x16xf32>
      tpu.vector_store %arg5[%parallel_loop3A_1094, %parallel_loop3A_1095, %parallel_loop3A_1096], %parallel_loop3A_1099 {add = true, strides = array<i32>} : memref<4x16x1024xf32, #tpu.memory_space<vmem>>, vector<1x1x16xf32>,
      %parallel_loop3A_1100 = arith.constant 0 : i32
      %parallel_loop3A_1101 = arith.constant 15 : i32
      %parallel_loop3A_1102 = arith.index_cast %parallel_loop3A_1100 : i32 to index
      %parallel_loop3A_1103 = arith.index_cast %parallel_loop3A_1101 : i32 to index
      %parallel_loop3A_1104 = arith.index_cast %parallel_loop3A_874 : i32 to index
      %parallel_loop3A_1105 = tpu.vector_load %arg6[%parallel_loop3A_1102, %parallel_loop3A_1103, %parallel_loop3A_1104] {strides = array<i32>} : memref<2x16x1024xf32, #tpu.memory_space<vmem>>, vector<1x1x16xf32>,
      %parallel_loop3A_1106 = vector.shape_cast %parallel_loop3A_1105 : vector<1x1x16xf32> to vector<16xf32>
      %parallel_loop3A_1107 = arith.constant 0 : i32
      %parallel_loop3A_1108 = arith.constant 15 : i32
      %parallel_loop3A_1109 = arith.index_cast %parallel_loop3A_1107 : i32 to index
      %parallel_loop3A_1110 = arith.index_cast %parallel_loop3A_1108 : i32 to index
      %parallel_loop3A_1111 = arith.index_cast %parallel_loop3A_874 : i32 to index
      %parallel_loop3A_1112 = tpu.vector_load %arg5[%parallel_loop3A_1109, %parallel_loop3A_1110, %parallel_loop3A_1111] {strides = array<i32>} : memref<4x16x1024xf32, #tpu.memory_space<vmem>>, vector<1x1x16xf32>,
      %parallel_loop3A_1113 = vector.shape_cast %parallel_loop3A_1112 : vector<1x1x16xf32> to vector<16xf32>
      %parallel_loop3A_1114 = vector.shape_cast %parallel_loop3A_1106 : vector<16xf32> to vector<1x1x16xf32>
      tpu.vector_store %arg5[%parallel_loop3A_1109, %parallel_loop3A_1110, %parallel_loop3A_1111], %parallel_loop3A_1114 {add = true, strides = array<i32>} : memref<4x16x1024xf32, #tpu.memory_space<vmem>>, vector<1x1x16xf32>,
    } {sc.loop_unroll_factor = 2 : i64, sc.parallel_access}
    %add3A_151 = arith.constant 0 : i32
    %add3A_152 = arith.addi %add3A_151, %mul3A_2 : i32
    %add3A_153 = arith.constant 0 : i32
    %add3A_154 = arith.addi %add3A_152, %add3A_153 : i32
    %dma_start3A_155 = arith.constant 0 : i32
    %dma_start3A_156 = arith.constant 0 : i32
    %dma_start3A_157 = arith.constant 0 : i32
    %dma_start3A_158 = arith.constant 0 : i32
    %dma_start3A_159 = tpu.memref_slice %arg5[%dma_start3A_155, %dma_start3A_157, %dma_start3A_158] : memref<4x16x1024xf32, #tpu.memory_space<vmem>> -> memref<1x16x1024xf32, #tpu.memory_space<vmem>>
    %dma_start3A_160 = tpu.memref_squeeze %dma_start3A_159 : memref<1x16x1024xf32, #tpu.memory_space<vmem>> -> memref<16x1024xf32, #tpu.memory_space<vmem>>
    %dma_start3A_161 = arith.constant 0 : i32
    %dma_start3A_162 = tpu.memref_slice %arg4[%add3A_154, %dma_start3A_161] : memref<4096x1024xf32, #tpu.memory_space<hbm>> -> memref<16x1024xf32, #tpu.memory_space<hbm>>
    %dma_start3A_163 = tpu.memref_slice %arg9[%dma_start3A_156] : memref<4x!tpu.dma_semaphore, #tpu.memory_space<semaphore_mem>> -> memref<1x!tpu.dma_semaphore, #tpu.memory_space<semaphore_mem>>
    %dma_start3A_164 = tpu.memref_squeeze %dma_start3A_163 : memref<1x!tpu.dma_semaphore, #tpu.memory_space<semaphore_mem>> -> memref<!tpu.dma_semaphore, #tpu.memory_space<semaphore_mem>>
    %dma_start3A_165 = arith.constant 0 : i32
    %dma_start3A_166 = tpu.memref_slice %arg4[%add3A_154, %dma_start3A_165] : memref<4096x1024xf32, #tpu.memory_space<hbm>> -> memref<16x1024xf32, #tpu.memory_space<hbm>>
    %dma_start3A_167 = arith.constant 0 : i32
    %dma_start3A_168 = arith.constant 0 : i32
    %dma_start3A_169 = tpu.memref_slice %arg5[%dma_start3A_155, %dma_start3A_167, %dma_start3A_168] : memref<4x16x1024xf32, #tpu.memory_space<vmem>> -> memref<1x16x1024xf32, #tpu.memory_space<vmem>>
    %dma_start3A_170 = tpu.memref_squeeze %dma_start3A_169 : memref<1x16x1024xf32, #tpu.memory_space<vmem>> -> memref<16x1024xf32, #tpu.memory_space<vmem>>
    tpu.enqueue_dma source(%dma_start3A_170 : memref<16x1024xf32, #tpu.memory_space<vmem>>) target(%dma_start3A_166 : memref<16x1024xf32, #tpu.memory_space<hbm>>) target_semaphore(%dma_start3A_164 : memref<!tpu.dma_semaphore, #tpu.memory_space<semaphore_mem>>)
    %add3A_171 = arith.constant 32 : i32
    %add3A_172 = arith.addi %mul3A_2, %add3A_171 : i32
    %dma_start3A_173 = arith.constant 0 : i32
    %dma_start3A_174 = arith.constant 0 : i32
    %dma_start3A_175 = arith.constant 0 : i32
    %dma_start3A_176 = arith.constant 0 : i32
    %dma_start3A_177 = tpu.memref_slice %arg6[%dma_start3A_173, %dma_start3A_175, %dma_start3A_176] : memref<2x16x1024xf32, #tpu.memory_space<vmem>> -> memref<1x16x1024xf32, #tpu.memory_space<vmem>>
    %dma_start3A_178 = tpu.memref_squeeze %dma_start3A_177 : memref<1x16x1024xf32, #tpu.memory_space<vmem>> -> memref<16x1024xf32, #tpu.memory_space<vmem>>
    %dma_start3A_179 = arith.constant 0 : i32
    %dma_start3A_180 = tpu.memref_slice %arg3[%add3A_172, %dma_start3A_179] : memref<4096x1024xf32, #tpu.memory_space<hbm>> -> memref<16x1024xf32, #tpu.memory_space<hbm>>
    %dma_start3A_181 = tpu.memref_slice %arg8[%dma_start3A_174] : memref<2x!tpu.dma_semaphore, #tpu.memory_space<semaphore_mem>> -> memref<1x!tpu.dma_semaphore, #tpu.memory_space<semaphore_mem>>
    %dma_start3A_182 = tpu.memref_squeeze %dma_start3A_181 : memref<1x!tpu.dma_semaphore, #tpu.memory_space<semaphore_mem>> -> memref<!tpu.dma_semaphore, #tpu.memory_space<semaphore_mem>>
    %dma_start3A_183 = arith.constant 0 : i32
    %dma_start3A_184 = arith.constant 0 : i32
    %dma_start3A_185 = tpu.memref_slice %arg6[%dma_start3A_173, %dma_start3A_183, %dma_start3A_184] : memref<2x16x1024xf32, #tpu.memory_space<vmem>> -> memref<1x16x1024xf32, #tpu.memory_space<vmem>>
    %dma_start3A_186 = tpu.memref_squeeze %dma_start3A_185 : memref<1x16x1024xf32, #tpu.memory_space<vmem>> -> memref<16x1024xf32, #tpu.memory_space<vmem>>
    %dma_start3A_187 = arith.constant 0 : i32
    %dma_start3A_188 = tpu.memref_slice %arg3[%add3A_172, %dma_start3A_187] : memref<4096x1024xf32, #tpu.memory_space<hbm>> -> memref<16x1024xf32, #tpu.memory_space<hbm>>
    tpu.enqueue_dma source(%dma_start3A_188 : memref<16x1024xf32, #tpu.memory_space<hbm>>) target(%dma_start3A_186 : memref<16x1024xf32, #tpu.memory_space<vmem>>) target_semaphore(%dma_start3A_182 : memref<!tpu.dma_semaphore, #tpu.memory_space<semaphore_mem>>)
    %dma_wait3A_189 = arith.constant 0 : i32
    %dma_wait3A_190 = arith.constant 0 : i32
    %dma_wait3A_191 = arith.constant 0 : i32
    %dma_wait3A_192 = arith.constant 0 : i32
    %dma_wait3A_193 = tpu.memref_slice %arg5[%dma_wait3A_189, %dma_wait3A_191, %dma_wait3A_192] : memref<4x16x1024xf32, #tpu.memory_space<vmem>> -> memref<1x16x1024xf32, #tpu.memory_space<vmem>>
    %dma_wait3A_194 = tpu.memref_squeeze %dma_wait3A_193 : memref<1x16x1024xf32, #tpu.memory_space<vmem>> -> memref<16x1024xf32, #tpu.memory_space<vmem>>
    %dma_wait3A_195 = arith.constant 0 : i32
    %dma_wait3A_196 = tpu.memref_slice %arg4[%add3A_154, %dma_wait3A_195] : memref<4096x1024xf32, #tpu.memory_space<hbm>> -> memref<16x1024xf32, #tpu.memory_space<hbm>>
    %dma_wait3A_197 = tpu.memref_slice %arg9[%dma_wait3A_190] : memref<4x!tpu.dma_semaphore, #tpu.memory_space<semaphore_mem>> -> memref<1x!tpu.dma_semaphore, #tpu.memory_space<semaphore_mem>>
    %dma_wait3A_198 = tpu.memref_squeeze %dma_wait3A_197 : memref<1x!tpu.dma_semaphore, #tpu.memory_space<semaphore_mem>> -> memref<!tpu.dma_semaphore, #tpu.memory_space<semaphore_mem>>
    %dma_wait3A_199 = arith.constant 0 : i32
    %dma_wait3A_200 = tpu.memref_slice %arg4[%add3A_154, %dma_wait3A_199] : memref<4096x1024xf32, #tpu.memory_space<hbm>> -> memref<16x1024xf32, #tpu.memory_space<hbm>>
    %dma_wait3A_201 = arith.constant 0 : i32
    %dma_wait3A_202 = arith.constant 0 : i32
    %dma_wait3A_203 = tpu.memref_slice %arg5[%dma_wait3A_189, %dma_wait3A_201, %dma_wait3A_202] : memref<4x16x1024xf32, #tpu.memory_space<vmem>> -> memref<1x16x1024xf32, #tpu.memory_space<vmem>>
    %dma_wait3A_204 = tpu.memref_squeeze %dma_wait3A_203 : memref<1x16x1024xf32, #tpu.memory_space<vmem>> -> memref<16x1024xf32, #tpu.memory_space<vmem>>
    tpu.wait_dma2 semaphore(%dma_wait3A_198 : memref<!tpu.dma_semaphore, #tpu.memory_space<semaphore_mem>>) src(%dma_wait3A_204 : memref<16x1024xf32, #tpu.memory_space<vmem>>) dst(%dma_wait3A_200 : memref<16x1024xf32, #tpu.memory_space<hbm>>)
    %add3A_205 = arith.constant 0 : i32
    %add3A_206 = arith.addi %add3A_205, %mul3A_2 : i32
    %add3A_207 = arith.constant 64 : i32
    %add3A_208 = arith.addi %add3A_206, %add3A_207 : i32
    %dma_start3A_209 = arith.constant 0 : i32
    %dma_start3A_210 = arith.constant 0 : i32
    %dma_start3A_211 = arith.constant 0 : i32
    %dma_start3A_212 = arith.constant 0 : i32
    %dma_start3A_213 = tpu.memref_slice %arg5[%dma_start3A_209, %dma_start3A_211, %dma_start3A_212] : memref<4x16x1024xf32, #tpu.memory_space<vmem>> -> memref<1x16x1024xf32, #tpu.memory_space<vmem>>
    %dma_start3A_214 = tpu.memref_squeeze %dma_start3A_213 : memref<1x16x1024xf32, #tpu.memory_space<vmem>> -> memref<16x1024xf32, #tpu.memory_space<vmem>>
    %dma_start3A_215 = arith.constant 0 : i32
    %dma_start3A_216 = tpu.memref_slice %arg2[%add3A_208, %dma_start3A_215] : memref<4096x1024xf32, #tpu.memory_space<hbm>> -> memref<16x1024xf32, #tpu.memory_space<hbm>>
    %dma_start3A_217 = tpu.memref_slice %arg7[%dma_start3A_210] : memref<4x!tpu.dma_semaphore, #tpu.memory_space<semaphore_mem>> -> memref<1x!tpu.dma_semaphore, #tpu.memory_space<semaphore_mem>>
    %dma_start3A_218 = tpu.memref_squeeze %dma_start3A_217 : memref<1x!tpu.dma_semaphore, #tpu.memory_space<semaphore_mem>> -> memref<!tpu.dma_semaphore, #tpu.memory_space<semaphore_mem>>
    %dma_start3A_219 = arith.constant 0 : i32
    %dma_start3A_220 = arith.constant 0 : i32
    %dma_start3A_221 = tpu.memref_slice %arg5[%dma_start3A_209, %dma_start3A_219, %dma_start3A_220] : memref<4x16x1024xf32, #tpu.memory_space<vmem>> -> memref<1x16x1024xf32, #tpu.memory_space<vmem>>
    %dma_start3A_222 = tpu.memref_squeeze %dma_start3A_221 : memref<1x16x1024xf32, #tpu.memory_space<vmem>> -> memref<16x1024xf32, #tpu.memory_space<vmem>>
    %dma_start3A_223 = arith.constant 0 : i32
    %dma_start3A_224 = tpu.memref_slice %arg2[%add3A_208, %dma_start3A_223] : memref<4096x1024xf32, #tpu.memory_space<hbm>> -> memref<16x1024xf32, #tpu.memory_space<hbm>>
    tpu.enqueue_dma source(%dma_start3A_224 : memref<16x1024xf32, #tpu.memory_space<hbm>>) target(%dma_start3A_222 : memref<16x1024xf32, #tpu.memory_space<vmem>>) target_semaphore(%dma_start3A_218 : memref<!tpu.dma_semaphore, #tpu.memory_space<semaphore_mem>>)
    %dma_wait3A_225 = arith.constant 1 : i32
    %dma_wait3A_226 = arith.constant 1 : i32
    %dma_wait3A_227 = arith.constant 0 : i32
    %dma_wait3A_228 = arith.constant 0 : i32
    %dma_wait3A_229 = tpu.memref_slice %arg5[%dma_wait3A_225, %dma_wait3A_227, %dma_wait3A_228] : memref<4x16x1024xf32, #tpu.memory_space<vmem>> -> memref<1x16x1024xf32, #tpu.memory_space<vmem>>
    %dma_wait3A_230 = tpu.memref_squeeze %dma_wait3A_229 : memref<1x16x1024xf32, #tpu.memory_space<vmem>> -> memref<16x1024xf32, #tpu.memory_space<vmem>>
    %dma_wait3A_231 = arith.constant 0 : i32
    %dma_wait3A_232 = tpu.memref_slice %arg2[%add3A_25, %dma_wait3A_231] : memref<4096x1024xf32, #tpu.memory_space<hbm>> -> memref<16x1024xf32, #tpu.memory_space<hbm>>
    %dma_wait3A_233 = tpu.memref_slice %arg7[%dma_wait3A_226] : memref<4x!tpu.dma_semaphore, #tpu.memory_space<semaphore_mem>> -> memref<1x!tpu.dma_semaphore, #tpu.memory_space<semaphore_mem>>
    %dma_wait3A_234 = tpu.memref_squeeze %dma_wait3A_233 : memref<1x!tpu.dma_semaphore, #tpu.memory_space<semaphore_mem>> -> memref<!tpu.dma_semaphore, #tpu.memory_space<semaphore_mem>>
    %dma_wait3A_235 = arith.constant 0 : i32
    %dma_wait3A_236 = arith.constant 0 : i32
    %dma_wait3A_237 = tpu.memref_slice %arg5[%dma_wait3A_225, %dma_wait3A_235, %dma_wait3A_236] : memref<4x16x1024xf32, #tpu.memory_space<vmem>> -> memref<1x16x1024xf32, #tpu.memory_space<vmem>>
    %dma_wait3A_238 = tpu.memref_squeeze %dma_wait3A_237 : memref<1x16x1024xf32, #tpu.memory_space<vmem>> -> memref<16x1024xf32, #tpu.memory_space<vmem>>
    %dma_wait3A_239 = arith.constant 0 : i32
    %dma_wait3A_240 = tpu.memref_slice %arg2[%add3A_25, %dma_wait3A_239] : memref<4096x1024xf32, #tpu.memory_space<hbm>> -> memref<16x1024xf32, #tpu.memory_space<hbm>>
    tpu.wait_dma2 semaphore(%dma_wait3A_234 : memref<!tpu.dma_semaphore, #tpu.memory_space<semaphore_mem>>) src(%dma_wait3A_240 : memref<16x1024xf32, #tpu.memory_space<hbm>>) dst(%dma_wait3A_238 : memref<16x1024xf32, #tpu.memory_space<vmem>>)
    %dma_wait3A_241 = arith.constant 1 : i32
    %dma_wait3A_242 = arith.constant 1 : i32
    %dma_wait3A_243 = arith.constant 0 : i32
    %dma_wait3A_244 = arith.constant 0 : i32
    %dma_wait3A_245 = tpu.memref_slice %arg6[%dma_wait3A_241, %dma_wait3A_243, %dma_wait3A_244] : memref<2x16x1024xf32, #tpu.memory_space<vmem>> -> memref<1x16x1024xf32, #tpu.memory_space<vmem>>
    %dma_wait3A_246 = tpu.memref_squeeze %dma_wait3A_245 : memref<1x16x1024xf32, #tpu.memory_space<vmem>> -> memref<16x1024xf32, #tpu.memory_space<vmem>>
    %dma_wait3A_247 = arith.constant 0 : i32
    %dma_wait3A_248 = tpu.memref_slice %arg3[%add3A_81, %dma_wait3A_247] : memref<4096x1024xf32, #tpu.memory_space<hbm>> -> memref<16x1024xf32, #tpu.memory_space<hbm>>
    %dma_wait3A_249 = tpu.memref_slice %arg8[%dma_wait3A_242] : memref<2x!tpu.dma_semaphore, #tpu.memory_space<semaphore_mem>> -> memref<1x!tpu.dma_semaphore, #tpu.memory_space<semaphore_mem>>
    %dma_wait3A_250 = tpu.memref_squeeze %dma_wait3A_249 : memref<1x!tpu.dma_semaphore, #tpu.memory_space<semaphore_mem>> -> memref<!tpu.dma_semaphore, #tpu.memory_space<semaphore_mem>>
    %dma_wait3A_251 = arith.constant 0 : i32
    %dma_wait3A_252 = arith.constant 0 : i32
    %dma_wait3A_253 = tpu.memref_slice %arg6[%dma_wait3A_241, %dma_wait3A_251, %dma_wait3A_252] : memref<2x16x1024xf32, #tpu.memory_space<vmem>> -> memref<1x16x1024xf32, #tpu.memory_space<vmem>>
    %dma_wait3A_254 = tpu.memref_squeeze %dma_wait3A_253 : memref<1x16x1024xf32, #tpu.memory_space<vmem>> -> memref<16x1024xf32, #tpu.memory_space<vmem>>
    %dma_wait3A_255 = arith.constant 0 : i32
    %dma_wait3A_256 = tpu.memref_slice %arg3[%add3A_81, %dma_wait3A_255] : memref<4096x1024xf32, #tpu.memory_space<hbm>> -> memref<16x1024xf32, #tpu.memory_space<hbm>>
    tpu.wait_dma2 semaphore(%dma_wait3A_250 : memref<!tpu.dma_semaphore, #tpu.memory_space<semaphore_mem>>) src(%dma_wait3A_256 : memref<16x1024xf32, #tpu.memory_space<hbm>>) dst(%dma_wait3A_254 : memref<16x1024xf32, #tpu.memory_space<vmem>>)
    %parallel_loop3A_257 = arith.constant 0 : i32
    %parallel_loop3A_258 = arith.constant 64 : i32
    %parallel_loop3A_259 = arith.constant 1 : i32
    scf.for %parallel_loop3A_872 = %parallel_loop3A_257 to %parallel_loop3A_258 step %parallel_loop3A_259  : i32 {
      %parallel_loop3A_873 = arith.constant 16 : i32
      %parallel_loop3A_874 = arith.muli %parallel_loop3A_872, %parallel_loop3A_873 : i32
      %parallel_loop3A_875 = arith.constant 1 : i32
      %parallel_loop3A_876 = arith.constant 0 : i32
      %parallel_loop3A_877 = arith.index_cast %parallel_loop3A_875 : i32 to index
      %parallel_loop3A_878 = arith.index_cast %parallel_loop3A_876 : i32 to index
      %parallel_loop3A_879 = arith.index_cast %parallel_loop3A_874 : i32 to index
      %parallel_loop3A_880 = tpu.vector_load %arg6[%parallel_loop3A_877, %parallel_loop3A_878, %parallel_loop3A_879] {strides = array<i32>} : memref<2x16x1024xf32, #tpu.memory_space<vmem>>, vector<1x1x16xf32>,
      %parallel_loop3A_881 = vector.shape_cast %parallel_loop3A_880 : vector<1x1x16xf32> to vector<16xf32>
      %parallel_loop3A_882 = arith.constant 1 : i32
      %parallel_loop3A_883 = arith.constant 0 : i32
      %parallel_loop3A_884 = arith.index_cast %parallel_loop3A_882 : i32 to index
      %parallel_loop3A_885 = arith.index_cast %parallel_loop3A_883 : i32 to index
      %parallel_loop3A_886 = arith.index_cast %parallel_loop3A_874 : i32 to index
      %parallel_loop3A_887 = tpu.vector_load %arg5[%parallel_loop3A_884, %parallel_loop3A_885, %parallel_loop3A_886] {strides = array<i32>} : memref<4x16x1024xf32, #tpu.memory_space<vmem>>, vector<1x1x16xf32>,
      %parallel_loop3A_888 = vector.shape_cast %parallel_loop3A_887 : vector<1x1x16xf32> to vector<16xf32>
      %parallel_loop3A_889 = vector.shape_cast %parallel_loop3A_881 : vector<16xf32> to vector<1x1x16xf32>
      tpu.vector_store %arg5[%parallel_loop3A_884, %parallel_loop3A_885, %parallel_loop3A_886], %parallel_loop3A_889 {add = true, strides = array<i32>} : memref<4x16x1024xf32, #tpu.memory_space<vmem>>, vector<1x1x16xf32>,
      %parallel_loop3A_890 = arith.constant 1 : i32
      %parallel_loop3A_891 = arith.constant 1 : i32
      %parallel_loop3A_892 = arith.index_cast %parallel_loop3A_890 : i32 to index
      %parallel_loop3A_893 = arith.index_cast %parallel_loop3A_891 : i32 to index
      %parallel_loop3A_894 = arith.index_cast %parallel_loop3A_874 : i32 to index
      %parallel_loop3A_895 = tpu.vector_load %arg6[%parallel_loop3A_892, %parallel_loop3A_893, %parallel_loop3A_894] {strides = array<i32>} : memref<2x16x1024xf32, #tpu.memory_space<vmem>>, vector<1x1x16xf32>,
      %parallel_loop3A_896 = vector.shape_cast %parallel_loop3A_895 : vector<1x1x16xf32> to vector<16xf32>
      %parallel_loop3A_897 = arith.constant 1 : i32
      %parallel_loop3A_898 = arith.constant 1 : i32
      %parallel_loop3A_899 = arith.index_cast %parallel_loop3A_897 : i32 to index
      %parallel_loop3A_900 = arith.index_cast %parallel_loop3A_898 : i32 to index
      %parallel_loop3A_901 = arith.index_cast %parallel_loop3A_874 : i32 to index
      %parallel_loop3A_902 = tpu.vector_load %arg5[%parallel_loop3A_899, %parallel_loop3A_900, %parallel_loop3A_901] {strides = array<i32>} : memref<4x16x1024xf32, #tpu.memory_space<vmem>>, vector<1x1x16xf32>,
      %parallel_loop3A_903 = vector.shape_cast %parallel_loop3A_902 : vector<1x1x16xf32> to vector<16xf32>
      %parallel_loop3A_904 = vector.shape_cast %parallel_loop3A_896 : vector<16xf32> to vector<1x1x16xf32>
      tpu.vector_store %arg5[%parallel_loop3A_899, %parallel_loop3A_900, %parallel_loop3A_901], %parallel_loop3A_904 {add = true, strides = array<i32>} : memref<4x16x1024xf32, #tpu.memory_space<vmem>>, vector<1x1x16xf32>,
      %parallel_loop3A_905 = arith.constant 1 : i32
      %parallel_loop3A_906 = arith.constant 2 : i32
      %parallel_loop3A_907 = arith.index_cast %parallel_loop3A_905 : i32 to index
      %parallel_loop3A_908 = arith.index_cast %parallel_loop3A_906 : i32 to index
      %parallel_loop3A_909 = arith.index_cast %parallel_loop3A_874 : i32 to index
      %parallel_loop3A_910 = tpu.vector_load %arg6[%parallel_loop3A_907, %parallel_loop3A_908, %parallel_loop3A_909] {strides = array<i32>} : memref<2x16x1024xf32, #tpu.memory_space<vmem>>, vector<1x1x16xf32>,
      %parallel_loop3A_911 = vector.shape_cast %parallel_loop3A_910 : vector<1x1x16xf32> to vector<16xf32>
      %parallel_loop3A_912 = arith.constant 1 : i32
      %parallel_loop3A_913 = arith.constant 2 : i32
      %parallel_loop3A_914 = arith.index_cast %parallel_loop3A_912 : i32 to index
      %parallel_loop3A_915 = arith.index_cast %parallel_loop3A_913 : i32 to index
      %parallel_loop3A_916 = arith.index_cast %parallel_loop3A_874 : i32 to index
      %parallel_loop3A_917 = tpu.vector_load %arg5[%parallel_loop3A_914, %parallel_loop3A_915, %parallel_loop3A_916] {strides = array<i32>} : memref<4x16x1024xf32, #tpu.memory_space<vmem>>, vector<1x1x16xf32>,
      %parallel_loop3A_918 = vector.shape_cast %parallel_loop3A_917 : vector<1x1x16xf32> to vector<16xf32>
      %parallel_loop3A_919 = vector.shape_cast %parallel_loop3A_911 : vector<16xf32> to vector<1x1x16xf32>
      tpu.vector_store %arg5[%parallel_loop3A_914, %parallel_loop3A_915, %parallel_loop3A_916], %parallel_loop3A_919 {add = true, strides = array<i32>} : memref<4x16x1024xf32, #tpu.memory_space<vmem>>, vector<1x1x16xf32>,
      %parallel_loop3A_920 = arith.constant 1 : i32
      %parallel_loop3A_921 = arith.constant 3 : i32
      %parallel_loop3A_922 = arith.index_cast %parallel_loop3A_920 : i32 to index
      %parallel_loop3A_923 = arith.index_cast %parallel_loop3A_921 : i32 to index
      %parallel_loop3A_924 = arith.index_cast %parallel_loop3A_874 : i32 to index
      %parallel_loop3A_925 = tpu.vector_load %arg6[%parallel_loop3A_922, %parallel_loop3A_923, %parallel_loop3A_924] {strides = array<i32>} : memref<2x16x1024xf32, #tpu.memory_space<vmem>>, vector<1x1x16xf32>,
      %parallel_loop3A_926 = vector.shape_cast %parallel_loop3A_925 : vector<1x1x16xf32> to vector<16xf32>
      %parallel_loop3A_927 = arith.constant 1 : i32
      %parallel_loop3A_928 = arith.constant 3 : i32
      %parallel_loop3A_929 = arith.index_cast %parallel_loop3A_927 : i32 to index
      %parallel_loop3A_930 = arith.index_cast %parallel_loop3A_928 : i32 to index
      %parallel_loop3A_931 = arith.index_cast %parallel_loop3A_874 : i32 to index
      %parallel_loop3A_932 = tpu.vector_load %arg5[%parallel_loop3A_929, %parallel_loop3A_930, %parallel_loop3A_931] {strides = array<i32>} : memref<4x16x1024xf32, #tpu.memory_space<vmem>>, vector<1x1x16xf32>,
      %parallel_loop3A_933 = vector.shape_cast %parallel_loop3A_932 : vector<1x1x16xf32> to vector<16xf32>
      %parallel_loop3A_934 = vector.shape_cast %parallel_loop3A_926 : vector<16xf32> to vector<1x1x16xf32>
      tpu.vector_store %arg5[%parallel_loop3A_929, %parallel_loop3A_930, %parallel_loop3A_931], %parallel_loop3A_934 {add = true, strides = array<i32>} : memref<4x16x1024xf32, #tpu.memory_space<vmem>>, vector<1x1x16xf32>,
      %parallel_loop3A_935 = arith.constant 1 : i32
      %parallel_loop3A_936 = arith.constant 4 : i32
      %parallel_loop3A_937 = arith.index_cast %parallel_loop3A_935 : i32 to index
      %parallel_loop3A_938 = arith.index_cast %parallel_loop3A_936 : i32 to index
      %parallel_loop3A_939 = arith.index_cast %parallel_loop3A_874 : i32 to index
      %parallel_loop3A_940 = tpu.vector_load %arg6[%parallel_loop3A_937, %parallel_loop3A_938, %parallel_loop3A_939] {strides = array<i32>} : memref<2x16x1024xf32, #tpu.memory_space<vmem>>, vector<1x1x16xf32>,
      %parallel_loop3A_941 = vector.shape_cast %parallel_loop3A_940 : vector<1x1x16xf32> to vector<16xf32>
      %parallel_loop3A_942 = arith.constant 1 : i32
      %parallel_loop3A_943 = arith.constant 4 : i32
      %parallel_loop3A_944 = arith.index_cast %parallel_loop3A_942 : i32 to index
      %parallel_loop3A_945 = arith.index_cast %parallel_loop3A_943 : i32 to index
      %parallel_loop3A_946 = arith.index_cast %parallel_loop3A_874 : i32 to index
      %parallel_loop3A_947 = tpu.vector_load %arg5[%parallel_loop3A_944, %parallel_loop3A_945, %parallel_loop3A_946] {strides = array<i32>} : memref<4x16x1024xf32, #tpu.memory_space<vmem>>, vector<1x1x16xf32>,
      %parallel_loop3A_948 = vector.shape_cast %parallel_loop3A_947 : vector<1x1x16xf32> to vector<16xf32>
      %parallel_loop3A_949 = vector.shape_cast %parallel_loop3A_941 : vector<16xf32> to vector<1x1x16xf32>
      tpu.vector_store %arg5[%parallel_loop3A_944, %parallel_loop3A_945, %parallel_loop3A_946], %parallel_loop3A_949 {add = true, strides = array<i32>} : memref<4x16x1024xf32, #tpu.memory_space<vmem>>, vector<1x1x16xf32>,
      %parallel_loop3A_950 = arith.constant 1 : i32
      %parallel_loop3A_951 = arith.constant 5 : i32
      %parallel_loop3A_952 = arith.index_cast %parallel_loop3A_950 : i32 to index
      %parallel_loop3A_953 = arith.index_cast %parallel_loop3A_951 : i32 to index
      %parallel_loop3A_954 = arith.index_cast %parallel_loop3A_874 : i32 to index
      %parallel_loop3A_955 = tpu.vector_load %arg6[%parallel_loop3A_952, %parallel_loop3A_953, %parallel_loop3A_954] {strides = array<i32>} : memref<2x16x1024xf32, #tpu.memory_space<vmem>>, vector<1x1x16xf32>,
      %parallel_loop3A_956 = vector.shape_cast %parallel_loop3A_955 : vector<1x1x16xf32> to vector<16xf32>
      %parallel_loop3A_957 = arith.constant 1 : i32
      %parallel_loop3A_958 = arith.constant 5 : i32
      %parallel_loop3A_959 = arith.index_cast %parallel_loop3A_957 : i32 to index
      %parallel_loop3A_960 = arith.index_cast %parallel_loop3A_958 : i32 to index
      %parallel_loop3A_961 = arith.index_cast %parallel_loop3A_874 : i32 to index
      %parallel_loop3A_962 = tpu.vector_load %arg5[%parallel_loop3A_959, %parallel_loop3A_960, %parallel_loop3A_961] {strides = array<i32>} : memref<4x16x1024xf32, #tpu.memory_space<vmem>>, vector<1x1x16xf32>,
      %parallel_loop3A_963 = vector.shape_cast %parallel_loop3A_962 : vector<1x1x16xf32> to vector<16xf32>
      %parallel_loop3A_964 = vector.shape_cast %parallel_loop3A_956 : vector<16xf32> to vector<1x1x16xf32>
      tpu.vector_store %arg5[%parallel_loop3A_959, %parallel_loop3A_960, %parallel_loop3A_961], %parallel_loop3A_964 {add = true, strides = array<i32>} : memref<4x16x1024xf32, #tpu.memory_space<vmem>>, vector<1x1x16xf32>,
      %parallel_loop3A_965 = arith.constant 1 : i32
      %parallel_loop3A_966 = arith.constant 6 : i32
      %parallel_loop3A_967 = arith.index_cast %parallel_loop3A_965 : i32 to index
      %parallel_loop3A_968 = arith.index_cast %parallel_loop3A_966 : i32 to index
      %parallel_loop3A_969 = arith.index_cast %parallel_loop3A_874 : i32 to index
      %parallel_loop3A_970 = tpu.vector_load %arg6[%parallel_loop3A_967, %parallel_loop3A_968, %parallel_loop3A_969] {strides = array<i32>} : memref<2x16x1024xf32, #tpu.memory_space<vmem>>, vector<1x1x16xf32>,
      %parallel_loop3A_971 = vector.shape_cast %parallel_loop3A_970 : vector<1x1x16xf32> to vector<16xf32>
      %parallel_loop3A_972 = arith.constant 1 : i32
      %parallel_loop3A_973 = arith.constant 6 : i32
      %parallel_loop3A_974 = arith.index_cast %parallel_loop3A_972 : i32 to index
      %parallel_loop3A_975 = arith.index_cast %parallel_loop3A_973 : i32 to index
      %parallel_loop3A_976 = arith.index_cast %parallel_loop3A_874 : i32 to index
      %parallel_loop3A_977 = tpu.vector_load %arg5[%parallel_loop3A_974, %parallel_loop3A_975, %parallel_loop3A_976] {strides = array<i32>} : memref<4x16x1024xf32, #tpu.memory_space<vmem>>, vector<1x1x16xf32>,
      %parallel_loop3A_978 = vector.shape_cast %parallel_loop3A_977 : vector<1x1x16xf32> to vector<16xf32>
      %parallel_loop3A_979 = vector.shape_cast %parallel_loop3A_971 : vector<16xf32> to vector<1x1x16xf32>
      tpu.vector_store %arg5[%parallel_loop3A_974, %parallel_loop3A_975, %parallel_loop3A_976], %parallel_loop3A_979 {add = true, strides = array<i32>} : memref<4x16x1024xf32, #tpu.memory_space<vmem>>, vector<1x1x16xf32>,
      %parallel_loop3A_980 = arith.constant 1 : i32
      %parallel_loop3A_981 = arith.constant 7 : i32
      %parallel_loop3A_982 = arith.index_cast %parallel_loop3A_980 : i32 to index
      %parallel_loop3A_983 = arith.index_cast %parallel_loop3A_981 : i32 to index
      %parallel_loop3A_984 = arith.index_cast %parallel_loop3A_874 : i32 to index
      %parallel_loop3A_985 = tpu.vector_load %arg6[%parallel_loop3A_982, %parallel_loop3A_983, %parallel_loop3A_984] {strides = array<i32>} : memref<2x16x1024xf32, #tpu.memory_space<vmem>>, vector<1x1x16xf32>,
      %parallel_loop3A_986 = vector.shape_cast %parallel_loop3A_985 : vector<1x1x16xf32> to vector<16xf32>
      %parallel_loop3A_987 = arith.constant 1 : i32
      %parallel_loop3A_988 = arith.constant 7 : i32
      %parallel_loop3A_989 = arith.index_cast %parallel_loop3A_987 : i32 to index
      %parallel_loop3A_990 = arith.index_cast %parallel_loop3A_988 : i32 to index
      %parallel_loop3A_991 = arith.index_cast %parallel_loop3A_874 : i32 to index
      %parallel_loop3A_992 = tpu.vector_load %arg5[%parallel_loop3A_989, %parallel_loop3A_990, %parallel_loop3A_991] {strides = array<i32>} : memref<4x16x1024xf32, #tpu.memory_space<vmem>>, vector<1x1x16xf32>,
      %parallel_loop3A_993 = vector.shape_cast %parallel_loop3A_992 : vector<1x1x16xf32> to vector<16xf32>
      %parallel_loop3A_994 = vector.shape_cast %parallel_loop3A_986 : vector<16xf32> to vector<1x1x16xf32>
      tpu.vector_store %arg5[%parallel_loop3A_989, %parallel_loop3A_990, %parallel_loop3A_991], %parallel_loop3A_994 {add = true, strides = array<i32>} : memref<4x16x1024xf32, #tpu.memory_space<vmem>>, vector<1x1x16xf32>,
      %parallel_loop3A_995 = arith.constant 1 : i32
      %parallel_loop3A_996 = arith.constant 8 : i32
      %parallel_loop3A_997 = arith.index_cast %parallel_loop3A_995 : i32 to index
      %parallel_loop3A_998 = arith.index_cast %parallel_loop3A_996 : i32 to index
      %parallel_loop3A_999 = arith.index_cast %parallel_loop3A_874 : i32 to index
      %parallel_loop3A_1000 = tpu.vector_load %arg6[%parallel_loop3A_997, %parallel_loop3A_998, %parallel_loop3A_999] {strides = array<i32>} : memref<2x16x1024xf32, #tpu.memory_space<vmem>>, vector<1x1x16xf32>,
      %parallel_loop3A_1001 = vector.shape_cast %parallel_loop3A_1000 : vector<1x1x16xf32> to vector<16xf32>
      %parallel_loop3A_1002 = arith.constant 1 : i32
      %parallel_loop3A_1003 = arith.constant 8 : i32
      %parallel_loop3A_1004 = arith.index_cast %parallel_loop3A_1002 : i32 to index
      %parallel_loop3A_1005 = arith.index_cast %parallel_loop3A_1003 : i32 to index
      %parallel_loop3A_1006 = arith.index_cast %parallel_loop3A_874 : i32 to index
      %parallel_loop3A_1007 = tpu.vector_load %arg5[%parallel_loop3A_1004, %parallel_loop3A_1005, %parallel_loop3A_1006] {strides = array<i32>} : memref<4x16x1024xf32, #tpu.memory_space<vmem>>, vector<1x1x16xf32>,
      %parallel_loop3A_1008 = vector.shape_cast %parallel_loop3A_1007 : vector<1x1x16xf32> to vector<16xf32>
      %parallel_loop3A_1009 = vector.shape_cast %parallel_loop3A_1001 : vector<16xf32> to vector<1x1x16xf32>
      tpu.vector_store %arg5[%parallel_loop3A_1004, %parallel_loop3A_1005, %parallel_loop3A_1006], %parallel_loop3A_1009 {add = true, strides = array<i32>} : memref<4x16x1024xf32, #tpu.memory_space<vmem>>, vector<1x1x16xf32>,
      %parallel_loop3A_1010 = arith.constant 1 : i32
      %parallel_loop3A_1011 = arith.constant 9 : i32
      %parallel_loop3A_1012 = arith.index_cast %parallel_loop3A_1010 : i32 to index
      %parallel_loop3A_1013 = arith.index_cast %parallel_loop3A_1011 : i32 to index
      %parallel_loop3A_1014 = arith.index_cast %parallel_loop3A_874 : i32 to index
      %parallel_loop3A_1015 = tpu.vector_load %arg6[%parallel_loop3A_1012, %parallel_loop3A_1013, %parallel_loop3A_1014] {strides = array<i32>} : memref<2x16x1024xf32, #tpu.memory_space<vmem>>, vector<1x1x16xf32>,
      %parallel_loop3A_1016 = vector.shape_cast %parallel_loop3A_1015 : vector<1x1x16xf32> to vector<16xf32>
      %parallel_loop3A_1017 = arith.constant 1 : i32
      %parallel_loop3A_1018 = arith.constant 9 : i32
      %parallel_loop3A_1019 = arith.index_cast %parallel_loop3A_1017 : i32 to index
      %parallel_loop3A_1020 = arith.index_cast %parallel_loop3A_1018 : i32 to index
      %parallel_loop3A_1021 = arith.index_cast %parallel_loop3A_874 : i32 to index
      %parallel_loop3A_1022 = tpu.vector_load %arg5[%parallel_loop3A_1019, %parallel_loop3A_1020, %parallel_loop3A_1021] {strides = array<i32>} : memref<4x16x1024xf32, #tpu.memory_space<vmem>>, vector<1x1x16xf32>,
      %parallel_loop3A_1023 = vector.shape_cast %parallel_loop3A_1022 : vector<1x1x16xf32> to vector<16xf32>
      %parallel_loop3A_1024 = vector.shape_cast %parallel_loop3A_1016 : vector<16xf32> to vector<1x1x16xf32>
      tpu.vector_store %arg5[%parallel_loop3A_1019, %parallel_loop3A_1020, %parallel_loop3A_1021], %parallel_loop3A_1024 {add = true, strides = array<i32>} : memref<4x16x1024xf32, #tpu.memory_space<vmem>>, vector<1x1x16xf32>,
      %parallel_loop3A_1025 = arith.constant 1 : i32
      %parallel_loop3A_1026 = arith.constant 10 : i32
      %parallel_loop3A_1027 = arith.index_cast %parallel_loop3A_1025 : i32 to index
      %parallel_loop3A_1028 = arith.index_cast %parallel_loop3A_1026 : i32 to index
      %parallel_loop3A_1029 = arith.index_cast %parallel_loop3A_874 : i32 to index
      %parallel_loop3A_1030 = tpu.vector_load %arg6[%parallel_loop3A_1027, %parallel_loop3A_1028, %parallel_loop3A_1029] {strides = array<i32>} : memref<2x16x1024xf32, #tpu.memory_space<vmem>>, vector<1x1x16xf32>,
      %parallel_loop3A_1031 = vector.shape_cast %parallel_loop3A_1030 : vector<1x1x16xf32> to vector<16xf32>
      %parallel_loop3A_1032 = arith.constant 1 : i32
      %parallel_loop3A_1033 = arith.constant 10 : i32
      %parallel_loop3A_1034 = arith.index_cast %parallel_loop3A_1032 : i32 to index
      %parallel_loop3A_1035 = arith.index_cast %parallel_loop3A_1033 : i32 to index
      %parallel_loop3A_1036 = arith.index_cast %parallel_loop3A_874 : i32 to index
      %parallel_loop3A_1037 = tpu.vector_load %arg5[%parallel_loop3A_1034, %parallel_loop3A_1035, %parallel_loop3A_1036] {strides = array<i32>} : memref<4x16x1024xf32, #tpu.memory_space<vmem>>, vector<1x1x16xf32>,
      %parallel_loop3A_1038 = vector.shape_cast %parallel_loop3A_1037 : vector<1x1x16xf32> to vector<16xf32>
      %parallel_loop3A_1039 = vector.shape_cast %parallel_loop3A_1031 : vector<16xf32> to vector<1x1x16xf32>
      tpu.vector_store %arg5[%parallel_loop3A_1034, %parallel_loop3A_1035, %parallel_loop3A_1036], %parallel_loop3A_1039 {add = true, strides = array<i32>} : memref<4x16x1024xf32, #tpu.memory_space<vmem>>, vector<1x1x16xf32>,
      %parallel_loop3A_1040 = arith.constant 1 : i32
      %parallel_loop3A_1041 = arith.constant 11 : i32
      %parallel_loop3A_1042 = arith.index_cast %parallel_loop3A_1040 : i32 to index
      %parallel_loop3A_1043 = arith.index_cast %parallel_loop3A_1041 : i32 to index
      %parallel_loop3A_1044 = arith.index_cast %parallel_loop3A_874 : i32 to index
      %parallel_loop3A_1045 = tpu.vector_load %arg6[%parallel_loop3A_1042, %parallel_loop3A_1043, %parallel_loop3A_1044] {strides = array<i32>} : memref<2x16x1024xf32, #tpu.memory_space<vmem>>, vector<1x1x16xf32>,
      %parallel_loop3A_1046 = vector.shape_cast %parallel_loop3A_1045 : vector<1x1x16xf32> to vector<16xf32>
      %parallel_loop3A_1047 = arith.constant 1 : i32
      %parallel_loop3A_1048 = arith.constant 11 : i32
      %parallel_loop3A_1049 = arith.index_cast %parallel_loop3A_1047 : i32 to index
      %parallel_loop3A_1050 = arith.index_cast %parallel_loop3A_1048 : i32 to index
      %parallel_loop3A_1051 = arith.index_cast %parallel_loop3A_874 : i32 to index
      %parallel_loop3A_1052 = tpu.vector_load %arg5[%parallel_loop3A_1049, %parallel_loop3A_1050, %parallel_loop3A_1051] {strides = array<i32>} : memref<4x16x1024xf32, #tpu.memory_space<vmem>>, vector<1x1x16xf32>,
      %parallel_loop3A_1053 = vector.shape_cast %parallel_loop3A_1052 : vector<1x1x16xf32> to vector<16xf32>
      %parallel_loop3A_1054 = vector.shape_cast %parallel_loop3A_1046 : vector<16xf32> to vector<1x1x16xf32>
      tpu.vector_store %arg5[%parallel_loop3A_1049, %parallel_loop3A_1050, %parallel_loop3A_1051], %parallel_loop3A_1054 {add = true, strides = array<i32>} : memref<4x16x1024xf32, #tpu.memory_space<vmem>>, vector<1x1x16xf32>,
      %parallel_loop3A_1055 = arith.constant 1 : i32
      %parallel_loop3A_1056 = arith.constant 12 : i32
      %parallel_loop3A_1057 = arith.index_cast %parallel_loop3A_1055 : i32 to index
      %parallel_loop3A_1058 = arith.index_cast %parallel_loop3A_1056 : i32 to index
      %parallel_loop3A_1059 = arith.index_cast %parallel_loop3A_874 : i32 to index
      %parallel_loop3A_1060 = tpu.vector_load %arg6[%parallel_loop3A_1057, %parallel_loop3A_1058, %parallel_loop3A_1059] {strides = array<i32>} : memref<2x16x1024xf32, #tpu.memory_space<vmem>>, vector<1x1x16xf32>,
      %parallel_loop3A_1061 = vector.shape_cast %parallel_loop3A_1060 : vector<1x1x16xf32> to vector<16xf32>
      %parallel_loop3A_1062 = arith.constant 1 : i32
      %parallel_loop3A_1063 = arith.constant 12 : i32
      %parallel_loop3A_1064 = arith.index_cast %parallel_loop3A_1062 : i32 to index
      %parallel_loop3A_1065 = arith.index_cast %parallel_loop3A_1063 : i32 to index
      %parallel_loop3A_1066 = arith.index_cast %parallel_loop3A_874 : i32 to index
      %parallel_loop3A_1067 = tpu.vector_load %arg5[%parallel_loop3A_1064, %parallel_loop3A_1065, %parallel_loop3A_1066] {strides = array<i32>} : memref<4x16x1024xf32, #tpu.memory_space<vmem>>, vector<1x1x16xf32>,
      %parallel_loop3A_1068 = vector.shape_cast %parallel_loop3A_1067 : vector<1x1x16xf32> to vector<16xf32>
      %parallel_loop3A_1069 = vector.shape_cast %parallel_loop3A_1061 : vector<16xf32> to vector<1x1x16xf32>
      tpu.vector_store %arg5[%parallel_loop3A_1064, %parallel_loop3A_1065, %parallel_loop3A_1066], %parallel_loop3A_1069 {add = true, strides = array<i32>} : memref<4x16x1024xf32, #tpu.memory_space<vmem>>, vector<1x1x16xf32>,
      %parallel_loop3A_1070 = arith.constant 1 : i32
      %parallel_loop3A_1071 = arith.constant 13 : i32
      %parallel_loop3A_1072 = arith.index_cast %parallel_loop3A_1070 : i32 to index
      %parallel_loop3A_1073 = arith.index_cast %parallel_loop3A_1071 : i32 to index
      %parallel_loop3A_1074 = arith.index_cast %parallel_loop3A_874 : i32 to index
      %parallel_loop3A_1075 = tpu.vector_load %arg6[%parallel_loop3A_1072, %parallel_loop3A_1073, %parallel_loop3A_1074] {strides = array<i32>} : memref<2x16x1024xf32, #tpu.memory_space<vmem>>, vector<1x1x16xf32>,
      %parallel_loop3A_1076 = vector.shape_cast %parallel_loop3A_1075 : vector<1x1x16xf32> to vector<16xf32>
      %parallel_loop3A_1077 = arith.constant 1 : i32
      %parallel_loop3A_1078 = arith.constant 13 : i32
      %parallel_loop3A_1079 = arith.index_cast %parallel_loop3A_1077 : i32 to index
      %parallel_loop3A_1080 = arith.index_cast %parallel_loop3A_1078 : i32 to index
      %parallel_loop3A_1081 = arith.index_cast %parallel_loop3A_874 : i32 to index
      %parallel_loop3A_1082 = tpu.vector_load %arg5[%parallel_loop3A_1079, %parallel_loop3A_1080, %parallel_loop3A_1081] {strides = array<i32>} : memref<4x16x1024xf32, #tpu.memory_space<vmem>>, vector<1x1x16xf32>,
      %parallel_loop3A_1083 = vector.shape_cast %parallel_loop3A_1082 : vector<1x1x16xf32> to vector<16xf32>
      %parallel_loop3A_1084 = vector.shape_cast %parallel_loop3A_1076 : vector<16xf32> to vector<1x1x16xf32>
      tpu.vector_store %arg5[%parallel_loop3A_1079, %parallel_loop3A_1080, %parallel_loop3A_1081], %parallel_loop3A_1084 {add = true, strides = array<i32>} : memref<4x16x1024xf32, #tpu.memory_space<vmem>>, vector<1x1x16xf32>,
      %parallel_loop3A_1085 = arith.constant 1 : i32
      %parallel_loop3A_1086 = arith.constant 14 : i32
      %parallel_loop3A_1087 = arith.index_cast %parallel_loop3A_1085 : i32 to index
      %parallel_loop3A_1088 = arith.index_cast %parallel_loop3A_1086 : i32 to index
      %parallel_loop3A_1089 = arith.index_cast %parallel_loop3A_874 : i32 to index
      %parallel_loop3A_1090 = tpu.vector_load %arg6[%parallel_loop3A_1087, %parallel_loop3A_1088, %parallel_loop3A_1089] {strides = array<i32>} : memref<2x16x1024xf32, #tpu.memory_space<vmem>>, vector<1x1x16xf32>,
      %parallel_loop3A_1091 = vector.shape_cast %parallel_loop3A_1090 : vector<1x1x16xf32> to vector<16xf32>
      %parallel_loop3A_1092 = arith.constant 1 : i32
      %parallel_loop3A_1093 = arith.constant 14 : i32
      %parallel_loop3A_1094 = arith.index_cast %parallel_loop3A_1092 : i32 to index
      %parallel_loop3A_1095 = arith.index_cast %parallel_loop3A_1093 : i32 to index
      %parallel_loop3A_1096 = arith.index_cast %parallel_loop3A_874 : i32 to index
      %parallel_loop3A_1097 = tpu.vector_load %arg5[%parallel_loop3A_1094, %parallel_loop3A_1095, %parallel_loop3A_1096] {strides = array<i32>} : memref<4x16x1024xf32, #tpu.memory_space<vmem>>, vector<1x1x16xf32>,
      %parallel_loop3A_1098 = vector.shape_cast %parallel_loop3A_1097 : vector<1x1x16xf32> to vector<16xf32>
      %parallel_loop3A_1099 = vector.shape_cast %parallel_loop3A_1091 : vector<16xf32> to vector<1x1x16xf32>
      tpu.vector_store %arg5[%parallel_loop3A_1094, %parallel_loop3A_1095, %parallel_loop3A_1096], %parallel_loop3A_1099 {add = true, strides = array<i32>} : memref<4x16x1024xf32, #tpu.memory_space<vmem>>, vector<1x1x16xf32>,
      %parallel_loop3A_1100 = arith.constant 1 : i32
      %parallel_loop3A_1101 = arith.constant 15 : i32
      %parallel_loop3A_1102 = arith.index_cast %parallel_loop3A_1100 : i32 to index
      %parallel_loop3A_1103 = arith.index_cast %parallel_loop3A_1101 : i32 to index
      %parallel_loop3A_1104 = arith.index_cast %parallel_loop3A_874 : i32 to index
      %parallel_loop3A_1105 = tpu.vector_load %arg6[%parallel_loop3A_1102, %parallel_loop3A_1103, %parallel_loop3A_1104] {strides = array<i32>} : memref<2x16x1024xf32, #tpu.memory_space<vmem>>, vector<1x1x16xf32>,
      %parallel_loop3A_1106 = vector.shape_cast %parallel_loop3A_1105 : vector<1x1x16xf32> to vector<16xf32>
      %parallel_loop3A_1107 = arith.constant 1 : i32
      %parallel_loop3A_1108 = arith.constant 15 : i32
      %parallel_loop3A_1109 = arith.index_cast %parallel_loop3A_1107 : i32 to index
      %parallel_loop3A_1110 = arith.index_cast %parallel_loop3A_1108 : i32 to index
      %parallel_loop3A_1111 = arith.index_cast %parallel_loop3A_874 : i32 to index
      %parallel_loop3A_1112 = tpu.vector_load %arg5[%parallel_loop3A_1109, %parallel_loop3A_1110, %parallel_loop3A_1111] {strides = array<i32>} : memref<4x16x1024xf32, #tpu.memory_space<vmem>>, vector<1x1x16xf32>,
      %parallel_loop3A_1113 = vector.shape_cast %parallel_loop3A_1112 : vector<1x1x16xf32> to vector<16xf32>
      %parallel_loop3A_1114 = vector.shape_cast %parallel_loop3A_1106 : vector<16xf32> to vector<1x1x16xf32>
      tpu.vector_store %arg5[%parallel_loop3A_1109, %parallel_loop3A_1110, %parallel_loop3A_1111], %parallel_loop3A_1114 {add = true, strides = array<i32>} : memref<4x16x1024xf32, #tpu.memory_space<vmem>>, vector<1x1x16xf32>,
    } {sc.loop_unroll_factor = 2 : i64, sc.parallel_access}
    %add3A_260 = arith.constant 0 : i32
    %add3A_261 = arith.addi %add3A_260, %mul3A_2 : i32
    %add3A_262 = arith.constant 16 : i32
    %add3A_263 = arith.addi %add3A_261, %add3A_262 : i32
    %dma_start3A_264 = arith.constant 1 : i32
    %dma_start3A_265 = arith.constant 1 : i32
    %dma_start3A_266 = arith.constant 0 : i32
    %dma_start3A_267 = arith.constant 0 : i32
    %dma_start3A_268 = tpu.memref_slice %arg5[%dma_start3A_264, %dma_start3A_266, %dma_start3A_267] : memref<4x16x1024xf32, #tpu.memory_space<vmem>> -> memref<1x16x1024xf32, #tpu.memory_space<vmem>>
    %dma_start3A_269 = tpu.memref_squeeze %dma_start3A_268 : memref<1x16x1024xf32, #tpu.memory_space<vmem>> -> memref<16x1024xf32, #tpu.memory_space<vmem>>
    %dma_start3A_270 = arith.constant 0 : i32
    %dma_start3A_271 = tpu.memref_slice %arg4[%add3A_263, %dma_start3A_270] : memref<4096x1024xf32, #tpu.memory_space<hbm>> -> memref<16x1024xf32, #tpu.memory_space<hbm>>
    %dma_start3A_272 = tpu.memref_slice %arg9[%dma_start3A_265] : memref<4x!tpu.dma_semaphore, #tpu.memory_space<semaphore_mem>> -> memref<1x!tpu.dma_semaphore, #tpu.memory_space<semaphore_mem>>
    %dma_start3A_273 = tpu.memref_squeeze %dma_start3A_272 : memref<1x!tpu.dma_semaphore, #tpu.memory_space<semaphore_mem>> -> memref<!tpu.dma_semaphore, #tpu.memory_space<semaphore_mem>>
    %dma_start3A_274 = arith.constant 0 : i32
    %dma_start3A_275 = tpu.memref_slice %arg4[%add3A_263, %dma_start3A_274] : memref<4096x1024xf32, #tpu.memory_space<hbm>> -> memref<16x1024xf32, #tpu.memory_space<hbm>>
    %dma_start3A_276 = arith.constant 0 : i32
    %dma_start3A_277 = arith.constant 0 : i32
    %dma_start3A_278 = tpu.memref_slice %arg5[%dma_start3A_264, %dma_start3A_276, %dma_start3A_277] : memref<4x16x1024xf32, #tpu.memory_space<vmem>> -> memref<1x16x1024xf32, #tpu.memory_space<vmem>>
    %dma_start3A_279 = tpu.memref_squeeze %dma_start3A_278 : memref<1x16x1024xf32, #tpu.memory_space<vmem>> -> memref<16x1024xf32, #tpu.memory_space<vmem>>
    tpu.enqueue_dma source(%dma_start3A_279 : memref<16x1024xf32, #tpu.memory_space<vmem>>) target(%dma_start3A_275 : memref<16x1024xf32, #tpu.memory_space<hbm>>) target_semaphore(%dma_start3A_273 : memref<!tpu.dma_semaphore, #tpu.memory_space<semaphore_mem>>)
    %add3A_280 = arith.constant 48 : i32
    %add3A_281 = arith.addi %mul3A_2, %add3A_280 : i32
    %dma_start3A_282 = arith.constant 1 : i32
    %dma_start3A_283 = arith.constant 1 : i32
    %dma_start3A_284 = arith.constant 0 : i32
    %dma_start3A_285 = arith.constant 0 : i32
    %dma_start3A_286 = tpu.memref_slice %arg6[%dma_start3A_282, %dma_start3A_284, %dma_start3A_285] : memref<2x16x1024xf32, #tpu.memory_space<vmem>> -> memref<1x16x1024xf32, #tpu.memory_space<vmem>>
    %dma_start3A_287 = tpu.memref_squeeze %dma_start3A_286 : memref<1x16x1024xf32, #tpu.memory_space<vmem>> -> memref<16x1024xf32, #tpu.memory_space<vmem>>
    %dma_start3A_288 = arith.constant 0 : i32
    %dma_start3A_289 = tpu.memref_slice %arg3[%add3A_281, %dma_start3A_288] : memref<4096x1024xf32, #tpu.memory_space<hbm>> -> memref<16x1024xf32, #tpu.memory_space<hbm>>
    %dma_start3A_290 = tpu.memref_slice %arg8[%dma_start3A_283] : memref<2x!tpu.dma_semaphore, #tpu.memory_space<semaphore_mem>> -> memref<1x!tpu.dma_semaphore, #tpu.memory_space<semaphore_mem>>
    %dma_start3A_291 = tpu.memref_squeeze %dma_start3A_290 : memref<1x!tpu.dma_semaphore, #tpu.memory_space<semaphore_mem>> -> memref<!tpu.dma_semaphore, #tpu.memory_space<semaphore_mem>>
    %dma_start3A_292 = arith.constant 0 : i32
    %dma_start3A_293 = arith.constant 0 : i32
    %dma_start3A_294 = tpu.memref_slice %arg6[%dma_start3A_282, %dma_start3A_292, %dma_start3A_293] : memref<2x16x1024xf32, #tpu.memory_space<vmem>> -> memref<1x16x1024xf32, #tpu.memory_space<vmem>>
    %dma_start3A_295 = tpu.memref_squeeze %dma_start3A_294 : memref<1x16x1024xf32, #tpu.memory_space<vmem>> -> memref<16x1024xf32, #tpu.memory_space<vmem>>
    %dma_start3A_296 = arith.constant 0 : i32
    %dma_start3A_297 = tpu.memref_slice %arg3[%add3A_281, %dma_start3A_296] : memref<4096x1024xf32, #tpu.memory_space<hbm>> -> memref<16x1024xf32, #tpu.memory_space<hbm>>
    tpu.enqueue_dma source(%dma_start3A_297 : memref<16x1024xf32, #tpu.memory_space<hbm>>) target(%dma_start3A_295 : memref<16x1024xf32, #tpu.memory_space<vmem>>) target_semaphore(%dma_start3A_291 : memref<!tpu.dma_semaphore, #tpu.memory_space<semaphore_mem>>)
    %dma_wait3A_298 = arith.constant 1 : i32
    %dma_wait3A_299 = arith.constant 1 : i32
    %dma_wait3A_300 = arith.constant 0 : i32
    %dma_wait3A_301 = arith.constant 0 : i32
    %dma_wait3A_302 = tpu.memref_slice %arg5[%dma_wait3A_298, %dma_wait3A_300, %dma_wait3A_301] : memref<4x16x1024xf32, #tpu.memory_space<vmem>> -> memref<1x16x1024xf32, #tpu.memory_space<vmem>>
    %dma_wait3A_303 = tpu.memref_squeeze %dma_wait3A_302 : memref<1x16x1024xf32, #tpu.memory_space<vmem>> -> memref<16x1024xf32, #tpu.memory_space<vmem>>
    %dma_wait3A_304 = arith.constant 0 : i32
    %dma_wait3A_305 = tpu.memref_slice %arg4[%add3A_263, %dma_wait3A_304] : memref<4096x1024xf32, #tpu.memory_space<hbm>> -> memref<16x1024xf32, #tpu.memory_space<hbm>>
    %dma_wait3A_306 = tpu.memref_slice %arg9[%dma_wait3A_299] : memref<4x!tpu.dma_semaphore, #tpu.memory_space<semaphore_mem>> -> memref<1x!tpu.dma_semaphore, #tpu.memory_space<semaphore_mem>>
    %dma_wait3A_307 = tpu.memref_squeeze %dma_wait3A_306 : memref<1x!tpu.dma_semaphore, #tpu.memory_space<semaphore_mem>> -> memref<!tpu.dma_semaphore, #tpu.memory_space<semaphore_mem>>
    %dma_wait3A_308 = arith.constant 0 : i32
    %dma_wait3A_309 = tpu.memref_slice %arg4[%add3A_263, %dma_wait3A_308] : memref<4096x1024xf32, #tpu.memory_space<hbm>> -> memref<16x1024xf32, #tpu.memory_space<hbm>>
    %dma_wait3A_310 = arith.constant 0 : i32
    %dma_wait3A_311 = arith.constant 0 : i32
    %dma_wait3A_312 = tpu.memref_slice %arg5[%dma_wait3A_298, %dma_wait3A_310, %dma_wait3A_311] : memref<4x16x1024xf32, #tpu.memory_space<vmem>> -> memref<1x16x1024xf32, #tpu.memory_space<vmem>>
    %dma_wait3A_313 = tpu.memref_squeeze %dma_wait3A_312 : memref<1x16x1024xf32, #tpu.memory_space<vmem>> -> memref<16x1024xf32, #tpu.memory_space<vmem>>
    tpu.wait_dma2 semaphore(%dma_wait3A_307 : memref<!tpu.dma_semaphore, #tpu.memory_space<semaphore_mem>>) src(%dma_wait3A_313 : memref<16x1024xf32, #tpu.memory_space<vmem>>) dst(%dma_wait3A_309 : memref<16x1024xf32, #tpu.memory_space<hbm>>)
    %add3A_314 = arith.constant 0 : i32
    %add3A_315 = arith.addi %add3A_314, %mul3A_2 : i32
    %add3A_316 = arith.constant 80 : i32
    %add3A_317 = arith.addi %add3A_315, %add3A_316 : i32
    %dma_start3A_318 = arith.constant 1 : i32
    %dma_start3A_319 = arith.constant 1 : i32
    %dma_start3A_320 = arith.constant 0 : i32
    %dma_start3A_321 = arith.constant 0 : i32
    %dma_start3A_322 = tpu.memref_slice %arg5[%dma_start3A_318, %dma_start3A_320, %dma_start3A_321] : memref<4x16x1024xf32, #tpu.memory_space<vmem>> -> memref<1x16x1024xf32, #tpu.memory_space<vmem>>
    %dma_start3A_323 = tpu.memref_squeeze %dma_start3A_322 : memref<1x16x1024xf32, #tpu.memory_space<vmem>> -> memref<16x1024xf32, #tpu.memory_space<vmem>>
    %dma_start3A_324 = arith.constant 0 : i32
    %dma_start3A_325 = tpu.memref_slice %arg2[%add3A_317, %dma_start3A_324] : memref<4096x1024xf32, #tpu.memory_space<hbm>> -> memref<16x1024xf32, #tpu.memory_space<hbm>>
    %dma_start3A_326 = tpu.memref_slice %arg7[%dma_start3A_319] : memref<4x!tpu.dma_semaphore, #tpu.memory_space<semaphore_mem>> -> memref<1x!tpu.dma_semaphore, #tpu.memory_space<semaphore_mem>>
    %dma_start3A_327 = tpu.memref_squeeze %dma_start3A_326 : memref<1x!tpu.dma_semaphore, #tpu.memory_space<semaphore_mem>> -> memref<!tpu.dma_semaphore, #tpu.memory_space<semaphore_mem>>
    %dma_start3A_328 = arith.constant 0 : i32
    %dma_start3A_329 = arith.constant 0 : i32
    %dma_start3A_330 = tpu.memref_slice %arg5[%dma_start3A_318, %dma_start3A_328, %dma_start3A_329] : memref<4x16x1024xf32, #tpu.memory_space<vmem>> -> memref<1x16x1024xf32, #tpu.memory_space<vmem>>
    %dma_start3A_331 = tpu.memref_squeeze %dma_start3A_330 : memref<1x16x1024xf32, #tpu.memory_space<vmem>> -> memref<16x1024xf32, #tpu.memory_space<vmem>>
    %dma_start3A_332 = arith.constant 0 : i32
    %dma_start3A_333 = tpu.memref_slice %arg2[%add3A_317, %dma_start3A_332] : memref<4096x1024xf32, #tpu.memory_space<hbm>> -> memref<16x1024xf32, #tpu.memory_space<hbm>>
    tpu.enqueue_dma source(%dma_start3A_333 : memref<16x1024xf32, #tpu.memory_space<hbm>>) target(%dma_start3A_331 : memref<16x1024xf32, #tpu.memory_space<vmem>>) target_semaphore(%dma_start3A_327 : memref<!tpu.dma_semaphore, #tpu.memory_space<semaphore_mem>>)
    %dma_wait3A_334 = arith.constant 2 : i32
    %dma_wait3A_335 = arith.constant 2 : i32
    %dma_wait3A_336 = arith.constant 0 : i32
    %dma_wait3A_337 = arith.constant 0 : i32
    %dma_wait3A_338 = tpu.memref_slice %arg5[%dma_wait3A_334, %dma_wait3A_336, %dma_wait3A_337] : memref<4x16x1024xf32, #tpu.memory_space<vmem>> -> memref<1x16x1024xf32, #tpu.memory_space<vmem>>
    %dma_wait3A_339 = tpu.memref_squeeze %dma_wait3A_338 : memref<1x16x1024xf32, #tpu.memory_space<vmem>> -> memref<16x1024xf32, #tpu.memory_space<vmem>>
    %dma_wait3A_340 = arith.constant 0 : i32
    %dma_wait3A_341 = tpu.memref_slice %arg2[%add3A_45, %dma_wait3A_340] : memref<4096x1024xf32, #tpu.memory_space<hbm>> -> memref<16x1024xf32, #tpu.memory_space<hbm>>
    %dma_wait3A_342 = tpu.memref_slice %arg7[%dma_wait3A_335] : memref<4x!tpu.dma_semaphore, #tpu.memory_space<semaphore_mem>> -> memref<1x!tpu.dma_semaphore, #tpu.memory_space<semaphore_mem>>
    %dma_wait3A_343 = tpu.memref_squeeze %dma_wait3A_342 : memref<1x!tpu.dma_semaphore, #tpu.memory_space<semaphore_mem>> -> memref<!tpu.dma_semaphore, #tpu.memory_space<semaphore_mem>>
    %dma_wait3A_344 = arith.constant 0 : i32
    %dma_wait3A_345 = arith.constant 0 : i32
    %dma_wait3A_346 = tpu.memref_slice %arg5[%dma_wait3A_334, %dma_wait3A_344, %dma_wait3A_345] : memref<4x16x1024xf32, #tpu.memory_space<vmem>> -> memref<1x16x1024xf32, #tpu.memory_space<vmem>>
    %dma_wait3A_347 = tpu.memref_squeeze %dma_wait3A_346 : memref<1x16x1024xf32, #tpu.memory_space<vmem>> -> memref<16x1024xf32, #tpu.memory_space<vmem>>
    %dma_wait3A_348 = arith.constant 0 : i32
    %dma_wait3A_349 = tpu.memref_slice %arg2[%add3A_45, %dma_wait3A_348] : memref<4096x1024xf32, #tpu.memory_space<hbm>> -> memref<16x1024xf32, #tpu.memory_space<hbm>>
    tpu.wait_dma2 semaphore(%dma_wait3A_343 : memref<!tpu.dma_semaphore, #tpu.memory_space<semaphore_mem>>) src(%dma_wait3A_349 : memref<16x1024xf32, #tpu.memory_space<hbm>>) dst(%dma_wait3A_347 : memref<16x1024xf32, #tpu.memory_space<vmem>>)
    %dma_wait3A_350 = arith.constant 0 : i32
    %dma_wait3A_351 = arith.constant 0 : i32
    %dma_wait3A_352 = arith.constant 0 : i32
    %dma_wait3A_353 = arith.constant 0 : i32
    %dma_wait3A_354 = tpu.memref_slice %arg6[%dma_wait3A_350, %dma_wait3A_352, %dma_wait3A_353] : memref<2x16x1024xf32, #tpu.memory_space<vmem>> -> memref<1x16x1024xf32, #tpu.memory_space<vmem>>
    %dma_wait3A_355 = tpu.memref_squeeze %dma_wait3A_354 : memref<1x16x1024xf32, #tpu.memory_space<vmem>> -> memref<16x1024xf32, #tpu.memory_space<vmem>>
    %dma_wait3A_356 = arith.constant 0 : i32
    %dma_wait3A_357 = tpu.memref_slice %arg3[%add3A_172, %dma_wait3A_356] : memref<4096x1024xf32, #tpu.memory_space<hbm>> -> memref<16x1024xf32, #tpu.memory_space<hbm>>
    %dma_wait3A_358 = tpu.memref_slice %arg8[%dma_wait3A_351] : memref<2x!tpu.dma_semaphore, #tpu.memory_space<semaphore_mem>> -> memref<1x!tpu.dma_semaphore, #tpu.memory_space<semaphore_mem>>
    %dma_wait3A_359 = tpu.memref_squeeze %dma_wait3A_358 : memref<1x!tpu.dma_semaphore, #tpu.memory_space<semaphore_mem>> -> memref<!tpu.dma_semaphore, #tpu.memory_space<semaphore_mem>>
    %dma_wait3A_360 = arith.constant 0 : i32
    %dma_wait3A_361 = arith.constant 0 : i32
    %dma_wait3A_362 = tpu.memref_slice %arg6[%dma_wait3A_350, %dma_wait3A_360, %dma_wait3A_361] : memref<2x16x1024xf32, #tpu.memory_space<vmem>> -> memref<1x16x1024xf32, #tpu.memory_space<vmem>>
    %dma_wait3A_363 = tpu.memref_squeeze %dma_wait3A_362 : memref<1x16x1024xf32, #tpu.memory_space<vmem>> -> memref<16x1024xf32, #tpu.memory_space<vmem>>
    %dma_wait3A_364 = arith.constant 0 : i32
    %dma_wait3A_365 = tpu.memref_slice %arg3[%add3A_172, %dma_wait3A_364] : memref<4096x1024xf32, #tpu.memory_space<hbm>> -> memref<16x1024xf32, #tpu.memory_space<hbm>>
    tpu.wait_dma2 semaphore(%dma_wait3A_359 : memref<!tpu.dma_semaphore, #tpu.memory_space<semaphore_mem>>) src(%dma_wait3A_365 : memref<16x1024xf32, #tpu.memory_space<hbm>>) dst(%dma_wait3A_363 : memref<16x1024xf32, #tpu.memory_space<vmem>>)
    %parallel_loop3A_366 = arith.constant 0 : i32
    %parallel_loop3A_367 = arith.constant 64 : i32
    %parallel_loop3A_368 = arith.constant 1 : i32
    scf.for %parallel_loop3A_872 = %parallel_loop3A_366 to %parallel_loop3A_367 step %parallel_loop3A_368  : i32 {
      %parallel_loop3A_873 = arith.constant 16 : i32
      %parallel_loop3A_874 = arith.muli %parallel_loop3A_872, %parallel_loop3A_873 : i32
      %parallel_loop3A_875 = arith.constant 0 : i32
      %parallel_loop3A_876 = arith.constant 0 : i32
      %parallel_loop3A_877 = arith.index_cast %parallel_loop3A_875 : i32 to index
      %parallel_loop3A_878 = arith.index_cast %parallel_loop3A_876 : i32 to index
      %parallel_loop3A_879 = arith.index_cast %parallel_loop3A_874 : i32 to index
      %parallel_loop3A_880 = tpu.vector_load %arg6[%parallel_loop3A_877, %parallel_loop3A_878, %parallel_loop3A_879] {strides = array<i32>} : memref<2x16x1024xf32, #tpu.memory_space<vmem>>, vector<1x1x16xf32>,
      %parallel_loop3A_881 = vector.shape_cast %parallel_loop3A_880 : vector<1x1x16xf32> to vector<16xf32>
      %parallel_loop3A_882 = arith.constant 2 : i32
      %parallel_loop3A_883 = arith.constant 0 : i32
      %parallel_loop3A_884 = arith.index_cast %parallel_loop3A_882 : i32 to index
      %parallel_loop3A_885 = arith.index_cast %parallel_loop3A_883 : i32 to index
      %parallel_loop3A_886 = arith.index_cast %parallel_loop3A_874 : i32 to index
      %parallel_loop3A_887 = tpu.vector_load %arg5[%parallel_loop3A_884, %parallel_loop3A_885, %parallel_loop3A_886] {strides = array<i32>} : memref<4x16x1024xf32, #tpu.memory_space<vmem>>, vector<1x1x16xf32>,
      %parallel_loop3A_888 = vector.shape_cast %parallel_loop3A_887 : vector<1x1x16xf32> to vector<16xf32>
      %parallel_loop3A_889 = vector.shape_cast %parallel_loop3A_881 : vector<16xf32> to vector<1x1x16xf32>
      tpu.vector_store %arg5[%parallel_loop3A_884, %parallel_loop3A_885, %parallel_loop3A_886], %parallel_loop3A_889 {add = true, strides = array<i32>} : memref<4x16x1024xf32, #tpu.memory_space<vmem>>, vector<1x1x16xf32>,
      %parallel_loop3A_890 = arith.constant 0 : i32
      %parallel_loop3A_891 = arith.constant 1 : i32
      %parallel_loop3A_892 = arith.index_cast %parallel_loop3A_890 : i32 to index
      %parallel_loop3A_893 = arith.index_cast %parallel_loop3A_891 : i32 to index
      %parallel_loop3A_894 = arith.index_cast %parallel_loop3A_874 : i32 to index
      %parallel_loop3A_895 = tpu.vector_load %arg6[%parallel_loop3A_892, %parallel_loop3A_893, %parallel_loop3A_894] {strides = array<i32>} : memref<2x16x1024xf32, #tpu.memory_space<vmem>>, vector<1x1x16xf32>,
      %parallel_loop3A_896 = vector.shape_cast %parallel_loop3A_895 : vector<1x1x16xf32> to vector<16xf32>
      %parallel_loop3A_897 = arith.constant 2 : i32
      %parallel_loop3A_898 = arith.constant 1 : i32
      %parallel_loop3A_899 = arith.index_cast %parallel_loop3A_897 : i32 to index
      %parallel_loop3A_900 = arith.index_cast %parallel_loop3A_898 : i32 to index
      %parallel_loop3A_901 = arith.index_cast %parallel_loop3A_874 : i32 to index
      %parallel_loop3A_902 = tpu.vector_load %arg5[%parallel_loop3A_899, %parallel_loop3A_900, %parallel_loop3A_901] {strides = array<i32>} : memref<4x16x1024xf32, #tpu.memory_space<vmem>>, vector<1x1x16xf32>,
      %parallel_loop3A_903 = vector.shape_cast %parallel_loop3A_902 : vector<1x1x16xf32> to vector<16xf32>
      %parallel_loop3A_904 = vector.shape_cast %parallel_loop3A_896 : vector<16xf32> to vector<1x1x16xf32>
      tpu.vector_store %arg5[%parallel_loop3A_899, %parallel_loop3A_900, %parallel_loop3A_901], %parallel_loop3A_904 {add = true, strides = array<i32>} : memref<4x16x1024xf32, #tpu.memory_space<vmem>>, vector<1x1x16xf32>,
      %parallel_loop3A_905 = arith.constant 0 : i32
      %parallel_loop3A_906 = arith.constant 2 : i32
      %parallel_loop3A_907 = arith.index_cast %parallel_loop3A_905 : i32 to index
      %parallel_loop3A_908 = arith.index_cast %parallel_loop3A_906 : i32 to index
      %parallel_loop3A_909 = arith.index_cast %parallel_loop3A_874 : i32 to index
      %parallel_loop3A_910 = tpu.vector_load %arg6[%parallel_loop3A_907, %parallel_loop3A_908, %parallel_loop3A_909] {strides = array<i32>} : memref<2x16x1024xf32, #tpu.memory_space<vmem>>, vector<1x1x16xf32>,
      %parallel_loop3A_911 = vector.shape_cast %parallel_loop3A_910 : vector<1x1x16xf32> to vector<16xf32>
      %parallel_loop3A_912 = arith.constant 2 : i32
      %parallel_loop3A_913 = arith.constant 2 : i32
      %parallel_loop3A_914 = arith.index_cast %parallel_loop3A_912 : i32 to index
      %parallel_loop3A_915 = arith.index_cast %parallel_loop3A_913 : i32 to index
      %parallel_loop3A_916 = arith.index_cast %parallel_loop3A_874 : i32 to index
      %parallel_loop3A_917 = tpu.vector_load %arg5[%parallel_loop3A_914, %parallel_loop3A_915, %parallel_loop3A_916] {strides = array<i32>} : memref<4x16x1024xf32, #tpu.memory_space<vmem>>, vector<1x1x16xf32>,
      %parallel_loop3A_918 = vector.shape_cast %parallel_loop3A_917 : vector<1x1x16xf32> to vector<16xf32>
      %parallel_loop3A_919 = vector.shape_cast %parallel_loop3A_911 : vector<16xf32> to vector<1x1x16xf32>
      tpu.vector_store %arg5[%parallel_loop3A_914, %parallel_loop3A_915, %parallel_loop3A_916], %parallel_loop3A_919 {add = true, strides = array<i32>} : memref<4x16x1024xf32, #tpu.memory_space<vmem>>, vector<1x1x16xf32>,
      %parallel_loop3A_920 = arith.constant 0 : i32
      %parallel_loop3A_921 = arith.constant 3 : i32
      %parallel_loop3A_922 = arith.index_cast %parallel_loop3A_920 : i32 to index
      %parallel_loop3A_923 = arith.index_cast %parallel_loop3A_921 : i32 to index
      %parallel_loop3A_924 = arith.index_cast %parallel_loop3A_874 : i32 to index
      %parallel_loop3A_925 = tpu.vector_load %arg6[%parallel_loop3A_922, %parallel_loop3A_923, %parallel_loop3A_924] {strides = array<i32>} : memref<2x16x1024xf32, #tpu.memory_space<vmem>>, vector<1x1x16xf32>,
      %parallel_loop3A_926 = vector.shape_cast %parallel_loop3A_925 : vector<1x1x16xf32> to vector<16xf32>
      %parallel_loop3A_927 = arith.constant 2 : i32
      %parallel_loop3A_928 = arith.constant 3 : i32
      %parallel_loop3A_929 = arith.index_cast %parallel_loop3A_927 : i32 to index
      %parallel_loop3A_930 = arith.index_cast %parallel_loop3A_928 : i32 to index
      %parallel_loop3A_931 = arith.index_cast %parallel_loop3A_874 : i32 to index
      %parallel_loop3A_932 = tpu.vector_load %arg5[%parallel_loop3A_929, %parallel_loop3A_930, %parallel_loop3A_931] {strides = array<i32>} : memref<4x16x1024xf32, #tpu.memory_space<vmem>>, vector<1x1x16xf32>,
      %parallel_loop3A_933 = vector.shape_cast %parallel_loop3A_932 : vector<1x1x16xf32> to vector<16xf32>
      %parallel_loop3A_934 = vector.shape_cast %parallel_loop3A_926 : vector<16xf32> to vector<1x1x16xf32>
      tpu.vector_store %arg5[%parallel_loop3A_929, %parallel_loop3A_930, %parallel_loop3A_931], %parallel_loop3A_934 {add = true, strides = array<i32>} : memref<4x16x1024xf32, #tpu.memory_space<vmem>>, vector<1x1x16xf32>,
      %parallel_loop3A_935 = arith.constant 0 : i32
      %parallel_loop3A_936 = arith.constant 4 : i32
      %parallel_loop3A_937 = arith.index_cast %parallel_loop3A_935 : i32 to index
      %parallel_loop3A_938 = arith.index_cast %parallel_loop3A_936 : i32 to index
      %parallel_loop3A_939 = arith.index_cast %parallel_loop3A_874 : i32 to index
      %parallel_loop3A_940 = tpu.vector_load %arg6[%parallel_loop3A_937, %parallel_loop3A_938, %parallel_loop3A_939] {strides = array<i32>} : memref<2x16x1024xf32, #tpu.memory_space<vmem>>, vector<1x1x16xf32>,
      %parallel_loop3A_941 = vector.shape_cast %parallel_loop3A_940 : vector<1x1x16xf32> to vector<16xf32>
      %parallel_loop3A_942 = arith.constant 2 : i32
      %parallel_loop3A_943 = arith.constant 4 : i32
      %parallel_loop3A_944 = arith.index_cast %parallel_loop3A_942 : i32 to index
      %parallel_loop3A_945 = arith.index_cast %parallel_loop3A_943 : i32 to index
      %parallel_loop3A_946 = arith.index_cast %parallel_loop3A_874 : i32 to index
      %parallel_loop3A_947 = tpu.vector_load %arg5[%parallel_loop3A_944, %parallel_loop3A_945, %parallel_loop3A_946] {strides = array<i32>} : memref<4x16x1024xf32, #tpu.memory_space<vmem>>, vector<1x1x16xf32>,
      %parallel_loop3A_948 = vector.shape_cast %parallel_loop3A_947 : vector<1x1x16xf32> to vector<16xf32>
      %parallel_loop3A_949 = vector.shape_cast %parallel_loop3A_941 : vector<16xf32> to vector<1x1x16xf32>
      tpu.vector_store %arg5[%parallel_loop3A_944, %parallel_loop3A_945, %parallel_loop3A_946], %parallel_loop3A_949 {add = true, strides = array<i32>} : memref<4x16x1024xf32, #tpu.memory_space<vmem>>, vector<1x1x16xf32>,
      %parallel_loop3A_950 = arith.constant 0 : i32
      %parallel_loop3A_951 = arith.constant 5 : i32
      %parallel_loop3A_952 = arith.index_cast %parallel_loop3A_950 : i32 to index
      %parallel_loop3A_953 = arith.index_cast %parallel_loop3A_951 : i32 to index
      %parallel_loop3A_954 = arith.index_cast %parallel_loop3A_874 : i32 to index
      %parallel_loop3A_955 = tpu.vector_load %arg6[%parallel_loop3A_952, %parallel_loop3A_953, %parallel_loop3A_954] {strides = array<i32>} : memref<2x16x1024xf32, #tpu.memory_space<vmem>>, vector<1x1x16xf32>,
      %parallel_loop3A_956 = vector.shape_cast %parallel_loop3A_955 : vector<1x1x16xf32> to vector<16xf32>
      %parallel_loop3A_957 = arith.constant 2 : i32
      %parallel_loop3A_958 = arith.constant 5 : i32
      %parallel_loop3A_959 = arith.index_cast %parallel_loop3A_957 : i32 to index
      %parallel_loop3A_960 = arith.index_cast %parallel_loop3A_958 : i32 to index
      %parallel_loop3A_961 = arith.index_cast %parallel_loop3A_874 : i32 to index
      %parallel_loop3A_962 = tpu.vector_load %arg5[%parallel_loop3A_959, %parallel_loop3A_960, %parallel_loop3A_961] {strides = array<i32>} : memref<4x16x1024xf32, #tpu.memory_space<vmem>>, vector<1x1x16xf32>,
      %parallel_loop3A_963 = vector.shape_cast %parallel_loop3A_962 : vector<1x1x16xf32> to vector<16xf32>
      %parallel_loop3A_964 = vector.shape_cast %parallel_loop3A_956 : vector<16xf32> to vector<1x1x16xf32>
      tpu.vector_store %arg5[%parallel_loop3A_959, %parallel_loop3A_960, %parallel_loop3A_961], %parallel_loop3A_964 {add = true, strides = array<i32>} : memref<4x16x1024xf32, #tpu.memory_space<vmem>>, vector<1x1x16xf32>,
      %parallel_loop3A_965 = arith.constant 0 : i32
      %parallel_loop3A_966 = arith.constant 6 : i32
      %parallel_loop3A_967 = arith.index_cast %parallel_loop3A_965 : i32 to index
      %parallel_loop3A_968 = arith.index_cast %parallel_loop3A_966 : i32 to index
      %parallel_loop3A_969 = arith.index_cast %parallel_loop3A_874 : i32 to index
      %parallel_loop3A_970 = tpu.vector_load %arg6[%parallel_loop3A_967, %parallel_loop3A_968, %parallel_loop3A_969] {strides = array<i32>} : memref<2x16x1024xf32, #tpu.memory_space<vmem>>, vector<1x1x16xf32>,
      %parallel_loop3A_971 = vector.shape_cast %parallel_loop3A_970 : vector<1x1x16xf32> to vector<16xf32>
      %parallel_loop3A_972 = arith.constant 2 : i32
      %parallel_loop3A_973 = arith.constant 6 : i32
      %parallel_loop3A_974 = arith.index_cast %parallel_loop3A_972 : i32 to index
      %parallel_loop3A_975 = arith.index_cast %parallel_loop3A_973 : i32 to index
      %parallel_loop3A_976 = arith.index_cast %parallel_loop3A_874 : i32 to index
      %parallel_loop3A_977 = tpu.vector_load %arg5[%parallel_loop3A_974, %parallel_loop3A_975, %parallel_loop3A_976] {strides = array<i32>} : memref<4x16x1024xf32, #tpu.memory_space<vmem>>, vector<1x1x16xf32>,
      %parallel_loop3A_978 = vector.shape_cast %parallel_loop3A_977 : vector<1x1x16xf32> to vector<16xf32>
      %parallel_loop3A_979 = vector.shape_cast %parallel_loop3A_971 : vector<16xf32> to vector<1x1x16xf32>
      tpu.vector_store %arg5[%parallel_loop3A_974, %parallel_loop3A_975, %parallel_loop3A_976], %parallel_loop3A_979 {add = true, strides = array<i32>} : memref<4x16x1024xf32, #tpu.memory_space<vmem>>, vector<1x1x16xf32>,
      %parallel_loop3A_980 = arith.constant 0 : i32
      %parallel_loop3A_981 = arith.constant 7 : i32
      %parallel_loop3A_982 = arith.index_cast %parallel_loop3A_980 : i32 to index
      %parallel_loop3A_983 = arith.index_cast %parallel_loop3A_981 : i32 to index
      %parallel_loop3A_984 = arith.index_cast %parallel_loop3A_874 : i32 to index
      %parallel_loop3A_985 = tpu.vector_load %arg6[%parallel_loop3A_982, %parallel_loop3A_983, %parallel_loop3A_984] {strides = array<i32>} : memref<2x16x1024xf32, #tpu.memory_space<vmem>>, vector<1x1x16xf32>,
      %parallel_loop3A_986 = vector.shape_cast %parallel_loop3A_985 : vector<1x1x16xf32> to vector<16xf32>
      %parallel_loop3A_987 = arith.constant 2 : i32
      %parallel_loop3A_988 = arith.constant 7 : i32
      %parallel_loop3A_989 = arith.index_cast %parallel_loop3A_987 : i32 to index
      %parallel_loop3A_990 = arith.index_cast %parallel_loop3A_988 : i32 to index
      %parallel_loop3A_991 = arith.index_cast %parallel_loop3A_874 : i32 to index
      %parallel_loop3A_992 = tpu.vector_load %arg5[%parallel_loop3A_989, %parallel_loop3A_990, %parallel_loop3A_991] {strides = array<i32>} : memref<4x16x1024xf32, #tpu.memory_space<vmem>>, vector<1x1x16xf32>,
      %parallel_loop3A_993 = vector.shape_cast %parallel_loop3A_992 : vector<1x1x16xf32> to vector<16xf32>
      %parallel_loop3A_994 = vector.shape_cast %parallel_loop3A_986 : vector<16xf32> to vector<1x1x16xf32>
      tpu.vector_store %arg5[%parallel_loop3A_989, %parallel_loop3A_990, %parallel_loop3A_991], %parallel_loop3A_994 {add = true, strides = array<i32>} : memref<4x16x1024xf32, #tpu.memory_space<vmem>>, vector<1x1x16xf32>,
      %parallel_loop3A_995 = arith.constant 0 : i32
      %parallel_loop3A_996 = arith.constant 8 : i32
      %parallel_loop3A_997 = arith.index_cast %parallel_loop3A_995 : i32 to index
      %parallel_loop3A_998 = arith.index_cast %parallel_loop3A_996 : i32 to index
      %parallel_loop3A_999 = arith.index_cast %parallel_loop3A_874 : i32 to index
      %parallel_loop3A_1000 = tpu.vector_load %arg6[%parallel_loop3A_997, %parallel_loop3A_998, %parallel_loop3A_999] {strides = array<i32>} : memref<2x16x1024xf32, #tpu.memory_space<vmem>>, vector<1x1x16xf32>,
      %parallel_loop3A_1001 = vector.shape_cast %parallel_loop3A_1000 : vector<1x1x16xf32> to vector<16xf32>
      %parallel_loop3A_1002 = arith.constant 2 : i32
      %parallel_loop3A_1003 = arith.constant 8 : i32
      %parallel_loop3A_1004 = arith.index_cast %parallel_loop3A_1002 : i32 to index
      %parallel_loop3A_1005 = arith.index_cast %parallel_loop3A_1003 : i32 to index
      %parallel_loop3A_1006 = arith.index_cast %parallel_loop3A_874 : i32 to index
      %parallel_loop3A_1007 = tpu.vector_load %arg5[%parallel_loop3A_1004, %parallel_loop3A_1005, %parallel_loop3A_1006] {strides = array<i32>} : memref<4x16x1024xf32, #tpu.memory_space<vmem>>, vector<1x1x16xf32>,
      %parallel_loop3A_1008 = vector.shape_cast %parallel_loop3A_1007 : vector<1x1x16xf32> to vector<16xf32>
      %parallel_loop3A_1009 = vector.shape_cast %parallel_loop3A_1001 : vector<16xf32> to vector<1x1x16xf32>
      tpu.vector_store %arg5[%parallel_loop3A_1004, %parallel_loop3A_1005, %parallel_loop3A_1006], %parallel_loop3A_1009 {add = true, strides = array<i32>} : memref<4x16x1024xf32, #tpu.memory_space<vmem>>, vector<1x1x16xf32>,
      %parallel_loop3A_1010 = arith.constant 0 : i32
      %parallel_loop3A_1011 = arith.constant 9 : i32
      %parallel_loop3A_1012 = arith.index_cast %parallel_loop3A_1010 : i32 to index
      %parallel_loop3A_1013 = arith.index_cast %parallel_loop3A_1011 : i32 to index
      %parallel_loop3A_1014 = arith.index_cast %parallel_loop3A_874 : i32 to index
      %parallel_loop3A_1015 = tpu.vector_load %arg6[%parallel_loop3A_1012, %parallel_loop3A_1013, %parallel_loop3A_1014] {strides = array<i32>} : memref<2x16x1024xf32, #tpu.memory_space<vmem>>, vector<1x1x16xf32>,
      %parallel_loop3A_1016 = vector.shape_cast %parallel_loop3A_1015 : vector<1x1x16xf32> to vector<16xf32>
      %parallel_loop3A_1017 = arith.constant 2 : i32
      %parallel_loop3A_1018 = arith.constant 9 : i32
      %parallel_loop3A_1019 = arith.index_cast %parallel_loop3A_1017 : i32 to index
      %parallel_loop3A_1020 = arith.index_cast %parallel_loop3A_1018 : i32 to index
      %parallel_loop3A_1021 = arith.index_cast %parallel_loop3A_874 : i32 to index
      %parallel_loop3A_1022 = tpu.vector_load %arg5[%parallel_loop3A_1019, %parallel_loop3A_1020, %parallel_loop3A_1021] {strides = array<i32>} : memref<4x16x1024xf32, #tpu.memory_space<vmem>>, vector<1x1x16xf32>,
      %parallel_loop3A_1023 = vector.shape_cast %parallel_loop3A_1022 : vector<1x1x16xf32> to vector<16xf32>
      %parallel_loop3A_1024 = vector.shape_cast %parallel_loop3A_1016 : vector<16xf32> to vector<1x1x16xf32>
      tpu.vector_store %arg5[%parallel_loop3A_1019, %parallel_loop3A_1020, %parallel_loop3A_1021], %parallel_loop3A_1024 {add = true, strides = array<i32>} : memref<4x16x1024xf32, #tpu.memory_space<vmem>>, vector<1x1x16xf32>,
      %parallel_loop3A_1025 = arith.constant 0 : i32
      %parallel_loop3A_1026 = arith.constant 10 : i32
      %parallel_loop3A_1027 = arith.index_cast %parallel_loop3A_1025 : i32 to index
      %parallel_loop3A_1028 = arith.index_cast %parallel_loop3A_1026 : i32 to index
      %parallel_loop3A_1029 = arith.index_cast %parallel_loop3A_874 : i32 to index
      %parallel_loop3A_1030 = tpu.vector_load %arg6[%parallel_loop3A_1027, %parallel_loop3A_1028, %parallel_loop3A_1029] {strides = array<i32>} : memref<2x16x1024xf32, #tpu.memory_space<vmem>>, vector<1x1x16xf32>,
      %parallel_loop3A_1031 = vector.shape_cast %parallel_loop3A_1030 : vector<1x1x16xf32> to vector<16xf32>
      %parallel_loop3A_1032 = arith.constant 2 : i32
      %parallel_loop3A_1033 = arith.constant 10 : i32
      %parallel_loop3A_1034 = arith.index_cast %parallel_loop3A_1032 : i32 to index
      %parallel_loop3A_1035 = arith.index_cast %parallel_loop3A_1033 : i32 to index
      %parallel_loop3A_1036 = arith.index_cast %parallel_loop3A_874 : i32 to index
      %parallel_loop3A_1037 = tpu.vector_load %arg5[%parallel_loop3A_1034, %parallel_loop3A_1035, %parallel_loop3A_1036] {strides = array<i32>} : memref<4x16x1024xf32, #tpu.memory_space<vmem>>, vector<1x1x16xf32>,
      %parallel_loop3A_1038 = vector.shape_cast %parallel_loop3A_1037 : vector<1x1x16xf32> to vector<16xf32>
      %parallel_loop3A_1039 = vector.shape_cast %parallel_loop3A_1031 : vector<16xf32> to vector<1x1x16xf32>
      tpu.vector_store %arg5[%parallel_loop3A_1034, %parallel_loop3A_1035, %parallel_loop3A_1036], %parallel_loop3A_1039 {add = true, strides = array<i32>} : memref<4x16x1024xf32, #tpu.memory_space<vmem>>, vector<1x1x16xf32>,
      %parallel_loop3A_1040 = arith.constant 0 : i32
      %parallel_loop3A_1041 = arith.constant 11 : i32
      %parallel_loop3A_1042 = arith.index_cast %parallel_loop3A_1040 : i32 to index
      %parallel_loop3A_1043 = arith.index_cast %parallel_loop3A_1041 : i32 to index
      %parallel_loop3A_1044 = arith.index_cast %parallel_loop3A_874 : i32 to index
      %parallel_loop3A_1045 = tpu.vector_load %arg6[%parallel_loop3A_1042, %parallel_loop3A_1043, %parallel_loop3A_1044] {strides = array<i32>} : memref<2x16x1024xf32, #tpu.memory_space<vmem>>, vector<1x1x16xf32>,
      %parallel_loop3A_1046 = vector.shape_cast %parallel_loop3A_1045 : vector<1x1x16xf32> to vector<16xf32>
      %parallel_loop3A_1047 = arith.constant 2 : i32
      %parallel_loop3A_1048 = arith.constant 11 : i32
      %parallel_loop3A_1049 = arith.index_cast %parallel_loop3A_1047 : i32 to index
      %parallel_loop3A_1050 = arith.index_cast %parallel_loop3A_1048 : i32 to index
      %parallel_loop3A_1051 = arith.index_cast %parallel_loop3A_874 : i32 to index
      %parallel_loop3A_1052 = tpu.vector_load %arg5[%parallel_loop3A_1049, %parallel_loop3A_1050, %parallel_loop3A_1051] {strides = array<i32>} : memref<4x16x1024xf32, #tpu.memory_space<vmem>>, vector<1x1x16xf32>,
      %parallel_loop3A_1053 = vector.shape_cast %parallel_loop3A_1052 : vector<1x1x16xf32> to vector<16xf32>
      %parallel_loop3A_1054 = vector.shape_cast %parallel_loop3A_1046 : vector<16xf32> to vector<1x1x16xf32>
      tpu.vector_store %arg5[%parallel_loop3A_1049, %parallel_loop3A_1050, %parallel_loop3A_1051], %parallel_loop3A_1054 {add = true, strides = array<i32>} : memref<4x16x1024xf32, #tpu.memory_space<vmem>>, vector<1x1x16xf32>,
      %parallel_loop3A_1055 = arith.constant 0 : i32
      %parallel_loop3A_1056 = arith.constant 12 : i32
      %parallel_loop3A_1057 = arith.index_cast %parallel_loop3A_1055 : i32 to index
      %parallel_loop3A_1058 = arith.index_cast %parallel_loop3A_1056 : i32 to index
      %parallel_loop3A_1059 = arith.index_cast %parallel_loop3A_874 : i32 to index
      %parallel_loop3A_1060 = tpu.vector_load %arg6[%parallel_loop3A_1057, %parallel_loop3A_1058, %parallel_loop3A_1059] {strides = array<i32>} : memref<2x16x1024xf32, #tpu.memory_space<vmem>>, vector<1x1x16xf32>,
      %parallel_loop3A_1061 = vector.shape_cast %parallel_loop3A_1060 : vector<1x1x16xf32> to vector<16xf32>
      %parallel_loop3A_1062 = arith.constant 2 : i32
      %parallel_loop3A_1063 = arith.constant 12 : i32
      %parallel_loop3A_1064 = arith.index_cast %parallel_loop3A_1062 : i32 to index
      %parallel_loop3A_1065 = arith.index_cast %parallel_loop3A_1063 : i32 to index
      %parallel_loop3A_1066 = arith.index_cast %parallel_loop3A_874 : i32 to index
      %parallel_loop3A_1067 = tpu.vector_load %arg5[%parallel_loop3A_1064, %parallel_loop3A_1065, %parallel_loop3A_1066] {strides = array<i32>} : memref<4x16x1024xf32, #tpu.memory_space<vmem>>, vector<1x1x16xf32>,
      %parallel_loop3A_1068 = vector.shape_cast %parallel_loop3A_1067 : vector<1x1x16xf32> to vector<16xf32>
      %parallel_loop3A_1069 = vector.shape_cast %parallel_loop3A_1061 : vector<16xf32> to vector<1x1x16xf32>
      tpu.vector_store %arg5[%parallel_loop3A_1064, %parallel_loop3A_1065, %parallel_loop3A_1066], %parallel_loop3A_1069 {add = true, strides = array<i32>} : memref<4x16x1024xf32, #tpu.memory_space<vmem>>, vector<1x1x16xf32>,
      %parallel_loop3A_1070 = arith.constant 0 : i32
      %parallel_loop3A_1071 = arith.constant 13 : i32
      %parallel_loop3A_1072 = arith.index_cast %parallel_loop3A_1070 : i32 to index
      %parallel_loop3A_1073 = arith.index_cast %parallel_loop3A_1071 : i32 to index
      %parallel_loop3A_1074 = arith.index_cast %parallel_loop3A_874 : i32 to index
      %parallel_loop3A_1075 = tpu.vector_load %arg6[%parallel_loop3A_1072, %parallel_loop3A_1073, %parallel_loop3A_1074] {strides = array<i32>} : memref<2x16x1024xf32, #tpu.memory_space<vmem>>, vector<1x1x16xf32>,
      %parallel_loop3A_1076 = vector.shape_cast %parallel_loop3A_1075 : vector<1x1x16xf32> to vector<16xf32>
      %parallel_loop3A_1077 = arith.constant 2 : i32
      %parallel_loop3A_1078 = arith.constant 13 : i32
      %parallel_loop3A_1079 = arith.index_cast %parallel_loop3A_1077 : i32 to index
      %parallel_loop3A_1080 = arith.index_cast %parallel_loop3A_1078 : i32 to index
      %parallel_loop3A_1081 = arith.index_cast %parallel_loop3A_874 : i32 to index
      %parallel_loop3A_1082 = tpu.vector_load %arg5[%parallel_loop3A_1079, %parallel_loop3A_1080, %parallel_loop3A_1081] {strides = array<i32>} : memref<4x16x1024xf32, #tpu.memory_space<vmem>>, vector<1x1x16xf32>,
      %parallel_loop3A_1083 = vector.shape_cast %parallel_loop3A_1082 : vector<1x1x16xf32> to vector<16xf32>
      %parallel_loop3A_1084 = vector.shape_cast %parallel_loop3A_1076 : vector<16xf32> to vector<1x1x16xf32>
      tpu.vector_store %arg5[%parallel_loop3A_1079, %parallel_loop3A_1080, %parallel_loop3A_1081], %parallel_loop3A_1084 {add = true, strides = array<i32>} : memref<4x16x1024xf32, #tpu.memory_space<vmem>>, vector<1x1x16xf32>,
      %parallel_loop3A_1085 = arith.constant 0 : i32
      %parallel_loop3A_1086 = arith.constant 14 : i32
      %parallel_loop3A_1087 = arith.index_cast %parallel_loop3A_1085 : i32 to index
      %parallel_loop3A_1088 = arith.index_cast %parallel_loop3A_1086 : i32 to index
      %parallel_loop3A_1089 = arith.index_cast %parallel_loop3A_874 : i32 to index
      %parallel_loop3A_1090 = tpu.vector_load %arg6[%parallel_loop3A_1087, %parallel_loop3A_1088, %parallel_loop3A_1089] {strides = array<i32>} : memref<2x16x1024xf32, #tpu.memory_space<vmem>>, vector<1x1x16xf32>,
      %parallel_loop3A_1091 = vector.shape_cast %parallel_loop3A_1090 : vector<1x1x16xf32> to vector<16xf32>
      %parallel_loop3A_1092 = arith.constant 2 : i32
      %parallel_loop3A_1093 = arith.constant 14 : i32
      %parallel_loop3A_1094 = arith.index_cast %parallel_loop3A_1092 : i32 to index
      %parallel_loop3A_1095 = arith.index_cast %parallel_loop3A_1093 : i32 to index
      %parallel_loop3A_1096 = arith.index_cast %parallel_loop3A_874 : i32 to index
      %parallel_loop3A_1097 = tpu.vector_load %arg5[%parallel_loop3A_1094, %parallel_loop3A_1095, %parallel_loop3A_1096] {strides = array<i32>} : memref<4x16x1024xf32, #tpu.memory_space<vmem>>, vector<1x1x16xf32>,
      %parallel_loop3A_1098 = vector.shape_cast %parallel_loop3A_1097 : vector<1x1x16xf32> to vector<16xf32>
      %parallel_loop3A_1099 = vector.shape_cast %parallel_loop3A_1091 : vector<16xf32> to vector<1x1x16xf32>
      tpu.vector_store %arg5[%parallel_loop3A_1094, %parallel_loop3A_1095, %parallel_loop3A_1096], %parallel_loop3A_1099 {add = true, strides = array<i32>} : memref<4x16x1024xf32, #tpu.memory_space<vmem>>, vector<1x1x16xf32>,
      %parallel_loop3A_1100 = arith.constant 0 : i32
      %parallel_loop3A_1101 = arith.constant 15 : i32
      %parallel_loop3A_1102 = arith.index_cast %parallel_loop3A_1100 : i32 to index
      %parallel_loop3A_1103 = arith.index_cast %parallel_loop3A_1101 : i32 to index
      %parallel_loop3A_1104 = arith.index_cast %parallel_loop3A_874 : i32 to index
      %parallel_loop3A_1105 = tpu.vector_load %arg6[%parallel_loop3A_1102, %parallel_loop3A_1103, %parallel_loop3A_1104] {strides = array<i32>} : memref<2x16x1024xf32, #tpu.memory_space<vmem>>, vector<1x1x16xf32>,
      %parallel_loop3A_1106 = vector.shape_cast %parallel_loop3A_1105 : vector<1x1x16xf32> to vector<16xf32>
      %parallel_loop3A_1107 = arith.constant 2 : i32
      %parallel_loop3A_1108 = arith.constant 15 : i32
      %parallel_loop3A_1109 = arith.index_cast %parallel_loop3A_1107 : i32 to index
      %parallel_loop3A_1110 = arith.index_cast %parallel_loop3A_1108 : i32 to index
      %parallel_loop3A_1111 = arith.index_cast %parallel_loop3A_874 : i32 to index
      %parallel_loop3A_1112 = tpu.vector_load %arg5[%parallel_loop3A_1109, %parallel_loop3A_1110, %parallel_loop3A_1111] {strides = array<i32>} : memref<4x16x1024xf32, #tpu.memory_space<vmem>>, vector<1x1x16xf32>,
      %parallel_loop3A_1113 = vector.shape_cast %parallel_loop3A_1112 : vector<1x1x16xf32> to vector<16xf32>
      %parallel_loop3A_1114 = vector.shape_cast %parallel_loop3A_1106 : vector<16xf32> to vector<1x1x16xf32>
      tpu.vector_store %arg5[%parallel_loop3A_1109, %parallel_loop3A_1110, %parallel_loop3A_1111], %parallel_loop3A_1114 {add = true, strides = array<i32>} : memref<4x16x1024xf32, #tpu.memory_space<vmem>>, vector<1x1x16xf32>,
    } {sc.loop_unroll_factor = 2 : i64, sc.parallel_access}
    %add3A_369 = arith.constant 0 : i32
    %add3A_370 = arith.addi %add3A_369, %mul3A_2 : i32
    %add3A_371 = arith.constant 32 : i32
    %add3A_372 = arith.addi %add3A_370, %add3A_371 : i32
    %dma_start3A_373 = arith.constant 2 : i32
    %dma_start3A_374 = arith.constant 2 : i32
    %dma_start3A_375 = arith.constant 0 : i32
    %dma_start3A_376 = arith.constant 0 : i32
    %dma_start3A_377 = tpu.memref_slice %arg5[%dma_start3A_373, %dma_start3A_375, %dma_start3A_376] : memref<4x16x1024xf32, #tpu.memory_space<vmem>> -> memref<1x16x1024xf32, #tpu.memory_space<vmem>>
    %dma_start3A_378 = tpu.memref_squeeze %dma_start3A_377 : memref<1x16x1024xf32, #tpu.memory_space<vmem>> -> memref<16x1024xf32, #tpu.memory_space<vmem>>
    %dma_start3A_379 = arith.constant 0 : i32
    %dma_start3A_380 = tpu.memref_slice %arg4[%add3A_372, %dma_start3A_379] : memref<4096x1024xf32, #tpu.memory_space<hbm>> -> memref<16x1024xf32, #tpu.memory_space<hbm>>
    %dma_start3A_381 = tpu.memref_slice %arg9[%dma_start3A_374] : memref<4x!tpu.dma_semaphore, #tpu.memory_space<semaphore_mem>> -> memref<1x!tpu.dma_semaphore, #tpu.memory_space<semaphore_mem>>
    %dma_start3A_382 = tpu.memref_squeeze %dma_start3A_381 : memref<1x!tpu.dma_semaphore, #tpu.memory_space<semaphore_mem>> -> memref<!tpu.dma_semaphore, #tpu.memory_space<semaphore_mem>>
    %dma_start3A_383 = arith.constant 0 : i32
    %dma_start3A_384 = tpu.memref_slice %arg4[%add3A_372, %dma_start3A_383] : memref<4096x1024xf32, #tpu.memory_space<hbm>> -> memref<16x1024xf32, #tpu.memory_space<hbm>>
    %dma_start3A_385 = arith.constant 0 : i32
    %dma_start3A_386 = arith.constant 0 : i32
    %dma_start3A_387 = tpu.memref_slice %arg5[%dma_start3A_373, %dma_start3A_385, %dma_start3A_386] : memref<4x16x1024xf32, #tpu.memory_space<vmem>> -> memref<1x16x1024xf32, #tpu.memory_space<vmem>>
    %dma_start3A_388 = tpu.memref_squeeze %dma_start3A_387 : memref<1x16x1024xf32, #tpu.memory_space<vmem>> -> memref<16x1024xf32, #tpu.memory_space<vmem>>
    tpu.enqueue_dma source(%dma_start3A_388 : memref<16x1024xf32, #tpu.memory_space<vmem>>) target(%dma_start3A_384 : memref<16x1024xf32, #tpu.memory_space<hbm>>) target_semaphore(%dma_start3A_382 : memref<!tpu.dma_semaphore, #tpu.memory_space<semaphore_mem>>)
    %add3A_389 = arith.constant 64 : i32
    %add3A_390 = arith.addi %mul3A_2, %add3A_389 : i32
    %dma_start3A_391 = arith.constant 0 : i32
    %dma_start3A_392 = arith.constant 0 : i32
    %dma_start3A_393 = arith.constant 0 : i32
    %dma_start3A_394 = arith.constant 0 : i32
    %dma_start3A_395 = tpu.memref_slice %arg6[%dma_start3A_391, %dma_start3A_393, %dma_start3A_394] : memref<2x16x1024xf32, #tpu.memory_space<vmem>> -> memref<1x16x1024xf32, #tpu.memory_space<vmem>>
    %dma_start3A_396 = tpu.memref_squeeze %dma_start3A_395 : memref<1x16x1024xf32, #tpu.memory_space<vmem>> -> memref<16x1024xf32, #tpu.memory_space<vmem>>
    %dma_start3A_397 = arith.constant 0 : i32
    %dma_start3A_398 = tpu.memref_slice %arg3[%add3A_390, %dma_start3A_397] : memref<4096x1024xf32, #tpu.memory_space<hbm>> -> memref<16x1024xf32, #tpu.memory_space<hbm>>
    %dma_start3A_399 = tpu.memref_slice %arg8[%dma_start3A_392] : memref<2x!tpu.dma_semaphore, #tpu.memory_space<semaphore_mem>> -> memref<1x!tpu.dma_semaphore, #tpu.memory_space<semaphore_mem>>
    %dma_start3A_400 = tpu.memref_squeeze %dma_start3A_399 : memref<1x!tpu.dma_semaphore, #tpu.memory_space<semaphore_mem>> -> memref<!tpu.dma_semaphore, #tpu.memory_space<semaphore_mem>>
    %dma_start3A_401 = arith.constant 0 : i32
    %dma_start3A_402 = arith.constant 0 : i32
    %dma_start3A_403 = tpu.memref_slice %arg6[%dma_start3A_391, %dma_start3A_401, %dma_start3A_402] : memref<2x16x1024xf32, #tpu.memory_space<vmem>> -> memref<1x16x1024xf32, #tpu.memory_space<vmem>>
    %dma_start3A_404 = tpu.memref_squeeze %dma_start3A_403 : memref<1x16x1024xf32, #tpu.memory_space<vmem>> -> memref<16x1024xf32, #tpu.memory_space<vmem>>
    %dma_start3A_405 = arith.constant 0 : i32
    %dma_start3A_406 = tpu.memref_slice %arg3[%add3A_390, %dma_start3A_405] : memref<4096x1024xf32, #tpu.memory_space<hbm>> -> memref<16x1024xf32, #tpu.memory_space<hbm>>
    tpu.enqueue_dma source(%dma_start3A_406 : memref<16x1024xf32, #tpu.memory_space<hbm>>) target(%dma_start3A_404 : memref<16x1024xf32, #tpu.memory_space<vmem>>) target_semaphore(%dma_start3A_400 : memref<!tpu.dma_semaphore, #tpu.memory_space<semaphore_mem>>)
    %dma_wait3A_407 = arith.constant 2 : i32
    %dma_wait3A_408 = arith.constant 2 : i32
    %dma_wait3A_409 = arith.constant 0 : i32
    %dma_wait3A_410 = arith.constant 0 : i32
    %dma_wait3A_411 = tpu.memref_slice %arg5[%dma_wait3A_407, %dma_wait3A_409, %dma_wait3A_410] : memref<4x16x1024xf32, #tpu.memory_space<vmem>> -> memref<1x16x1024xf32, #tpu.memory_space<vmem>>
    %dma_wait3A_412 = tpu.memref_squeeze %dma_wait3A_411 : memref<1x16x1024xf32, #tpu.memory_space<vmem>> -> memref<16x1024xf32, #tpu.memory_space<vmem>>
    %dma_wait3A_413 = arith.constant 0 : i32
    %dma_wait3A_414 = tpu.memref_slice %arg4[%add3A_372, %dma_wait3A_413] : memref<4096x1024xf32, #tpu.memory_space<hbm>> -> memref<16x1024xf32, #tpu.memory_space<hbm>>
    %dma_wait3A_415 = tpu.memref_slice %arg9[%dma_wait3A_408] : memref<4x!tpu.dma_semaphore, #tpu.memory_space<semaphore_mem>> -> memref<1x!tpu.dma_semaphore, #tpu.memory_space<semaphore_mem>>
    %dma_wait3A_416 = tpu.memref_squeeze %dma_wait3A_415 : memref<1x!tpu.dma_semaphore, #tpu.memory_space<semaphore_mem>> -> memref<!tpu.dma_semaphore, #tpu.memory_space<semaphore_mem>>
    %dma_wait3A_417 = arith.constant 0 : i32
    %dma_wait3A_418 = tpu.memref_slice %arg4[%add3A_372, %dma_wait3A_417] : memref<4096x1024xf32, #tpu.memory_space<hbm>> -> memref<16x1024xf32, #tpu.memory_space<hbm>>
    %dma_wait3A_419 = arith.constant 0 : i32
    %dma_wait3A_420 = arith.constant 0 : i32
    %dma_wait3A_421 = tpu.memref_slice %arg5[%dma_wait3A_407, %dma_wait3A_419, %dma_wait3A_420] : memref<4x16x1024xf32, #tpu.memory_space<vmem>> -> memref<1x16x1024xf32, #tpu.memory_space<vmem>>
    %dma_wait3A_422 = tpu.memref_squeeze %dma_wait3A_421 : memref<1x16x1024xf32, #tpu.memory_space<vmem>> -> memref<16x1024xf32, #tpu.memory_space<vmem>>
    tpu.wait_dma2 semaphore(%dma_wait3A_416 : memref<!tpu.dma_semaphore, #tpu.memory_space<semaphore_mem>>) src(%dma_wait3A_422 : memref<16x1024xf32, #tpu.memory_space<vmem>>) dst(%dma_wait3A_418 : memref<16x1024xf32, #tpu.memory_space<hbm>>)
    %add3A_423 = arith.constant 0 : i32
    %add3A_424 = arith.addi %add3A_423, %mul3A_2 : i32
    %add3A_425 = arith.constant 96 : i32
    %add3A_426 = arith.addi %add3A_424, %add3A_425 : i32
    %dma_start3A_427 = arith.constant 2 : i32
    %dma_start3A_428 = arith.constant 2 : i32
    %dma_start3A_429 = arith.constant 0 : i32
    %dma_start3A_430 = arith.constant 0 : i32
    %dma_start3A_431 = tpu.memref_slice %arg5[%dma_start3A_427, %dma_start3A_429, %dma_start3A_430] : memref<4x16x1024xf32, #tpu.memory_space<vmem>> -> memref<1x16x1024xf32, #tpu.memory_space<vmem>>
    %dma_start3A_432 = tpu.memref_squeeze %dma_start3A_431 : memref<1x16x1024xf32, #tpu.memory_space<vmem>> -> memref<16x1024xf32, #tpu.memory_space<vmem>>
    %dma_start3A_433 = arith.constant 0 : i32
    %dma_start3A_434 = tpu.memref_slice %arg2[%add3A_426, %dma_start3A_433] : memref<4096x1024xf32, #tpu.memory_space<hbm>> -> memref<16x1024xf32, #tpu.memory_space<hbm>>
    %dma_start3A_435 = tpu.memref_slice %arg7[%dma_start3A_428] : memref<4x!tpu.dma_semaphore, #tpu.memory_space<semaphore_mem>> -> memref<1x!tpu.dma_semaphore, #tpu.memory_space<semaphore_mem>>
    %dma_start3A_436 = tpu.memref_squeeze %dma_start3A_435 : memref<1x!tpu.dma_semaphore, #tpu.memory_space<semaphore_mem>> -> memref<!tpu.dma_semaphore, #tpu.memory_space<semaphore_mem>>
    %dma_start3A_437 = arith.constant 0 : i32
    %dma_start3A_438 = arith.constant 0 : i32
    %dma_start3A_439 = tpu.memref_slice %arg5[%dma_start3A_427, %dma_start3A_437, %dma_start3A_438] : memref<4x16x1024xf32, #tpu.memory_space<vmem>> -> memref<1x16x1024xf32, #tpu.memory_space<vmem>>
    %dma_start3A_440 = tpu.memref_squeeze %dma_start3A_439 : memref<1x16x1024xf32, #tpu.memory_space<vmem>> -> memref<16x1024xf32, #tpu.memory_space<vmem>>
    %dma_start3A_441 = arith.constant 0 : i32
    %dma_start3A_442 = tpu.memref_slice %arg2[%add3A_426, %dma_start3A_441] : memref<4096x1024xf32, #tpu.memory_space<hbm>> -> memref<16x1024xf32, #tpu.memory_space<hbm>>
    tpu.enqueue_dma source(%dma_start3A_442 : memref<16x1024xf32, #tpu.memory_space<hbm>>) target(%dma_start3A_440 : memref<16x1024xf32, #tpu.memory_space<vmem>>) target_semaphore(%dma_start3A_436 : memref<!tpu.dma_semaphore, #tpu.memory_space<semaphore_mem>>)
    %dma_wait3A_443 = arith.constant 3 : i32
    %dma_wait3A_444 = arith.constant 3 : i32
    %dma_wait3A_445 = arith.constant 0 : i32
    %dma_wait3A_446 = arith.constant 0 : i32
    %dma_wait3A_447 = tpu.memref_slice %arg5[%dma_wait3A_443, %dma_wait3A_445, %dma_wait3A_446] : memref<4x16x1024xf32, #tpu.memory_space<vmem>> -> memref<1x16x1024xf32, #tpu.memory_space<vmem>>
    %dma_wait3A_448 = tpu.memref_squeeze %dma_wait3A_447 : memref<1x16x1024xf32, #tpu.memory_space<vmem>> -> memref<16x1024xf32, #tpu.memory_space<vmem>>
    %dma_wait3A_449 = arith.constant 0 : i32
    %dma_wait3A_450 = tpu.memref_slice %arg2[%add3A_101, %dma_wait3A_449] : memref<4096x1024xf32, #tpu.memory_space<hbm>> -> memref<16x1024xf32, #tpu.memory_space<hbm>>
    %dma_wait3A_451 = tpu.memref_slice %arg7[%dma_wait3A_444] : memref<4x!tpu.dma_semaphore, #tpu.memory_space<semaphore_mem>> -> memref<1x!tpu.dma_semaphore, #tpu.memory_space<semaphore_mem>>
    %dma_wait3A_452 = tpu.memref_squeeze %dma_wait3A_451 : memref<1x!tpu.dma_semaphore, #tpu.memory_space<semaphore_mem>> -> memref<!tpu.dma_semaphore, #tpu.memory_space<semaphore_mem>>
    %dma_wait3A_453 = arith.constant 0 : i32
    %dma_wait3A_454 = arith.constant 0 : i32
    %dma_wait3A_455 = tpu.memref_slice %arg5[%dma_wait3A_443, %dma_wait3A_453, %dma_wait3A_454] : memref<4x16x1024xf32, #tpu.memory_space<vmem>> -> memref<1x16x1024xf32, #tpu.memory_space<vmem>>
    %dma_wait3A_456 = tpu.memref_squeeze %dma_wait3A_455 : memref<1x16x1024xf32, #tpu.memory_space<vmem>> -> memref<16x1024xf32, #tpu.memory_space<vmem>>
    %dma_wait3A_457 = arith.constant 0 : i32
    %dma_wait3A_458 = tpu.memref_slice %arg2[%add3A_101, %dma_wait3A_457] : memref<4096x1024xf32, #tpu.memory_space<hbm>> -> memref<16x1024xf32, #tpu.memory_space<hbm>>
    tpu.wait_dma2 semaphore(%dma_wait3A_452 : memref<!tpu.dma_semaphore, #tpu.memory_space<semaphore_mem>>) src(%dma_wait3A_458 : memref<16x1024xf32, #tpu.memory_space<hbm>>) dst(%dma_wait3A_456 : memref<16x1024xf32, #tpu.memory_space<vmem>>)
    %dma_wait3A_459 = arith.constant 1 : i32
    %dma_wait3A_460 = arith.constant 1 : i32
    %dma_wait3A_461 = arith.constant 0 : i32
    %dma_wait3A_462 = arith.constant 0 : i32
    %dma_wait3A_463 = tpu.memref_slice %arg6[%dma_wait3A_459, %dma_wait3A_461, %dma_wait3A_462] : memref<2x16x1024xf32, #tpu.memory_space<vmem>> -> memref<1x16x1024xf32, #tpu.memory_space<vmem>>
    %dma_wait3A_464 = tpu.memref_squeeze %dma_wait3A_463 : memref<1x16x1024xf32, #tpu.memory_space<vmem>> -> memref<16x1024xf32, #tpu.memory_space<vmem>>
    %dma_wait3A_465 = arith.constant 0 : i32
    %dma_wait3A_466 = tpu.memref_slice %arg3[%add3A_281, %dma_wait3A_465] : memref<4096x1024xf32, #tpu.memory_space<hbm>> -> memref<16x1024xf32, #tpu.memory_space<hbm>>
    %dma_wait3A_467 = tpu.memref_slice %arg8[%dma_wait3A_460] : memref<2x!tpu.dma_semaphore, #tpu.memory_space<semaphore_mem>> -> memref<1x!tpu.dma_semaphore, #tpu.memory_space<semaphore_mem>>
    %dma_wait3A_468 = tpu.memref_squeeze %dma_wait3A_467 : memref<1x!tpu.dma_semaphore, #tpu.memory_space<semaphore_mem>> -> memref<!tpu.dma_semaphore, #tpu.memory_space<semaphore_mem>>
    %dma_wait3A_469 = arith.constant 0 : i32
    %dma_wait3A_470 = arith.constant 0 : i32
    %dma_wait3A_471 = tpu.memref_slice %arg6[%dma_wait3A_459, %dma_wait3A_469, %dma_wait3A_470] : memref<2x16x1024xf32, #tpu.memory_space<vmem>> -> memref<1x16x1024xf32, #tpu.memory_space<vmem>>
    %dma_wait3A_472 = tpu.memref_squeeze %dma_wait3A_471 : memref<1x16x1024xf32, #tpu.memory_space<vmem>> -> memref<16x1024xf32, #tpu.memory_space<vmem>>
    %dma_wait3A_473 = arith.constant 0 : i32
    %dma_wait3A_474 = tpu.memref_slice %arg3[%add3A_281, %dma_wait3A_473] : memref<4096x1024xf32, #tpu.memory_space<hbm>> -> memref<16x1024xf32, #tpu.memory_space<hbm>>
    tpu.wait_dma2 semaphore(%dma_wait3A_468 : memref<!tpu.dma_semaphore, #tpu.memory_space<semaphore_mem>>) src(%dma_wait3A_474 : memref<16x1024xf32, #tpu.memory_space<hbm>>) dst(%dma_wait3A_472 : memref<16x1024xf32, #tpu.memory_space<vmem>>)
    %parallel_loop3A_475 = arith.constant 0 : i32
    %parallel_loop3A_476 = arith.constant 64 : i32
    %parallel_loop3A_477 = arith.constant 1 : i32
    scf.for %parallel_loop3A_872 = %parallel_loop3A_475 to %parallel_loop3A_476 step %parallel_loop3A_477  : i32 {
      %parallel_loop3A_873 = arith.constant 16 : i32
      %parallel_loop3A_874 = arith.muli %parallel_loop3A_872, %parallel_loop3A_873 : i32
      %parallel_loop3A_875 = arith.constant 1 : i32
      %parallel_loop3A_876 = arith.constant 0 : i32
      %parallel_loop3A_877 = arith.index_cast %parallel_loop3A_875 : i32 to index
      %parallel_loop3A_878 = arith.index_cast %parallel_loop3A_876 : i32 to index
      %parallel_loop3A_879 = arith.index_cast %parallel_loop3A_874 : i32 to index
      %parallel_loop3A_880 = tpu.vector_load %arg6[%parallel_loop3A_877, %parallel_loop3A_878, %parallel_loop3A_879] {strides = array<i32>} : memref<2x16x1024xf32, #tpu.memory_space<vmem>>, vector<1x1x16xf32>,
      %parallel_loop3A_881 = vector.shape_cast %parallel_loop3A_880 : vector<1x1x16xf32> to vector<16xf32>
      %parallel_loop3A_882 = arith.constant 3 : i32
      %parallel_loop3A_883 = arith.constant 0 : i32
      %parallel_loop3A_884 = arith.index_cast %parallel_loop3A_882 : i32 to index
      %parallel_loop3A_885 = arith.index_cast %parallel_loop3A_883 : i32 to index
      %parallel_loop3A_886 = arith.index_cast %parallel_loop3A_874 : i32 to index
      %parallel_loop3A_887 = tpu.vector_load %arg5[%parallel_loop3A_884, %parallel_loop3A_885, %parallel_loop3A_886] {strides = array<i32>} : memref<4x16x1024xf32, #tpu.memory_space<vmem>>, vector<1x1x16xf32>,
      %parallel_loop3A_888 = vector.shape_cast %parallel_loop3A_887 : vector<1x1x16xf32> to vector<16xf32>
      %parallel_loop3A_889 = vector.shape_cast %parallel_loop3A_881 : vector<16xf32> to vector<1x1x16xf32>
      tpu.vector_store %arg5[%parallel_loop3A_884, %parallel_loop3A_885, %parallel_loop3A_886], %parallel_loop3A_889 {add = true, strides = array<i32>} : memref<4x16x1024xf32, #tpu.memory_space<vmem>>, vector<1x1x16xf32>,
      %parallel_loop3A_890 = arith.constant 1 : i32
      %parallel_loop3A_891 = arith.constant 1 : i32
      %parallel_loop3A_892 = arith.index_cast %parallel_loop3A_890 : i32 to index
      %parallel_loop3A_893 = arith.index_cast %parallel_loop3A_891 : i32 to index
      %parallel_loop3A_894 = arith.index_cast %parallel_loop3A_874 : i32 to index
      %parallel_loop3A_895 = tpu.vector_load %arg6[%parallel_loop3A_892, %parallel_loop3A_893, %parallel_loop3A_894] {strides = array<i32>} : memref<2x16x1024xf32, #tpu.memory_space<vmem>>, vector<1x1x16xf32>,
      %parallel_loop3A_896 = vector.shape_cast %parallel_loop3A_895 : vector<1x1x16xf32> to vector<16xf32>
      %parallel_loop3A_897 = arith.constant 3 : i32
      %parallel_loop3A_898 = arith.constant 1 : i32
      %parallel_loop3A_899 = arith.index_cast %parallel_loop3A_897 : i32 to index
      %parallel_loop3A_900 = arith.index_cast %parallel_loop3A_898 : i32 to index
      %parallel_loop3A_901 = arith.index_cast %parallel_loop3A_874 : i32 to index
      %parallel_loop3A_902 = tpu.vector_load %arg5[%parallel_loop3A_899, %parallel_loop3A_900, %parallel_loop3A_901] {strides = array<i32>} : memref<4x16x1024xf32, #tpu.memory_space<vmem>>, vector<1x1x16xf32>,
      %parallel_loop3A_903 = vector.shape_cast %parallel_loop3A_902 : vector<1x1x16xf32> to vector<16xf32>
      %parallel_loop3A_904 = vector.shape_cast %parallel_loop3A_896 : vector<16xf32> to vector<1x1x16xf32>
      tpu.vector_store %arg5[%parallel_loop3A_899, %parallel_loop3A_900, %parallel_loop3A_901], %parallel_loop3A_904 {add = true, strides = array<i32>} : memref<4x16x1024xf32, #tpu.memory_space<vmem>>, vector<1x1x16xf32>,
      %parallel_loop3A_905 = arith.constant 1 : i32
      %parallel_loop3A_906 = arith.constant 2 : i32
      %parallel_loop3A_907 = arith.index_cast %parallel_loop3A_905 : i32 to index
      %parallel_loop3A_908 = arith.index_cast %parallel_loop3A_906 : i32 to index
      %parallel_loop3A_909 = arith.index_cast %parallel_loop3A_874 : i32 to index
      %parallel_loop3A_910 = tpu.vector_load %arg6[%parallel_loop3A_907, %parallel_loop3A_908, %parallel_loop3A_909] {strides = array<i32>} : memref<2x16x1024xf32, #tpu.memory_space<vmem>>, vector<1x1x16xf32>,
      %parallel_loop3A_911 = vector.shape_cast %parallel_loop3A_910 : vector<1x1x16xf32> to vector<16xf32>
      %parallel_loop3A_912 = arith.constant 3 : i32
      %parallel_loop3A_913 = arith.constant 2 : i32
      %parallel_loop3A_914 = arith.index_cast %parallel_loop3A_912 : i32 to index
      %parallel_loop3A_915 = arith.index_cast %parallel_loop3A_913 : i32 to index
      %parallel_loop3A_916 = arith.index_cast %parallel_loop3A_874 : i32 to index
      %parallel_loop3A_917 = tpu.vector_load %arg5[%parallel_loop3A_914, %parallel_loop3A_915, %parallel_loop3A_916] {strides = array<i32>} : memref<4x16x1024xf32, #tpu.memory_space<vmem>>, vector<1x1x16xf32>,
      %parallel_loop3A_918 = vector.shape_cast %parallel_loop3A_917 : vector<1x1x16xf32> to vector<16xf32>
      %parallel_loop3A_919 = vector.shape_cast %parallel_loop3A_911 : vector<16xf32> to vector<1x1x16xf32>
      tpu.vector_store %arg5[%parallel_loop3A_914, %parallel_loop3A_915, %parallel_loop3A_916], %parallel_loop3A_919 {add = true, strides = array<i32>} : memref<4x16x1024xf32, #tpu.memory_space<vmem>>, vector<1x1x16xf32>,
      %parallel_loop3A_920 = arith.constant 1 : i32
      %parallel_loop3A_921 = arith.constant 3 : i32
      %parallel_loop3A_922 = arith.index_cast %parallel_loop3A_920 : i32 to index
      %parallel_loop3A_923 = arith.index_cast %parallel_loop3A_921 : i32 to index
      %parallel_loop3A_924 = arith.index_cast %parallel_loop3A_874 : i32 to index
      %parallel_loop3A_925 = tpu.vector_load %arg6[%parallel_loop3A_922, %parallel_loop3A_923, %parallel_loop3A_924] {strides = array<i32>} : memref<2x16x1024xf32, #tpu.memory_space<vmem>>, vector<1x1x16xf32>,
      %parallel_loop3A_926 = vector.shape_cast %parallel_loop3A_925 : vector<1x1x16xf32> to vector<16xf32>
      %parallel_loop3A_927 = arith.constant 3 : i32
      %parallel_loop3A_928 = arith.constant 3 : i32
      %parallel_loop3A_929 = arith.index_cast %parallel_loop3A_927 : i32 to index
      %parallel_loop3A_930 = arith.index_cast %parallel_loop3A_928 : i32 to index
      %parallel_loop3A_931 = arith.index_cast %parallel_loop3A_874 : i32 to index
      %parallel_loop3A_932 = tpu.vector_load %arg5[%parallel_loop3A_929, %parallel_loop3A_930, %parallel_loop3A_931] {strides = array<i32>} : memref<4x16x1024xf32, #tpu.memory_space<vmem>>, vector<1x1x16xf32>,
      %parallel_loop3A_933 = vector.shape_cast %parallel_loop3A_932 : vector<1x1x16xf32> to vector<16xf32>
      %parallel_loop3A_934 = vector.shape_cast %parallel_loop3A_926 : vector<16xf32> to vector<1x1x16xf32>
      tpu.vector_store %arg5[%parallel_loop3A_929, %parallel_loop3A_930, %parallel_loop3A_931], %parallel_loop3A_934 {add = true, strides = array<i32>} : memref<4x16x1024xf32, #tpu.memory_space<vmem>>, vector<1x1x16xf32>,
      %parallel_loop3A_935 = arith.constant 1 : i32
      %parallel_loop3A_936 = arith.constant 4 : i32
      %parallel_loop3A_937 = arith.index_cast %parallel_loop3A_935 : i32 to index
      %parallel_loop3A_938 = arith.index_cast %parallel_loop3A_936 : i32 to index
      %parallel_loop3A_939 = arith.index_cast %parallel_loop3A_874 : i32 to index
      %parallel_loop3A_940 = tpu.vector_load %arg6[%parallel_loop3A_937, %parallel_loop3A_938, %parallel_loop3A_939] {strides = array<i32>} : memref<2x16x1024xf32, #tpu.memory_space<vmem>>, vector<1x1x16xf32>,
      %parallel_loop3A_941 = vector.shape_cast %parallel_loop3A_940 : vector<1x1x16xf32> to vector<16xf32>
      %parallel_loop3A_942 = arith.constant 3 : i32
      %parallel_loop3A_943 = arith.constant 4 : i32
      %parallel_loop3A_944 = arith.index_cast %parallel_loop3A_942 : i32 to index
      %parallel_loop3A_945 = arith.index_cast %parallel_loop3A_943 : i32 to index
      %parallel_loop3A_946 = arith.index_cast %parallel_loop3A_874 : i32 to index
      %parallel_loop3A_947 = tpu.vector_load %arg5[%parallel_loop3A_944, %parallel_loop3A_945, %parallel_loop3A_946] {strides = array<i32>} : memref<4x16x1024xf32, #tpu.memory_space<vmem>>, vector<1x1x16xf32>,
      %parallel_loop3A_948 = vector.shape_cast %parallel_loop3A_947 : vector<1x1x16xf32> to vector<16xf32>
      %parallel_loop3A_949 = vector.shape_cast %parallel_loop3A_941 : vector<16xf32> to vector<1x1x16xf32>
      tpu.vector_store %arg5[%parallel_loop3A_944, %parallel_loop3A_945, %parallel_loop3A_946], %parallel_loop3A_949 {add = true, strides = array<i32>} : memref<4x16x1024xf32, #tpu.memory_space<vmem>>, vector<1x1x16xf32>,
      %parallel_loop3A_950 = arith.constant 1 : i32
      %parallel_loop3A_951 = arith.constant 5 : i32
      %parallel_loop3A_952 = arith.index_cast %parallel_loop3A_950 : i32 to index
      %parallel_loop3A_953 = arith.index_cast %parallel_loop3A_951 : i32 to index
      %parallel_loop3A_954 = arith.index_cast %parallel_loop3A_874 : i32 to index
      %parallel_loop3A_955 = tpu.vector_load %arg6[%parallel_loop3A_952, %parallel_loop3A_953, %parallel_loop3A_954] {strides = array<i32>} : memref<2x16x1024xf32, #tpu.memory_space<vmem>>, vector<1x1x16xf32>,
      %parallel_loop3A_956 = vector.shape_cast %parallel_loop3A_955 : vector<1x1x16xf32> to vector<16xf32>
      %parallel_loop3A_957 = arith.constant 3 : i32
      %parallel_loop3A_958 = arith.constant 5 : i32
      %parallel_loop3A_959 = arith.index_cast %parallel_loop3A_957 : i32 to index
      %parallel_loop3A_960 = arith.index_cast %parallel_loop3A_958 : i32 to index
      %parallel_loop3A_961 = arith.index_cast %parallel_loop3A_874 : i32 to index
      %parallel_loop3A_962 = tpu.vector_load %arg5[%parallel_loop3A_959, %parallel_loop3A_960, %parallel_loop3A_961] {strides = array<i32>} : memref<4x16x1024xf32, #tpu.memory_space<vmem>>, vector<1x1x16xf32>,
      %parallel_loop3A_963 = vector.shape_cast %parallel_loop3A_962 : vector<1x1x16xf32> to vector<16xf32>
      %parallel_loop3A_964 = vector.shape_cast %parallel_loop3A_956 : vector<16xf32> to vector<1x1x16xf32>
      tpu.vector_store %arg5[%parallel_loop3A_959, %parallel_loop3A_960, %parallel_loop3A_961], %parallel_loop3A_964 {add = true, strides = array<i32>} : memref<4x16x1024xf32, #tpu.memory_space<vmem>>, vector<1x1x16xf32>,
      %parallel_loop3A_965 = arith.constant 1 : i32
      %parallel_loop3A_966 = arith.constant 6 : i32
      %parallel_loop3A_967 = arith.index_cast %parallel_loop3A_965 : i32 to index
      %parallel_loop3A_968 = arith.index_cast %parallel_loop3A_966 : i32 to index
      %parallel_loop3A_969 = arith.index_cast %parallel_loop3A_874 : i32 to index
      %parallel_loop3A_970 = tpu.vector_load %arg6[%parallel_loop3A_967, %parallel_loop3A_968, %parallel_loop3A_969] {strides = array<i32>} : memref<2x16x1024xf32, #tpu.memory_space<vmem>>, vector<1x1x16xf32>,
      %parallel_loop3A_971 = vector.shape_cast %parallel_loop3A_970 : vector<1x1x16xf32> to vector<16xf32>
      %parallel_loop3A_972 = arith.constant 3 : i32
      %parallel_loop3A_973 = arith.constant 6 : i32
      %parallel_loop3A_974 = arith.index_cast %parallel_loop3A_972 : i32 to index
      %parallel_loop3A_975 = arith.index_cast %parallel_loop3A_973 : i32 to index
      %parallel_loop3A_976 = arith.index_cast %parallel_loop3A_874 : i32 to index
      %parallel_loop3A_977 = tpu.vector_load %arg5[%parallel_loop3A_974, %parallel_loop3A_975, %parallel_loop3A_976] {strides = array<i32>} : memref<4x16x1024xf32, #tpu.memory_space<vmem>>, vector<1x1x16xf32>,
      %parallel_loop3A_978 = vector.shape_cast %parallel_loop3A_977 : vector<1x1x16xf32> to vector<16xf32>
      %parallel_loop3A_979 = vector.shape_cast %parallel_loop3A_971 : vector<16xf32> to vector<1x1x16xf32>
      tpu.vector_store %arg5[%parallel_loop3A_974, %parallel_loop3A_975, %parallel_loop3A_976], %parallel_loop3A_979 {add = true, strides = array<i32>} : memref<4x16x1024xf32, #tpu.memory_space<vmem>>, vector<1x1x16xf32>,
      %parallel_loop3A_980 = arith.constant 1 : i32
      %parallel_loop3A_981 = arith.constant 7 : i32
      %parallel_loop3A_982 = arith.index_cast %parallel_loop3A_980 : i32 to index
      %parallel_loop3A_983 = arith.index_cast %parallel_loop3A_981 : i32 to index
      %parallel_loop3A_984 = arith.index_cast %parallel_loop3A_874 : i32 to index
      %parallel_loop3A_985 = tpu.vector_load %arg6[%parallel_loop3A_982, %parallel_loop3A_983, %parallel_loop3A_984] {strides = array<i32>} : memref<2x16x1024xf32, #tpu.memory_space<vmem>>, vector<1x1x16xf32>,
      %parallel_loop3A_986 = vector.shape_cast %parallel_loop3A_985 : vector<1x1x16xf32> to vector<16xf32>
      %parallel_loop3A_987 = arith.constant 3 : i32
      %parallel_loop3A_988 = arith.constant 7 : i32
      %parallel_loop3A_989 = arith.index_cast %parallel_loop3A_987 : i32 to index
      %parallel_loop3A_990 = arith.index_cast %parallel_loop3A_988 : i32 to index
      %parallel_loop3A_991 = arith.index_cast %parallel_loop3A_874 : i32 to index
      %parallel_loop3A_992 = tpu.vector_load %arg5[%parallel_loop3A_989, %parallel_loop3A_990, %parallel_loop3A_991] {strides = array<i32>} : memref<4x16x1024xf32, #tpu.memory_space<vmem>>, vector<1x1x16xf32>,
      %parallel_loop3A_993 = vector.shape_cast %parallel_loop3A_992 : vector<1x1x16xf32> to vector<16xf32>
      %parallel_loop3A_994 = vector.shape_cast %parallel_loop3A_986 : vector<16xf32> to vector<1x1x16xf32>
      tpu.vector_store %arg5[%parallel_loop3A_989, %parallel_loop3A_990, %parallel_loop3A_991], %parallel_loop3A_994 {add = true, strides = array<i32>} : memref<4x16x1024xf32, #tpu.memory_space<vmem>>, vector<1x1x16xf32>,
      %parallel_loop3A_995 = arith.constant 1 : i32
      %parallel_loop3A_996 = arith.constant 8 : i32
      %parallel_loop3A_997 = arith.index_cast %parallel_loop3A_995 : i32 to index
      %parallel_loop3A_998 = arith.index_cast %parallel_loop3A_996 : i32 to index
      %parallel_loop3A_999 = arith.index_cast %parallel_loop3A_874 : i32 to index
      %parallel_loop3A_1000 = tpu.vector_load %arg6[%parallel_loop3A_997, %parallel_loop3A_998, %parallel_loop3A_999] {strides = array<i32>} : memref<2x16x1024xf32, #tpu.memory_space<vmem>>, vector<1x1x16xf32>,
      %parallel_loop3A_1001 = vector.shape_cast %parallel_loop3A_1000 : vector<1x1x16xf32> to vector<16xf32>
      %parallel_loop3A_1002 = arith.constant 3 : i32
      %parallel_loop3A_1003 = arith.constant 8 : i32
      %parallel_loop3A_1004 = arith.index_cast %parallel_loop3A_1002 : i32 to index
      %parallel_loop3A_1005 = arith.index_cast %parallel_loop3A_1003 : i32 to index
      %parallel_loop3A_1006 = arith.index_cast %parallel_loop3A_874 : i32 to index
      %parallel_loop3A_1007 = tpu.vector_load %arg5[%parallel_loop3A_1004, %parallel_loop3A_1005, %parallel_loop3A_1006] {strides = array<i32>} : memref<4x16x1024xf32, #tpu.memory_space<vmem>>, vector<1x1x16xf32>,
      %parallel_loop3A_1008 = vector.shape_cast %parallel_loop3A_1007 : vector<1x1x16xf32> to vector<16xf32>
      %parallel_loop3A_1009 = vector.shape_cast %parallel_loop3A_1001 : vector<16xf32> to vector<1x1x16xf32>
      tpu.vector_store %arg5[%parallel_loop3A_1004, %parallel_loop3A_1005, %parallel_loop3A_1006], %parallel_loop3A_1009 {add = true, strides = array<i32>} : memref<4x16x1024xf32, #tpu.memory_space<vmem>>, vector<1x1x16xf32>,
      %parallel_loop3A_1010 = arith.constant 1 : i32
      %parallel_loop3A_1011 = arith.constant 9 : i32
      %parallel_loop3A_1012 = arith.index_cast %parallel_loop3A_1010 : i32 to index
      %parallel_loop3A_1013 = arith.index_cast %parallel_loop3A_1011 : i32 to index
      %parallel_loop3A_1014 = arith.index_cast %parallel_loop3A_874 : i32 to index
      %parallel_loop3A_1015 = tpu.vector_load %arg6[%parallel_loop3A_1012, %parallel_loop3A_1013, %parallel_loop3A_1014] {strides = array<i32>} : memref<2x16x1024xf32, #tpu.memory_space<vmem>>, vector<1x1x16xf32>,
      %parallel_loop3A_1016 = vector.shape_cast %parallel_loop3A_1015 : vector<1x1x16xf32> to vector<16xf32>
      %parallel_loop3A_1017 = arith.constant 3 : i32
      %parallel_loop3A_1018 = arith.constant 9 : i32
      %parallel_loop3A_1019 = arith.index_cast %parallel_loop3A_1017 : i32 to index
      %parallel_loop3A_1020 = arith.index_cast %parallel_loop3A_1018 : i32 to index
      %parallel_loop3A_1021 = arith.index_cast %parallel_loop3A_874 : i32 to index
      %parallel_loop3A_1022 = tpu.vector_load %arg5[%parallel_loop3A_1019, %parallel_loop3A_1020, %parallel_loop3A_1021] {strides = array<i32>} : memref<4x16x1024xf32, #tpu.memory_space<vmem>>, vector<1x1x16xf32>,
      %parallel_loop3A_1023 = vector.shape_cast %parallel_loop3A_1022 : vector<1x1x16xf32> to vector<16xf32>
      %parallel_loop3A_1024 = vector.shape_cast %parallel_loop3A_1016 : vector<16xf32> to vector<1x1x16xf32>
      tpu.vector_store %arg5[%parallel_loop3A_1019, %parallel_loop3A_1020, %parallel_loop3A_1021], %parallel_loop3A_1024 {add = true, strides = array<i32>} : memref<4x16x1024xf32, #tpu.memory_space<vmem>>, vector<1x1x16xf32>,
      %parallel_loop3A_1025 = arith.constant 1 : i32
      %parallel_loop3A_1026 = arith.constant 10 : i32
      %parallel_loop3A_1027 = arith.index_cast %parallel_loop3A_1025 : i32 to index
      %parallel_loop3A_1028 = arith.index_cast %parallel_loop3A_1026 : i32 to index
      %parallel_loop3A_1029 = arith.index_cast %parallel_loop3A_874 : i32 to index
      %parallel_loop3A_1030 = tpu.vector_load %arg6[%parallel_loop3A_1027, %parallel_loop3A_1028, %parallel_loop3A_1029] {strides = array<i32>} : memref<2x16x1024xf32, #tpu.memory_space<vmem>>, vector<1x1x16xf32>,
      %parallel_loop3A_1031 = vector.shape_cast %parallel_loop3A_1030 : vector<1x1x16xf32> to vector<16xf32>
      %parallel_loop3A_1032 = arith.constant 3 : i32
      %parallel_loop3A_1033 = arith.constant 10 : i32
      %parallel_loop3A_1034 = arith.index_cast %parallel_loop3A_1032 : i32 to index
      %parallel_loop3A_1035 = arith.index_cast %parallel_loop3A_1033 : i32 to index
      %parallel_loop3A_1036 = arith.index_cast %parallel_loop3A_874 : i32 to index
      %parallel_loop3A_1037 = tpu.vector_load %arg5[%parallel_loop3A_1034, %parallel_loop3A_1035, %parallel_loop3A_1036] {strides = array<i32>} : memref<4x16x1024xf32, #tpu.memory_space<vmem>>, vector<1x1x16xf32>,
      %parallel_loop3A_1038 = vector.shape_cast %parallel_loop3A_1037 : vector<1x1x16xf32> to vector<16xf32>
      %parallel_loop3A_1039 = vector.shape_cast %parallel_loop3A_1031 : vector<16xf32> to vector<1x1x16xf32>
      tpu.vector_store %arg5[%parallel_loop3A_1034, %parallel_loop3A_1035, %parallel_loop3A_1036], %parallel_loop3A_1039 {add = true, strides = array<i32>} : memref<4x16x1024xf32, #tpu.memory_space<vmem>>, vector<1x1x16xf32>,
      %parallel_loop3A_1040 = arith.constant 1 : i32
      %parallel_loop3A_1041 = arith.constant 11 : i32
      %parallel_loop3A_1042 = arith.index_cast %parallel_loop3A_1040 : i32 to index
      %parallel_loop3A_1043 = arith.index_cast %parallel_loop3A_1041 : i32 to index
      %parallel_loop3A_1044 = arith.index_cast %parallel_loop3A_874 : i32 to index
      %parallel_loop3A_1045 = tpu.vector_load %arg6[%parallel_loop3A_1042, %parallel_loop3A_1043, %parallel_loop3A_1044] {strides = array<i32>} : memref<2x16x1024xf32, #tpu.memory_space<vmem>>, vector<1x1x16xf32>,
      %parallel_loop3A_1046 = vector.shape_cast %parallel_loop3A_1045 : vector<1x1x16xf32> to vector<16xf32>
      %parallel_loop3A_1047 = arith.constant 3 : i32
      %parallel_loop3A_1048 = arith.constant 11 : i32
      %parallel_loop3A_1049 = arith.index_cast %parallel_loop3A_1047 : i32 to index
      %parallel_loop3A_1050 = arith.index_cast %parallel_loop3A_1048 : i32 to index
      %parallel_loop3A_1051 = arith.index_cast %parallel_loop3A_874 : i32 to index
      %parallel_loop3A_1052 = tpu.vector_load %arg5[%parallel_loop3A_1049, %parallel_loop3A_1050, %parallel_loop3A_1051] {strides = array<i32>} : memref<4x16x1024xf32, #tpu.memory_space<vmem>>, vector<1x1x16xf32>,
      %parallel_loop3A_1053 = vector.shape_cast %parallel_loop3A_1052 : vector<1x1x16xf32> to vector<16xf32>
      %parallel_loop3A_1054 = vector.shape_cast %parallel_loop3A_1046 : vector<16xf32> to vector<1x1x16xf32>
      tpu.vector_store %arg5[%parallel_loop3A_1049, %parallel_loop3A_1050, %parallel_loop3A_1051], %parallel_loop3A_1054 {add = true, strides = array<i32>} : memref<4x16x1024xf32, #tpu.memory_space<vmem>>, vector<1x1x16xf32>,
      %parallel_loop3A_1055 = arith.constant 1 : i32
      %parallel_loop3A_1056 = arith.constant 12 : i32
      %parallel_loop3A_1057 = arith.index_cast %parallel_loop3A_1055 : i32 to index
      %parallel_loop3A_1058 = arith.index_cast %parallel_loop3A_1056 : i32 to index
      %parallel_loop3A_1059 = arith.index_cast %parallel_loop3A_874 : i32 to index
      %parallel_loop3A_1060 = tpu.vector_load %arg6[%parallel_loop3A_1057, %parallel_loop3A_1058, %parallel_loop3A_1059] {strides = array<i32>} : memref<2x16x1024xf32, #tpu.memory_space<vmem>>, vector<1x1x16xf32>,
      %parallel_loop3A_1061 = vector.shape_cast %parallel_loop3A_1060 : vector<1x1x16xf32> to vector<16xf32>
      %parallel_loop3A_1062 = arith.constant 3 : i32
      %parallel_loop3A_1063 = arith.constant 12 : i32
      %parallel_loop3A_1064 = arith.index_cast %parallel_loop3A_1062 : i32 to index
      %parallel_loop3A_1065 = arith.index_cast %parallel_loop3A_1063 : i32 to index
      %parallel_loop3A_1066 = arith.index_cast %parallel_loop3A_874 : i32 to index
      %parallel_loop3A_1067 = tpu.vector_load %arg5[%parallel_loop3A_1064, %parallel_loop3A_1065, %parallel_loop3A_1066] {strides = array<i32>} : memref<4x16x1024xf32, #tpu.memory_space<vmem>>, vector<1x1x16xf32>,
      %parallel_loop3A_1068 = vector.shape_cast %parallel_loop3A_1067 : vector<1x1x16xf32> to vector<16xf32>
      %parallel_loop3A_1069 = vector.shape_cast %parallel_loop3A_1061 : vector<16xf32> to vector<1x1x16xf32>
      tpu.vector_store %arg5[%parallel_loop3A_1064, %parallel_loop3A_1065, %parallel_loop3A_1066], %parallel_loop3A_1069 {add = true, strides = array<i32>} : memref<4x16x1024xf32, #tpu.memory_space<vmem>>, vector<1x1x16xf32>,
      %parallel_loop3A_1070 = arith.constant 1 : i32
      %parallel_loop3A_1071 = arith.constant 13 : i32
      %parallel_loop3A_1072 = arith.index_cast %parallel_loop3A_1070 : i32 to index
      %parallel_loop3A_1073 = arith.index_cast %parallel_loop3A_1071 : i32 to index
      %parallel_loop3A_1074 = arith.index_cast %parallel_loop3A_874 : i32 to index
      %parallel_loop3A_1075 = tpu.vector_load %arg6[%parallel_loop3A_1072, %parallel_loop3A_1073, %parallel_loop3A_1074] {strides = array<i32>} : memref<2x16x1024xf32, #tpu.memory_space<vmem>>, vector<1x1x16xf32>,
      %parallel_loop3A_1076 = vector.shape_cast %parallel_loop3A_1075 : vector<1x1x16xf32> to vector<16xf32>
      %parallel_loop3A_1077 = arith.constant 3 : i32
      %parallel_loop3A_1078 = arith.constant 13 : i32
      %parallel_loop3A_1079 = arith.index_cast %parallel_loop3A_1077 : i32 to index
      %parallel_loop3A_1080 = arith.index_cast %parallel_loop3A_1078 : i32 to index
      %parallel_loop3A_1081 = arith.index_cast %parallel_loop3A_874 : i32 to index
      %parallel_loop3A_1082 = tpu.vector_load %arg5[%parallel_loop3A_1079, %parallel_loop3A_1080, %parallel_loop3A_1081] {strides = array<i32>} : memref<4x16x1024xf32, #tpu.memory_space<vmem>>, vector<1x1x16xf32>,
      %parallel_loop3A_1083 = vector.shape_cast %parallel_loop3A_1082 : vector<1x1x16xf32> to vector<16xf32>
      %parallel_loop3A_1084 = vector.shape_cast %parallel_loop3A_1076 : vector<16xf32> to vector<1x1x16xf32>
      tpu.vector_store %arg5[%parallel_loop3A_1079, %parallel_loop3A_1080, %parallel_loop3A_1081], %parallel_loop3A_1084 {add = true, strides = array<i32>} : memref<4x16x1024xf32, #tpu.memory_space<vmem>>, vector<1x1x16xf32>,
      %parallel_loop3A_1085 = arith.constant 1 : i32
      %parallel_loop3A_1086 = arith.constant 14 : i32
      %parallel_loop3A_1087 = arith.index_cast %parallel_loop3A_1085 : i32 to index
      %parallel_loop3A_1088 = arith.index_cast %parallel_loop3A_1086 : i32 to index
      %parallel_loop3A_1089 = arith.index_cast %parallel_loop3A_874 : i32 to index
      %parallel_loop3A_1090 = tpu.vector_load %arg6[%parallel_loop3A_1087, %parallel_loop3A_1088, %parallel_loop3A_1089] {strides = array<i32>} : memref<2x16x1024xf32, #tpu.memory_space<vmem>>, vector<1x1x16xf32>,
      %parallel_loop3A_1091 = vector.shape_cast %parallel_loop3A_1090 : vector<1x1x16xf32> to vector<16xf32>
      %parallel_loop3A_1092 = arith.constant 3 : i32
      %parallel_loop3A_1093 = arith.constant 14 : i32
      %parallel_loop3A_1094 = arith.index_cast %parallel_loop3A_1092 : i32 to index
      %parallel_loop3A_1095 = arith.index_cast %parallel_loop3A_1093 : i32 to index
      %parallel_loop3A_1096 = arith.index_cast %parallel_loop3A_874 : i32 to index
      %parallel_loop3A_1097 = tpu.vector_load %arg5[%parallel_loop3A_1094, %parallel_loop3A_1095, %parallel_loop3A_1096] {strides = array<i32>} : memref<4x16x1024xf32, #tpu.memory_space<vmem>>, vector<1x1x16xf32>,
      %parallel_loop3A_1098 = vector.shape_cast %parallel_loop3A_1097 : vector<1x1x16xf32> to vector<16xf32>
      %parallel_loop3A_1099 = vector.shape_cast %parallel_loop3A_1091 : vector<16xf32> to vector<1x1x16xf32>
      tpu.vector_store %arg5[%parallel_loop3A_1094, %parallel_loop3A_1095, %parallel_loop3A_1096], %parallel_loop3A_1099 {add = true, strides = array<i32>} : memref<4x16x1024xf32, #tpu.memory_space<vmem>>, vector<1x1x16xf32>,
      %parallel_loop3A_1100 = arith.constant 1 : i32
      %parallel_loop3A_1101 = arith.constant 15 : i32
      %parallel_loop3A_1102 = arith.index_cast %parallel_loop3A_1100 : i32 to index
      %parallel_loop3A_1103 = arith.index_cast %parallel_loop3A_1101 : i32 to index
      %parallel_loop3A_1104 = arith.index_cast %parallel_loop3A_874 : i32 to index
      %parallel_loop3A_1105 = tpu.vector_load %arg6[%parallel_loop3A_1102, %parallel_loop3A_1103, %parallel_loop3A_1104] {strides = array<i32>} : memref<2x16x1024xf32, #tpu.memory_space<vmem>>, vector<1x1x16xf32>,
      %parallel_loop3A_1106 = vector.shape_cast %parallel_loop3A_1105 : vector<1x1x16xf32> to vector<16xf32>
      %parallel_loop3A_1107 = arith.constant 3 : i32
      %parallel_loop3A_1108 = arith.constant 15 : i32
      %parallel_loop3A_1109 = arith.index_cast %parallel_loop3A_1107 : i32 to index
      %parallel_loop3A_1110 = arith.index_cast %parallel_loop3A_1108 : i32 to index
      %parallel_loop3A_1111 = arith.index_cast %parallel_loop3A_874 : i32 to index
      %parallel_loop3A_1112 = tpu.vector_load %arg5[%parallel_loop3A_1109, %parallel_loop3A_1110, %parallel_loop3A_1111] {strides = array<i32>} : memref<4x16x1024xf32, #tpu.memory_space<vmem>>, vector<1x1x16xf32>,
      %parallel_loop3A_1113 = vector.shape_cast %parallel_loop3A_1112 : vector<1x1x16xf32> to vector<16xf32>
      %parallel_loop3A_1114 = vector.shape_cast %parallel_loop3A_1106 : vector<16xf32> to vector<1x1x16xf32>
      tpu.vector_store %arg5[%parallel_loop3A_1109, %parallel_loop3A_1110, %parallel_loop3A_1111], %parallel_loop3A_1114 {add = true, strides = array<i32>} : memref<4x16x1024xf32, #tpu.memory_space<vmem>>, vector<1x1x16xf32>,
    } {sc.loop_unroll_factor = 2 : i64, sc.parallel_access}
    %add3A_478 = arith.constant 0 : i32
    %add3A_479 = arith.addi %add3A_478, %mul3A_2 : i32
    %add3A_480 = arith.constant 48 : i32
    %add3A_481 = arith.addi %add3A_479, %add3A_480 : i32
    %dma_start3A_482 = arith.constant 3 : i32
    %dma_start3A_483 = arith.constant 3 : i32
    %dma_start3A_484 = arith.constant 0 : i32
    %dma_start3A_485 = arith.constant 0 : i32
    %dma_start3A_486 = tpu.memref_slice %arg5[%dma_start3A_482, %dma_start3A_484, %dma_start3A_485] : memref<4x16x1024xf32, #tpu.memory_space<vmem>> -> memref<1x16x1024xf32, #tpu.memory_space<vmem>>
    %dma_start3A_487 = tpu.memref_squeeze %dma_start3A_486 : memref<1x16x1024xf32, #tpu.memory_space<vmem>> -> memref<16x1024xf32, #tpu.memory_space<vmem>>
    %dma_start3A_488 = arith.constant 0 : i32
    %dma_start3A_489 = tpu.memref_slice %arg4[%add3A_481, %dma_start3A_488] : memref<4096x1024xf32, #tpu.memory_space<hbm>> -> memref<16x1024xf32, #tpu.memory_space<hbm>>
    %dma_start3A_490 = tpu.memref_slice %arg9[%dma_start3A_483] : memref<4x!tpu.dma_semaphore, #tpu.memory_space<semaphore_mem>> -> memref<1x!tpu.dma_semaphore, #tpu.memory_space<semaphore_mem>>
    %dma_start3A_491 = tpu.memref_squeeze %dma_start3A_490 : memref<1x!tpu.dma_semaphore, #tpu.memory_space<semaphore_mem>> -> memref<!tpu.dma_semaphore, #tpu.memory_space<semaphore_mem>>
    %dma_start3A_492 = arith.constant 0 : i32
    %dma_start3A_493 = tpu.memref_slice %arg4[%add3A_481, %dma_start3A_492] : memref<4096x1024xf32, #tpu.memory_space<hbm>> -> memref<16x1024xf32, #tpu.memory_space<hbm>>
    %dma_start3A_494 = arith.constant 0 : i32
    %dma_start3A_495 = arith.constant 0 : i32
    %dma_start3A_496 = tpu.memref_slice %arg5[%dma_start3A_482, %dma_start3A_494, %dma_start3A_495] : memref<4x16x1024xf32, #tpu.memory_space<vmem>> -> memref<1x16x1024xf32, #tpu.memory_space<vmem>>
    %dma_start3A_497 = tpu.memref_squeeze %dma_start3A_496 : memref<1x16x1024xf32, #tpu.memory_space<vmem>> -> memref<16x1024xf32, #tpu.memory_space<vmem>>
    tpu.enqueue_dma source(%dma_start3A_497 : memref<16x1024xf32, #tpu.memory_space<vmem>>) target(%dma_start3A_493 : memref<16x1024xf32, #tpu.memory_space<hbm>>) target_semaphore(%dma_start3A_491 : memref<!tpu.dma_semaphore, #tpu.memory_space<semaphore_mem>>)
    %add3A_498 = arith.constant 80 : i32
    %add3A_499 = arith.addi %mul3A_2, %add3A_498 : i32
    %dma_start3A_500 = arith.constant 1 : i32
    %dma_start3A_501 = arith.constant 1 : i32
    %dma_start3A_502 = arith.constant 0 : i32
    %dma_start3A_503 = arith.constant 0 : i32
    %dma_start3A_504 = tpu.memref_slice %arg6[%dma_start3A_500, %dma_start3A_502, %dma_start3A_503] : memref<2x16x1024xf32, #tpu.memory_space<vmem>> -> memref<1x16x1024xf32, #tpu.memory_space<vmem>>
    %dma_start3A_505 = tpu.memref_squeeze %dma_start3A_504 : memref<1x16x1024xf32, #tpu.memory_space<vmem>> -> memref<16x1024xf32, #tpu.memory_space<vmem>>
    %dma_start3A_506 = arith.constant 0 : i32
    %dma_start3A_507 = tpu.memref_slice %arg3[%add3A_499, %dma_start3A_506] : memref<4096x1024xf32, #tpu.memory_space<hbm>> -> memref<16x1024xf32, #tpu.memory_space<hbm>>
    %dma_start3A_508 = tpu.memref_slice %arg8[%dma_start3A_501] : memref<2x!tpu.dma_semaphore, #tpu.memory_space<semaphore_mem>> -> memref<1x!tpu.dma_semaphore, #tpu.memory_space<semaphore_mem>>
    %dma_start3A_509 = tpu.memref_squeeze %dma_start3A_508 : memref<1x!tpu.dma_semaphore, #tpu.memory_space<semaphore_mem>> -> memref<!tpu.dma_semaphore, #tpu.memory_space<semaphore_mem>>
    %dma_start3A_510 = arith.constant 0 : i32
    %dma_start3A_511 = arith.constant 0 : i32
    %dma_start3A_512 = tpu.memref_slice %arg6[%dma_start3A_500, %dma_start3A_510, %dma_start3A_511] : memref<2x16x1024xf32, #tpu.memory_space<vmem>> -> memref<1x16x1024xf32, #tpu.memory_space<vmem>>
    %dma_start3A_513 = tpu.memref_squeeze %dma_start3A_512 : memref<1x16x1024xf32, #tpu.memory_space<vmem>> -> memref<16x1024xf32, #tpu.memory_space<vmem>>
    %dma_start3A_514 = arith.constant 0 : i32
    %dma_start3A_515 = tpu.memref_slice %arg3[%add3A_499, %dma_start3A_514] : memref<4096x1024xf32, #tpu.memory_space<hbm>> -> memref<16x1024xf32, #tpu.memory_space<hbm>>
    tpu.enqueue_dma source(%dma_start3A_515 : memref<16x1024xf32, #tpu.memory_space<hbm>>) target(%dma_start3A_513 : memref<16x1024xf32, #tpu.memory_space<vmem>>) target_semaphore(%dma_start3A_509 : memref<!tpu.dma_semaphore, #tpu.memory_space<semaphore_mem>>)
    %dma_wait3A_516 = arith.constant 3 : i32
    %dma_wait3A_517 = arith.constant 3 : i32
    %dma_wait3A_518 = arith.constant 0 : i32
    %dma_wait3A_519 = arith.constant 0 : i32
    %dma_wait3A_520 = tpu.memref_slice %arg5[%dma_wait3A_516, %dma_wait3A_518, %dma_wait3A_519] : memref<4x16x1024xf32, #tpu.memory_space<vmem>> -> memref<1x16x1024xf32, #tpu.memory_space<vmem>>
    %dma_wait3A_521 = tpu.memref_squeeze %dma_wait3A_520 : memref<1x16x1024xf32, #tpu.memory_space<vmem>> -> memref<16x1024xf32, #tpu.memory_space<vmem>>
    %dma_wait3A_522 = arith.constant 0 : i32
    %dma_wait3A_523 = tpu.memref_slice %arg4[%add3A_481, %dma_wait3A_522] : memref<4096x1024xf32, #tpu.memory_space<hbm>> -> memref<16x1024xf32, #tpu.memory_space<hbm>>
    %dma_wait3A_524 = tpu.memref_slice %arg9[%dma_wait3A_517] : memref<4x!tpu.dma_semaphore, #tpu.memory_space<semaphore_mem>> -> memref<1x!tpu.dma_semaphore, #tpu.memory_space<semaphore_mem>>
    %dma_wait3A_525 = tpu.memref_squeeze %dma_wait3A_524 : memref<1x!tpu.dma_semaphore, #tpu.memory_space<semaphore_mem>> -> memref<!tpu.dma_semaphore, #tpu.memory_space<semaphore_mem>>
    %dma_wait3A_526 = arith.constant 0 : i32
    %dma_wait3A_527 = tpu.memref_slice %arg4[%add3A_481, %dma_wait3A_526] : memref<4096x1024xf32, #tpu.memory_space<hbm>> -> memref<16x1024xf32, #tpu.memory_space<hbm>>
    %dma_wait3A_528 = arith.constant 0 : i32
    %dma_wait3A_529 = arith.constant 0 : i32
    %dma_wait3A_530 = tpu.memref_slice %arg5[%dma_wait3A_516, %dma_wait3A_528, %dma_wait3A_529] : memref<4x16x1024xf32, #tpu.memory_space<vmem>> -> memref<1x16x1024xf32, #tpu.memory_space<vmem>>
    %dma_wait3A_531 = tpu.memref_squeeze %dma_wait3A_530 : memref<1x16x1024xf32, #tpu.memory_space<vmem>> -> memref<16x1024xf32, #tpu.memory_space<vmem>>
    tpu.wait_dma2 semaphore(%dma_wait3A_525 : memref<!tpu.dma_semaphore, #tpu.memory_space<semaphore_mem>>) src(%dma_wait3A_531 : memref<16x1024xf32, #tpu.memory_space<vmem>>) dst(%dma_wait3A_527 : memref<16x1024xf32, #tpu.memory_space<hbm>>)
    %add3A_532 = arith.constant 0 : i32
    %add3A_533 = arith.addi %add3A_532, %mul3A_2 : i32
    %add3A_534 = arith.constant 112 : i32
    %add3A_535 = arith.addi %add3A_533, %add3A_534 : i32
    %dma_start3A_536 = arith.constant 3 : i32
    %dma_start3A_537 = arith.constant 3 : i32
    %dma_start3A_538 = arith.constant 0 : i32
    %dma_start3A_539 = arith.constant 0 : i32
    %dma_start3A_540 = tpu.memref_slice %arg5[%dma_start3A_536, %dma_start3A_538, %dma_start3A_539] : memref<4x16x1024xf32, #tpu.memory_space<vmem>> -> memref<1x16x1024xf32, #tpu.memory_space<vmem>>
    %dma_start3A_541 = tpu.memref_squeeze %dma_start3A_540 : memref<1x16x1024xf32, #tpu.memory_space<vmem>> -> memref<16x1024xf32, #tpu.memory_space<vmem>>
    %dma_start3A_542 = arith.constant 0 : i32
    %dma_start3A_543 = tpu.memref_slice %arg2[%add3A_535, %dma_start3A_542] : memref<4096x1024xf32, #tpu.memory_space<hbm>> -> memref<16x1024xf32, #tpu.memory_space<hbm>>
    %dma_start3A_544 = tpu.memref_slice %arg7[%dma_start3A_537] : memref<4x!tpu.dma_semaphore, #tpu.memory_space<semaphore_mem>> -> memref<1x!tpu.dma_semaphore, #tpu.memory_space<semaphore_mem>>
    %dma_start3A_545 = tpu.memref_squeeze %dma_start3A_544 : memref<1x!tpu.dma_semaphore, #tpu.memory_space<semaphore_mem>> -> memref<!tpu.dma_semaphore, #tpu.memory_space<semaphore_mem>>
    %dma_start3A_546 = arith.constant 0 : i32
    %dma_start3A_547 = arith.constant 0 : i32
    %dma_start3A_548 = tpu.memref_slice %arg5[%dma_start3A_536, %dma_start3A_546, %dma_start3A_547] : memref<4x16x1024xf32, #tpu.memory_space<vmem>> -> memref<1x16x1024xf32, #tpu.memory_space<vmem>>
    %dma_start3A_549 = tpu.memref_squeeze %dma_start3A_548 : memref<1x16x1024xf32, #tpu.memory_space<vmem>> -> memref<16x1024xf32, #tpu.memory_space<vmem>>
    %dma_start3A_550 = arith.constant 0 : i32
    %dma_start3A_551 = tpu.memref_slice %arg2[%add3A_535, %dma_start3A_550] : memref<4096x1024xf32, #tpu.memory_space<hbm>> -> memref<16x1024xf32, #tpu.memory_space<hbm>>
    tpu.enqueue_dma source(%dma_start3A_551 : memref<16x1024xf32, #tpu.memory_space<hbm>>) target(%dma_start3A_549 : memref<16x1024xf32, #tpu.memory_space<vmem>>) target_semaphore(%dma_start3A_545 : memref<!tpu.dma_semaphore, #tpu.memory_space<semaphore_mem>>)
    %dma_wait3A_552 = arith.constant 0 : i32
    %dma_wait3A_553 = arith.constant 0 : i32
    %dma_wait3A_554 = arith.constant 0 : i32
    %dma_wait3A_555 = arith.constant 0 : i32
    %dma_wait3A_556 = tpu.memref_slice %arg5[%dma_wait3A_552, %dma_wait3A_554, %dma_wait3A_555] : memref<4x16x1024xf32, #tpu.memory_space<vmem>> -> memref<1x16x1024xf32, #tpu.memory_space<vmem>>
    %dma_wait3A_557 = tpu.memref_squeeze %dma_wait3A_556 : memref<1x16x1024xf32, #tpu.memory_space<vmem>> -> memref<16x1024xf32, #tpu.memory_space<vmem>>
    %dma_wait3A_558 = arith.constant 0 : i32
    %dma_wait3A_559 = tpu.memref_slice %arg2[%add3A_208, %dma_wait3A_558] : memref<4096x1024xf32, #tpu.memory_space<hbm>> -> memref<16x1024xf32, #tpu.memory_space<hbm>>
    %dma_wait3A_560 = tpu.memref_slice %arg7[%dma_wait3A_553] : memref<4x!tpu.dma_semaphore, #tpu.memory_space<semaphore_mem>> -> memref<1x!tpu.dma_semaphore, #tpu.memory_space<semaphore_mem>>
    %dma_wait3A_561 = tpu.memref_squeeze %dma_wait3A_560 : memref<1x!tpu.dma_semaphore, #tpu.memory_space<semaphore_mem>> -> memref<!tpu.dma_semaphore, #tpu.memory_space<semaphore_mem>>
    %dma_wait3A_562 = arith.constant 0 : i32
    %dma_wait3A_563 = arith.constant 0 : i32
    %dma_wait3A_564 = tpu.memref_slice %arg5[%dma_wait3A_552, %dma_wait3A_562, %dma_wait3A_563] : memref<4x16x1024xf32, #tpu.memory_space<vmem>> -> memref<1x16x1024xf32, #tpu.memory_space<vmem>>
    %dma_wait3A_565 = tpu.memref_squeeze %dma_wait3A_564 : memref<1x16x1024xf32, #tpu.memory_space<vmem>> -> memref<16x1024xf32, #tpu.memory_space<vmem>>
    %dma_wait3A_566 = arith.constant 0 : i32
    %dma_wait3A_567 = tpu.memref_slice %arg2[%add3A_208, %dma_wait3A_566] : memref<4096x1024xf32, #tpu.memory_space<hbm>> -> memref<16x1024xf32, #tpu.memory_space<hbm>>
    tpu.wait_dma2 semaphore(%dma_wait3A_561 : memref<!tpu.dma_semaphore, #tpu.memory_space<semaphore_mem>>) src(%dma_wait3A_567 : memref<16x1024xf32, #tpu.memory_space<hbm>>) dst(%dma_wait3A_565 : memref<16x1024xf32, #tpu.memory_space<vmem>>)
    %dma_wait3A_568 = arith.constant 0 : i32
    %dma_wait3A_569 = arith.constant 0 : i32
    %dma_wait3A_570 = arith.constant 0 : i32
    %dma_wait3A_571 = arith.constant 0 : i32
    %dma_wait3A_572 = tpu.memref_slice %arg6[%dma_wait3A_568, %dma_wait3A_570, %dma_wait3A_571] : memref<2x16x1024xf32, #tpu.memory_space<vmem>> -> memref<1x16x1024xf32, #tpu.memory_space<vmem>>
    %dma_wait3A_573 = tpu.memref_squeeze %dma_wait3A_572 : memref<1x16x1024xf32, #tpu.memory_space<vmem>> -> memref<16x1024xf32, #tpu.memory_space<vmem>>
    %dma_wait3A_574 = arith.constant 0 : i32
    %dma_wait3A_575 = tpu.memref_slice %arg3[%add3A_390, %dma_wait3A_574] : memref<4096x1024xf32, #tpu.memory_space<hbm>> -> memref<16x1024xf32, #tpu.memory_space<hbm>>
    %dma_wait3A_576 = tpu.memref_slice %arg8[%dma_wait3A_569] : memref<2x!tpu.dma_semaphore, #tpu.memory_space<semaphore_mem>> -> memref<1x!tpu.dma_semaphore, #tpu.memory_space<semaphore_mem>>
    %dma_wait3A_577 = tpu.memref_squeeze %dma_wait3A_576 : memref<1x!tpu.dma_semaphore, #tpu.memory_space<semaphore_mem>> -> memref<!tpu.dma_semaphore, #tpu.memory_space<semaphore_mem>>
    %dma_wait3A_578 = arith.constant 0 : i32
    %dma_wait3A_579 = arith.constant 0 : i32
    %dma_wait3A_580 = tpu.memref_slice %arg6[%dma_wait3A_568, %dma_wait3A_578, %dma_wait3A_579] : memref<2x16x1024xf32, #tpu.memory_space<vmem>> -> memref<1x16x1024xf32, #tpu.memory_space<vmem>>
    %dma_wait3A_581 = tpu.memref_squeeze %dma_wait3A_580 : memref<1x16x1024xf32, #tpu.memory_space<vmem>> -> memref<16x1024xf32, #tpu.memory_space<vmem>>
    %dma_wait3A_582 = arith.constant 0 : i32
    %dma_wait3A_583 = tpu.memref_slice %arg3[%add3A_390, %dma_wait3A_582] : memref<4096x1024xf32, #tpu.memory_space<hbm>> -> memref<16x1024xf32, #tpu.memory_space<hbm>>
    tpu.wait_dma2 semaphore(%dma_wait3A_577 : memref<!tpu.dma_semaphore, #tpu.memory_space<semaphore_mem>>) src(%dma_wait3A_583 : memref<16x1024xf32, #tpu.memory_space<hbm>>) dst(%dma_wait3A_581 : memref<16x1024xf32, #tpu.memory_space<vmem>>)
    %parallel_loop3A_584 = arith.constant 0 : i32
    %parallel_loop3A_585 = arith.constant 64 : i32
    %parallel_loop3A_586 = arith.constant 1 : i32
    scf.for %parallel_loop3A_872 = %parallel_loop3A_584 to %parallel_loop3A_585 step %parallel_loop3A_586  : i32 {
      %parallel_loop3A_873 = arith.constant 16 : i32
      %parallel_loop3A_874 = arith.muli %parallel_loop3A_872, %parallel_loop3A_873 : i32
      %parallel_loop3A_875 = arith.constant 0 : i32
      %parallel_loop3A_876 = arith.constant 0 : i32
      %parallel_loop3A_877 = arith.index_cast %parallel_loop3A_875 : i32 to index
      %parallel_loop3A_878 = arith.index_cast %parallel_loop3A_876 : i32 to index
      %parallel_loop3A_879 = arith.index_cast %parallel_loop3A_874 : i32 to index
      %parallel_loop3A_880 = tpu.vector_load %arg6[%parallel_loop3A_877, %parallel_loop3A_878, %parallel_loop3A_879] {strides = array<i32>} : memref<2x16x1024xf32, #tpu.memory_space<vmem>>, vector<1x1x16xf32>,
      %parallel_loop3A_881 = vector.shape_cast %parallel_loop3A_880 : vector<1x1x16xf32> to vector<16xf32>
      %parallel_loop3A_882 = arith.constant 0 : i32
      %parallel_loop3A_883 = arith.constant 0 : i32
      %parallel_loop3A_884 = arith.index_cast %parallel_loop3A_882 : i32 to index
      %parallel_loop3A_885 = arith.index_cast %parallel_loop3A_883 : i32 to index
      %parallel_loop3A_886 = arith.index_cast %parallel_loop3A_874 : i32 to index
      %parallel_loop3A_887 = tpu.vector_load %arg5[%parallel_loop3A_884, %parallel_loop3A_885, %parallel_loop3A_886] {strides = array<i32>} : memref<4x16x1024xf32, #tpu.memory_space<vmem>>, vector<1x1x16xf32>,
      %parallel_loop3A_888 = vector.shape_cast %parallel_loop3A_887 : vector<1x1x16xf32> to vector<16xf32>
      %parallel_loop3A_889 = vector.shape_cast %parallel_loop3A_881 : vector<16xf32> to vector<1x1x16xf32>
      tpu.vector_store %arg5[%parallel_loop3A_884, %parallel_loop3A_885, %parallel_loop3A_886], %parallel_loop3A_889 {add = true, strides = array<i32>} : memref<4x16x1024xf32, #tpu.memory_space<vmem>>, vector<1x1x16xf32>,
      %parallel_loop3A_890 = arith.constant 0 : i32
      %parallel_loop3A_891 = arith.constant 1 : i32
      %parallel_loop3A_892 = arith.index_cast %parallel_loop3A_890 : i32 to index
      %parallel_loop3A_893 = arith.index_cast %parallel_loop3A_891 : i32 to index
      %parallel_loop3A_894 = arith.index_cast %parallel_loop3A_874 : i32 to index
      %parallel_loop3A_895 = tpu.vector_load %arg6[%parallel_loop3A_892, %parallel_loop3A_893, %parallel_loop3A_894] {strides = array<i32>} : memref<2x16x1024xf32, #tpu.memory_space<vmem>>, vector<1x1x16xf32>,
      %parallel_loop3A_896 = vector.shape_cast %parallel_loop3A_895 : vector<1x1x16xf32> to vector<16xf32>
      %parallel_loop3A_897 = arith.constant 0 : i32
      %parallel_loop3A_898 = arith.constant 1 : i32
      %parallel_loop3A_899 = arith.index_cast %parallel_loop3A_897 : i32 to index
      %parallel_loop3A_900 = arith.index_cast %parallel_loop3A_898 : i32 to index
      %parallel_loop3A_901 = arith.index_cast %parallel_loop3A_874 : i32 to index
      %parallel_loop3A_902 = tpu.vector_load %arg5[%parallel_loop3A_899, %parallel_loop3A_900, %parallel_loop3A_901] {strides = array<i32>} : memref<4x16x1024xf32, #tpu.memory_space<vmem>>, vector<1x1x16xf32>,
      %parallel_loop3A_903 = vector.shape_cast %parallel_loop3A_902 : vector<1x1x16xf32> to vector<16xf32>
      %parallel_loop3A_904 = vector.shape_cast %parallel_loop3A_896 : vector<16xf32> to vector<1x1x16xf32>
      tpu.vector_store %arg5[%parallel_loop3A_899, %parallel_loop3A_900, %parallel_loop3A_901], %parallel_loop3A_904 {add = true, strides = array<i32>} : memref<4x16x1024xf32, #tpu.memory_space<vmem>>, vector<1x1x16xf32>,
      %parallel_loop3A_905 = arith.constant 0 : i32
      %parallel_loop3A_906 = arith.constant 2 : i32
      %parallel_loop3A_907 = arith.index_cast %parallel_loop3A_905 : i32 to index
      %parallel_loop3A_908 = arith.index_cast %parallel_loop3A_906 : i32 to index
      %parallel_loop3A_909 = arith.index_cast %parallel_loop3A_874 : i32 to index
      %parallel_loop3A_910 = tpu.vector_load %arg6[%parallel_loop3A_907, %parallel_loop3A_908, %parallel_loop3A_909] {strides = array<i32>} : memref<2x16x1024xf32, #tpu.memory_space<vmem>>, vector<1x1x16xf32>,
      %parallel_loop3A_911 = vector.shape_cast %parallel_loop3A_910 : vector<1x1x16xf32> to vector<16xf32>
      %parallel_loop3A_912 = arith.constant 0 : i32
      %parallel_loop3A_913 = arith.constant 2 : i32
      %parallel_loop3A_914 = arith.index_cast %parallel_loop3A_912 : i32 to index
      %parallel_loop3A_915 = arith.index_cast %parallel_loop3A_913 : i32 to index
      %parallel_loop3A_916 = arith.index_cast %parallel_loop3A_874 : i32 to index
      %parallel_loop3A_917 = tpu.vector_load %arg5[%parallel_loop3A_914, %parallel_loop3A_915, %parallel_loop3A_916] {strides = array<i32>} : memref<4x16x1024xf32, #tpu.memory_space<vmem>>, vector<1x1x16xf32>,
      %parallel_loop3A_918 = vector.shape_cast %parallel_loop3A_917 : vector<1x1x16xf32> to vector<16xf32>
      %parallel_loop3A_919 = vector.shape_cast %parallel_loop3A_911 : vector<16xf32> to vector<1x1x16xf32>
      tpu.vector_store %arg5[%parallel_loop3A_914, %parallel_loop3A_915, %parallel_loop3A_916], %parallel_loop3A_919 {add = true, strides = array<i32>} : memref<4x16x1024xf32, #tpu.memory_space<vmem>>, vector<1x1x16xf32>,
      %parallel_loop3A_920 = arith.constant 0 : i32
      %parallel_loop3A_921 = arith.constant 3 : i32
      %parallel_loop3A_922 = arith.index_cast %parallel_loop3A_920 : i32 to index
      %parallel_loop3A_923 = arith.index_cast %parallel_loop3A_921 : i32 to index
      %parallel_loop3A_924 = arith.index_cast %parallel_loop3A_874 : i32 to index
      %parallel_loop3A_925 = tpu.vector_load %arg6[%parallel_loop3A_922, %parallel_loop3A_923, %parallel_loop3A_924] {strides = array<i32>} : memref<2x16x1024xf32, #tpu.memory_space<vmem>>, vector<1x1x16xf32>,
      %parallel_loop3A_926 = vector.shape_cast %parallel_loop3A_925 : vector<1x1x16xf32> to vector<16xf32>
      %parallel_loop3A_927 = arith.constant 0 : i32
      %parallel_loop3A_928 = arith.constant 3 : i32
      %parallel_loop3A_929 = arith.index_cast %parallel_loop3A_927 : i32 to index
      %parallel_loop3A_930 = arith.index_cast %parallel_loop3A_928 : i32 to index
      %parallel_loop3A_931 = arith.index_cast %parallel_loop3A_874 : i32 to index
      %parallel_loop3A_932 = tpu.vector_load %arg5[%parallel_loop3A_929, %parallel_loop3A_930, %parallel_loop3A_931] {strides = array<i32>} : memref<4x16x1024xf32, #tpu.memory_space<vmem>>, vector<1x1x16xf32>,
      %parallel_loop3A_933 = vector.shape_cast %parallel_loop3A_932 : vector<1x1x16xf32> to vector<16xf32>
      %parallel_loop3A_934 = vector.shape_cast %parallel_loop3A_926 : vector<16xf32> to vector<1x1x16xf32>
      tpu.vector_store %arg5[%parallel_loop3A_929, %parallel_loop3A_930, %parallel_loop3A_931], %parallel_loop3A_934 {add = true, strides = array<i32>} : memref<4x16x1024xf32, #tpu.memory_space<vmem>>, vector<1x1x16xf32>,
      %parallel_loop3A_935 = arith.constant 0 : i32
      %parallel_loop3A_936 = arith.constant 4 : i32
      %parallel_loop3A_937 = arith.index_cast %parallel_loop3A_935 : i32 to index
      %parallel_loop3A_938 = arith.index_cast %parallel_loop3A_936 : i32 to index
      %parallel_loop3A_939 = arith.index_cast %parallel_loop3A_874 : i32 to index
      %parallel_loop3A_940 = tpu.vector_load %arg6[%parallel_loop3A_937, %parallel_loop3A_938, %parallel_loop3A_939] {strides = array<i32>} : memref<2x16x1024xf32, #tpu.memory_space<vmem>>, vector<1x1x16xf32>,
      %parallel_loop3A_941 = vector.shape_cast %parallel_loop3A_940 : vector<1x1x16xf32> to vector<16xf32>
      %parallel_loop3A_942 = arith.constant 0 : i32
      %parallel_loop3A_943 = arith.constant 4 : i32
      %parallel_loop3A_944 = arith.index_cast %parallel_loop3A_942 : i32 to index
      %parallel_loop3A_945 = arith.index_cast %parallel_loop3A_943 : i32 to index
      %parallel_loop3A_946 = arith.index_cast %parallel_loop3A_874 : i32 to index
      %parallel_loop3A_947 = tpu.vector_load %arg5[%parallel_loop3A_944, %parallel_loop3A_945, %parallel_loop3A_946] {strides = array<i32>} : memref<4x16x1024xf32, #tpu.memory_space<vmem>>, vector<1x1x16xf32>,
      %parallel_loop3A_948 = vector.shape_cast %parallel_loop3A_947 : vector<1x1x16xf32> to vector<16xf32>
      %parallel_loop3A_949 = vector.shape_cast %parallel_loop3A_941 : vector<16xf32> to vector<1x1x16xf32>
      tpu.vector_store %arg5[%parallel_loop3A_944, %parallel_loop3A_945, %parallel_loop3A_946], %parallel_loop3A_949 {add = true, strides = array<i32>} : memref<4x16x1024xf32, #tpu.memory_space<vmem>>, vector<1x1x16xf32>,
      %parallel_loop3A_950 = arith.constant 0 : i32
      %parallel_loop3A_951 = arith.constant 5 : i32
      %parallel_loop3A_952 = arith.index_cast %parallel_loop3A_950 : i32 to index
      %parallel_loop3A_953 = arith.index_cast %parallel_loop3A_951 : i32 to index
      %parallel_loop3A_954 = arith.index_cast %parallel_loop3A_874 : i32 to index
      %parallel_loop3A_955 = tpu.vector_load %arg6[%parallel_loop3A_952, %parallel_loop3A_953, %parallel_loop3A_954] {strides = array<i32>} : memref<2x16x1024xf32, #tpu.memory_space<vmem>>, vector<1x1x16xf32>,
      %parallel_loop3A_956 = vector.shape_cast %parallel_loop3A_955 : vector<1x1x16xf32> to vector<16xf32>
      %parallel_loop3A_957 = arith.constant 0 : i32
      %parallel_loop3A_958 = arith.constant 5 : i32
      %parallel_loop3A_959 = arith.index_cast %parallel_loop3A_957 : i32 to index
      %parallel_loop3A_960 = arith.index_cast %parallel_loop3A_958 : i32 to index
      %parallel_loop3A_961 = arith.index_cast %parallel_loop3A_874 : i32 to index
      %parallel_loop3A_962 = tpu.vector_load %arg5[%parallel_loop3A_959, %parallel_loop3A_960, %parallel_loop3A_961] {strides = array<i32>} : memref<4x16x1024xf32, #tpu.memory_space<vmem>>, vector<1x1x16xf32>,
      %parallel_loop3A_963 = vector.shape_cast %parallel_loop3A_962 : vector<1x1x16xf32> to vector<16xf32>
      %parallel_loop3A_964 = vector.shape_cast %parallel_loop3A_956 : vector<16xf32> to vector<1x1x16xf32>
      tpu.vector_store %arg5[%parallel_loop3A_959, %parallel_loop3A_960, %parallel_loop3A_961], %parallel_loop3A_964 {add = true, strides = array<i32>} : memref<4x16x1024xf32, #tpu.memory_space<vmem>>, vector<1x1x16xf32>,
      %parallel_loop3A_965 = arith.constant 0 : i32
      %parallel_loop3A_966 = arith.constant 6 : i32
      %parallel_loop3A_967 = arith.index_cast %parallel_loop3A_965 : i32 to index
      %parallel_loop3A_968 = arith.index_cast %parallel_loop3A_966 : i32 to index
      %parallel_loop3A_969 = arith.index_cast %parallel_loop3A_874 : i32 to index
      %parallel_loop3A_970 = tpu.vector_load %arg6[%parallel_loop3A_967, %parallel_loop3A_968, %parallel_loop3A_969] {strides = array<i32>} : memref<2x16x1024xf32, #tpu.memory_space<vmem>>, vector<1x1x16xf32>,
      %parallel_loop3A_971 = vector.shape_cast %parallel_loop3A_970 : vector<1x1x16xf32> to vector<16xf32>
      %parallel_loop3A_972 = arith.constant 0 : i32
      %parallel_loop3A_973 = arith.constant 6 : i32
      %parallel_loop3A_974 = arith.index_cast %parallel_loop3A_972 : i32 to index
      %parallel_loop3A_975 = arith.index_cast %parallel_loop3A_973 : i32 to index
      %parallel_loop3A_976 = arith.index_cast %parallel_loop3A_874 : i32 to index
      %parallel_loop3A_977 = tpu.vector_load %arg5[%parallel_loop3A_974, %parallel_loop3A_975, %parallel_loop3A_976] {strides = array<i32>} : memref<4x16x1024xf32, #tpu.memory_space<vmem>>, vector<1x1x16xf32>,
      %parallel_loop3A_978 = vector.shape_cast %parallel_loop3A_977 : vector<1x1x16xf32> to vector<16xf32>
      %parallel_loop3A_979 = vector.shape_cast %parallel_loop3A_971 : vector<16xf32> to vector<1x1x16xf32>
      tpu.vector_store %arg5[%parallel_loop3A_974, %parallel_loop3A_975, %parallel_loop3A_976], %parallel_loop3A_979 {add = true, strides = array<i32>} : memref<4x16x1024xf32, #tpu.memory_space<vmem>>, vector<1x1x16xf32>,
      %parallel_loop3A_980 = arith.constant 0 : i32
      %parallel_loop3A_981 = arith.constant 7 : i32
      %parallel_loop3A_982 = arith.index_cast %parallel_loop3A_980 : i32 to index
      %parallel_loop3A_983 = arith.index_cast %parallel_loop3A_981 : i32 to index
      %parallel_loop3A_984 = arith.index_cast %parallel_loop3A_874 : i32 to index
      %parallel_loop3A_985 = tpu.vector_load %arg6[%parallel_loop3A_982, %parallel_loop3A_983, %parallel_loop3A_984] {strides = array<i32>} : memref<2x16x1024xf32, #tpu.memory_space<vmem>>, vector<1x1x16xf32>,
      %parallel_loop3A_986 = vector.shape_cast %parallel_loop3A_985 : vector<1x1x16xf32> to vector<16xf32>
      %parallel_loop3A_987 = arith.constant 0 : i32
      %parallel_loop3A_988 = arith.constant 7 : i32
      %parallel_loop3A_989 = arith.index_cast %parallel_loop3A_987 : i32 to index
      %parallel_loop3A_990 = arith.index_cast %parallel_loop3A_988 : i32 to index
      %parallel_loop3A_991 = arith.index_cast %parallel_loop3A_874 : i32 to index
      %parallel_loop3A_992 = tpu.vector_load %arg5[%parallel_loop3A_989, %parallel_loop3A_990, %parallel_loop3A_991] {strides = array<i32>} : memref<4x16x1024xf32, #tpu.memory_space<vmem>>, vector<1x1x16xf32>,
      %parallel_loop3A_993 = vector.shape_cast %parallel_loop3A_992 : vector<1x1x16xf32> to vector<16xf32>
      %parallel_loop3A_994 = vector.shape_cast %parallel_loop3A_986 : vector<16xf32> to vector<1x1x16xf32>
      tpu.vector_store %arg5[%parallel_loop3A_989, %parallel_loop3A_990, %parallel_loop3A_991], %parallel_loop3A_994 {add = true, strides = array<i32>} : memref<4x16x1024xf32, #tpu.memory_space<vmem>>, vector<1x1x16xf32>,
      %parallel_loop3A_995 = arith.constant 0 : i32
      %parallel_loop3A_996 = arith.constant 8 : i32
      %parallel_loop3A_997 = arith.index_cast %parallel_loop3A_995 : i32 to index
      %parallel_loop3A_998 = arith.index_cast %parallel_loop3A_996 : i32 to index
      %parallel_loop3A_999 = arith.index_cast %parallel_loop3A_874 : i32 to index
      %parallel_loop3A_1000 = tpu.vector_load %arg6[%parallel_loop3A_997, %parallel_loop3A_998, %parallel_loop3A_999] {strides = array<i32>} : memref<2x16x1024xf32, #tpu.memory_space<vmem>>, vector<1x1x16xf32>,
      %parallel_loop3A_1001 = vector.shape_cast %parallel_loop3A_1000 : vector<1x1x16xf32> to vector<16xf32>
      %parallel_loop3A_1002 = arith.constant 0 : i32
      %parallel_loop3A_1003 = arith.constant 8 : i32
      %parallel_loop3A_1004 = arith.index_cast %parallel_loop3A_1002 : i32 to index
      %parallel_loop3A_1005 = arith.index_cast %parallel_loop3A_1003 : i32 to index
      %parallel_loop3A_1006 = arith.index_cast %parallel_loop3A_874 : i32 to index
      %parallel_loop3A_1007 = tpu.vector_load %arg5[%parallel_loop3A_1004, %parallel_loop3A_1005, %parallel_loop3A_1006] {strides = array<i32>} : memref<4x16x1024xf32, #tpu.memory_space<vmem>>, vector<1x1x16xf32>,
      %parallel_loop3A_1008 = vector.shape_cast %parallel_loop3A_1007 : vector<1x1x16xf32> to vector<16xf32>
      %parallel_loop3A_1009 = vector.shape_cast %parallel_loop3A_1001 : vector<16xf32> to vector<1x1x16xf32>
      tpu.vector_store %arg5[%parallel_loop3A_1004, %parallel_loop3A_1005, %parallel_loop3A_1006], %parallel_loop3A_1009 {add = true, strides = array<i32>} : memref<4x16x1024xf32, #tpu.memory_space<vmem>>, vector<1x1x16xf32>,
      %parallel_loop3A_1010 = arith.constant 0 : i32
      %parallel_loop3A_1011 = arith.constant 9 : i32
      %parallel_loop3A_1012 = arith.index_cast %parallel_loop3A_1010 : i32 to index
      %parallel_loop3A_1013 = arith.index_cast %parallel_loop3A_1011 : i32 to index
      %parallel_loop3A_1014 = arith.index_cast %parallel_loop3A_874 : i32 to index
      %parallel_loop3A_1015 = tpu.vector_load %arg6[%parallel_loop3A_1012, %parallel_loop3A_1013, %parallel_loop3A_1014] {strides = array<i32>} : memref<2x16x1024xf32, #tpu.memory_space<vmem>>, vector<1x1x16xf32>,
      %parallel_loop3A_1016 = vector.shape_cast %parallel_loop3A_1015 : vector<1x1x16xf32> to vector<16xf32>
      %parallel_loop3A_1017 = arith.constant 0 : i32
      %parallel_loop3A_1018 = arith.constant 9 : i32
      %parallel_loop3A_1019 = arith.index_cast %parallel_loop3A_1017 : i32 to index
      %parallel_loop3A_1020 = arith.index_cast %parallel_loop3A_1018 : i32 to index
      %parallel_loop3A_1021 = arith.index_cast %parallel_loop3A_874 : i32 to index
      %parallel_loop3A_1022 = tpu.vector_load %arg5[%parallel_loop3A_1019, %parallel_loop3A_1020, %parallel_loop3A_1021] {strides = array<i32>} : memref<4x16x1024xf32, #tpu.memory_space<vmem>>, vector<1x1x16xf32>,
      %parallel_loop3A_1023 = vector.shape_cast %parallel_loop3A_1022 : vector<1x1x16xf32> to vector<16xf32>
      %parallel_loop3A_1024 = vector.shape_cast %parallel_loop3A_1016 : vector<16xf32> to vector<1x1x16xf32>
      tpu.vector_store %arg5[%parallel_loop3A_1019, %parallel_loop3A_1020, %parallel_loop3A_1021], %parallel_loop3A_1024 {add = true, strides = array<i32>} : memref<4x16x1024xf32, #tpu.memory_space<vmem>>, vector<1x1x16xf32>,
      %parallel_loop3A_1025 = arith.constant 0 : i32
      %parallel_loop3A_1026 = arith.constant 10 : i32
      %parallel_loop3A_1027 = arith.index_cast %parallel_loop3A_1025 : i32 to index
      %parallel_loop3A_1028 = arith.index_cast %parallel_loop3A_1026 : i32 to index
      %parallel_loop3A_1029 = arith.index_cast %parallel_loop3A_874 : i32 to index
      %parallel_loop3A_1030 = tpu.vector_load %arg6[%parallel_loop3A_1027, %parallel_loop3A_1028, %parallel_loop3A_1029] {strides = array<i32>} : memref<2x16x1024xf32, #tpu.memory_space<vmem>>, vector<1x1x16xf32>,
      %parallel_loop3A_1031 = vector.shape_cast %parallel_loop3A_1030 : vector<1x1x16xf32> to vector<16xf32>
      %parallel_loop3A_1032 = arith.constant 0 : i32
      %parallel_loop3A_1033 = arith.constant 10 : i32
      %parallel_loop3A_1034 = arith.index_cast %parallel_loop3A_1032 : i32 to index
      %parallel_loop3A_1035 = arith.index_cast %parallel_loop3A_1033 : i32 to index
      %parallel_loop3A_1036 = arith.index_cast %parallel_loop3A_874 : i32 to index
      %parallel_loop3A_1037 = tpu.vector_load %arg5[%parallel_loop3A_1034, %parallel_loop3A_1035, %parallel_loop3A_1036] {strides = array<i32>} : memref<4x16x1024xf32, #tpu.memory_space<vmem>>, vector<1x1x16xf32>,
      %parallel_loop3A_1038 = vector.shape_cast %parallel_loop3A_1037 : vector<1x1x16xf32> to vector<16xf32>
      %parallel_loop3A_1039 = vector.shape_cast %parallel_loop3A_1031 : vector<16xf32> to vector<1x1x16xf32>
      tpu.vector_store %arg5[%parallel_loop3A_1034, %parallel_loop3A_1035, %parallel_loop3A_1036], %parallel_loop3A_1039 {add = true, strides = array<i32>} : memref<4x16x1024xf32, #tpu.memory_space<vmem>>, vector<1x1x16xf32>,
      %parallel_loop3A_1040 = arith.constant 0 : i32
      %parallel_loop3A_1041 = arith.constant 11 : i32
      %parallel_loop3A_1042 = arith.index_cast %parallel_loop3A_1040 : i32 to index
      %parallel_loop3A_1043 = arith.index_cast %parallel_loop3A_1041 : i32 to index
      %parallel_loop3A_1044 = arith.index_cast %parallel_loop3A_874 : i32 to index
      %parallel_loop3A_1045 = tpu.vector_load %arg6[%parallel_loop3A_1042, %parallel_loop3A_1043, %parallel_loop3A_1044] {strides = array<i32>} : memref<2x16x1024xf32, #tpu.memory_space<vmem>>, vector<1x1x16xf32>,
      %parallel_loop3A_1046 = vector.shape_cast %parallel_loop3A_1045 : vector<1x1x16xf32> to vector<16xf32>
      %parallel_loop3A_1047 = arith.constant 0 : i32
      %parallel_loop3A_1048 = arith.constant 11 : i32
      %parallel_loop3A_1049 = arith.index_cast %parallel_loop3A_1047 : i32 to index
      %parallel_loop3A_1050 = arith.index_cast %parallel_loop3A_1048 : i32 to index
      %parallel_loop3A_1051 = arith.index_cast %parallel_loop3A_874 : i32 to index
      %parallel_loop3A_1052 = tpu.vector_load %arg5[%parallel_loop3A_1049, %parallel_loop3A_1050, %parallel_loop3A_1051] {strides = array<i32>} : memref<4x16x1024xf32, #tpu.memory_space<vmem>>, vector<1x1x16xf32>,
      %parallel_loop3A_1053 = vector.shape_cast %parallel_loop3A_1052 : vector<1x1x16xf32> to vector<16xf32>
      %parallel_loop3A_1054 = vector.shape_cast %parallel_loop3A_1046 : vector<16xf32> to vector<1x1x16xf32>
      tpu.vector_store %arg5[%parallel_loop3A_1049, %parallel_loop3A_1050, %parallel_loop3A_1051], %parallel_loop3A_1054 {add = true, strides = array<i32>} : memref<4x16x1024xf32, #tpu.memory_space<vmem>>, vector<1x1x16xf32>,
      %parallel_loop3A_1055 = arith.constant 0 : i32
      %parallel_loop3A_1056 = arith.constant 12 : i32
      %parallel_loop3A_1057 = arith.index_cast %parallel_loop3A_1055 : i32 to index
      %parallel_loop3A_1058 = arith.index_cast %parallel_loop3A_1056 : i32 to index
      %parallel_loop3A_1059 = arith.index_cast %parallel_loop3A_874 : i32 to index
      %parallel_loop3A_1060 = tpu.vector_load %arg6[%parallel_loop3A_1057, %parallel_loop3A_1058, %parallel_loop3A_1059] {strides = array<i32>} : memref<2x16x1024xf32, #tpu.memory_space<vmem>>, vector<1x1x16xf32>,
      %parallel_loop3A_1061 = vector.shape_cast %parallel_loop3A_1060 : vector<1x1x16xf32> to vector<16xf32>
      %parallel_loop3A_1062 = arith.constant 0 : i32
      %parallel_loop3A_1063 = arith.constant 12 : i32
      %parallel_loop3A_1064 = arith.index_cast %parallel_loop3A_1062 : i32 to index
      %parallel_loop3A_1065 = arith.index_cast %parallel_loop3A_1063 : i32 to index
      %parallel_loop3A_1066 = arith.index_cast %parallel_loop3A_874 : i32 to index
      %parallel_loop3A_1067 = tpu.vector_load %arg5[%parallel_loop3A_1064, %parallel_loop3A_1065, %parallel_loop3A_1066] {strides = array<i32>} : memref<4x16x1024xf32, #tpu.memory_space<vmem>>, vector<1x1x16xf32>,
      %parallel_loop3A_1068 = vector.shape_cast %parallel_loop3A_1067 : vector<1x1x16xf32> to vector<16xf32>
      %parallel_loop3A_1069 = vector.shape_cast %parallel_loop3A_1061 : vector<16xf32> to vector<1x1x16xf32>
      tpu.vector_store %arg5[%parallel_loop3A_1064, %parallel_loop3A_1065, %parallel_loop3A_1066], %parallel_loop3A_1069 {add = true, strides = array<i32>} : memref<4x16x1024xf32, #tpu.memory_space<vmem>>, vector<1x1x16xf32>,
      %parallel_loop3A_1070 = arith.constant 0 : i32
      %parallel_loop3A_1071 = arith.constant 13 : i32
      %parallel_loop3A_1072 = arith.index_cast %parallel_loop3A_1070 : i32 to index
      %parallel_loop3A_1073 = arith.index_cast %parallel_loop3A_1071 : i32 to index
      %parallel_loop3A_1074 = arith.index_cast %parallel_loop3A_874 : i32 to index
      %parallel_loop3A_1075 = tpu.vector_load %arg6[%parallel_loop3A_1072, %parallel_loop3A_1073, %parallel_loop3A_1074] {strides = array<i32>} : memref<2x16x1024xf32, #tpu.memory_space<vmem>>, vector<1x1x16xf32>,
      %parallel_loop3A_1076 = vector.shape_cast %parallel_loop3A_1075 : vector<1x1x16xf32> to vector<16xf32>
      %parallel_loop3A_1077 = arith.constant 0 : i32
      %parallel_loop3A_1078 = arith.constant 13 : i32
      %parallel_loop3A_1079 = arith.index_cast %parallel_loop3A_1077 : i32 to index
      %parallel_loop3A_1080 = arith.index_cast %parallel_loop3A_1078 : i32 to index
      %parallel_loop3A_1081 = arith.index_cast %parallel_loop3A_874 : i32 to index
      %parallel_loop3A_1082 = tpu.vector_load %arg5[%parallel_loop3A_1079, %parallel_loop3A_1080, %parallel_loop3A_1081] {strides = array<i32>} : memref<4x16x1024xf32, #tpu.memory_space<vmem>>, vector<1x1x16xf32>,
      %parallel_loop3A_1083 = vector.shape_cast %parallel_loop3A_1082 : vector<1x1x16xf32> to vector<16xf32>
      %parallel_loop3A_1084 = vector.shape_cast %parallel_loop3A_1076 : vector<16xf32> to vector<1x1x16xf32>
      tpu.vector_store %arg5[%parallel_loop3A_1079, %parallel_loop3A_1080, %parallel_loop3A_1081], %parallel_loop3A_1084 {add = true, strides = array<i32>} : memref<4x16x1024xf32, #tpu.memory_space<vmem>>, vector<1x1x16xf32>,
      %parallel_loop3A_1085 = arith.constant 0 : i32
      %parallel_loop3A_1086 = arith.constant 14 : i32
      %parallel_loop3A_1087 = arith.index_cast %parallel_loop3A_1085 : i32 to index
      %parallel_loop3A_1088 = arith.index_cast %parallel_loop3A_1086 : i32 to index
      %parallel_loop3A_1089 = arith.index_cast %parallel_loop3A_874 : i32 to index
      %parallel_loop3A_1090 = tpu.vector_load %arg6[%parallel_loop3A_1087, %parallel_loop3A_1088, %parallel_loop3A_1089] {strides = array<i32>} : memref<2x16x1024xf32, #tpu.memory_space<vmem>>, vector<1x1x16xf32>,
      %parallel_loop3A_1091 = vector.shape_cast %parallel_loop3A_1090 : vector<1x1x16xf32> to vector<16xf32>
      %parallel_loop3A_1092 = arith.constant 0 : i32
      %parallel_loop3A_1093 = arith.constant 14 : i32
      %parallel_loop3A_1094 = arith.index_cast %parallel_loop3A_1092 : i32 to index
      %parallel_loop3A_1095 = arith.index_cast %parallel_loop3A_1093 : i32 to index
      %parallel_loop3A_1096 = arith.index_cast %parallel_loop3A_874 : i32 to index
      %parallel_loop3A_1097 = tpu.vector_load %arg5[%parallel_loop3A_1094, %parallel_loop3A_1095, %parallel_loop3A_1096] {strides = array<i32>} : memref<4x16x1024xf32, #tpu.memory_space<vmem>>, vector<1x1x16xf32>,
      %parallel_loop3A_1098 = vector.shape_cast %parallel_loop3A_1097 : vector<1x1x16xf32> to vector<16xf32>
      %parallel_loop3A_1099 = vector.shape_cast %parallel_loop3A_1091 : vector<16xf32> to vector<1x1x16xf32>
      tpu.vector_store %arg5[%parallel_loop3A_1094, %parallel_loop3A_1095, %parallel_loop3A_1096], %parallel_loop3A_1099 {add = true, strides = array<i32>} : memref<4x16x1024xf32, #tpu.memory_space<vmem>>, vector<1x1x16xf32>,
      %parallel_loop3A_1100 = arith.constant 0 : i32
      %parallel_loop3A_1101 = arith.constant 15 : i32
      %parallel_loop3A_1102 = arith.index_cast %parallel_loop3A_1100 : i32 to index
      %parallel_loop3A_1103 = arith.index_cast %parallel_loop3A_1101 : i32 to index
      %parallel_loop3A_1104 = arith.index_cast %parallel_loop3A_874 : i32 to index
      %parallel_loop3A_1105 = tpu.vector_load %arg6[%parallel_loop3A_1102, %parallel_loop3A_1103, %parallel_loop3A_1104] {strides = array<i32>} : memref<2x16x1024xf32, #tpu.memory_space<vmem>>, vector<1x1x16xf32>,
      %parallel_loop3A_1106 = vector.shape_cast %parallel_loop3A_1105 : vector<1x1x16xf32> to vector<16xf32>
      %parallel_loop3A_1107 = arith.constant 0 : i32
      %parallel_loop3A_1108 = arith.constant 15 : i32
      %parallel_loop3A_1109 = arith.index_cast %parallel_loop3A_1107 : i32 to index
      %parallel_loop3A_1110 = arith.index_cast %parallel_loop3A_1108 : i32 to index
      %parallel_loop3A_1111 = arith.index_cast %parallel_loop3A_874 : i32 to index
      %parallel_loop3A_1112 = tpu.vector_load %arg5[%parallel_loop3A_1109, %parallel_loop3A_1110, %parallel_loop3A_1111] {strides = array<i32>} : memref<4x16x1024xf32, #tpu.memory_space<vmem>>, vector<1x1x16xf32>,
      %parallel_loop3A_1113 = vector.shape_cast %parallel_loop3A_1112 : vector<1x1x16xf32> to vector<16xf32>
      %parallel_loop3A_1114 = vector.shape_cast %parallel_loop3A_1106 : vector<16xf32> to vector<1x1x16xf32>
      tpu.vector_store %arg5[%parallel_loop3A_1109, %parallel_loop3A_1110, %parallel_loop3A_1111], %parallel_loop3A_1114 {add = true, strides = array<i32>} : memref<4x16x1024xf32, #tpu.memory_space<vmem>>, vector<1x1x16xf32>,
    } {sc.loop_unroll_factor = 2 : i64, sc.parallel_access}
    %add3A_587 = arith.constant 0 : i32
    %add3A_588 = arith.addi %add3A_587, %mul3A_2 : i32
    %add3A_589 = arith.constant 64 : i32
    %add3A_590 = arith.addi %add3A_588, %add3A_589 : i32
    %dma_start3A_591 = arith.constant 0 : i32
    %dma_start3A_592 = arith.constant 0 : i32
    %dma_start3A_593 = arith.constant 0 : i32
    %dma_start3A_594 = arith.constant 0 : i32
    %dma_start3A_595 = tpu.memref_slice %arg5[%dma_start3A_591, %dma_start3A_593, %dma_start3A_594] : memref<4x16x1024xf32, #tpu.memory_space<vmem>> -> memref<1x16x1024xf32, #tpu.memory_space<vmem>>
    %dma_start3A_596 = tpu.memref_squeeze %dma_start3A_595 : memref<1x16x1024xf32, #tpu.memory_space<vmem>> -> memref<16x1024xf32, #tpu.memory_space<vmem>>
    %dma_start3A_597 = arith.constant 0 : i32
    %dma_start3A_598 = tpu.memref_slice %arg4[%add3A_590, %dma_start3A_597] : memref<4096x1024xf32, #tpu.memory_space<hbm>> -> memref<16x1024xf32, #tpu.memory_space<hbm>>
    %dma_start3A_599 = tpu.memref_slice %arg9[%dma_start3A_592] : memref<4x!tpu.dma_semaphore, #tpu.memory_space<semaphore_mem>> -> memref<1x!tpu.dma_semaphore, #tpu.memory_space<semaphore_mem>>
    %dma_start3A_600 = tpu.memref_squeeze %dma_start3A_599 : memref<1x!tpu.dma_semaphore, #tpu.memory_space<semaphore_mem>> -> memref<!tpu.dma_semaphore, #tpu.memory_space<semaphore_mem>>
    %dma_start3A_601 = arith.constant 0 : i32
    %dma_start3A_602 = tpu.memref_slice %arg4[%add3A_590, %dma_start3A_601] : memref<4096x1024xf32, #tpu.memory_space<hbm>> -> memref<16x1024xf32, #tpu.memory_space<hbm>>
    %dma_start3A_603 = arith.constant 0 : i32
    %dma_start3A_604 = arith.constant 0 : i32
    %dma_start3A_605 = tpu.memref_slice %arg5[%dma_start3A_591, %dma_start3A_603, %dma_start3A_604] : memref<4x16x1024xf32, #tpu.memory_space<vmem>> -> memref<1x16x1024xf32, #tpu.memory_space<vmem>>
    %dma_start3A_606 = tpu.memref_squeeze %dma_start3A_605 : memref<1x16x1024xf32, #tpu.memory_space<vmem>> -> memref<16x1024xf32, #tpu.memory_space<vmem>>
    tpu.enqueue_dma source(%dma_start3A_606 : memref<16x1024xf32, #tpu.memory_space<vmem>>) target(%dma_start3A_602 : memref<16x1024xf32, #tpu.memory_space<hbm>>) target_semaphore(%dma_start3A_600 : memref<!tpu.dma_semaphore, #tpu.memory_space<semaphore_mem>>)
    %add3A_607 = arith.constant 96 : i32
    %add3A_608 = arith.addi %mul3A_2, %add3A_607 : i32
    %dma_start3A_609 = arith.constant 0 : i32
    %dma_start3A_610 = arith.constant 0 : i32
    %dma_start3A_611 = arith.constant 0 : i32
    %dma_start3A_612 = arith.constant 0 : i32
    %dma_start3A_613 = tpu.memref_slice %arg6[%dma_start3A_609, %dma_start3A_611, %dma_start3A_612] : memref<2x16x1024xf32, #tpu.memory_space<vmem>> -> memref<1x16x1024xf32, #tpu.memory_space<vmem>>
    %dma_start3A_614 = tpu.memref_squeeze %dma_start3A_613 : memref<1x16x1024xf32, #tpu.memory_space<vmem>> -> memref<16x1024xf32, #tpu.memory_space<vmem>>
    %dma_start3A_615 = arith.constant 0 : i32
    %dma_start3A_616 = tpu.memref_slice %arg3[%add3A_608, %dma_start3A_615] : memref<4096x1024xf32, #tpu.memory_space<hbm>> -> memref<16x1024xf32, #tpu.memory_space<hbm>>
    %dma_start3A_617 = tpu.memref_slice %arg8[%dma_start3A_610] : memref<2x!tpu.dma_semaphore, #tpu.memory_space<semaphore_mem>> -> memref<1x!tpu.dma_semaphore, #tpu.memory_space<semaphore_mem>>
    %dma_start3A_618 = tpu.memref_squeeze %dma_start3A_617 : memref<1x!tpu.dma_semaphore, #tpu.memory_space<semaphore_mem>> -> memref<!tpu.dma_semaphore, #tpu.memory_space<semaphore_mem>>
    %dma_start3A_619 = arith.constant 0 : i32
    %dma_start3A_620 = arith.constant 0 : i32
    %dma_start3A_621 = tpu.memref_slice %arg6[%dma_start3A_609, %dma_start3A_619, %dma_start3A_620] : memref<2x16x1024xf32, #tpu.memory_space<vmem>> -> memref<1x16x1024xf32, #tpu.memory_space<vmem>>
    %dma_start3A_622 = tpu.memref_squeeze %dma_start3A_621 : memref<1x16x1024xf32, #tpu.memory_space<vmem>> -> memref<16x1024xf32, #tpu.memory_space<vmem>>
    %dma_start3A_623 = arith.constant 0 : i32
    %dma_start3A_624 = tpu.memref_slice %arg3[%add3A_608, %dma_start3A_623] : memref<4096x1024xf32, #tpu.memory_space<hbm>> -> memref<16x1024xf32, #tpu.memory_space<hbm>>
    tpu.enqueue_dma source(%dma_start3A_624 : memref<16x1024xf32, #tpu.memory_space<hbm>>) target(%dma_start3A_622 : memref<16x1024xf32, #tpu.memory_space<vmem>>) target_semaphore(%dma_start3A_618 : memref<!tpu.dma_semaphore, #tpu.memory_space<semaphore_mem>>)
    %dma_wait3A_625 = arith.constant 1 : i32
    %dma_wait3A_626 = arith.constant 1 : i32
    %dma_wait3A_627 = arith.constant 0 : i32
    %dma_wait3A_628 = arith.constant 0 : i32
    %dma_wait3A_629 = tpu.memref_slice %arg5[%dma_wait3A_625, %dma_wait3A_627, %dma_wait3A_628] : memref<4x16x1024xf32, #tpu.memory_space<vmem>> -> memref<1x16x1024xf32, #tpu.memory_space<vmem>>
    %dma_wait3A_630 = tpu.memref_squeeze %dma_wait3A_629 : memref<1x16x1024xf32, #tpu.memory_space<vmem>> -> memref<16x1024xf32, #tpu.memory_space<vmem>>
    %dma_wait3A_631 = arith.constant 0 : i32
    %dma_wait3A_632 = tpu.memref_slice %arg2[%add3A_317, %dma_wait3A_631] : memref<4096x1024xf32, #tpu.memory_space<hbm>> -> memref<16x1024xf32, #tpu.memory_space<hbm>>
    %dma_wait3A_633 = tpu.memref_slice %arg7[%dma_wait3A_626] : memref<4x!tpu.dma_semaphore, #tpu.memory_space<semaphore_mem>> -> memref<1x!tpu.dma_semaphore, #tpu.memory_space<semaphore_mem>>
    %dma_wait3A_634 = tpu.memref_squeeze %dma_wait3A_633 : memref<1x!tpu.dma_semaphore, #tpu.memory_space<semaphore_mem>> -> memref<!tpu.dma_semaphore, #tpu.memory_space<semaphore_mem>>
    %dma_wait3A_635 = arith.constant 0 : i32
    %dma_wait3A_636 = arith.constant 0 : i32
    %dma_wait3A_637 = tpu.memref_slice %arg5[%dma_wait3A_625, %dma_wait3A_635, %dma_wait3A_636] : memref<4x16x1024xf32, #tpu.memory_space<vmem>> -> memref<1x16x1024xf32, #tpu.memory_space<vmem>>
    %dma_wait3A_638 = tpu.memref_squeeze %dma_wait3A_637 : memref<1x16x1024xf32, #tpu.memory_space<vmem>> -> memref<16x1024xf32, #tpu.memory_space<vmem>>
    %dma_wait3A_639 = arith.constant 0 : i32
    %dma_wait3A_640 = tpu.memref_slice %arg2[%add3A_317, %dma_wait3A_639] : memref<4096x1024xf32, #tpu.memory_space<hbm>> -> memref<16x1024xf32, #tpu.memory_space<hbm>>
    tpu.wait_dma2 semaphore(%dma_wait3A_634 : memref<!tpu.dma_semaphore, #tpu.memory_space<semaphore_mem>>) src(%dma_wait3A_640 : memref<16x1024xf32, #tpu.memory_space<hbm>>) dst(%dma_wait3A_638 : memref<16x1024xf32, #tpu.memory_space<vmem>>)
    %dma_wait3A_641 = arith.constant 1 : i32
    %dma_wait3A_642 = arith.constant 1 : i32
    %dma_wait3A_643 = arith.constant 0 : i32
    %dma_wait3A_644 = arith.constant 0 : i32
    %dma_wait3A_645 = tpu.memref_slice %arg6[%dma_wait3A_641, %dma_wait3A_643, %dma_wait3A_644] : memref<2x16x1024xf32, #tpu.memory_space<vmem>> -> memref<1x16x1024xf32, #tpu.memory_space<vmem>>
    %dma_wait3A_646 = tpu.memref_squeeze %dma_wait3A_645 : memref<1x16x1024xf32, #tpu.memory_space<vmem>> -> memref<16x1024xf32, #tpu.memory_space<vmem>>
    %dma_wait3A_647 = arith.constant 0 : i32
    %dma_wait3A_648 = tpu.memref_slice %arg3[%add3A_499, %dma_wait3A_647] : memref<4096x1024xf32, #tpu.memory_space<hbm>> -> memref<16x1024xf32, #tpu.memory_space<hbm>>
    %dma_wait3A_649 = tpu.memref_slice %arg8[%dma_wait3A_642] : memref<2x!tpu.dma_semaphore, #tpu.memory_space<semaphore_mem>> -> memref<1x!tpu.dma_semaphore, #tpu.memory_space<semaphore_mem>>
    %dma_wait3A_650 = tpu.memref_squeeze %dma_wait3A_649 : memref<1x!tpu.dma_semaphore, #tpu.memory_space<semaphore_mem>> -> memref<!tpu.dma_semaphore, #tpu.memory_space<semaphore_mem>>
    %dma_wait3A_651 = arith.constant 0 : i32
    %dma_wait3A_652 = arith.constant 0 : i32
    %dma_wait3A_653 = tpu.memref_slice %arg6[%dma_wait3A_641, %dma_wait3A_651, %dma_wait3A_652] : memref<2x16x1024xf32, #tpu.memory_space<vmem>> -> memref<1x16x1024xf32, #tpu.memory_space<vmem>>
    %dma_wait3A_654 = tpu.memref_squeeze %dma_wait3A_653 : memref<1x16x1024xf32, #tpu.memory_space<vmem>> -> memref<16x1024xf32, #tpu.memory_space<vmem>>
    %dma_wait3A_655 = arith.constant 0 : i32
    %dma_wait3A_656 = tpu.memref_slice %arg3[%add3A_499, %dma_wait3A_655] : memref<4096x1024xf32, #tpu.memory_space<hbm>> -> memref<16x1024xf32, #tpu.memory_space<hbm>>
    tpu.wait_dma2 semaphore(%dma_wait3A_650 : memref<!tpu.dma_semaphore, #tpu.memory_space<semaphore_mem>>) src(%dma_wait3A_656 : memref<16x1024xf32, #tpu.memory_space<hbm>>) dst(%dma_wait3A_654 : memref<16x1024xf32, #tpu.memory_space<vmem>>)
    %parallel_loop3A_657 = arith.constant 0 : i32
    %parallel_loop3A_658 = arith.constant 64 : i32
    %parallel_loop3A_659 = arith.constant 1 : i32
    scf.for %parallel_loop3A_872 = %parallel_loop3A_657 to %parallel_loop3A_658 step %parallel_loop3A_659  : i32 {
      %parallel_loop3A_873 = arith.constant 16 : i32
      %parallel_loop3A_874 = arith.muli %parallel_loop3A_872, %parallel_loop3A_873 : i32
      %parallel_loop3A_875 = arith.constant 1 : i32
      %parallel_loop3A_876 = arith.constant 0 : i32
      %parallel_loop3A_877 = arith.index_cast %parallel_loop3A_875 : i32 to index
      %parallel_loop3A_878 = arith.index_cast %parallel_loop3A_876 : i32 to index
      %parallel_loop3A_879 = arith.index_cast %parallel_loop3A_874 : i32 to index
      %parallel_loop3A_880 = tpu.vector_load %arg6[%parallel_loop3A_877, %parallel_loop3A_878, %parallel_loop3A_879] {strides = array<i32>} : memref<2x16x1024xf32, #tpu.memory_space<vmem>>, vector<1x1x16xf32>,
      %parallel_loop3A_881 = vector.shape_cast %parallel_loop3A_880 : vector<1x1x16xf32> to vector<16xf32>
      %parallel_loop3A_882 = arith.constant 1 : i32
      %parallel_loop3A_883 = arith.constant 0 : i32
      %parallel_loop3A_884 = arith.index_cast %parallel_loop3A_882 : i32 to index
      %parallel_loop3A_885 = arith.index_cast %parallel_loop3A_883 : i32 to index
      %parallel_loop3A_886 = arith.index_cast %parallel_loop3A_874 : i32 to index
      %parallel_loop3A_887 = tpu.vector_load %arg5[%parallel_loop3A_884, %parallel_loop3A_885, %parallel_loop3A_886] {strides = array<i32>} : memref<4x16x1024xf32, #tpu.memory_space<vmem>>, vector<1x1x16xf32>,
      %parallel_loop3A_888 = vector.shape_cast %parallel_loop3A_887 : vector<1x1x16xf32> to vector<16xf32>
      %parallel_loop3A_889 = vector.shape_cast %parallel_loop3A_881 : vector<16xf32> to vector<1x1x16xf32>
      tpu.vector_store %arg5[%parallel_loop3A_884, %parallel_loop3A_885, %parallel_loop3A_886], %parallel_loop3A_889 {add = true, strides = array<i32>} : memref<4x16x1024xf32, #tpu.memory_space<vmem>>, vector<1x1x16xf32>,
      %parallel_loop3A_890 = arith.constant 1 : i32
      %parallel_loop3A_891 = arith.constant 1 : i32
      %parallel_loop3A_892 = arith.index_cast %parallel_loop3A_890 : i32 to index
      %parallel_loop3A_893 = arith.index_cast %parallel_loop3A_891 : i32 to index
      %parallel_loop3A_894 = arith.index_cast %parallel_loop3A_874 : i32 to index
      %parallel_loop3A_895 = tpu.vector_load %arg6[%parallel_loop3A_892, %parallel_loop3A_893, %parallel_loop3A_894] {strides = array<i32>} : memref<2x16x1024xf32, #tpu.memory_space<vmem>>, vector<1x1x16xf32>,
      %parallel_loop3A_896 = vector.shape_cast %parallel_loop3A_895 : vector<1x1x16xf32> to vector<16xf32>
      %parallel_loop3A_897 = arith.constant 1 : i32
      %parallel_loop3A_898 = arith.constant 1 : i32
      %parallel_loop3A_899 = arith.index_cast %parallel_loop3A_897 : i32 to index
      %parallel_loop3A_900 = arith.index_cast %parallel_loop3A_898 : i32 to index
      %parallel_loop3A_901 = arith.index_cast %parallel_loop3A_874 : i32 to index
      %parallel_loop3A_902 = tpu.vector_load %arg5[%parallel_loop3A_899, %parallel_loop3A_900, %parallel_loop3A_901] {strides = array<i32>} : memref<4x16x1024xf32, #tpu.memory_space<vmem>>, vector<1x1x16xf32>,
      %parallel_loop3A_903 = vector.shape_cast %parallel_loop3A_902 : vector<1x1x16xf32> to vector<16xf32>
      %parallel_loop3A_904 = vector.shape_cast %parallel_loop3A_896 : vector<16xf32> to vector<1x1x16xf32>
      tpu.vector_store %arg5[%parallel_loop3A_899, %parallel_loop3A_900, %parallel_loop3A_901], %parallel_loop3A_904 {add = true, strides = array<i32>} : memref<4x16x1024xf32, #tpu.memory_space<vmem>>, vector<1x1x16xf32>,
      %parallel_loop3A_905 = arith.constant 1 : i32
      %parallel_loop3A_906 = arith.constant 2 : i32
      %parallel_loop3A_907 = arith.index_cast %parallel_loop3A_905 : i32 to index
      %parallel_loop3A_908 = arith.index_cast %parallel_loop3A_906 : i32 to index
      %parallel_loop3A_909 = arith.index_cast %parallel_loop3A_874 : i32 to index
      %parallel_loop3A_910 = tpu.vector_load %arg6[%parallel_loop3A_907, %parallel_loop3A_908, %parallel_loop3A_909] {strides = array<i32>} : memref<2x16x1024xf32, #tpu.memory_space<vmem>>, vector<1x1x16xf32>,
      %parallel_loop3A_911 = vector.shape_cast %parallel_loop3A_910 : vector<1x1x16xf32> to vector<16xf32>
      %parallel_loop3A_912 = arith.constant 1 : i32
      %parallel_loop3A_913 = arith.constant 2 : i32
      %parallel_loop3A_914 = arith.index_cast %parallel_loop3A_912 : i32 to index
      %parallel_loop3A_915 = arith.index_cast %parallel_loop3A_913 : i32 to index
      %parallel_loop3A_916 = arith.index_cast %parallel_loop3A_874 : i32 to index
      %parallel_loop3A_917 = tpu.vector_load %arg5[%parallel_loop3A_914, %parallel_loop3A_915, %parallel_loop3A_916] {strides = array<i32>} : memref<4x16x1024xf32, #tpu.memory_space<vmem>>, vector<1x1x16xf32>,
      %parallel_loop3A_918 = vector.shape_cast %parallel_loop3A_917 : vector<1x1x16xf32> to vector<16xf32>
      %parallel_loop3A_919 = vector.shape_cast %parallel_loop3A_911 : vector<16xf32> to vector<1x1x16xf32>
      tpu.vector_store %arg5[%parallel_loop3A_914, %parallel_loop3A_915, %parallel_loop3A_916], %parallel_loop3A_919 {add = true, strides = array<i32>} : memref<4x16x1024xf32, #tpu.memory_space<vmem>>, vector<1x1x16xf32>,
      %parallel_loop3A_920 = arith.constant 1 : i32
      %parallel_loop3A_921 = arith.constant 3 : i32
      %parallel_loop3A_922 = arith.index_cast %parallel_loop3A_920 : i32 to index
      %parallel_loop3A_923 = arith.index_cast %parallel_loop3A_921 : i32 to index
      %parallel_loop3A_924 = arith.index_cast %parallel_loop3A_874 : i32 to index
      %parallel_loop3A_925 = tpu.vector_load %arg6[%parallel_loop3A_922, %parallel_loop3A_923, %parallel_loop3A_924] {strides = array<i32>} : memref<2x16x1024xf32, #tpu.memory_space<vmem>>, vector<1x1x16xf32>,
      %parallel_loop3A_926 = vector.shape_cast %parallel_loop3A_925 : vector<1x1x16xf32> to vector<16xf32>
      %parallel_loop3A_927 = arith.constant 1 : i32
      %parallel_loop3A_928 = arith.constant 3 : i32
      %parallel_loop3A_929 = arith.index_cast %parallel_loop3A_927 : i32 to index
      %parallel_loop3A_930 = arith.index_cast %parallel_loop3A_928 : i32 to index
      %parallel_loop3A_931 = arith.index_cast %parallel_loop3A_874 : i32 to index
      %parallel_loop3A_932 = tpu.vector_load %arg5[%parallel_loop3A_929, %parallel_loop3A_930, %parallel_loop3A_931] {strides = array<i32>} : memref<4x16x1024xf32, #tpu.memory_space<vmem>>, vector<1x1x16xf32>,
      %parallel_loop3A_933 = vector.shape_cast %parallel_loop3A_932 : vector<1x1x16xf32> to vector<16xf32>
      %parallel_loop3A_934 = vector.shape_cast %parallel_loop3A_926 : vector<16xf32> to vector<1x1x16xf32>
      tpu.vector_store %arg5[%parallel_loop3A_929, %parallel_loop3A_930, %parallel_loop3A_931], %parallel_loop3A_934 {add = true, strides = array<i32>} : memref<4x16x1024xf32, #tpu.memory_space<vmem>>, vector<1x1x16xf32>,
      %parallel_loop3A_935 = arith.constant 1 : i32
      %parallel_loop3A_936 = arith.constant 4 : i32
      %parallel_loop3A_937 = arith.index_cast %parallel_loop3A_935 : i32 to index
      %parallel_loop3A_938 = arith.index_cast %parallel_loop3A_936 : i32 to index
      %parallel_loop3A_939 = arith.index_cast %parallel_loop3A_874 : i32 to index
      %parallel_loop3A_940 = tpu.vector_load %arg6[%parallel_loop3A_937, %parallel_loop3A_938, %parallel_loop3A_939] {strides = array<i32>} : memref<2x16x1024xf32, #tpu.memory_space<vmem>>, vector<1x1x16xf32>,
      %parallel_loop3A_941 = vector.shape_cast %parallel_loop3A_940 : vector<1x1x16xf32> to vector<16xf32>
      %parallel_loop3A_942 = arith.constant 1 : i32
      %parallel_loop3A_943 = arith.constant 4 : i32
      %parallel_loop3A_944 = arith.index_cast %parallel_loop3A_942 : i32 to index
      %parallel_loop3A_945 = arith.index_cast %parallel_loop3A_943 : i32 to index
      %parallel_loop3A_946 = arith.index_cast %parallel_loop3A_874 : i32 to index
      %parallel_loop3A_947 = tpu.vector_load %arg5[%parallel_loop3A_944, %parallel_loop3A_945, %parallel_loop3A_946] {strides = array<i32>} : memref<4x16x1024xf32, #tpu.memory_space<vmem>>, vector<1x1x16xf32>,
      %parallel_loop3A_948 = vector.shape_cast %parallel_loop3A_947 : vector<1x1x16xf32> to vector<16xf32>
      %parallel_loop3A_949 = vector.shape_cast %parallel_loop3A_941 : vector<16xf32> to vector<1x1x16xf32>
      tpu.vector_store %arg5[%parallel_loop3A_944, %parallel_loop3A_945, %parallel_loop3A_946], %parallel_loop3A_949 {add = true, strides = array<i32>} : memref<4x16x1024xf32, #tpu.memory_space<vmem>>, vector<1x1x16xf32>,
      %parallel_loop3A_950 = arith.constant 1 : i32
      %parallel_loop3A_951 = arith.constant 5 : i32
      %parallel_loop3A_952 = arith.index_cast %parallel_loop3A_950 : i32 to index
      %parallel_loop3A_953 = arith.index_cast %parallel_loop3A_951 : i32 to index
      %parallel_loop3A_954 = arith.index_cast %parallel_loop3A_874 : i32 to index
      %parallel_loop3A_955 = tpu.vector_load %arg6[%parallel_loop3A_952, %parallel_loop3A_953, %parallel_loop3A_954] {strides = array<i32>} : memref<2x16x1024xf32, #tpu.memory_space<vmem>>, vector<1x1x16xf32>,
      %parallel_loop3A_956 = vector.shape_cast %parallel_loop3A_955 : vector<1x1x16xf32> to vector<16xf32>
      %parallel_loop3A_957 = arith.constant 1 : i32
      %parallel_loop3A_958 = arith.constant 5 : i32
      %parallel_loop3A_959 = arith.index_cast %parallel_loop3A_957 : i32 to index
      %parallel_loop3A_960 = arith.index_cast %parallel_loop3A_958 : i32 to index
      %parallel_loop3A_961 = arith.index_cast %parallel_loop3A_874 : i32 to index
      %parallel_loop3A_962 = tpu.vector_load %arg5[%parallel_loop3A_959, %parallel_loop3A_960, %parallel_loop3A_961] {strides = array<i32>} : memref<4x16x1024xf32, #tpu.memory_space<vmem>>, vector<1x1x16xf32>,
      %parallel_loop3A_963 = vector.shape_cast %parallel_loop3A_962 : vector<1x1x16xf32> to vector<16xf32>
      %parallel_loop3A_964 = vector.shape_cast %parallel_loop3A_956 : vector<16xf32> to vector<1x1x16xf32>
      tpu.vector_store %arg5[%parallel_loop3A_959, %parallel_loop3A_960, %parallel_loop3A_961], %parallel_loop3A_964 {add = true, strides = array<i32>} : memref<4x16x1024xf32, #tpu.memory_space<vmem>>, vector<1x1x16xf32>,
      %parallel_loop3A_965 = arith.constant 1 : i32
      %parallel_loop3A_966 = arith.constant 6 : i32
      %parallel_loop3A_967 = arith.index_cast %parallel_loop3A_965 : i32 to index
      %parallel_loop3A_968 = arith.index_cast %parallel_loop3A_966 : i32 to index
      %parallel_loop3A_969 = arith.index_cast %parallel_loop3A_874 : i32 to index
      %parallel_loop3A_970 = tpu.vector_load %arg6[%parallel_loop3A_967, %parallel_loop3A_968, %parallel_loop3A_969] {strides = array<i32>} : memref<2x16x1024xf32, #tpu.memory_space<vmem>>, vector<1x1x16xf32>,
      %parallel_loop3A_971 = vector.shape_cast %parallel_loop3A_970 : vector<1x1x16xf32> to vector<16xf32>
      %parallel_loop3A_972 = arith.constant 1 : i32
      %parallel_loop3A_973 = arith.constant 6 : i32
      %parallel_loop3A_974 = arith.index_cast %parallel_loop3A_972 : i32 to index
      %parallel_loop3A_975 = arith.index_cast %parallel_loop3A_973 : i32 to index
      %parallel_loop3A_976 = arith.index_cast %parallel_loop3A_874 : i32 to index
      %parallel_loop3A_977 = tpu.vector_load %arg5[%parallel_loop3A_974, %parallel_loop3A_975, %parallel_loop3A_976] {strides = array<i32>} : memref<4x16x1024xf32, #tpu.memory_space<vmem>>, vector<1x1x16xf32>,
      %parallel_loop3A_978 = vector.shape_cast %parallel_loop3A_977 : vector<1x1x16xf32> to vector<16xf32>
      %parallel_loop3A_979 = vector.shape_cast %parallel_loop3A_971 : vector<16xf32> to vector<1x1x16xf32>
      tpu.vector_store %arg5[%parallel_loop3A_974, %parallel_loop3A_975, %parallel_loop3A_976], %parallel_loop3A_979 {add = true, strides = array<i32>} : memref<4x16x1024xf32, #tpu.memory_space<vmem>>, vector<1x1x16xf32>,
      %parallel_loop3A_980 = arith.constant 1 : i32
      %parallel_loop3A_981 = arith.constant 7 : i32
      %parallel_loop3A_982 = arith.index_cast %parallel_loop3A_980 : i32 to index
      %parallel_loop3A_983 = arith.index_cast %parallel_loop3A_981 : i32 to index
      %parallel_loop3A_984 = arith.index_cast %parallel_loop3A_874 : i32 to index
      %parallel_loop3A_985 = tpu.vector_load %arg6[%parallel_loop3A_982, %parallel_loop3A_983, %parallel_loop3A_984] {strides = array<i32>} : memref<2x16x1024xf32, #tpu.memory_space<vmem>>, vector<1x1x16xf32>,
      %parallel_loop3A_986 = vector.shape_cast %parallel_loop3A_985 : vector<1x1x16xf32> to vector<16xf32>
      %parallel_loop3A_987 = arith.constant 1 : i32
      %parallel_loop3A_988 = arith.constant 7 : i32
      %parallel_loop3A_989 = arith.index_cast %parallel_loop3A_987 : i32 to index
      %parallel_loop3A_990 = arith.index_cast %parallel_loop3A_988 : i32 to index
      %parallel_loop3A_991 = arith.index_cast %parallel_loop3A_874 : i32 to index
      %parallel_loop3A_992 = tpu.vector_load %arg5[%parallel_loop3A_989, %parallel_loop3A_990, %parallel_loop3A_991] {strides = array<i32>} : memref<4x16x1024xf32, #tpu.memory_space<vmem>>, vector<1x1x16xf32>,
      %parallel_loop3A_993 = vector.shape_cast %parallel_loop3A_992 : vector<1x1x16xf32> to vector<16xf32>
      %parallel_loop3A_994 = vector.shape_cast %parallel_loop3A_986 : vector<16xf32> to vector<1x1x16xf32>
      tpu.vector_store %arg5[%parallel_loop3A_989, %parallel_loop3A_990, %parallel_loop3A_991], %parallel_loop3A_994 {add = true, strides = array<i32>} : memref<4x16x1024xf32, #tpu.memory_space<vmem>>, vector<1x1x16xf32>,
      %parallel_loop3A_995 = arith.constant 1 : i32
      %parallel_loop3A_996 = arith.constant 8 : i32
      %parallel_loop3A_997 = arith.index_cast %parallel_loop3A_995 : i32 to index
      %parallel_loop3A_998 = arith.index_cast %parallel_loop3A_996 : i32 to index
      %parallel_loop3A_999 = arith.index_cast %parallel_loop3A_874 : i32 to index
      %parallel_loop3A_1000 = tpu.vector_load %arg6[%parallel_loop3A_997, %parallel_loop3A_998, %parallel_loop3A_999] {strides = array<i32>} : memref<2x16x1024xf32, #tpu.memory_space<vmem>>, vector<1x1x16xf32>,
      %parallel_loop3A_1001 = vector.shape_cast %parallel_loop3A_1000 : vector<1x1x16xf32> to vector<16xf32>
      %parallel_loop3A_1002 = arith.constant 1 : i32
      %parallel_loop3A_1003 = arith.constant 8 : i32
      %parallel_loop3A_1004 = arith.index_cast %parallel_loop3A_1002 : i32 to index
      %parallel_loop3A_1005 = arith.index_cast %parallel_loop3A_1003 : i32 to index
      %parallel_loop3A_1006 = arith.index_cast %parallel_loop3A_874 : i32 to index
      %parallel_loop3A_1007 = tpu.vector_load %arg5[%parallel_loop3A_1004, %parallel_loop3A_1005, %parallel_loop3A_1006] {strides = array<i32>} : memref<4x16x1024xf32, #tpu.memory_space<vmem>>, vector<1x1x16xf32>,
      %parallel_loop3A_1008 = vector.shape_cast %parallel_loop3A_1007 : vector<1x1x16xf32> to vector<16xf32>
      %parallel_loop3A_1009 = vector.shape_cast %parallel_loop3A_1001 : vector<16xf32> to vector<1x1x16xf32>
      tpu.vector_store %arg5[%parallel_loop3A_1004, %parallel_loop3A_1005, %parallel_loop3A_1006], %parallel_loop3A_1009 {add = true, strides = array<i32>} : memref<4x16x1024xf32, #tpu.memory_space<vmem>>, vector<1x1x16xf32>,
      %parallel_loop3A_1010 = arith.constant 1 : i32
      %parallel_loop3A_1011 = arith.constant 9 : i32
      %parallel_loop3A_1012 = arith.index_cast %parallel_loop3A_1010 : i32 to index
      %parallel_loop3A_1013 = arith.index_cast %parallel_loop3A_1011 : i32 to index
      %parallel_loop3A_1014 = arith.index_cast %parallel_loop3A_874 : i32 to index
      %parallel_loop3A_1015 = tpu.vector_load %arg6[%parallel_loop3A_1012, %parallel_loop3A_1013, %parallel_loop3A_1014] {strides = array<i32>} : memref<2x16x1024xf32, #tpu.memory_space<vmem>>, vector<1x1x16xf32>,
      %parallel_loop3A_1016 = vector.shape_cast %parallel_loop3A_1015 : vector<1x1x16xf32> to vector<16xf32>
      %parallel_loop3A_1017 = arith.constant 1 : i32
      %parallel_loop3A_1018 = arith.constant 9 : i32
      %parallel_loop3A_1019 = arith.index_cast %parallel_loop3A_1017 : i32 to index
      %parallel_loop3A_1020 = arith.index_cast %parallel_loop3A_1018 : i32 to index
      %parallel_loop3A_1021 = arith.index_cast %parallel_loop3A_874 : i32 to index
      %parallel_loop3A_1022 = tpu.vector_load %arg5[%parallel_loop3A_1019, %parallel_loop3A_1020, %parallel_loop3A_1021] {strides = array<i32>} : memref<4x16x1024xf32, #tpu.memory_space<vmem>>, vector<1x1x16xf32>,
      %parallel_loop3A_1023 = vector.shape_cast %parallel_loop3A_1022 : vector<1x1x16xf32> to vector<16xf32>
      %parallel_loop3A_1024 = vector.shape_cast %parallel_loop3A_1016 : vector<16xf32> to vector<1x1x16xf32>
      tpu.vector_store %arg5[%parallel_loop3A_1019, %parallel_loop3A_1020, %parallel_loop3A_1021], %parallel_loop3A_1024 {add = true, strides = array<i32>} : memref<4x16x1024xf32, #tpu.memory_space<vmem>>, vector<1x1x16xf32>,
      %parallel_loop3A_1025 = arith.constant 1 : i32
      %parallel_loop3A_1026 = arith.constant 10 : i32
      %parallel_loop3A_1027 = arith.index_cast %parallel_loop3A_1025 : i32 to index
      %parallel_loop3A_1028 = arith.index_cast %parallel_loop3A_1026 : i32 to index
      %parallel_loop3A_1029 = arith.index_cast %parallel_loop3A_874 : i32 to index
      %parallel_loop3A_1030 = tpu.vector_load %arg6[%parallel_loop3A_1027, %parallel_loop3A_1028, %parallel_loop3A_1029] {strides = array<i32>} : memref<2x16x1024xf32, #tpu.memory_space<vmem>>, vector<1x1x16xf32>,
      %parallel_loop3A_1031 = vector.shape_cast %parallel_loop3A_1030 : vector<1x1x16xf32> to vector<16xf32>
      %parallel_loop3A_1032 = arith.constant 1 : i32
      %parallel_loop3A_1033 = arith.constant 10 : i32
      %parallel_loop3A_1034 = arith.index_cast %parallel_loop3A_1032 : i32 to index
      %parallel_loop3A_1035 = arith.index_cast %parallel_loop3A_1033 : i32 to index
      %parallel_loop3A_1036 = arith.index_cast %parallel_loop3A_874 : i32 to index
      %parallel_loop3A_1037 = tpu.vector_load %arg5[%parallel_loop3A_1034, %parallel_loop3A_1035, %parallel_loop3A_1036] {strides = array<i32>} : memref<4x16x1024xf32, #tpu.memory_space<vmem>>, vector<1x1x16xf32>,
      %parallel_loop3A_1038 = vector.shape_cast %parallel_loop3A_1037 : vector<1x1x16xf32> to vector<16xf32>
      %parallel_loop3A_1039 = vector.shape_cast %parallel_loop3A_1031 : vector<16xf32> to vector<1x1x16xf32>
      tpu.vector_store %arg5[%parallel_loop3A_1034, %parallel_loop3A_1035, %parallel_loop3A_1036], %parallel_loop3A_1039 {add = true, strides = array<i32>} : memref<4x16x1024xf32, #tpu.memory_space<vmem>>, vector<1x1x16xf32>,
      %parallel_loop3A_1040 = arith.constant 1 : i32
      %parallel_loop3A_1041 = arith.constant 11 : i32
      %parallel_loop3A_1042 = arith.index_cast %parallel_loop3A_1040 : i32 to index
      %parallel_loop3A_1043 = arith.index_cast %parallel_loop3A_1041 : i32 to index
      %parallel_loop3A_1044 = arith.index_cast %parallel_loop3A_874 : i32 to index
      %parallel_loop3A_1045 = tpu.vector_load %arg6[%parallel_loop3A_1042, %parallel_loop3A_1043, %parallel_loop3A_1044] {strides = array<i32>} : memref<2x16x1024xf32, #tpu.memory_space<vmem>>, vector<1x1x16xf32>,
      %parallel_loop3A_1046 = vector.shape_cast %parallel_loop3A_1045 : vector<1x1x16xf32> to vector<16xf32>
      %parallel_loop3A_1047 = arith.constant 1 : i32
      %parallel_loop3A_1048 = arith.constant 11 : i32
      %parallel_loop3A_1049 = arith.index_cast %parallel_loop3A_1047 : i32 to index
      %parallel_loop3A_1050 = arith.index_cast %parallel_loop3A_1048 : i32 to index
      %parallel_loop3A_1051 = arith.index_cast %parallel_loop3A_874 : i32 to index
      %parallel_loop3A_1052 = tpu.vector_load %arg5[%parallel_loop3A_1049, %parallel_loop3A_1050, %parallel_loop3A_1051] {strides = array<i32>} : memref<4x16x1024xf32, #tpu.memory_space<vmem>>, vector<1x1x16xf32>,
      %parallel_loop3A_1053 = vector.shape_cast %parallel_loop3A_1052 : vector<1x1x16xf32> to vector<16xf32>
      %parallel_loop3A_1054 = vector.shape_cast %parallel_loop3A_1046 : vector<16xf32> to vector<1x1x16xf32>
      tpu.vector_store %arg5[%parallel_loop3A_1049, %parallel_loop3A_1050, %parallel_loop3A_1051], %parallel_loop3A_1054 {add = true, strides = array<i32>} : memref<4x16x1024xf32, #tpu.memory_space<vmem>>, vector<1x1x16xf32>,
      %parallel_loop3A_1055 = arith.constant 1 : i32
      %parallel_loop3A_1056 = arith.constant 12 : i32
      %parallel_loop3A_1057 = arith.index_cast %parallel_loop3A_1055 : i32 to index
      %parallel_loop3A_1058 = arith.index_cast %parallel_loop3A_1056 : i32 to index
      %parallel_loop3A_1059 = arith.index_cast %parallel_loop3A_874 : i32 to index
      %parallel_loop3A_1060 = tpu.vector_load %arg6[%parallel_loop3A_1057, %parallel_loop3A_1058, %parallel_loop3A_1059] {strides = array<i32>} : memref<2x16x1024xf32, #tpu.memory_space<vmem>>, vector<1x1x16xf32>,
      %parallel_loop3A_1061 = vector.shape_cast %parallel_loop3A_1060 : vector<1x1x16xf32> to vector<16xf32>
      %parallel_loop3A_1062 = arith.constant 1 : i32
      %parallel_loop3A_1063 = arith.constant 12 : i32
      %parallel_loop3A_1064 = arith.index_cast %parallel_loop3A_1062 : i32 to index
      %parallel_loop3A_1065 = arith.index_cast %parallel_loop3A_1063 : i32 to index
      %parallel_loop3A_1066 = arith.index_cast %parallel_loop3A_874 : i32 to index
      %parallel_loop3A_1067 = tpu.vector_load %arg5[%parallel_loop3A_1064, %parallel_loop3A_1065, %parallel_loop3A_1066] {strides = array<i32>} : memref<4x16x1024xf32, #tpu.memory_space<vmem>>, vector<1x1x16xf32>,
      %parallel_loop3A_1068 = vector.shape_cast %parallel_loop3A_1067 : vector<1x1x16xf32> to vector<16xf32>
      %parallel_loop3A_1069 = vector.shape_cast %parallel_loop3A_1061 : vector<16xf32> to vector<1x1x16xf32>
      tpu.vector_store %arg5[%parallel_loop3A_1064, %parallel_loop3A_1065, %parallel_loop3A_1066], %parallel_loop3A_1069 {add = true, strides = array<i32>} : memref<4x16x1024xf32, #tpu.memory_space<vmem>>, vector<1x1x16xf32>,
      %parallel_loop3A_1070 = arith.constant 1 : i32
      %parallel_loop3A_1071 = arith.constant 13 : i32
      %parallel_loop3A_1072 = arith.index_cast %parallel_loop3A_1070 : i32 to index
      %parallel_loop3A_1073 = arith.index_cast %parallel_loop3A_1071 : i32 to index
      %parallel_loop3A_1074 = arith.index_cast %parallel_loop3A_874 : i32 to index
      %parallel_loop3A_1075 = tpu.vector_load %arg6[%parallel_loop3A_1072, %parallel_loop3A_1073, %parallel_loop3A_1074] {strides = array<i32>} : memref<2x16x1024xf32, #tpu.memory_space<vmem>>, vector<1x1x16xf32>,
      %parallel_loop3A_1076 = vector.shape_cast %parallel_loop3A_1075 : vector<1x1x16xf32> to vector<16xf32>
      %parallel_loop3A_1077 = arith.constant 1 : i32
      %parallel_loop3A_1078 = arith.constant 13 : i32
      %parallel_loop3A_1079 = arith.index_cast %parallel_loop3A_1077 : i32 to index
      %parallel_loop3A_1080 = arith.index_cast %parallel_loop3A_1078 : i32 to index
      %parallel_loop3A_1081 = arith.index_cast %parallel_loop3A_874 : i32 to index
      %parallel_loop3A_1082 = tpu.vector_load %arg5[%parallel_loop3A_1079, %parallel_loop3A_1080, %parallel_loop3A_1081] {strides = array<i32>} : memref<4x16x1024xf32, #tpu.memory_space<vmem>>, vector<1x1x16xf32>,
      %parallel_loop3A_1083 = vector.shape_cast %parallel_loop3A_1082 : vector<1x1x16xf32> to vector<16xf32>
      %parallel_loop3A_1084 = vector.shape_cast %parallel_loop3A_1076 : vector<16xf32> to vector<1x1x16xf32>
      tpu.vector_store %arg5[%parallel_loop3A_1079, %parallel_loop3A_1080, %parallel_loop3A_1081], %parallel_loop3A_1084 {add = true, strides = array<i32>} : memref<4x16x1024xf32, #tpu.memory_space<vmem>>, vector<1x1x16xf32>,
      %parallel_loop3A_1085 = arith.constant 1 : i32
      %parallel_loop3A_1086 = arith.constant 14 : i32
      %parallel_loop3A_1087 = arith.index_cast %parallel_loop3A_1085 : i32 to index
      %parallel_loop3A_1088 = arith.index_cast %parallel_loop3A_1086 : i32 to index
      %parallel_loop3A_1089 = arith.index_cast %parallel_loop3A_874 : i32 to index
      %parallel_loop3A_1090 = tpu.vector_load %arg6[%parallel_loop3A_1087, %parallel_loop3A_1088, %parallel_loop3A_1089] {strides = array<i32>} : memref<2x16x1024xf32, #tpu.memory_space<vmem>>, vector<1x1x16xf32>,
      %parallel_loop3A_1091 = vector.shape_cast %parallel_loop3A_1090 : vector<1x1x16xf32> to vector<16xf32>
      %parallel_loop3A_1092 = arith.constant 1 : i32
      %parallel_loop3A_1093 = arith.constant 14 : i32
      %parallel_loop3A_1094 = arith.index_cast %parallel_loop3A_1092 : i32 to index
      %parallel_loop3A_1095 = arith.index_cast %parallel_loop3A_1093 : i32 to index
      %parallel_loop3A_1096 = arith.index_cast %parallel_loop3A_874 : i32 to index
      %parallel_loop3A_1097 = tpu.vector_load %arg5[%parallel_loop3A_1094, %parallel_loop3A_1095, %parallel_loop3A_1096] {strides = array<i32>} : memref<4x16x1024xf32, #tpu.memory_space<vmem>>, vector<1x1x16xf32>,
      %parallel_loop3A_1098 = vector.shape_cast %parallel_loop3A_1097 : vector<1x1x16xf32> to vector<16xf32>
      %parallel_loop3A_1099 = vector.shape_cast %parallel_loop3A_1091 : vector<16xf32> to vector<1x1x16xf32>
      tpu.vector_store %arg5[%parallel_loop3A_1094, %parallel_loop3A_1095, %parallel_loop3A_1096], %parallel_loop3A_1099 {add = true, strides = array<i32>} : memref<4x16x1024xf32, #tpu.memory_space<vmem>>, vector<1x1x16xf32>,
      %parallel_loop3A_1100 = arith.constant 1 : i32
      %parallel_loop3A_1101 = arith.constant 15 : i32
      %parallel_loop3A_1102 = arith.index_cast %parallel_loop3A_1100 : i32 to index
      %parallel_loop3A_1103 = arith.index_cast %parallel_loop3A_1101 : i32 to index
      %parallel_loop3A_1104 = arith.index_cast %parallel_loop3A_874 : i32 to index
      %parallel_loop3A_1105 = tpu.vector_load %arg6[%parallel_loop3A_1102, %parallel_loop3A_1103, %parallel_loop3A_1104] {strides = array<i32>} : memref<2x16x1024xf32, #tpu.memory_space<vmem>>, vector<1x1x16xf32>,
      %parallel_loop3A_1106 = vector.shape_cast %parallel_loop3A_1105 : vector<1x1x16xf32> to vector<16xf32>
      %parallel_loop3A_1107 = arith.constant 1 : i32
      %parallel_loop3A_1108 = arith.constant 15 : i32
      %parallel_loop3A_1109 = arith.index_cast %parallel_loop3A_1107 : i32 to index
      %parallel_loop3A_1110 = arith.index_cast %parallel_loop3A_1108 : i32 to index
      %parallel_loop3A_1111 = arith.index_cast %parallel_loop3A_874 : i32 to index
      %parallel_loop3A_1112 = tpu.vector_load %arg5[%parallel_loop3A_1109, %parallel_loop3A_1110, %parallel_loop3A_1111] {strides = array<i32>} : memref<4x16x1024xf32, #tpu.memory_space<vmem>>, vector<1x1x16xf32>,
      %parallel_loop3A_1113 = vector.shape_cast %parallel_loop3A_1112 : vector<1x1x16xf32> to vector<16xf32>
      %parallel_loop3A_1114 = vector.shape_cast %parallel_loop3A_1106 : vector<16xf32> to vector<1x1x16xf32>
      tpu.vector_store %arg5[%parallel_loop3A_1109, %parallel_loop3A_1110, %parallel_loop3A_1111], %parallel_loop3A_1114 {add = true, strides = array<i32>} : memref<4x16x1024xf32, #tpu.memory_space<vmem>>, vector<1x1x16xf32>,
    } {sc.loop_unroll_factor = 2 : i64, sc.parallel_access}
    %add3A_660 = arith.constant 0 : i32
    %add3A_661 = arith.addi %add3A_660, %mul3A_2 : i32
    %add3A_662 = arith.constant 80 : i32
    %add3A_663 = arith.addi %add3A_661, %add3A_662 : i32
    %dma_start3A_664 = arith.constant 1 : i32
    %dma_start3A_665 = arith.constant 1 : i32
    %dma_start3A_666 = arith.constant 0 : i32
    %dma_start3A_667 = arith.constant 0 : i32
    %dma_start3A_668 = tpu.memref_slice %arg5[%dma_start3A_664, %dma_start3A_666, %dma_start3A_667] : memref<4x16x1024xf32, #tpu.memory_space<vmem>> -> memref<1x16x1024xf32, #tpu.memory_space<vmem>>
    %dma_start3A_669 = tpu.memref_squeeze %dma_start3A_668 : memref<1x16x1024xf32, #tpu.memory_space<vmem>> -> memref<16x1024xf32, #tpu.memory_space<vmem>>
    %dma_start3A_670 = arith.constant 0 : i32
    %dma_start3A_671 = tpu.memref_slice %arg4[%add3A_663, %dma_start3A_670] : memref<4096x1024xf32, #tpu.memory_space<hbm>> -> memref<16x1024xf32, #tpu.memory_space<hbm>>
    %dma_start3A_672 = tpu.memref_slice %arg9[%dma_start3A_665] : memref<4x!tpu.dma_semaphore, #tpu.memory_space<semaphore_mem>> -> memref<1x!tpu.dma_semaphore, #tpu.memory_space<semaphore_mem>>
    %dma_start3A_673 = tpu.memref_squeeze %dma_start3A_672 : memref<1x!tpu.dma_semaphore, #tpu.memory_space<semaphore_mem>> -> memref<!tpu.dma_semaphore, #tpu.memory_space<semaphore_mem>>
    %dma_start3A_674 = arith.constant 0 : i32
    %dma_start3A_675 = tpu.memref_slice %arg4[%add3A_663, %dma_start3A_674] : memref<4096x1024xf32, #tpu.memory_space<hbm>> -> memref<16x1024xf32, #tpu.memory_space<hbm>>
    %dma_start3A_676 = arith.constant 0 : i32
    %dma_start3A_677 = arith.constant 0 : i32
    %dma_start3A_678 = tpu.memref_slice %arg5[%dma_start3A_664, %dma_start3A_676, %dma_start3A_677] : memref<4x16x1024xf32, #tpu.memory_space<vmem>> -> memref<1x16x1024xf32, #tpu.memory_space<vmem>>
    %dma_start3A_679 = tpu.memref_squeeze %dma_start3A_678 : memref<1x16x1024xf32, #tpu.memory_space<vmem>> -> memref<16x1024xf32, #tpu.memory_space<vmem>>
    tpu.enqueue_dma source(%dma_start3A_679 : memref<16x1024xf32, #tpu.memory_space<vmem>>) target(%dma_start3A_675 : memref<16x1024xf32, #tpu.memory_space<hbm>>) target_semaphore(%dma_start3A_673 : memref<!tpu.dma_semaphore, #tpu.memory_space<semaphore_mem>>)
    %add3A_680 = arith.constant 112 : i32
    %add3A_681 = arith.addi %mul3A_2, %add3A_680 : i32
    %dma_start3A_682 = arith.constant 1 : i32
    %dma_start3A_683 = arith.constant 1 : i32
    %dma_start3A_684 = arith.constant 0 : i32
    %dma_start3A_685 = arith.constant 0 : i32
    %dma_start3A_686 = tpu.memref_slice %arg6[%dma_start3A_682, %dma_start3A_684, %dma_start3A_685] : memref<2x16x1024xf32, #tpu.memory_space<vmem>> -> memref<1x16x1024xf32, #tpu.memory_space<vmem>>
    %dma_start3A_687 = tpu.memref_squeeze %dma_start3A_686 : memref<1x16x1024xf32, #tpu.memory_space<vmem>> -> memref<16x1024xf32, #tpu.memory_space<vmem>>
    %dma_start3A_688 = arith.constant 0 : i32
    %dma_start3A_689 = tpu.memref_slice %arg3[%add3A_681, %dma_start3A_688] : memref<4096x1024xf32, #tpu.memory_space<hbm>> -> memref<16x1024xf32, #tpu.memory_space<hbm>>
    %dma_start3A_690 = tpu.memref_slice %arg8[%dma_start3A_683] : memref<2x!tpu.dma_semaphore, #tpu.memory_space<semaphore_mem>> -> memref<1x!tpu.dma_semaphore, #tpu.memory_space<semaphore_mem>>
    %dma_start3A_691 = tpu.memref_squeeze %dma_start3A_690 : memref<1x!tpu.dma_semaphore, #tpu.memory_space<semaphore_mem>> -> memref<!tpu.dma_semaphore, #tpu.memory_space<semaphore_mem>>
    %dma_start3A_692 = arith.constant 0 : i32
    %dma_start3A_693 = arith.constant 0 : i32
    %dma_start3A_694 = tpu.memref_slice %arg6[%dma_start3A_682, %dma_start3A_692, %dma_start3A_693] : memref<2x16x1024xf32, #tpu.memory_space<vmem>> -> memref<1x16x1024xf32, #tpu.memory_space<vmem>>
    %dma_start3A_695 = tpu.memref_squeeze %dma_start3A_694 : memref<1x16x1024xf32, #tpu.memory_space<vmem>> -> memref<16x1024xf32, #tpu.memory_space<vmem>>
    %dma_start3A_696 = arith.constant 0 : i32
    %dma_start3A_697 = tpu.memref_slice %arg3[%add3A_681, %dma_start3A_696] : memref<4096x1024xf32, #tpu.memory_space<hbm>> -> memref<16x1024xf32, #tpu.memory_space<hbm>>
    tpu.enqueue_dma source(%dma_start3A_697 : memref<16x1024xf32, #tpu.memory_space<hbm>>) target(%dma_start3A_695 : memref<16x1024xf32, #tpu.memory_space<vmem>>) target_semaphore(%dma_start3A_691 : memref<!tpu.dma_semaphore, #tpu.memory_space<semaphore_mem>>)
    %dma_wait3A_698 = arith.constant 2 : i32
    %dma_wait3A_699 = arith.constant 2 : i32
    %dma_wait3A_700 = arith.constant 0 : i32
    %dma_wait3A_701 = arith.constant 0 : i32
    %dma_wait3A_702 = tpu.memref_slice %arg5[%dma_wait3A_698, %dma_wait3A_700, %dma_wait3A_701] : memref<4x16x1024xf32, #tpu.memory_space<vmem>> -> memref<1x16x1024xf32, #tpu.memory_space<vmem>>
    %dma_wait3A_703 = tpu.memref_squeeze %dma_wait3A_702 : memref<1x16x1024xf32, #tpu.memory_space<vmem>> -> memref<16x1024xf32, #tpu.memory_space<vmem>>
    %dma_wait3A_704 = arith.constant 0 : i32
    %dma_wait3A_705 = tpu.memref_slice %arg2[%add3A_426, %dma_wait3A_704] : memref<4096x1024xf32, #tpu.memory_space<hbm>> -> memref<16x1024xf32, #tpu.memory_space<hbm>>
    %dma_wait3A_706 = tpu.memref_slice %arg7[%dma_wait3A_699] : memref<4x!tpu.dma_semaphore, #tpu.memory_space<semaphore_mem>> -> memref<1x!tpu.dma_semaphore, #tpu.memory_space<semaphore_mem>>
    %dma_wait3A_707 = tpu.memref_squeeze %dma_wait3A_706 : memref<1x!tpu.dma_semaphore, #tpu.memory_space<semaphore_mem>> -> memref<!tpu.dma_semaphore, #tpu.memory_space<semaphore_mem>>
    %dma_wait3A_708 = arith.constant 0 : i32
    %dma_wait3A_709 = arith.constant 0 : i32
    %dma_wait3A_710 = tpu.memref_slice %arg5[%dma_wait3A_698, %dma_wait3A_708, %dma_wait3A_709] : memref<4x16x1024xf32, #tpu.memory_space<vmem>> -> memref<1x16x1024xf32, #tpu.memory_space<vmem>>
    %dma_wait3A_711 = tpu.memref_squeeze %dma_wait3A_710 : memref<1x16x1024xf32, #tpu.memory_space<vmem>> -> memref<16x1024xf32, #tpu.memory_space<vmem>>
    %dma_wait3A_712 = arith.constant 0 : i32
    %dma_wait3A_713 = tpu.memref_slice %arg2[%add3A_426, %dma_wait3A_712] : memref<4096x1024xf32, #tpu.memory_space<hbm>> -> memref<16x1024xf32, #tpu.memory_space<hbm>>
    tpu.wait_dma2 semaphore(%dma_wait3A_707 : memref<!tpu.dma_semaphore, #tpu.memory_space<semaphore_mem>>) src(%dma_wait3A_713 : memref<16x1024xf32, #tpu.memory_space<hbm>>) dst(%dma_wait3A_711 : memref<16x1024xf32, #tpu.memory_space<vmem>>)
    %dma_wait3A_714 = arith.constant 0 : i32
    %dma_wait3A_715 = arith.constant 0 : i32
    %dma_wait3A_716 = arith.constant 0 : i32
    %dma_wait3A_717 = arith.constant 0 : i32
    %dma_wait3A_718 = tpu.memref_slice %arg6[%dma_wait3A_714, %dma_wait3A_716, %dma_wait3A_717] : memref<2x16x1024xf32, #tpu.memory_space<vmem>> -> memref<1x16x1024xf32, #tpu.memory_space<vmem>>
    %dma_wait3A_719 = tpu.memref_squeeze %dma_wait3A_718 : memref<1x16x1024xf32, #tpu.memory_space<vmem>> -> memref<16x1024xf32, #tpu.memory_space<vmem>>
    %dma_wait3A_720 = arith.constant 0 : i32
    %dma_wait3A_721 = tpu.memref_slice %arg3[%add3A_608, %dma_wait3A_720] : memref<4096x1024xf32, #tpu.memory_space<hbm>> -> memref<16x1024xf32, #tpu.memory_space<hbm>>
    %dma_wait3A_722 = tpu.memref_slice %arg8[%dma_wait3A_715] : memref<2x!tpu.dma_semaphore, #tpu.memory_space<semaphore_mem>> -> memref<1x!tpu.dma_semaphore, #tpu.memory_space<semaphore_mem>>
    %dma_wait3A_723 = tpu.memref_squeeze %dma_wait3A_722 : memref<1x!tpu.dma_semaphore, #tpu.memory_space<semaphore_mem>> -> memref<!tpu.dma_semaphore, #tpu.memory_space<semaphore_mem>>
    %dma_wait3A_724 = arith.constant 0 : i32
    %dma_wait3A_725 = arith.constant 0 : i32
    %dma_wait3A_726 = tpu.memref_slice %arg6[%dma_wait3A_714, %dma_wait3A_724, %dma_wait3A_725] : memref<2x16x1024xf32, #tpu.memory_space<vmem>> -> memref<1x16x1024xf32, #tpu.memory_space<vmem>>
    %dma_wait3A_727 = tpu.memref_squeeze %dma_wait3A_726 : memref<1x16x1024xf32, #tpu.memory_space<vmem>> -> memref<16x1024xf32, #tpu.memory_space<vmem>>
    %dma_wait3A_728 = arith.constant 0 : i32
    %dma_wait3A_729 = tpu.memref_slice %arg3[%add3A_608, %dma_wait3A_728] : memref<4096x1024xf32, #tpu.memory_space<hbm>> -> memref<16x1024xf32, #tpu.memory_space<hbm>>
    tpu.wait_dma2 semaphore(%dma_wait3A_723 : memref<!tpu.dma_semaphore, #tpu.memory_space<semaphore_mem>>) src(%dma_wait3A_729 : memref<16x1024xf32, #tpu.memory_space<hbm>>) dst(%dma_wait3A_727 : memref<16x1024xf32, #tpu.memory_space<vmem>>)
    %parallel_loop3A_730 = arith.constant 0 : i32
    %parallel_loop3A_731 = arith.constant 64 : i32
    %parallel_loop3A_732 = arith.constant 1 : i32
    scf.for %parallel_loop3A_872 = %parallel_loop3A_730 to %parallel_loop3A_731 step %parallel_loop3A_732  : i32 {
      %parallel_loop3A_873 = arith.constant 16 : i32
      %parallel_loop3A_874 = arith.muli %parallel_loop3A_872, %parallel_loop3A_873 : i32
      %parallel_loop3A_875 = arith.constant 0 : i32
      %parallel_loop3A_876 = arith.constant 0 : i32
      %parallel_loop3A_877 = arith.index_cast %parallel_loop3A_875 : i32 to index
      %parallel_loop3A_878 = arith.index_cast %parallel_loop3A_876 : i32 to index
      %parallel_loop3A_879 = arith.index_cast %parallel_loop3A_874 : i32 to index
      %parallel_loop3A_880 = tpu.vector_load %arg6[%parallel_loop3A_877, %parallel_loop3A_878, %parallel_loop3A_879] {strides = array<i32>} : memref<2x16x1024xf32, #tpu.memory_space<vmem>>, vector<1x1x16xf32>,
      %parallel_loop3A_881 = vector.shape_cast %parallel_loop3A_880 : vector<1x1x16xf32> to vector<16xf32>
      %parallel_loop3A_882 = arith.constant 2 : i32
      %parallel_loop3A_883 = arith.constant 0 : i32
      %parallel_loop3A_884 = arith.index_cast %parallel_loop3A_882 : i32 to index
      %parallel_loop3A_885 = arith.index_cast %parallel_loop3A_883 : i32 to index
      %parallel_loop3A_886 = arith.index_cast %parallel_loop3A_874 : i32 to index
      %parallel_loop3A_887 = tpu.vector_load %arg5[%parallel_loop3A_884, %parallel_loop3A_885, %parallel_loop3A_886] {strides = array<i32>} : memref<4x16x1024xf32, #tpu.memory_space<vmem>>, vector<1x1x16xf32>,
      %parallel_loop3A_888 = vector.shape_cast %parallel_loop3A_887 : vector<1x1x16xf32> to vector<16xf32>
      %parallel_loop3A_889 = vector.shape_cast %parallel_loop3A_881 : vector<16xf32> to vector<1x1x16xf32>
      tpu.vector_store %arg5[%parallel_loop3A_884, %parallel_loop3A_885, %parallel_loop3A_886], %parallel_loop3A_889 {add = true, strides = array<i32>} : memref<4x16x1024xf32, #tpu.memory_space<vmem>>, vector<1x1x16xf32>,
      %parallel_loop3A_890 = arith.constant 0 : i32
      %parallel_loop3A_891 = arith.constant 1 : i32
      %parallel_loop3A_892 = arith.index_cast %parallel_loop3A_890 : i32 to index
      %parallel_loop3A_893 = arith.index_cast %parallel_loop3A_891 : i32 to index
      %parallel_loop3A_894 = arith.index_cast %parallel_loop3A_874 : i32 to index
      %parallel_loop3A_895 = tpu.vector_load %arg6[%parallel_loop3A_892, %parallel_loop3A_893, %parallel_loop3A_894] {strides = array<i32>} : memref<2x16x1024xf32, #tpu.memory_space<vmem>>, vector<1x1x16xf32>,
      %parallel_loop3A_896 = vector.shape_cast %parallel_loop3A_895 : vector<1x1x16xf32> to vector<16xf32>
      %parallel_loop3A_897 = arith.constant 2 : i32
      %parallel_loop3A_898 = arith.constant 1 : i32
      %parallel_loop3A_899 = arith.index_cast %parallel_loop3A_897 : i32 to index
      %parallel_loop3A_900 = arith.index_cast %parallel_loop3A_898 : i32 to index
      %parallel_loop3A_901 = arith.index_cast %parallel_loop3A_874 : i32 to index
      %parallel_loop3A_902 = tpu.vector_load %arg5[%parallel_loop3A_899, %parallel_loop3A_900, %parallel_loop3A_901] {strides = array<i32>} : memref<4x16x1024xf32, #tpu.memory_space<vmem>>, vector<1x1x16xf32>,
      %parallel_loop3A_903 = vector.shape_cast %parallel_loop3A_902 : vector<1x1x16xf32> to vector<16xf32>
      %parallel_loop3A_904 = vector.shape_cast %parallel_loop3A_896 : vector<16xf32> to vector<1x1x16xf32>
      tpu.vector_store %arg5[%parallel_loop3A_899, %parallel_loop3A_900, %parallel_loop3A_901], %parallel_loop3A_904 {add = true, strides = array<i32>} : memref<4x16x1024xf32, #tpu.memory_space<vmem>>, vector<1x1x16xf32>,
      %parallel_loop3A_905 = arith.constant 0 : i32
      %parallel_loop3A_906 = arith.constant 2 : i32
      %parallel_loop3A_907 = arith.index_cast %parallel_loop3A_905 : i32 to index
      %parallel_loop3A_908 = arith.index_cast %parallel_loop3A_906 : i32 to index
      %parallel_loop3A_909 = arith.index_cast %parallel_loop3A_874 : i32 to index
      %parallel_loop3A_910 = tpu.vector_load %arg6[%parallel_loop3A_907, %parallel_loop3A_908, %parallel_loop3A_909] {strides = array<i32>} : memref<2x16x1024xf32, #tpu.memory_space<vmem>>, vector<1x1x16xf32>,
      %parallel_loop3A_911 = vector.shape_cast %parallel_loop3A_910 : vector<1x1x16xf32> to vector<16xf32>
      %parallel_loop3A_912 = arith.constant 2 : i32
      %parallel_loop3A_913 = arith.constant 2 : i32
      %parallel_loop3A_914 = arith.index_cast %parallel_loop3A_912 : i32 to index
      %parallel_loop3A_915 = arith.index_cast %parallel_loop3A_913 : i32 to index
      %parallel_loop3A_916 = arith.index_cast %parallel_loop3A_874 : i32 to index
      %parallel_loop3A_917 = tpu.vector_load %arg5[%parallel_loop3A_914, %parallel_loop3A_915, %parallel_loop3A_916] {strides = array<i32>} : memref<4x16x1024xf32, #tpu.memory_space<vmem>>, vector<1x1x16xf32>,
      %parallel_loop3A_918 = vector.shape_cast %parallel_loop3A_917 : vector<1x1x16xf32> to vector<16xf32>
      %parallel_loop3A_919 = vector.shape_cast %parallel_loop3A_911 : vector<16xf32> to vector<1x1x16xf32>
      tpu.vector_store %arg5[%parallel_loop3A_914, %parallel_loop3A_915, %parallel_loop3A_916], %parallel_loop3A_919 {add = true, strides = array<i32>} : memref<4x16x1024xf32, #tpu.memory_space<vmem>>, vector<1x1x16xf32>,
      %parallel_loop3A_920 = arith.constant 0 : i32
      %parallel_loop3A_921 = arith.constant 3 : i32
      %parallel_loop3A_922 = arith.index_cast %parallel_loop3A_920 : i32 to index
      %parallel_loop3A_923 = arith.index_cast %parallel_loop3A_921 : i32 to index
      %parallel_loop3A_924 = arith.index_cast %parallel_loop3A_874 : i32 to index
      %parallel_loop3A_925 = tpu.vector_load %arg6[%parallel_loop3A_922, %parallel_loop3A_923, %parallel_loop3A_924] {strides = array<i32>} : memref<2x16x1024xf32, #tpu.memory_space<vmem>>, vector<1x1x16xf32>,
      %parallel_loop3A_926 = vector.shape_cast %parallel_loop3A_925 : vector<1x1x16xf32> to vector<16xf32>
      %parallel_loop3A_927 = arith.constant 2 : i32
      %parallel_loop3A_928 = arith.constant 3 : i32
      %parallel_loop3A_929 = arith.index_cast %parallel_loop3A_927 : i32 to index
      %parallel_loop3A_930 = arith.index_cast %parallel_loop3A_928 : i32 to index
      %parallel_loop3A_931 = arith.index_cast %parallel_loop3A_874 : i32 to index
      %parallel_loop3A_932 = tpu.vector_load %arg5[%parallel_loop3A_929, %parallel_loop3A_930, %parallel_loop3A_931] {strides = array<i32>} : memref<4x16x1024xf32, #tpu.memory_space<vmem>>, vector<1x1x16xf32>,
      %parallel_loop3A_933 = vector.shape_cast %parallel_loop3A_932 : vector<1x1x16xf32> to vector<16xf32>
      %parallel_loop3A_934 = vector.shape_cast %parallel_loop3A_926 : vector<16xf32> to vector<1x1x16xf32>
      tpu.vector_store %arg5[%parallel_loop3A_929, %parallel_loop3A_930, %parallel_loop3A_931], %parallel_loop3A_934 {add = true, strides = array<i32>} : memref<4x16x1024xf32, #tpu.memory_space<vmem>>, vector<1x1x16xf32>,
      %parallel_loop3A_935 = arith.constant 0 : i32
      %parallel_loop3A_936 = arith.constant 4 : i32
      %parallel_loop3A_937 = arith.index_cast %parallel_loop3A_935 : i32 to index
      %parallel_loop3A_938 = arith.index_cast %parallel_loop3A_936 : i32 to index
      %parallel_loop3A_939 = arith.index_cast %parallel_loop3A_874 : i32 to index
      %parallel_loop3A_940 = tpu.vector_load %arg6[%parallel_loop3A_937, %parallel_loop3A_938, %parallel_loop3A_939] {strides = array<i32>} : memref<2x16x1024xf32, #tpu.memory_space<vmem>>, vector<1x1x16xf32>,
      %parallel_loop3A_941 = vector.shape_cast %parallel_loop3A_940 : vector<1x1x16xf32> to vector<16xf32>
      %parallel_loop3A_942 = arith.constant 2 : i32
      %parallel_loop3A_943 = arith.constant 4 : i32
      %parallel_loop3A_944 = arith.index_cast %parallel_loop3A_942 : i32 to index
      %parallel_loop3A_945 = arith.index_cast %parallel_loop3A_943 : i32 to index
      %parallel_loop3A_946 = arith.index_cast %parallel_loop3A_874 : i32 to index
      %parallel_loop3A_947 = tpu.vector_load %arg5[%parallel_loop3A_944, %parallel_loop3A_945, %parallel_loop3A_946] {strides = array<i32>} : memref<4x16x1024xf32, #tpu.memory_space<vmem>>, vector<1x1x16xf32>,
      %parallel_loop3A_948 = vector.shape_cast %parallel_loop3A_947 : vector<1x1x16xf32> to vector<16xf32>
      %parallel_loop3A_949 = vector.shape_cast %parallel_loop3A_941 : vector<16xf32> to vector<1x1x16xf32>
      tpu.vector_store %arg5[%parallel_loop3A_944, %parallel_loop3A_945, %parallel_loop3A_946], %parallel_loop3A_949 {add = true, strides = array<i32>} : memref<4x16x1024xf32, #tpu.memory_space<vmem>>, vector<1x1x16xf32>,
      %parallel_loop3A_950 = arith.constant 0 : i32
      %parallel_loop3A_951 = arith.constant 5 : i32
      %parallel_loop3A_952 = arith.index_cast %parallel_loop3A_950 : i32 to index
      %parallel_loop3A_953 = arith.index_cast %parallel_loop3A_951 : i32 to index
      %parallel_loop3A_954 = arith.index_cast %parallel_loop3A_874 : i32 to index
      %parallel_loop3A_955 = tpu.vector_load %arg6[%parallel_loop3A_952, %parallel_loop3A_953, %parallel_loop3A_954] {strides = array<i32>} : memref<2x16x1024xf32, #tpu.memory_space<vmem>>, vector<1x1x16xf32>,
      %parallel_loop3A_956 = vector.shape_cast %parallel_loop3A_955 : vector<1x1x16xf32> to vector<16xf32>
      %parallel_loop3A_957 = arith.constant 2 : i32
      %parallel_loop3A_958 = arith.constant 5 : i32
      %parallel_loop3A_959 = arith.index_cast %parallel_loop3A_957 : i32 to index
      %parallel_loop3A_960 = arith.index_cast %parallel_loop3A_958 : i32 to index
      %parallel_loop3A_961 = arith.index_cast %parallel_loop3A_874 : i32 to index
      %parallel_loop3A_962 = tpu.vector_load %arg5[%parallel_loop3A_959, %parallel_loop3A_960, %parallel_loop3A_961] {strides = array<i32>} : memref<4x16x1024xf32, #tpu.memory_space<vmem>>, vector<1x1x16xf32>,
      %parallel_loop3A_963 = vector.shape_cast %parallel_loop3A_962 : vector<1x1x16xf32> to vector<16xf32>
      %parallel_loop3A_964 = vector.shape_cast %parallel_loop3A_956 : vector<16xf32> to vector<1x1x16xf32>
      tpu.vector_store %arg5[%parallel_loop3A_959, %parallel_loop3A_960, %parallel_loop3A_961], %parallel_loop3A_964 {add = true, strides = array<i32>} : memref<4x16x1024xf32, #tpu.memory_space<vmem>>, vector<1x1x16xf32>,
      %parallel_loop3A_965 = arith.constant 0 : i32
      %parallel_loop3A_966 = arith.constant 6 : i32
      %parallel_loop3A_967 = arith.index_cast %parallel_loop3A_965 : i32 to index
      %parallel_loop3A_968 = arith.index_cast %parallel_loop3A_966 : i32 to index
      %parallel_loop3A_969 = arith.index_cast %parallel_loop3A_874 : i32 to index
      %parallel_loop3A_970 = tpu.vector_load %arg6[%parallel_loop3A_967, %parallel_loop3A_968, %parallel_loop3A_969] {strides = array<i32>} : memref<2x16x1024xf32, #tpu.memory_space<vmem>>, vector<1x1x16xf32>,
      %parallel_loop3A_971 = vector.shape_cast %parallel_loop3A_970 : vector<1x1x16xf32> to vector<16xf32>
      %parallel_loop3A_972 = arith.constant 2 : i32
      %parallel_loop3A_973 = arith.constant 6 : i32
      %parallel_loop3A_974 = arith.index_cast %parallel_loop3A_972 : i32 to index
      %parallel_loop3A_975 = arith.index_cast %parallel_loop3A_973 : i32 to index
      %parallel_loop3A_976 = arith.index_cast %parallel_loop3A_874 : i32 to index
      %parallel_loop3A_977 = tpu.vector_load %arg5[%parallel_loop3A_974, %parallel_loop3A_975, %parallel_loop3A_976] {strides = array<i32>} : memref<4x16x1024xf32, #tpu.memory_space<vmem>>, vector<1x1x16xf32>,
      %parallel_loop3A_978 = vector.shape_cast %parallel_loop3A_977 : vector<1x1x16xf32> to vector<16xf32>
      %parallel_loop3A_979 = vector.shape_cast %parallel_loop3A_971 : vector<16xf32> to vector<1x1x16xf32>
      tpu.vector_store %arg5[%parallel_loop3A_974, %parallel_loop3A_975, %parallel_loop3A_976], %parallel_loop3A_979 {add = true, strides = array<i32>} : memref<4x16x1024xf32, #tpu.memory_space<vmem>>, vector<1x1x16xf32>,
      %parallel_loop3A_980 = arith.constant 0 : i32
      %parallel_loop3A_981 = arith.constant 7 : i32
      %parallel_loop3A_982 = arith.index_cast %parallel_loop3A_980 : i32 to index
      %parallel_loop3A_983 = arith.index_cast %parallel_loop3A_981 : i32 to index
      %parallel_loop3A_984 = arith.index_cast %parallel_loop3A_874 : i32 to index
      %parallel_loop3A_985 = tpu.vector_load %arg6[%parallel_loop3A_982, %parallel_loop3A_983, %parallel_loop3A_984] {strides = array<i32>} : memref<2x16x1024xf32, #tpu.memory_space<vmem>>, vector<1x1x16xf32>,
      %parallel_loop3A_986 = vector.shape_cast %parallel_loop3A_985 : vector<1x1x16xf32> to vector<16xf32>
      %parallel_loop3A_987 = arith.constant 2 : i32
      %parallel_loop3A_988 = arith.constant 7 : i32
      %parallel_loop3A_989 = arith.index_cast %parallel_loop3A_987 : i32 to index
      %parallel_loop3A_990 = arith.index_cast %parallel_loop3A_988 : i32 to index
      %parallel_loop3A_991 = arith.index_cast %parallel_loop3A_874 : i32 to index
      %parallel_loop3A_992 = tpu.vector_load %arg5[%parallel_loop3A_989, %parallel_loop3A_990, %parallel_loop3A_991] {strides = array<i32>} : memref<4x16x1024xf32, #tpu.memory_space<vmem>>, vector<1x1x16xf32>,
      %parallel_loop3A_993 = vector.shape_cast %parallel_loop3A_992 : vector<1x1x16xf32> to vector<16xf32>
      %parallel_loop3A_994 = vector.shape_cast %parallel_loop3A_986 : vector<16xf32> to vector<1x1x16xf32>
      tpu.vector_store %arg5[%parallel_loop3A_989, %parallel_loop3A_990, %parallel_loop3A_991], %parallel_loop3A_994 {add = true, strides = array<i32>} : memref<4x16x1024xf32, #tpu.memory_space<vmem>>, vector<1x1x16xf32>,
      %parallel_loop3A_995 = arith.constant 0 : i32
      %parallel_loop3A_996 = arith.constant 8 : i32
      %parallel_loop3A_997 = arith.index_cast %parallel_loop3A_995 : i32 to index
      %parallel_loop3A_998 = arith.index_cast %parallel_loop3A_996 : i32 to index
      %parallel_loop3A_999 = arith.index_cast %parallel_loop3A_874 : i32 to index
      %parallel_loop3A_1000 = tpu.vector_load %arg6[%parallel_loop3A_997, %parallel_loop3A_998, %parallel_loop3A_999] {strides = array<i32>} : memref<2x16x1024xf32, #tpu.memory_space<vmem>>, vector<1x1x16xf32>,
      %parallel_loop3A_1001 = vector.shape_cast %parallel_loop3A_1000 : vector<1x1x16xf32> to vector<16xf32>
      %parallel_loop3A_1002 = arith.constant 2 : i32
      %parallel_loop3A_1003 = arith.constant 8 : i32
      %parallel_loop3A_1004 = arith.index_cast %parallel_loop3A_1002 : i32 to index
      %parallel_loop3A_1005 = arith.index_cast %parallel_loop3A_1003 : i32 to index
      %parallel_loop3A_1006 = arith.index_cast %parallel_loop3A_874 : i32 to index
      %parallel_loop3A_1007 = tpu.vector_load %arg5[%parallel_loop3A_1004, %parallel_loop3A_1005, %parallel_loop3A_1006] {strides = array<i32>} : memref<4x16x1024xf32, #tpu.memory_space<vmem>>, vector<1x1x16xf32>,
      %parallel_loop3A_1008 = vector.shape_cast %parallel_loop3A_1007 : vector<1x1x16xf32> to vector<16xf32>
      %parallel_loop3A_1009 = vector.shape_cast %parallel_loop3A_1001 : vector<16xf32> to vector<1x1x16xf32>
      tpu.vector_store %arg5[%parallel_loop3A_1004, %parallel_loop3A_1005, %parallel_loop3A_1006], %parallel_loop3A_1009 {add = true, strides = array<i32>} : memref<4x16x1024xf32, #tpu.memory_space<vmem>>, vector<1x1x16xf32>,
      %parallel_loop3A_1010 = arith.constant 0 : i32
      %parallel_loop3A_1011 = arith.constant 9 : i32
      %parallel_loop3A_1012 = arith.index_cast %parallel_loop3A_1010 : i32 to index
      %parallel_loop3A_1013 = arith.index_cast %parallel_loop3A_1011 : i32 to index
      %parallel_loop3A_1014 = arith.index_cast %parallel_loop3A_874 : i32 to index
      %parallel_loop3A_1015 = tpu.vector_load %arg6[%parallel_loop3A_1012, %parallel_loop3A_1013, %parallel_loop3A_1014] {strides = array<i32>} : memref<2x16x1024xf32, #tpu.memory_space<vmem>>, vector<1x1x16xf32>,
      %parallel_loop3A_1016 = vector.shape_cast %parallel_loop3A_1015 : vector<1x1x16xf32> to vector<16xf32>
      %parallel_loop3A_1017 = arith.constant 2 : i32
      %parallel_loop3A_1018 = arith.constant 9 : i32
      %parallel_loop3A_1019 = arith.index_cast %parallel_loop3A_1017 : i32 to index
      %parallel_loop3A_1020 = arith.index_cast %parallel_loop3A_1018 : i32 to index
      %parallel_loop3A_1021 = arith.index_cast %parallel_loop3A_874 : i32 to index
      %parallel_loop3A_1022 = tpu.vector_load %arg5[%parallel_loop3A_1019, %parallel_loop3A_1020, %parallel_loop3A_1021] {strides = array<i32>} : memref<4x16x1024xf32, #tpu.memory_space<vmem>>, vector<1x1x16xf32>,
      %parallel_loop3A_1023 = vector.shape_cast %parallel_loop3A_1022 : vector<1x1x16xf32> to vector<16xf32>
      %parallel_loop3A_1024 = vector.shape_cast %parallel_loop3A_1016 : vector<16xf32> to vector<1x1x16xf32>
      tpu.vector_store %arg5[%parallel_loop3A_1019, %parallel_loop3A_1020, %parallel_loop3A_1021], %parallel_loop3A_1024 {add = true, strides = array<i32>} : memref<4x16x1024xf32, #tpu.memory_space<vmem>>, vector<1x1x16xf32>,
      %parallel_loop3A_1025 = arith.constant 0 : i32
      %parallel_loop3A_1026 = arith.constant 10 : i32
      %parallel_loop3A_1027 = arith.index_cast %parallel_loop3A_1025 : i32 to index
      %parallel_loop3A_1028 = arith.index_cast %parallel_loop3A_1026 : i32 to index
      %parallel_loop3A_1029 = arith.index_cast %parallel_loop3A_874 : i32 to index
      %parallel_loop3A_1030 = tpu.vector_load %arg6[%parallel_loop3A_1027, %parallel_loop3A_1028, %parallel_loop3A_1029] {strides = array<i32>} : memref<2x16x1024xf32, #tpu.memory_space<vmem>>, vector<1x1x16xf32>,
      %parallel_loop3A_1031 = vector.shape_cast %parallel_loop3A_1030 : vector<1x1x16xf32> to vector<16xf32>
      %parallel_loop3A_1032 = arith.constant 2 : i32
      %parallel_loop3A_1033 = arith.constant 10 : i32
      %parallel_loop3A_1034 = arith.index_cast %parallel_loop3A_1032 : i32 to index
      %parallel_loop3A_1035 = arith.index_cast %parallel_loop3A_1033 : i32 to index
      %parallel_loop3A_1036 = arith.index_cast %parallel_loop3A_874 : i32 to index
      %parallel_loop3A_1037 = tpu.vector_load %arg5[%parallel_loop3A_1034, %parallel_loop3A_1035, %parallel_loop3A_1036] {strides = array<i32>} : memref<4x16x1024xf32, #tpu.memory_space<vmem>>, vector<1x1x16xf32>,
      %parallel_loop3A_1038 = vector.shape_cast %parallel_loop3A_1037 : vector<1x1x16xf32> to vector<16xf32>
      %parallel_loop3A_1039 = vector.shape_cast %parallel_loop3A_1031 : vector<16xf32> to vector<1x1x16xf32>
      tpu.vector_store %arg5[%parallel_loop3A_1034, %parallel_loop3A_1035, %parallel_loop3A_1036], %parallel_loop3A_1039 {add = true, strides = array<i32>} : memref<4x16x1024xf32, #tpu.memory_space<vmem>>, vector<1x1x16xf32>,
      %parallel_loop3A_1040 = arith.constant 0 : i32
      %parallel_loop3A_1041 = arith.constant 11 : i32
      %parallel_loop3A_1042 = arith.index_cast %parallel_loop3A_1040 : i32 to index
      %parallel_loop3A_1043 = arith.index_cast %parallel_loop3A_1041 : i32 to index
      %parallel_loop3A_1044 = arith.index_cast %parallel_loop3A_874 : i32 to index
      %parallel_loop3A_1045 = tpu.vector_load %arg6[%parallel_loop3A_1042, %parallel_loop3A_1043, %parallel_loop3A_1044] {strides = array<i32>} : memref<2x16x1024xf32, #tpu.memory_space<vmem>>, vector<1x1x16xf32>,
      %parallel_loop3A_1046 = vector.shape_cast %parallel_loop3A_1045 : vector<1x1x16xf32> to vector<16xf32>
      %parallel_loop3A_1047 = arith.constant 2 : i32
      %parallel_loop3A_1048 = arith.constant 11 : i32
      %parallel_loop3A_1049 = arith.index_cast %parallel_loop3A_1047 : i32 to index
      %parallel_loop3A_1050 = arith.index_cast %parallel_loop3A_1048 : i32 to index
      %parallel_loop3A_1051 = arith.index_cast %parallel_loop3A_874 : i32 to index
      %parallel_loop3A_1052 = tpu.vector_load %arg5[%parallel_loop3A_1049, %parallel_loop3A_1050, %parallel_loop3A_1051] {strides = array<i32>} : memref<4x16x1024xf32, #tpu.memory_space<vmem>>, vector<1x1x16xf32>,
      %parallel_loop3A_1053 = vector.shape_cast %parallel_loop3A_1052 : vector<1x1x16xf32> to vector<16xf32>
      %parallel_loop3A_1054 = vector.shape_cast %parallel_loop3A_1046 : vector<16xf32> to vector<1x1x16xf32>
      tpu.vector_store %arg5[%parallel_loop3A_1049, %parallel_loop3A_1050, %parallel_loop3A_1051], %parallel_loop3A_1054 {add = true, strides = array<i32>} : memref<4x16x1024xf32, #tpu.memory_space<vmem>>, vector<1x1x16xf32>,
      %parallel_loop3A_1055 = arith.constant 0 : i32
      %parallel_loop3A_1056 = arith.constant 12 : i32
      %parallel_loop3A_1057 = arith.index_cast %parallel_loop3A_1055 : i32 to index
      %parallel_loop3A_1058 = arith.index_cast %parallel_loop3A_1056 : i32 to index
      %parallel_loop3A_1059 = arith.index_cast %parallel_loop3A_874 : i32 to index
      %parallel_loop3A_1060 = tpu.vector_load %arg6[%parallel_loop3A_1057, %parallel_loop3A_1058, %parallel_loop3A_1059] {strides = array<i32>} : memref<2x16x1024xf32, #tpu.memory_space<vmem>>, vector<1x1x16xf32>,
      %parallel_loop3A_1061 = vector.shape_cast %parallel_loop3A_1060 : vector<1x1x16xf32> to vector<16xf32>
      %parallel_loop3A_1062 = arith.constant 2 : i32
      %parallel_loop3A_1063 = arith.constant 12 : i32
      %parallel_loop3A_1064 = arith.index_cast %parallel_loop3A_1062 : i32 to index
      %parallel_loop3A_1065 = arith.index_cast %parallel_loop3A_1063 : i32 to index
      %parallel_loop3A_1066 = arith.index_cast %parallel_loop3A_874 : i32 to index
      %parallel_loop3A_1067 = tpu.vector_load %arg5[%parallel_loop3A_1064, %parallel_loop3A_1065, %parallel_loop3A_1066] {strides = array<i32>} : memref<4x16x1024xf32, #tpu.memory_space<vmem>>, vector<1x1x16xf32>,
      %parallel_loop3A_1068 = vector.shape_cast %parallel_loop3A_1067 : vector<1x1x16xf32> to vector<16xf32>
      %parallel_loop3A_1069 = vector.shape_cast %parallel_loop3A_1061 : vector<16xf32> to vector<1x1x16xf32>
      tpu.vector_store %arg5[%parallel_loop3A_1064, %parallel_loop3A_1065, %parallel_loop3A_1066], %parallel_loop3A_1069 {add = true, strides = array<i32>} : memref<4x16x1024xf32, #tpu.memory_space<vmem>>, vector<1x1x16xf32>,
      %parallel_loop3A_1070 = arith.constant 0 : i32
      %parallel_loop3A_1071 = arith.constant 13 : i32
      %parallel_loop3A_1072 = arith.index_cast %parallel_loop3A_1070 : i32 to index
      %parallel_loop3A_1073 = arith.index_cast %parallel_loop3A_1071 : i32 to index
      %parallel_loop3A_1074 = arith.index_cast %parallel_loop3A_874 : i32 to index
      %parallel_loop3A_1075 = tpu.vector_load %arg6[%parallel_loop3A_1072, %parallel_loop3A_1073, %parallel_loop3A_1074] {strides = array<i32>} : memref<2x16x1024xf32, #tpu.memory_space<vmem>>, vector<1x1x16xf32>,
      %parallel_loop3A_1076 = vector.shape_cast %parallel_loop3A_1075 : vector<1x1x16xf32> to vector<16xf32>
      %parallel_loop3A_1077 = arith.constant 2 : i32
      %parallel_loop3A_1078 = arith.constant 13 : i32
      %parallel_loop3A_1079 = arith.index_cast %parallel_loop3A_1077 : i32 to index
      %parallel_loop3A_1080 = arith.index_cast %parallel_loop3A_1078 : i32 to index
      %parallel_loop3A_1081 = arith.index_cast %parallel_loop3A_874 : i32 to index
      %parallel_loop3A_1082 = tpu.vector_load %arg5[%parallel_loop3A_1079, %parallel_loop3A_1080, %parallel_loop3A_1081] {strides = array<i32>} : memref<4x16x1024xf32, #tpu.memory_space<vmem>>, vector<1x1x16xf32>,
      %parallel_loop3A_1083 = vector.shape_cast %parallel_loop3A_1082 : vector<1x1x16xf32> to vector<16xf32>
      %parallel_loop3A_1084 = vector.shape_cast %parallel_loop3A_1076 : vector<16xf32> to vector<1x1x16xf32>
      tpu.vector_store %arg5[%parallel_loop3A_1079, %parallel_loop3A_1080, %parallel_loop3A_1081], %parallel_loop3A_1084 {add = true, strides = array<i32>} : memref<4x16x1024xf32, #tpu.memory_space<vmem>>, vector<1x1x16xf32>,
      %parallel_loop3A_1085 = arith.constant 0 : i32
      %parallel_loop3A_1086 = arith.constant 14 : i32
      %parallel_loop3A_1087 = arith.index_cast %parallel_loop3A_1085 : i32 to index
      %parallel_loop3A_1088 = arith.index_cast %parallel_loop3A_1086 : i32 to index
      %parallel_loop3A_1089 = arith.index_cast %parallel_loop3A_874 : i32 to index
      %parallel_loop3A_1090 = tpu.vector_load %arg6[%parallel_loop3A_1087, %parallel_loop3A_1088, %parallel_loop3A_1089] {strides = array<i32>} : memref<2x16x1024xf32, #tpu.memory_space<vmem>>, vector<1x1x16xf32>,
      %parallel_loop3A_1091 = vector.shape_cast %parallel_loop3A_1090 : vector<1x1x16xf32> to vector<16xf32>
      %parallel_loop3A_1092 = arith.constant 2 : i32
      %parallel_loop3A_1093 = arith.constant 14 : i32
      %parallel_loop3A_1094 = arith.index_cast %parallel_loop3A_1092 : i32 to index
      %parallel_loop3A_1095 = arith.index_cast %parallel_loop3A_1093 : i32 to index
      %parallel_loop3A_1096 = arith.index_cast %parallel_loop3A_874 : i32 to index
      %parallel_loop3A_1097 = tpu.vector_load %arg5[%parallel_loop3A_1094, %parallel_loop3A_1095, %parallel_loop3A_1096] {strides = array<i32>} : memref<4x16x1024xf32, #tpu.memory_space<vmem>>, vector<1x1x16xf32>,
      %parallel_loop3A_1098 = vector.shape_cast %parallel_loop3A_1097 : vector<1x1x16xf32> to vector<16xf32>
      %parallel_loop3A_1099 = vector.shape_cast %parallel_loop3A_1091 : vector<16xf32> to vector<1x1x16xf32>
      tpu.vector_store %arg5[%parallel_loop3A_1094, %parallel_loop3A_1095, %parallel_loop3A_1096], %parallel_loop3A_1099 {add = true, strides = array<i32>} : memref<4x16x1024xf32, #tpu.memory_space<vmem>>, vector<1x1x16xf32>,
      %parallel_loop3A_1100 = arith.constant 0 : i32
      %parallel_loop3A_1101 = arith.constant 15 : i32
      %parallel_loop3A_1102 = arith.index_cast %parallel_loop3A_1100 : i32 to index
      %parallel_loop3A_1103 = arith.index_cast %parallel_loop3A_1101 : i32 to index
      %parallel_loop3A_1104 = arith.index_cast %parallel_loop3A_874 : i32 to index
      %parallel_loop3A_1105 = tpu.vector_load %arg6[%parallel_loop3A_1102, %parallel_loop3A_1103, %parallel_loop3A_1104] {strides = array<i32>} : memref<2x16x1024xf32, #tpu.memory_space<vmem>>, vector<1x1x16xf32>,
      %parallel_loop3A_1106 = vector.shape_cast %parallel_loop3A_1105 : vector<1x1x16xf32> to vector<16xf32>
      %parallel_loop3A_1107 = arith.constant 2 : i32
      %parallel_loop3A_1108 = arith.constant 15 : i32
      %parallel_loop3A_1109 = arith.index_cast %parallel_loop3A_1107 : i32 to index
      %parallel_loop3A_1110 = arith.index_cast %parallel_loop3A_1108 : i32 to index
      %parallel_loop3A_1111 = arith.index_cast %parallel_loop3A_874 : i32 to index
      %parallel_loop3A_1112 = tpu.vector_load %arg5[%parallel_loop3A_1109, %parallel_loop3A_1110, %parallel_loop3A_1111] {strides = array<i32>} : memref<4x16x1024xf32, #tpu.memory_space<vmem>>, vector<1x1x16xf32>,
      %parallel_loop3A_1113 = vector.shape_cast %parallel_loop3A_1112 : vector<1x1x16xf32> to vector<16xf32>
      %parallel_loop3A_1114 = vector.shape_cast %parallel_loop3A_1106 : vector<16xf32> to vector<1x1x16xf32>
      tpu.vector_store %arg5[%parallel_loop3A_1109, %parallel_loop3A_1110, %parallel_loop3A_1111], %parallel_loop3A_1114 {add = true, strides = array<i32>} : memref<4x16x1024xf32, #tpu.memory_space<vmem>>, vector<1x1x16xf32>,
    } {sc.loop_unroll_factor = 2 : i64, sc.parallel_access}
    %add3A_733 = arith.constant 0 : i32
    %add3A_734 = arith.addi %add3A_733, %mul3A_2 : i32
    %add3A_735 = arith.constant 96 : i32
    %add3A_736 = arith.addi %add3A_734, %add3A_735 : i32
    %dma_start3A_737 = arith.constant 2 : i32
    %dma_start3A_738 = arith.constant 2 : i32
    %dma_start3A_739 = arith.constant 0 : i32
    %dma_start3A_740 = arith.constant 0 : i32
    %dma_start3A_741 = tpu.memref_slice %arg5[%dma_start3A_737, %dma_start3A_739, %dma_start3A_740] : memref<4x16x1024xf32, #tpu.memory_space<vmem>> -> memref<1x16x1024xf32, #tpu.memory_space<vmem>>
    %dma_start3A_742 = tpu.memref_squeeze %dma_start3A_741 : memref<1x16x1024xf32, #tpu.memory_space<vmem>> -> memref<16x1024xf32, #tpu.memory_space<vmem>>
    %dma_start3A_743 = arith.constant 0 : i32
    %dma_start3A_744 = tpu.memref_slice %arg4[%add3A_736, %dma_start3A_743] : memref<4096x1024xf32, #tpu.memory_space<hbm>> -> memref<16x1024xf32, #tpu.memory_space<hbm>>
    %dma_start3A_745 = tpu.memref_slice %arg9[%dma_start3A_738] : memref<4x!tpu.dma_semaphore, #tpu.memory_space<semaphore_mem>> -> memref<1x!tpu.dma_semaphore, #tpu.memory_space<semaphore_mem>>
    %dma_start3A_746 = tpu.memref_squeeze %dma_start3A_745 : memref<1x!tpu.dma_semaphore, #tpu.memory_space<semaphore_mem>> -> memref<!tpu.dma_semaphore, #tpu.memory_space<semaphore_mem>>
    %dma_start3A_747 = arith.constant 0 : i32
    %dma_start3A_748 = tpu.memref_slice %arg4[%add3A_736, %dma_start3A_747] : memref<4096x1024xf32, #tpu.memory_space<hbm>> -> memref<16x1024xf32, #tpu.memory_space<hbm>>
    %dma_start3A_749 = arith.constant 0 : i32
    %dma_start3A_750 = arith.constant 0 : i32
    %dma_start3A_751 = tpu.memref_slice %arg5[%dma_start3A_737, %dma_start3A_749, %dma_start3A_750] : memref<4x16x1024xf32, #tpu.memory_space<vmem>> -> memref<1x16x1024xf32, #tpu.memory_space<vmem>>
    %dma_start3A_752 = tpu.memref_squeeze %dma_start3A_751 : memref<1x16x1024xf32, #tpu.memory_space<vmem>> -> memref<16x1024xf32, #tpu.memory_space<vmem>>
    tpu.enqueue_dma source(%dma_start3A_752 : memref<16x1024xf32, #tpu.memory_space<vmem>>) target(%dma_start3A_748 : memref<16x1024xf32, #tpu.memory_space<hbm>>) target_semaphore(%dma_start3A_746 : memref<!tpu.dma_semaphore, #tpu.memory_space<semaphore_mem>>)
    %dma_wait3A_753 = arith.constant 3 : i32
    %dma_wait3A_754 = arith.constant 3 : i32
    %dma_wait3A_755 = arith.constant 0 : i32
    %dma_wait3A_756 = arith.constant 0 : i32
    %dma_wait3A_757 = tpu.memref_slice %arg5[%dma_wait3A_753, %dma_wait3A_755, %dma_wait3A_756] : memref<4x16x1024xf32, #tpu.memory_space<vmem>> -> memref<1x16x1024xf32, #tpu.memory_space<vmem>>
    %dma_wait3A_758 = tpu.memref_squeeze %dma_wait3A_757 : memref<1x16x1024xf32, #tpu.memory_space<vmem>> -> memref<16x1024xf32, #tpu.memory_space<vmem>>
    %dma_wait3A_759 = arith.constant 0 : i32
    %dma_wait3A_760 = tpu.memref_slice %arg2[%add3A_535, %dma_wait3A_759] : memref<4096x1024xf32, #tpu.memory_space<hbm>> -> memref<16x1024xf32, #tpu.memory_space<hbm>>
    %dma_wait3A_761 = tpu.memref_slice %arg7[%dma_wait3A_754] : memref<4x!tpu.dma_semaphore, #tpu.memory_space<semaphore_mem>> -> memref<1x!tpu.dma_semaphore, #tpu.memory_space<semaphore_mem>>
    %dma_wait3A_762 = tpu.memref_squeeze %dma_wait3A_761 : memref<1x!tpu.dma_semaphore, #tpu.memory_space<semaphore_mem>> -> memref<!tpu.dma_semaphore, #tpu.memory_space<semaphore_mem>>
    %dma_wait3A_763 = arith.constant 0 : i32
    %dma_wait3A_764 = arith.constant 0 : i32
    %dma_wait3A_765 = tpu.memref_slice %arg5[%dma_wait3A_753, %dma_wait3A_763, %dma_wait3A_764] : memref<4x16x1024xf32, #tpu.memory_space<vmem>> -> memref<1x16x1024xf32, #tpu.memory_space<vmem>>
    %dma_wait3A_766 = tpu.memref_squeeze %dma_wait3A_765 : memref<1x16x1024xf32, #tpu.memory_space<vmem>> -> memref<16x1024xf32, #tpu.memory_space<vmem>>
    %dma_wait3A_767 = arith.constant 0 : i32
    %dma_wait3A_768 = tpu.memref_slice %arg2[%add3A_535, %dma_wait3A_767] : memref<4096x1024xf32, #tpu.memory_space<hbm>> -> memref<16x1024xf32, #tpu.memory_space<hbm>>
    tpu.wait_dma2 semaphore(%dma_wait3A_762 : memref<!tpu.dma_semaphore, #tpu.memory_space<semaphore_mem>>) src(%dma_wait3A_768 : memref<16x1024xf32, #tpu.memory_space<hbm>>) dst(%dma_wait3A_766 : memref<16x1024xf32, #tpu.memory_space<vmem>>)
    %dma_wait3A_769 = arith.constant 1 : i32
    %dma_wait3A_770 = arith.constant 1 : i32
    %dma_wait3A_771 = arith.constant 0 : i32
    %dma_wait3A_772 = arith.constant 0 : i32
    %dma_wait3A_773 = tpu.memref_slice %arg6[%dma_wait3A_769, %dma_wait3A_771, %dma_wait3A_772] : memref<2x16x1024xf32, #tpu.memory_space<vmem>> -> memref<1x16x1024xf32, #tpu.memory_space<vmem>>
    %dma_wait3A_774 = tpu.memref_squeeze %dma_wait3A_773 : memref<1x16x1024xf32, #tpu.memory_space<vmem>> -> memref<16x1024xf32, #tpu.memory_space<vmem>>
    %dma_wait3A_775 = arith.constant 0 : i32
    %dma_wait3A_776 = tpu.memref_slice %arg3[%add3A_681, %dma_wait3A_775] : memref<4096x1024xf32, #tpu.memory_space<hbm>> -> memref<16x1024xf32, #tpu.memory_space<hbm>>
    %dma_wait3A_777 = tpu.memref_slice %arg8[%dma_wait3A_770] : memref<2x!tpu.dma_semaphore, #tpu.memory_space<semaphore_mem>> -> memref<1x!tpu.dma_semaphore, #tpu.memory_space<semaphore_mem>>
    %dma_wait3A_778 = tpu.memref_squeeze %dma_wait3A_777 : memref<1x!tpu.dma_semaphore, #tpu.memory_space<semaphore_mem>> -> memref<!tpu.dma_semaphore, #tpu.memory_space<semaphore_mem>>
    %dma_wait3A_779 = arith.constant 0 : i32
    %dma_wait3A_780 = arith.constant 0 : i32
    %dma_wait3A_781 = tpu.memref_slice %arg6[%dma_wait3A_769, %dma_wait3A_779, %dma_wait3A_780] : memref<2x16x1024xf32, #tpu.memory_space<vmem>> -> memref<1x16x1024xf32, #tpu.memory_space<vmem>>
    %dma_wait3A_782 = tpu.memref_squeeze %dma_wait3A_781 : memref<1x16x1024xf32, #tpu.memory_space<vmem>> -> memref<16x1024xf32, #tpu.memory_space<vmem>>
    %dma_wait3A_783 = arith.constant 0 : i32
    %dma_wait3A_784 = tpu.memref_slice %arg3[%add3A_681, %dma_wait3A_783] : memref<4096x1024xf32, #tpu.memory_space<hbm>> -> memref<16x1024xf32, #tpu.memory_space<hbm>>
    tpu.wait_dma2 semaphore(%dma_wait3A_778 : memref<!tpu.dma_semaphore, #tpu.memory_space<semaphore_mem>>) src(%dma_wait3A_784 : memref<16x1024xf32, #tpu.memory_space<hbm>>) dst(%dma_wait3A_782 : memref<16x1024xf32, #tpu.memory_space<vmem>>)
    %parallel_loop3A_785 = arith.constant 0 : i32
    %parallel_loop3A_786 = arith.constant 64 : i32
    %parallel_loop3A_787 = arith.constant 1 : i32
    scf.for %parallel_loop3A_872 = %parallel_loop3A_785 to %parallel_loop3A_786 step %parallel_loop3A_787  : i32 {
      %parallel_loop3A_873 = arith.constant 16 : i32
      %parallel_loop3A_874 = arith.muli %parallel_loop3A_872, %parallel_loop3A_873 : i32
      %parallel_loop3A_875 = arith.constant 1 : i32
      %parallel_loop3A_876 = arith.constant 0 : i32
      %parallel_loop3A_877 = arith.index_cast %parallel_loop3A_875 : i32 to index
      %parallel_loop3A_878 = arith.index_cast %parallel_loop3A_876 : i32 to index
      %parallel_loop3A_879 = arith.index_cast %parallel_loop3A_874 : i32 to index
      %parallel_loop3A_880 = tpu.vector_load %arg6[%parallel_loop3A_877, %parallel_loop3A_878, %parallel_loop3A_879] {strides = array<i32>} : memref<2x16x1024xf32, #tpu.memory_space<vmem>>, vector<1x1x16xf32>,
      %parallel_loop3A_881 = vector.shape_cast %parallel_loop3A_880 : vector<1x1x16xf32> to vector<16xf32>
      %parallel_loop3A_882 = arith.constant 3 : i32
      %parallel_loop3A_883 = arith.constant 0 : i32
      %parallel_loop3A_884 = arith.index_cast %parallel_loop3A_882 : i32 to index
      %parallel_loop3A_885 = arith.index_cast %parallel_loop3A_883 : i32 to index
      %parallel_loop3A_886 = arith.index_cast %parallel_loop3A_874 : i32 to index
      %parallel_loop3A_887 = tpu.vector_load %arg5[%parallel_loop3A_884, %parallel_loop3A_885, %parallel_loop3A_886] {strides = array<i32>} : memref<4x16x1024xf32, #tpu.memory_space<vmem>>, vector<1x1x16xf32>,
      %parallel_loop3A_888 = vector.shape_cast %parallel_loop3A_887 : vector<1x1x16xf32> to vector<16xf32>
      %parallel_loop3A_889 = vector.shape_cast %parallel_loop3A_881 : vector<16xf32> to vector<1x1x16xf32>
      tpu.vector_store %arg5[%parallel_loop3A_884, %parallel_loop3A_885, %parallel_loop3A_886], %parallel_loop3A_889 {add = true, strides = array<i32>} : memref<4x16x1024xf32, #tpu.memory_space<vmem>>, vector<1x1x16xf32>,
      %parallel_loop3A_890 = arith.constant 1 : i32
      %parallel_loop3A_891 = arith.constant 1 : i32
      %parallel_loop3A_892 = arith.index_cast %parallel_loop3A_890 : i32 to index
      %parallel_loop3A_893 = arith.index_cast %parallel_loop3A_891 : i32 to index
      %parallel_loop3A_894 = arith.index_cast %parallel_loop3A_874 : i32 to index
      %parallel_loop3A_895 = tpu.vector_load %arg6[%parallel_loop3A_892, %parallel_loop3A_893, %parallel_loop3A_894] {strides = array<i32>} : memref<2x16x1024xf32, #tpu.memory_space<vmem>>, vector<1x1x16xf32>,
      %parallel_loop3A_896 = vector.shape_cast %parallel_loop3A_895 : vector<1x1x16xf32> to vector<16xf32>
      %parallel_loop3A_897 = arith.constant 3 : i32
      %parallel_loop3A_898 = arith.constant 1 : i32
      %parallel_loop3A_899 = arith.index_cast %parallel_loop3A_897 : i32 to index
      %parallel_loop3A_900 = arith.index_cast %parallel_loop3A_898 : i32 to index
      %parallel_loop3A_901 = arith.index_cast %parallel_loop3A_874 : i32 to index
      %parallel_loop3A_902 = tpu.vector_load %arg5[%parallel_loop3A_899, %parallel_loop3A_900, %parallel_loop3A_901] {strides = array<i32>} : memref<4x16x1024xf32, #tpu.memory_space<vmem>>, vector<1x1x16xf32>,
      %parallel_loop3A_903 = vector.shape_cast %parallel_loop3A_902 : vector<1x1x16xf32> to vector<16xf32>
      %parallel_loop3A_904 = vector.shape_cast %parallel_loop3A_896 : vector<16xf32> to vector<1x1x16xf32>
      tpu.vector_store %arg5[%parallel_loop3A_899, %parallel_loop3A_900, %parallel_loop3A_901], %parallel_loop3A_904 {add = true, strides = array<i32>} : memref<4x16x1024xf32, #tpu.memory_space<vmem>>, vector<1x1x16xf32>,
      %parallel_loop3A_905 = arith.constant 1 : i32
      %parallel_loop3A_906 = arith.constant 2 : i32
      %parallel_loop3A_907 = arith.index_cast %parallel_loop3A_905 : i32 to index
      %parallel_loop3A_908 = arith.index_cast %parallel_loop3A_906 : i32 to index
      %parallel_loop3A_909 = arith.index_cast %parallel_loop3A_874 : i32 to index
      %parallel_loop3A_910 = tpu.vector_load %arg6[%parallel_loop3A_907, %parallel_loop3A_908, %parallel_loop3A_909] {strides = array<i32>} : memref<2x16x1024xf32, #tpu.memory_space<vmem>>, vector<1x1x16xf32>,
      %parallel_loop3A_911 = vector.shape_cast %parallel_loop3A_910 : vector<1x1x16xf32> to vector<16xf32>
      %parallel_loop3A_912 = arith.constant 3 : i32
      %parallel_loop3A_913 = arith.constant 2 : i32
      %parallel_loop3A_914 = arith.index_cast %parallel_loop3A_912 : i32 to index
      %parallel_loop3A_915 = arith.index_cast %parallel_loop3A_913 : i32 to index
      %parallel_loop3A_916 = arith.index_cast %parallel_loop3A_874 : i32 to index
      %parallel_loop3A_917 = tpu.vector_load %arg5[%parallel_loop3A_914, %parallel_loop3A_915, %parallel_loop3A_916] {strides = array<i32>} : memref<4x16x1024xf32, #tpu.memory_space<vmem>>, vector<1x1x16xf32>,
      %parallel_loop3A_918 = vector.shape_cast %parallel_loop3A_917 : vector<1x1x16xf32> to vector<16xf32>
      %parallel_loop3A_919 = vector.shape_cast %parallel_loop3A_911 : vector<16xf32> to vector<1x1x16xf32>
      tpu.vector_store %arg5[%parallel_loop3A_914, %parallel_loop3A_915, %parallel_loop3A_916], %parallel_loop3A_919 {add = true, strides = array<i32>} : memref<4x16x1024xf32, #tpu.memory_space<vmem>>, vector<1x1x16xf32>,
      %parallel_loop3A_920 = arith.constant 1 : i32
      %parallel_loop3A_921 = arith.constant 3 : i32
      %parallel_loop3A_922 = arith.index_cast %parallel_loop3A_920 : i32 to index
      %parallel_loop3A_923 = arith.index_cast %parallel_loop3A_921 : i32 to index
      %parallel_loop3A_924 = arith.index_cast %parallel_loop3A_874 : i32 to index
      %parallel_loop3A_925 = tpu.vector_load %arg6[%parallel_loop3A_922, %parallel_loop3A_923, %parallel_loop3A_924] {strides = array<i32>} : memref<2x16x1024xf32, #tpu.memory_space<vmem>>, vector<1x1x16xf32>,
      %parallel_loop3A_926 = vector.shape_cast %parallel_loop3A_925 : vector<1x1x16xf32> to vector<16xf32>
      %parallel_loop3A_927 = arith.constant 3 : i32
      %parallel_loop3A_928 = arith.constant 3 : i32
      %parallel_loop3A_929 = arith.index_cast %parallel_loop3A_927 : i32 to index
      %parallel_loop3A_930 = arith.index_cast %parallel_loop3A_928 : i32 to index
      %parallel_loop3A_931 = arith.index_cast %parallel_loop3A_874 : i32 to index
      %parallel_loop3A_932 = tpu.vector_load %arg5[%parallel_loop3A_929, %parallel_loop3A_930, %parallel_loop3A_931] {strides = array<i32>} : memref<4x16x1024xf32, #tpu.memory_space<vmem>>, vector<1x1x16xf32>,
      %parallel_loop3A_933 = vector.shape_cast %parallel_loop3A_932 : vector<1x1x16xf32> to vector<16xf32>
      %parallel_loop3A_934 = vector.shape_cast %parallel_loop3A_926 : vector<16xf32> to vector<1x1x16xf32>
      tpu.vector_store %arg5[%parallel_loop3A_929, %parallel_loop3A_930, %parallel_loop3A_931], %parallel_loop3A_934 {add = true, strides = array<i32>} : memref<4x16x1024xf32, #tpu.memory_space<vmem>>, vector<1x1x16xf32>,
      %parallel_loop3A_935 = arith.constant 1 : i32
      %parallel_loop3A_936 = arith.constant 4 : i32
      %parallel_loop3A_937 = arith.index_cast %parallel_loop3A_935 : i32 to index
      %parallel_loop3A_938 = arith.index_cast %parallel_loop3A_936 : i32 to index
      %parallel_loop3A_939 = arith.index_cast %parallel_loop3A_874 : i32 to index
      %parallel_loop3A_940 = tpu.vector_load %arg6[%parallel_loop3A_937, %parallel_loop3A_938, %parallel_loop3A_939] {strides = array<i32>} : memref<2x16x1024xf32, #tpu.memory_space<vmem>>, vector<1x1x16xf32>,
      %parallel_loop3A_941 = vector.shape_cast %parallel_loop3A_940 : vector<1x1x16xf32> to vector<16xf32>
      %parallel_loop3A_942 = arith.constant 3 : i32
      %parallel_loop3A_943 = arith.constant 4 : i32
      %parallel_loop3A_944 = arith.index_cast %parallel_loop3A_942 : i32 to index
      %parallel_loop3A_945 = arith.index_cast %parallel_loop3A_943 : i32 to index
      %parallel_loop3A_946 = arith.index_cast %parallel_loop3A_874 : i32 to index
      %parallel_loop3A_947 = tpu.vector_load %arg5[%parallel_loop3A_944, %parallel_loop3A_945, %parallel_loop3A_946] {strides = array<i32>} : memref<4x16x1024xf32, #tpu.memory_space<vmem>>, vector<1x1x16xf32>,
      %parallel_loop3A_948 = vector.shape_cast %parallel_loop3A_947 : vector<1x1x16xf32> to vector<16xf32>
      %parallel_loop3A_949 = vector.shape_cast %parallel_loop3A_941 : vector<16xf32> to vector<1x1x16xf32>
      tpu.vector_store %arg5[%parallel_loop3A_944, %parallel_loop3A_945, %parallel_loop3A_946], %parallel_loop3A_949 {add = true, strides = array<i32>} : memref<4x16x1024xf32, #tpu.memory_space<vmem>>, vector<1x1x16xf32>,
      %parallel_loop3A_950 = arith.constant 1 : i32
      %parallel_loop3A_951 = arith.constant 5 : i32
      %parallel_loop3A_952 = arith.index_cast %parallel_loop3A_950 : i32 to index
      %parallel_loop3A_953 = arith.index_cast %parallel_loop3A_951 : i32 to index
      %parallel_loop3A_954 = arith.index_cast %parallel_loop3A_874 : i32 to index
      %parallel_loop3A_955 = tpu.vector_load %arg6[%parallel_loop3A_952, %parallel_loop3A_953, %parallel_loop3A_954] {strides = array<i32>} : memref<2x16x1024xf32, #tpu.memory_space<vmem>>, vector<1x1x16xf32>,
      %parallel_loop3A_956 = vector.shape_cast %parallel_loop3A_955 : vector<1x1x16xf32> to vector<16xf32>
      %parallel_loop3A_957 = arith.constant 3 : i32
      %parallel_loop3A_958 = arith.constant 5 : i32
      %parallel_loop3A_959 = arith.index_cast %parallel_loop3A_957 : i32 to index
      %parallel_loop3A_960 = arith.index_cast %parallel_loop3A_958 : i32 to index
      %parallel_loop3A_961 = arith.index_cast %parallel_loop3A_874 : i32 to index
      %parallel_loop3A_962 = tpu.vector_load %arg5[%parallel_loop3A_959, %parallel_loop3A_960, %parallel_loop3A_961] {strides = array<i32>} : memref<4x16x1024xf32, #tpu.memory_space<vmem>>, vector<1x1x16xf32>,
      %parallel_loop3A_963 = vector.shape_cast %parallel_loop3A_962 : vector<1x1x16xf32> to vector<16xf32>
      %parallel_loop3A_964 = vector.shape_cast %parallel_loop3A_956 : vector<16xf32> to vector<1x1x16xf32>
      tpu.vector_store %arg5[%parallel_loop3A_959, %parallel_loop3A_960, %parallel_loop3A_961], %parallel_loop3A_964 {add = true, strides = array<i32>} : memref<4x16x1024xf32, #tpu.memory_space<vmem>>, vector<1x1x16xf32>,
      %parallel_loop3A_965 = arith.constant 1 : i32
      %parallel_loop3A_966 = arith.constant 6 : i32
      %parallel_loop3A_967 = arith.index_cast %parallel_loop3A_965 : i32 to index
      %parallel_loop3A_968 = arith.index_cast %parallel_loop3A_966 : i32 to index
      %parallel_loop3A_969 = arith.index_cast %parallel_loop3A_874 : i32 to index
      %parallel_loop3A_970 = tpu.vector_load %arg6[%parallel_loop3A_967, %parallel_loop3A_968, %parallel_loop3A_969] {strides = array<i32>} : memref<2x16x1024xf32, #tpu.memory_space<vmem>>, vector<1x1x16xf32>,
      %parallel_loop3A_971 = vector.shape_cast %parallel_loop3A_970 : vector<1x1x16xf32> to vector<16xf32>
      %parallel_loop3A_972 = arith.constant 3 : i32
      %parallel_loop3A_973 = arith.constant 6 : i32
      %parallel_loop3A_974 = arith.index_cast %parallel_loop3A_972 : i32 to index
      %parallel_loop3A_975 = arith.index_cast %parallel_loop3A_973 : i32 to index
      %parallel_loop3A_976 = arith.index_cast %parallel_loop3A_874 : i32 to index
      %parallel_loop3A_977 = tpu.vector_load %arg5[%parallel_loop3A_974, %parallel_loop3A_975, %parallel_loop3A_976] {strides = array<i32>} : memref<4x16x1024xf32, #tpu.memory_space<vmem>>, vector<1x1x16xf32>,
      %parallel_loop3A_978 = vector.shape_cast %parallel_loop3A_977 : vector<1x1x16xf32> to vector<16xf32>
      %parallel_loop3A_979 = vector.shape_cast %parallel_loop3A_971 : vector<16xf32> to vector<1x1x16xf32>
      tpu.vector_store %arg5[%parallel_loop3A_974, %parallel_loop3A_975, %parallel_loop3A_976], %parallel_loop3A_979 {add = true, strides = array<i32>} : memref<4x16x1024xf32, #tpu.memory_space<vmem>>, vector<1x1x16xf32>,
      %parallel_loop3A_980 = arith.constant 1 : i32
      %parallel_loop3A_981 = arith.constant 7 : i32
      %parallel_loop3A_982 = arith.index_cast %parallel_loop3A_980 : i32 to index
      %parallel_loop3A_983 = arith.index_cast %parallel_loop3A_981 : i32 to index
      %parallel_loop3A_984 = arith.index_cast %parallel_loop3A_874 : i32 to index
      %parallel_loop3A_985 = tpu.vector_load %arg6[%parallel_loop3A_982, %parallel_loop3A_983, %parallel_loop3A_984] {strides = array<i32>} : memref<2x16x1024xf32, #tpu.memory_space<vmem>>, vector<1x1x16xf32>,
      %parallel_loop3A_986 = vector.shape_cast %parallel_loop3A_985 : vector<1x1x16xf32> to vector<16xf32>
      %parallel_loop3A_987 = arith.constant 3 : i32
      %parallel_loop3A_988 = arith.constant 7 : i32
      %parallel_loop3A_989 = arith.index_cast %parallel_loop3A_987 : i32 to index
      %parallel_loop3A_990 = arith.index_cast %parallel_loop3A_988 : i32 to index
      %parallel_loop3A_991 = arith.index_cast %parallel_loop3A_874 : i32 to index
      %parallel_loop3A_992 = tpu.vector_load %arg5[%parallel_loop3A_989, %parallel_loop3A_990, %parallel_loop3A_991] {strides = array<i32>} : memref<4x16x1024xf32, #tpu.memory_space<vmem>>, vector<1x1x16xf32>,
      %parallel_loop3A_993 = vector.shape_cast %parallel_loop3A_992 : vector<1x1x16xf32> to vector<16xf32>
      %parallel_loop3A_994 = vector.shape_cast %parallel_loop3A_986 : vector<16xf32> to vector<1x1x16xf32>
      tpu.vector_store %arg5[%parallel_loop3A_989, %parallel_loop3A_990, %parallel_loop3A_991], %parallel_loop3A_994 {add = true, strides = array<i32>} : memref<4x16x1024xf32, #tpu.memory_space<vmem>>, vector<1x1x16xf32>,
      %parallel_loop3A_995 = arith.constant 1 : i32
      %parallel_loop3A_996 = arith.constant 8 : i32
      %parallel_loop3A_997 = arith.index_cast %parallel_loop3A_995 : i32 to index
      %parallel_loop3A_998 = arith.index_cast %parallel_loop3A_996 : i32 to index
      %parallel_loop3A_999 = arith.index_cast %parallel_loop3A_874 : i32 to index
      %parallel_loop3A_1000 = tpu.vector_load %arg6[%parallel_loop3A_997, %parallel_loop3A_998, %parallel_loop3A_999] {strides = array<i32>} : memref<2x16x1024xf32, #tpu.memory_space<vmem>>, vector<1x1x16xf32>,
      %parallel_loop3A_1001 = vector.shape_cast %parallel_loop3A_1000 : vector<1x1x16xf32> to vector<16xf32>
      %parallel_loop3A_1002 = arith.constant 3 : i32
      %parallel_loop3A_1003 = arith.constant 8 : i32
      %parallel_loop3A_1004 = arith.index_cast %parallel_loop3A_1002 : i32 to index
      %parallel_loop3A_1005 = arith.index_cast %parallel_loop3A_1003 : i32 to index
      %parallel_loop3A_1006 = arith.index_cast %parallel_loop3A_874 : i32 to index
      %parallel_loop3A_1007 = tpu.vector_load %arg5[%parallel_loop3A_1004, %parallel_loop3A_1005, %parallel_loop3A_1006] {strides = array<i32>} : memref<4x16x1024xf32, #tpu.memory_space<vmem>>, vector<1x1x16xf32>,
      %parallel_loop3A_1008 = vector.shape_cast %parallel_loop3A_1007 : vector<1x1x16xf32> to vector<16xf32>
      %parallel_loop3A_1009 = vector.shape_cast %parallel_loop3A_1001 : vector<16xf32> to vector<1x1x16xf32>
      tpu.vector_store %arg5[%parallel_loop3A_1004, %parallel_loop3A_1005, %parallel_loop3A_1006], %parallel_loop3A_1009 {add = true, strides = array<i32>} : memref<4x16x1024xf32, #tpu.memory_space<vmem>>, vector<1x1x16xf32>,
      %parallel_loop3A_1010 = arith.constant 1 : i32
      %parallel_loop3A_1011 = arith.constant 9 : i32
      %parallel_loop3A_1012 = arith.index_cast %parallel_loop3A_1010 : i32 to index
      %parallel_loop3A_1013 = arith.index_cast %parallel_loop3A_1011 : i32 to index
      %parallel_loop3A_1014 = arith.index_cast %parallel_loop3A_874 : i32 to index
      %parallel_loop3A_1015 = tpu.vector_load %arg6[%parallel_loop3A_1012, %parallel_loop3A_1013, %parallel_loop3A_1014] {strides = array<i32>} : memref<2x16x1024xf32, #tpu.memory_space<vmem>>, vector<1x1x16xf32>,
      %parallel_loop3A_1016 = vector.shape_cast %parallel_loop3A_1015 : vector<1x1x16xf32> to vector<16xf32>
      %parallel_loop3A_1017 = arith.constant 3 : i32
      %parallel_loop3A_1018 = arith.constant 9 : i32
      %parallel_loop3A_1019 = arith.index_cast %parallel_loop3A_1017 : i32 to index
      %parallel_loop3A_1020 = arith.index_cast %parallel_loop3A_1018 : i32 to index
      %parallel_loop3A_1021 = arith.index_cast %parallel_loop3A_874 : i32 to index
      %parallel_loop3A_1022 = tpu.vector_load %arg5[%parallel_loop3A_1019, %parallel_loop3A_1020, %parallel_loop3A_1021] {strides = array<i32>} : memref<4x16x1024xf32, #tpu.memory_space<vmem>>, vector<1x1x16xf32>,
      %parallel_loop3A_1023 = vector.shape_cast %parallel_loop3A_1022 : vector<1x1x16xf32> to vector<16xf32>
      %parallel_loop3A_1024 = vector.shape_cast %parallel_loop3A_1016 : vector<16xf32> to vector<1x1x16xf32>
      tpu.vector_store %arg5[%parallel_loop3A_1019, %parallel_loop3A_1020, %parallel_loop3A_1021], %parallel_loop3A_1024 {add = true, strides = array<i32>} : memref<4x16x1024xf32, #tpu.memory_space<vmem>>, vector<1x1x16xf32>,
      %parallel_loop3A_1025 = arith.constant 1 : i32
      %parallel_loop3A_1026 = arith.constant 10 : i32
      %parallel_loop3A_1027 = arith.index_cast %parallel_loop3A_1025 : i32 to index
      %parallel_loop3A_1028 = arith.index_cast %parallel_loop3A_1026 : i32 to index
      %parallel_loop3A_1029 = arith.index_cast %parallel_loop3A_874 : i32 to index
      %parallel_loop3A_1030 = tpu.vector_load %arg6[%parallel_loop3A_1027, %parallel_loop3A_1028, %parallel_loop3A_1029] {strides = array<i32>} : memref<2x16x1024xf32, #tpu.memory_space<vmem>>, vector<1x1x16xf32>,
      %parallel_loop3A_1031 = vector.shape_cast %parallel_loop3A_1030 : vector<1x1x16xf32> to vector<16xf32>
      %parallel_loop3A_1032 = arith.constant 3 : i32
      %parallel_loop3A_1033 = arith.constant 10 : i32
      %parallel_loop3A_1034 = arith.index_cast %parallel_loop3A_1032 : i32 to index
      %parallel_loop3A_1035 = arith.index_cast %parallel_loop3A_1033 : i32 to index
      %parallel_loop3A_1036 = arith.index_cast %parallel_loop3A_874 : i32 to index
      %parallel_loop3A_1037 = tpu.vector_load %arg5[%parallel_loop3A_1034, %parallel_loop3A_1035, %parallel_loop3A_1036] {strides = array<i32>} : memref<4x16x1024xf32, #tpu.memory_space<vmem>>, vector<1x1x16xf32>,
      %parallel_loop3A_1038 = vector.shape_cast %parallel_loop3A_1037 : vector<1x1x16xf32> to vector<16xf32>
      %parallel_loop3A_1039 = vector.shape_cast %parallel_loop3A_1031 : vector<16xf32> to vector<1x1x16xf32>
      tpu.vector_store %arg5[%parallel_loop3A_1034, %parallel_loop3A_1035, %parallel_loop3A_1036], %parallel_loop3A_1039 {add = true, strides = array<i32>} : memref<4x16x1024xf32, #tpu.memory_space<vmem>>, vector<1x1x16xf32>,
      %parallel_loop3A_1040 = arith.constant 1 : i32
      %parallel_loop3A_1041 = arith.constant 11 : i32
      %parallel_loop3A_1042 = arith.index_cast %parallel_loop3A_1040 : i32 to index
      %parallel_loop3A_1043 = arith.index_cast %parallel_loop3A_1041 : i32 to index
      %parallel_loop3A_1044 = arith.index_cast %parallel_loop3A_874 : i32 to index
      %parallel_loop3A_1045 = tpu.vector_load %arg6[%parallel_loop3A_1042, %parallel_loop3A_1043, %parallel_loop3A_1044] {strides = array<i32>} : memref<2x16x1024xf32, #tpu.memory_space<vmem>>, vector<1x1x16xf32>,
      %parallel_loop3A_1046 = vector.shape_cast %parallel_loop3A_1045 : vector<1x1x16xf32> to vector<16xf32>
      %parallel_loop3A_1047 = arith.constant 3 : i32
      %parallel_loop3A_1048 = arith.constant 11 : i32
      %parallel_loop3A_1049 = arith.index_cast %parallel_loop3A_1047 : i32 to index
      %parallel_loop3A_1050 = arith.index_cast %parallel_loop3A_1048 : i32 to index
      %parallel_loop3A_1051 = arith.index_cast %parallel_loop3A_874 : i32 to index
      %parallel_loop3A_1052 = tpu.vector_load %arg5[%parallel_loop3A_1049, %parallel_loop3A_1050, %parallel_loop3A_1051] {strides = array<i32>} : memref<4x16x1024xf32, #tpu.memory_space<vmem>>, vector<1x1x16xf32>,
      %parallel_loop3A_1053 = vector.shape_cast %parallel_loop3A_1052 : vector<1x1x16xf32> to vector<16xf32>
      %parallel_loop3A_1054 = vector.shape_cast %parallel_loop3A_1046 : vector<16xf32> to vector<1x1x16xf32>
      tpu.vector_store %arg5[%parallel_loop3A_1049, %parallel_loop3A_1050, %parallel_loop3A_1051], %parallel_loop3A_1054 {add = true, strides = array<i32>} : memref<4x16x1024xf32, #tpu.memory_space<vmem>>, vector<1x1x16xf32>,
      %parallel_loop3A_1055 = arith.constant 1 : i32
      %parallel_loop3A_1056 = arith.constant 12 : i32
      %parallel_loop3A_1057 = arith.index_cast %parallel_loop3A_1055 : i32 to index
      %parallel_loop3A_1058 = arith.index_cast %parallel_loop3A_1056 : i32 to index
      %parallel_loop3A_1059 = arith.index_cast %parallel_loop3A_874 : i32 to index
      %parallel_loop3A_1060 = tpu.vector_load %arg6[%parallel_loop3A_1057, %parallel_loop3A_1058, %parallel_loop3A_1059] {strides = array<i32>} : memref<2x16x1024xf32, #tpu.memory_space<vmem>>, vector<1x1x16xf32>,
      %parallel_loop3A_1061 = vector.shape_cast %parallel_loop3A_1060 : vector<1x1x16xf32> to vector<16xf32>
      %parallel_loop3A_1062 = arith.constant 3 : i32
      %parallel_loop3A_1063 = arith.constant 12 : i32
      %parallel_loop3A_1064 = arith.index_cast %parallel_loop3A_1062 : i32 to index
      %parallel_loop3A_1065 = arith.index_cast %parallel_loop3A_1063 : i32 to index
      %parallel_loop3A_1066 = arith.index_cast %parallel_loop3A_874 : i32 to index
      %parallel_loop3A_1067 = tpu.vector_load %arg5[%parallel_loop3A_1064, %parallel_loop3A_1065, %parallel_loop3A_1066] {strides = array<i32>} : memref<4x16x1024xf32, #tpu.memory_space<vmem>>, vector<1x1x16xf32>,
      %parallel_loop3A_1068 = vector.shape_cast %parallel_loop3A_1067 : vector<1x1x16xf32> to vector<16xf32>
      %parallel_loop3A_1069 = vector.shape_cast %parallel_loop3A_1061 : vector<16xf32> to vector<1x1x16xf32>
      tpu.vector_store %arg5[%parallel_loop3A_1064, %parallel_loop3A_1065, %parallel_loop3A_1066], %parallel_loop3A_1069 {add = true, strides = array<i32>} : memref<4x16x1024xf32, #tpu.memory_space<vmem>>, vector<1x1x16xf32>,
      %parallel_loop3A_1070 = arith.constant 1 : i32
      %parallel_loop3A_1071 = arith.constant 13 : i32
      %parallel_loop3A_1072 = arith.index_cast %parallel_loop3A_1070 : i32 to index
      %parallel_loop3A_1073 = arith.index_cast %parallel_loop3A_1071 : i32 to index
      %parallel_loop3A_1074 = arith.index_cast %parallel_loop3A_874 : i32 to index
      %parallel_loop3A_1075 = tpu.vector_load %arg6[%parallel_loop3A_1072, %parallel_loop3A_1073, %parallel_loop3A_1074] {strides = array<i32>} : memref<2x16x1024xf32, #tpu.memory_space<vmem>>, vector<1x1x16xf32>,
      %parallel_loop3A_1076 = vector.shape_cast %parallel_loop3A_1075 : vector<1x1x16xf32> to vector<16xf32>
      %parallel_loop3A_1077 = arith.constant 3 : i32
      %parallel_loop3A_1078 = arith.constant 13 : i32
      %parallel_loop3A_1079 = arith.index_cast %parallel_loop3A_1077 : i32 to index
      %parallel_loop3A_1080 = arith.index_cast %parallel_loop3A_1078 : i32 to index
      %parallel_loop3A_1081 = arith.index_cast %parallel_loop3A_874 : i32 to index
      %parallel_loop3A_1082 = tpu.vector_load %arg5[%parallel_loop3A_1079, %parallel_loop3A_1080, %parallel_loop3A_1081] {strides = array<i32>} : memref<4x16x1024xf32, #tpu.memory_space<vmem>>, vector<1x1x16xf32>,
      %parallel_loop3A_1083 = vector.shape_cast %parallel_loop3A_1082 : vector<1x1x16xf32> to vector<16xf32>
      %parallel_loop3A_1084 = vector.shape_cast %parallel_loop3A_1076 : vector<16xf32> to vector<1x1x16xf32>
      tpu.vector_store %arg5[%parallel_loop3A_1079, %parallel_loop3A_1080, %parallel_loop3A_1081], %parallel_loop3A_1084 {add = true, strides = array<i32>} : memref<4x16x1024xf32, #tpu.memory_space<vmem>>, vector<1x1x16xf32>,
      %parallel_loop3A_1085 = arith.constant 1 : i32
      %parallel_loop3A_1086 = arith.constant 14 : i32
      %parallel_loop3A_1087 = arith.index_cast %parallel_loop3A_1085 : i32 to index
      %parallel_loop3A_1088 = arith.index_cast %parallel_loop3A_1086 : i32 to index
      %parallel_loop3A_1089 = arith.index_cast %parallel_loop3A_874 : i32 to index
      %parallel_loop3A_1090 = tpu.vector_load %arg6[%parallel_loop3A_1087, %parallel_loop3A_1088, %parallel_loop3A_1089] {strides = array<i32>} : memref<2x16x1024xf32, #tpu.memory_space<vmem>>, vector<1x1x16xf32>,
      %parallel_loop3A_1091 = vector.shape_cast %parallel_loop3A_1090 : vector<1x1x16xf32> to vector<16xf32>
      %parallel_loop3A_1092 = arith.constant 3 : i32
      %parallel_loop3A_1093 = arith.constant 14 : i32
      %parallel_loop3A_1094 = arith.index_cast %parallel_loop3A_1092 : i32 to index
      %parallel_loop3A_1095 = arith.index_cast %parallel_loop3A_1093 : i32 to index
      %parallel_loop3A_1096 = arith.index_cast %parallel_loop3A_874 : i32 to index
      %parallel_loop3A_1097 = tpu.vector_load %arg5[%parallel_loop3A_1094, %parallel_loop3A_1095, %parallel_loop3A_1096] {strides = array<i32>} : memref<4x16x1024xf32, #tpu.memory_space<vmem>>, vector<1x1x16xf32>,
      %parallel_loop3A_1098 = vector.shape_cast %parallel_loop3A_1097 : vector<1x1x16xf32> to vector<16xf32>
      %parallel_loop3A_1099 = vector.shape_cast %parallel_loop3A_1091 : vector<16xf32> to vector<1x1x16xf32>
      tpu.vector_store %arg5[%parallel_loop3A_1094, %parallel_loop3A_1095, %parallel_loop3A_1096], %parallel_loop3A_1099 {add = true, strides = array<i32>} : memref<4x16x1024xf32, #tpu.memory_space<vmem>>, vector<1x1x16xf32>,
      %parallel_loop3A_1100 = arith.constant 1 : i32
      %parallel_loop3A_1101 = arith.constant 15 : i32
      %parallel_loop3A_1102 = arith.index_cast %parallel_loop3A_1100 : i32 to index
      %parallel_loop3A_1103 = arith.index_cast %parallel_loop3A_1101 : i32 to index
      %parallel_loop3A_1104 = arith.index_cast %parallel_loop3A_874 : i32 to index
      %parallel_loop3A_1105 = tpu.vector_load %arg6[%parallel_loop3A_1102, %parallel_loop3A_1103, %parallel_loop3A_1104] {strides = array<i32>} : memref<2x16x1024xf32, #tpu.memory_space<vmem>>, vector<1x1x16xf32>,
      %parallel_loop3A_1106 = vector.shape_cast %parallel_loop3A_1105 : vector<1x1x16xf32> to vector<16xf32>
      %parallel_loop3A_1107 = arith.constant 3 : i32
      %parallel_loop3A_1108 = arith.constant 15 : i32
      %parallel_loop3A_1109 = arith.index_cast %parallel_loop3A_1107 : i32 to index
      %parallel_loop3A_1110 = arith.index_cast %parallel_loop3A_1108 : i32 to index
      %parallel_loop3A_1111 = arith.index_cast %parallel_loop3A_874 : i32 to index
      %parallel_loop3A_1112 = tpu.vector_load %arg5[%parallel_loop3A_1109, %parallel_loop3A_1110, %parallel_loop3A_1111] {strides = array<i32>} : memref<4x16x1024xf32, #tpu.memory_space<vmem>>, vector<1x1x16xf32>,
      %parallel_loop3A_1113 = vector.shape_cast %parallel_loop3A_1112 : vector<1x1x16xf32> to vector<16xf32>
      %parallel_loop3A_1114 = vector.shape_cast %parallel_loop3A_1106 : vector<16xf32> to vector<1x1x16xf32>
      tpu.vector_store %arg5[%parallel_loop3A_1109, %parallel_loop3A_1110, %parallel_loop3A_1111], %parallel_loop3A_1114 {add = true, strides = array<i32>} : memref<4x16x1024xf32, #tpu.memory_space<vmem>>, vector<1x1x16xf32>,
    } {sc.loop_unroll_factor = 2 : i64, sc.parallel_access}
    %add3A_788 = arith.constant 0 : i32
    %add3A_789 = arith.addi %add3A_788, %mul3A_2 : i32
    %add3A_790 = arith.constant 112 : i32
    %add3A_791 = arith.addi %add3A_789, %add3A_790 : i32
    %dma_start3A_792 = arith.constant 3 : i32
    %dma_start3A_793 = arith.constant 3 : i32
    %dma_start3A_794 = arith.constant 0 : i32
    %dma_start3A_795 = arith.constant 0 : i32
    %dma_start3A_796 = tpu.memref_slice %arg5[%dma_start3A_792, %dma_start3A_794, %dma_start3A_795] : memref<4x16x1024xf32, #tpu.memory_space<vmem>> -> memref<1x16x1024xf32, #tpu.memory_space<vmem>>
    %dma_start3A_797 = tpu.memref_squeeze %dma_start3A_796 : memref<1x16x1024xf32, #tpu.memory_space<vmem>> -> memref<16x1024xf32, #tpu.memory_space<vmem>>
    %dma_start3A_798 = arith.constant 0 : i32
    %dma_start3A_799 = tpu.memref_slice %arg4[%add3A_791, %dma_start3A_798] : memref<4096x1024xf32, #tpu.memory_space<hbm>> -> memref<16x1024xf32, #tpu.memory_space<hbm>>
    %dma_start3A_800 = tpu.memref_slice %arg9[%dma_start3A_793] : memref<4x!tpu.dma_semaphore, #tpu.memory_space<semaphore_mem>> -> memref<1x!tpu.dma_semaphore, #tpu.memory_space<semaphore_mem>>
    %dma_start3A_801 = tpu.memref_squeeze %dma_start3A_800 : memref<1x!tpu.dma_semaphore, #tpu.memory_space<semaphore_mem>> -> memref<!tpu.dma_semaphore, #tpu.memory_space<semaphore_mem>>
    %dma_start3A_802 = arith.constant 0 : i32
    %dma_start3A_803 = tpu.memref_slice %arg4[%add3A_791, %dma_start3A_802] : memref<4096x1024xf32, #tpu.memory_space<hbm>> -> memref<16x1024xf32, #tpu.memory_space<hbm>>
    %dma_start3A_804 = arith.constant 0 : i32
    %dma_start3A_805 = arith.constant 0 : i32
    %dma_start3A_806 = tpu.memref_slice %arg5[%dma_start3A_792, %dma_start3A_804, %dma_start3A_805] : memref<4x16x1024xf32, #tpu.memory_space<vmem>> -> memref<1x16x1024xf32, #tpu.memory_space<vmem>>
    %dma_start3A_807 = tpu.memref_squeeze %dma_start3A_806 : memref<1x16x1024xf32, #tpu.memory_space<vmem>> -> memref<16x1024xf32, #tpu.memory_space<vmem>>
    tpu.enqueue_dma source(%dma_start3A_807 : memref<16x1024xf32, #tpu.memory_space<vmem>>) target(%dma_start3A_803 : memref<16x1024xf32, #tpu.memory_space<hbm>>) target_semaphore(%dma_start3A_801 : memref<!tpu.dma_semaphore, #tpu.memory_space<semaphore_mem>>)
    %dma_wait3A_808 = arith.constant 0 : i32
    %dma_wait3A_809 = arith.constant 0 : i32
    %dma_wait3A_810 = arith.constant 0 : i32
    %dma_wait3A_811 = arith.constant 0 : i32
    %dma_wait3A_812 = tpu.memref_slice %arg5[%dma_wait3A_808, %dma_wait3A_810, %dma_wait3A_811] : memref<4x16x1024xf32, #tpu.memory_space<vmem>> -> memref<1x16x1024xf32, #tpu.memory_space<vmem>>
    %dma_wait3A_813 = tpu.memref_squeeze %dma_wait3A_812 : memref<1x16x1024xf32, #tpu.memory_space<vmem>> -> memref<16x1024xf32, #tpu.memory_space<vmem>>
    %dma_wait3A_814 = arith.constant 0 : i32
    %dma_wait3A_815 = tpu.memref_slice %arg4[%add3A_590, %dma_wait3A_814] : memref<4096x1024xf32, #tpu.memory_space<hbm>> -> memref<16x1024xf32, #tpu.memory_space<hbm>>
    %dma_wait3A_816 = tpu.memref_slice %arg9[%dma_wait3A_809] : memref<4x!tpu.dma_semaphore, #tpu.memory_space<semaphore_mem>> -> memref<1x!tpu.dma_semaphore, #tpu.memory_space<semaphore_mem>>
    %dma_wait3A_817 = tpu.memref_squeeze %dma_wait3A_816 : memref<1x!tpu.dma_semaphore, #tpu.memory_space<semaphore_mem>> -> memref<!tpu.dma_semaphore, #tpu.memory_space<semaphore_mem>>
    %dma_wait3A_818 = arith.constant 0 : i32
    %dma_wait3A_819 = tpu.memref_slice %arg4[%add3A_590, %dma_wait3A_818] : memref<4096x1024xf32, #tpu.memory_space<hbm>> -> memref<16x1024xf32, #tpu.memory_space<hbm>>
    %dma_wait3A_820 = arith.constant 0 : i32
    %dma_wait3A_821 = arith.constant 0 : i32
    %dma_wait3A_822 = tpu.memref_slice %arg5[%dma_wait3A_808, %dma_wait3A_820, %dma_wait3A_821] : memref<4x16x1024xf32, #tpu.memory_space<vmem>> -> memref<1x16x1024xf32, #tpu.memory_space<vmem>>
    %dma_wait3A_823 = tpu.memref_squeeze %dma_wait3A_822 : memref<1x16x1024xf32, #tpu.memory_space<vmem>> -> memref<16x1024xf32, #tpu.memory_space<vmem>>
    tpu.wait_dma2 semaphore(%dma_wait3A_817 : memref<!tpu.dma_semaphore, #tpu.memory_space<semaphore_mem>>) src(%dma_wait3A_823 : memref<16x1024xf32, #tpu.memory_space<vmem>>) dst(%dma_wait3A_819 : memref<16x1024xf32, #tpu.memory_space<hbm>>)
    %dma_wait3A_824 = arith.constant 1 : i32
    %dma_wait3A_825 = arith.constant 1 : i32
    %dma_wait3A_826 = arith.constant 0 : i32
    %dma_wait3A_827 = arith.constant 0 : i32
    %dma_wait3A_828 = tpu.memref_slice %arg5[%dma_wait3A_824, %dma_wait3A_826, %dma_wait3A_827] : memref<4x16x1024xf32, #tpu.memory_space<vmem>> -> memref<1x16x1024xf32, #tpu.memory_space<vmem>>
    %dma_wait3A_829 = tpu.memref_squeeze %dma_wait3A_828 : memref<1x16x1024xf32, #tpu.memory_space<vmem>> -> memref<16x1024xf32, #tpu.memory_space<vmem>>
    %dma_wait3A_830 = arith.constant 0 : i32
    %dma_wait3A_831 = tpu.memref_slice %arg4[%add3A_663, %dma_wait3A_830] : memref<4096x1024xf32, #tpu.memory_space<hbm>> -> memref<16x1024xf32, #tpu.memory_space<hbm>>
    %dma_wait3A_832 = tpu.memref_slice %arg9[%dma_wait3A_825] : memref<4x!tpu.dma_semaphore, #tpu.memory_space<semaphore_mem>> -> memref<1x!tpu.dma_semaphore, #tpu.memory_space<semaphore_mem>>
    %dma_wait3A_833 = tpu.memref_squeeze %dma_wait3A_832 : memref<1x!tpu.dma_semaphore, #tpu.memory_space<semaphore_mem>> -> memref<!tpu.dma_semaphore, #tpu.memory_space<semaphore_mem>>
    %dma_wait3A_834 = arith.constant 0 : i32
    %dma_wait3A_835 = tpu.memref_slice %arg4[%add3A_663, %dma_wait3A_834] : memref<4096x1024xf32, #tpu.memory_space<hbm>> -> memref<16x1024xf32, #tpu.memory_space<hbm>>
    %dma_wait3A_836 = arith.constant 0 : i32
    %dma_wait3A_837 = arith.constant 0 : i32
    %dma_wait3A_838 = tpu.memref_slice %arg5[%dma_wait3A_824, %dma_wait3A_836, %dma_wait3A_837] : memref<4x16x1024xf32, #tpu.memory_space<vmem>> -> memref<1x16x1024xf32, #tpu.memory_space<vmem>>
    %dma_wait3A_839 = tpu.memref_squeeze %dma_wait3A_838 : memref<1x16x1024xf32, #tpu.memory_space<vmem>> -> memref<16x1024xf32, #tpu.memory_space<vmem>>
    tpu.wait_dma2 semaphore(%dma_wait3A_833 : memref<!tpu.dma_semaphore, #tpu.memory_space<semaphore_mem>>) src(%dma_wait3A_839 : memref<16x1024xf32, #tpu.memory_space<vmem>>) dst(%dma_wait3A_835 : memref<16x1024xf32, #tpu.memory_space<hbm>>)
    %dma_wait3A_840 = arith.constant 2 : i32
    %dma_wait3A_841 = arith.constant 2 : i32
    %dma_wait3A_842 = arith.constant 0 : i32
    %dma_wait3A_843 = arith.constant 0 : i32
    %dma_wait3A_844 = tpu.memref_slice %arg5[%dma_wait3A_840, %dma_wait3A_842, %dma_wait3A_843] : memref<4x16x1024xf32, #tpu.memory_space<vmem>> -> memref<1x16x1024xf32, #tpu.memory_space<vmem>>
    %dma_wait3A_845 = tpu.memref_squeeze %dma_wait3A_844 : memref<1x16x1024xf32, #tpu.memory_space<vmem>> -> memref<16x1024xf32, #tpu.memory_space<vmem>>
    %dma_wait3A_846 = arith.constant 0 : i32
    %dma_wait3A_847 = tpu.memref_slice %arg4[%add3A_736, %dma_wait3A_846] : memref<4096x1024xf32, #tpu.memory_space<hbm>> -> memref<16x1024xf32, #tpu.memory_space<hbm>>
    %dma_wait3A_848 = tpu.memref_slice %arg9[%dma_wait3A_841] : memref<4x!tpu.dma_semaphore, #tpu.memory_space<semaphore_mem>> -> memref<1x!tpu.dma_semaphore, #tpu.memory_space<semaphore_mem>>
    %dma_wait3A_849 = tpu.memref_squeeze %dma_wait3A_848 : memref<1x!tpu.dma_semaphore, #tpu.memory_space<semaphore_mem>> -> memref<!tpu.dma_semaphore, #tpu.memory_space<semaphore_mem>>
    %dma_wait3A_850 = arith.constant 0 : i32
    %dma_wait3A_851 = tpu.memref_slice %arg4[%add3A_736, %dma_wait3A_850] : memref<4096x1024xf32, #tpu.memory_space<hbm>> -> memref<16x1024xf32, #tpu.memory_space<hbm>>
    %dma_wait3A_852 = arith.constant 0 : i32
    %dma_wait3A_853 = arith.constant 0 : i32
    %dma_wait3A_854 = tpu.memref_slice %arg5[%dma_wait3A_840, %dma_wait3A_852, %dma_wait3A_853] : memref<4x16x1024xf32, #tpu.memory_space<vmem>> -> memref<1x16x1024xf32, #tpu.memory_space<vmem>>
    %dma_wait3A_855 = tpu.memref_squeeze %dma_wait3A_854 : memref<1x16x1024xf32, #tpu.memory_space<vmem>> -> memref<16x1024xf32, #tpu.memory_space<vmem>>
    tpu.wait_dma2 semaphore(%dma_wait3A_849 : memref<!tpu.dma_semaphore, #tpu.memory_space<semaphore_mem>>) src(%dma_wait3A_855 : memref<16x1024xf32, #tpu.memory_space<vmem>>) dst(%dma_wait3A_851 : memref<16x1024xf32, #tpu.memory_space<hbm>>)
    %dma_wait3A_856 = arith.constant 3 : i32
    %dma_wait3A_857 = arith.constant 3 : i32
    %dma_wait3A_858 = arith.constant 0 : i32
    %dma_wait3A_859 = arith.constant 0 : i32
    %dma_wait3A_860 = tpu.memref_slice %arg5[%dma_wait3A_856, %dma_wait3A_858, %dma_wait3A_859] : memref<4x16x1024xf32, #tpu.memory_space<vmem>> -> memref<1x16x1024xf32, #tpu.memory_space<vmem>>
    %dma_wait3A_861 = tpu.memref_squeeze %dma_wait3A_860 : memref<1x16x1024xf32, #tpu.memory_space<vmem>> -> memref<16x1024xf32, #tpu.memory_space<vmem>>
    %dma_wait3A_862 = arith.constant 0 : i32
    %dma_wait3A_863 = tpu.memref_slice %arg4[%add3A_791, %dma_wait3A_862] : memref<4096x1024xf32, #tpu.memory_space<hbm>> -> memref<16x1024xf32, #tpu.memory_space<hbm>>
    %dma_wait3A_864 = tpu.memref_slice %arg9[%dma_wait3A_857] : memref<4x!tpu.dma_semaphore, #tpu.memory_space<semaphore_mem>> -> memref<1x!tpu.dma_semaphore, #tpu.memory_space<semaphore_mem>>
    %dma_wait3A_865 = tpu.memref_squeeze %dma_wait3A_864 : memref<1x!tpu.dma_semaphore, #tpu.memory_space<semaphore_mem>> -> memref<!tpu.dma_semaphore, #tpu.memory_space<semaphore_mem>>
    %dma_wait3A_866 = arith.constant 0 : i32
    %dma_wait3A_867 = tpu.memref_slice %arg4[%add3A_791, %dma_wait3A_866] : memref<4096x1024xf32, #tpu.memory_space<hbm>> -> memref<16x1024xf32, #tpu.memory_space<hbm>>
    %dma_wait3A_868 = arith.constant 0 : i32
    %dma_wait3A_869 = arith.constant 0 : i32
    %dma_wait3A_870 = tpu.memref_slice %arg5[%dma_wait3A_856, %dma_wait3A_868, %dma_wait3A_869] : memref<4x16x1024xf32, #tpu.memory_space<vmem>> -> memref<1x16x1024xf32, #tpu.memory_space<vmem>>
    %dma_wait3A_871 = tpu.memref_squeeze %dma_wait3A_870 : memref<1x16x1024xf32, #tpu.memory_space<vmem>> -> memref<16x1024xf32, #tpu.memory_space<vmem>>
    tpu.wait_dma2 semaphore(%dma_wait3A_865 : memref<!tpu.dma_semaphore, #tpu.memory_space<semaphore_mem>>) src(%dma_wait3A_871 : memref<16x1024xf32, #tpu.memory_space<vmem>>) dst(%dma_wait3A_867 : memref<16x1024xf32, #tpu.memory_space<hbm>>)
    return
  }
}

module attributes {stable_mosaic.version = 14 : i64} {
  func.func @_tc_add_kernel(%arg0: i32, %arg1: memref<3x512x1024xf32, #tpu.memory_space<vmem>>, %arg2: memref<512x1024xf32, #tpu.memory_space<vmem>>, %arg3: memref<3x512x1024xf32, #tpu.memory_space<vmem>>) attributes {dimension_semantics = [#tpu.dimension_semantics<arbitrary>], iteration_bounds = array<i64: 8>, scalar_prefetch = 0 : i64, scratch_operands = 0 : i64, tpu.core_type = #tpu.core_type<tc>, window_params = [{transform_indices = @transform_0, window_bounds = array<i64: 3, 512, 1024>}, {transform_indices = @transform_1, window_bounds = array<i64: 512, 1024>}, {transform_indices = @transform_2, window_bounds = array<i64: 3, 512, 1024>}]} {
    %get3A = arith.constant 0 : index
    %get3A_0 = arith.constant 0 : index
    %get3A_1 = arith.constant 0 : index
    %get3A_2 = vector.load %arg1[%get3A, %get3A_0, %get3A_1] : memref<3x512x1024xf32, #tpu.memory_space<vmem>>, vector<3x512x1024xf32>
    %get3A_3 = arith.constant 0 : index
    %get3A_4 = arith.constant 0 : index
    %get3A_5 = vector.load %arg2[%get3A_3, %get3A_4] : memref<512x1024xf32, #tpu.memory_space<vmem>>, vector<512x1024xf32>
    %broadcast_in_dim3A = vector.shape_cast %get3A_5 : vector<512x1024xf32> to vector<1x512x1024xf32>
    %add3A = vector.broadcast %broadcast_in_dim3A : vector<1x512x1024xf32> to vector<3x512x1024xf32>
    %add3A_6 = arith.addf %get3A_2, %add3A : vector<3x512x1024xf32>
    %swap3A = arith.constant 0 : index
    %swap3A_7 = arith.constant 0 : index
    %swap3A_8 = arith.constant 0 : index
    %swap3A_9 = vector.load %arg3[%swap3A, %swap3A_7, %swap3A_8] : memref<3x512x1024xf32, #tpu.memory_space<vmem>>, vector<3x512x1024xf32>
    tpu.vector_store %arg3[%swap3A, %swap3A_7, %swap3A_8], %add3A_6 {strides = array<i32>} : memref<3x512x1024xf32, #tpu.memory_space<vmem>>, vector<3x512x1024xf32>,
    return
  }
  func.func @transform_0(%arg0: i32) -> (i32, i32, i32) {
    %c0_i32 = arith.constant 0 : i32
    %c0_i32_0 = arith.constant 0 : i32
    %c0_i32_1 = arith.constant 0 : i32
    return %c0_i32, %arg0, %c0_i32_0 : i32, i32, i32
  }
  func.func @transform_1(%arg0: i32) -> (i32, i32) {
    %c0_i32 = arith.constant 0 : i32
    %c0_i32_0 = arith.constant 0 : i32
    return %arg0, %c0_i32 : i32, i32
  }
  func.func @transform_2(%arg0: i32) -> (i32, i32, i32) {
    %c0_i32 = arith.constant 0 : i32
    %c0_i32_0 = arith.constant 0 : i32
    %c0_i32_1 = arith.constant 0 : i32
    return %c0_i32, %arg0, %c0_i32_0 : i32, i32, i32
  }
}

</mosaic_0001>

<sc_bundles>
// kernel: kernel.4.cloned.1.call-start
scs
__scs_entry_jumppad:
0x0: {  	(pc) =	sbr.rel $0x88, $3  }
0x1: {  	(tag) =	ssettag $0x0;
	lr =	simm.s32 $0x1  }
0x2: {  	[smem:$0x3F9F] =	sst lr;
	_ =	strace $0xD0000000  }
0x3: {  	_ = 	snop  }
0x4: {  	_ = 	snop  }
0x5: {  	_ = 	snop  }
0x6: {  	_ = 	snop  }
0x7: {  	_ = 	snop  }
__scs_overlays_trampoline_lowered:
0x8: {  	[smem:$0x3FAE] =	sst s0  }
0x9: {  	[smem:$0x3FAF] =	sst s1  }
0xa: {  	[smem:$0x3FB0] =	sst s2  }
0xb: {  	[smem:$0x3FB1] =	sst s3  }
0xc: {  	[smem:$0x3FB2] =	sst s4  }
0xd: {  	[smem:$0x3FB3] =	sst s5  }
0xe: {  	[smem:$0x3FB4] =	sst s6  }
0xf: {  	[smem:$0x3FB5] =	sst s7  }
0x10: {  	[smem:$0x3FB6] =	sst s8  }
0x11: {  	[smem:$0x3FB7] =	sst s9;
	s0 =	simm.s32 @!p0 $0x0  }
0x12: {  	s1 =	sld [smem:$0x3F9D];
	s0 =	simm.s32 @p0 $0x1  }
0x13: {  	[smem:$0x3FB8] =	sst s0;
	s0 =	simm.s32 @!p1 $0x0  }
0x14: {  	s2 =	sld [smem:$0x3F9C];
	s0 =	simm.s32 @p1 $0x1  }
0x15: {  	[smem:$0x3FB9] =	sst s0;
	s0 =	simm.s32 @!p2 $0x0  }
0x16: {  	s3 =	sld [smem:$0x3FDB];
	s0 =	simm.s32 @p2 $0x1  }
0x17: {  	s4 =	simm.s32 $0x1BF5;
	[smem:$0x3FBB] =	sst s0  }
0x18: {  	s0 =	sld [smem:$0x3F9E];
	_ =	swait.ge [sflag:s4], $0x0  }
0x19: {  	s7 =	sld [smem:$0x3F9F]  }
0x1a: {  	s8 =	sadd.s32 $0xFFFFE003, lr  }
0x1b: {  	s9 =	sadd.s32 $0xFFFFFEF7, lr;
	s5 =	simm.s32 $0xFFFFFFFF;
	p2 =	slt.u32 s8, $0xFFFFF086  }
0x1c: {  	p1 =	slt.u32 s9, $0xF7A;
	s5 =	simm.s32 @!p2 $0x0  }
0x1d: {  	s5 =	simm.s32 @p1 $0x1;
	p0 =	seq.s32 s7, s2  }
0x1e: {  	s7 =	smul.u32 @!p0 $0xF7A, s2;
	p2 =	seq.s32 @!p0 s5, $0x0  }
0x1f: {  	s9 =	smul.u32 $0xF7A, s1;
	s8 =	simm.s32 @!p0 $0x1BF5;
	p2 =	por !p2, p0  }
0x20: {  	[sflag:s8] =	ssyncset.s32 @!p0 $0xFFFFF086;
	s6 =	sadd.s32 @!p0 s3, s7;
	s7 =	simm.s32 @!p0 $0x108  }
0x21: {  	s3 =	sadd.s32 s3, s9;
	s6 =	sadd.s32 @!p0 $0x88, s6;
	s7 =	simm.s32 @p2 $0x1082  }
0x22: {  	[simem:s7], [sflag:s8] =	dma.local @!p0 [hbm:s6], $0xF7A  }
0x23: {  	s9 =	sor.u32 $0xD0000000, s2;
	s6 =	simm.s32 $0x108;
	_ =	swait.ge @!p0 [sflag:s8], $0x0  }
0x24: {  	s3 =	sadd.s32 $0x88, s3;
	s6 =	simm.s32 @!p1 $0x1082;
	[sflag:s4] =	ssyncset.s32 $0xFFFFF086  }
0x25: {  	[simem:s6], [sflag:s4] =	dma.local [hbm:s3], $0xF7A  }
0x26: {  	[smem:$0x3F9F] =	sst s1;
	(tag) =	ssettag s2;
	_ =	strace s9  }
0x27: {  	s1 =	sld [smem:$0x3FAF]  }
0x28: {  	s2 =	sld [smem:$0x3FB0]  }
0x29: {  	s4 =	sld [smem:$0x3FB2]  }
0x2a: {  	p0 =	seq.s32 s5, $0x0;
	s5 =	sld [smem:$0x3FB3]  }
0x2b: {  	s6 =	sld [smem:$0x3FB4]  }
0x2c: {  	s7 =	sld [smem:$0x3FB5]  }
0x2d: {  	s3 =	simm.s32 $0x108;
	s8 =	sld [smem:$0x3FB6]  }
0x2e: {  	s3 =	simm.s32 @!p0 $0x1082;
	s9 =	sld [smem:$0x3FB7]  }
0x2f: {  	lr =	sadd.s32 s0, s3;
	s0 =	sld [smem:$0x3FAE]  }
0x30: {  	s3 =	sld [smem:$0x3FB1]  }
0x31: {  	[smem:$0x3FBA] =	sst s10  }
0x32: {  	s10 =	sld [smem:$0x3FB8];
	_ =	sdelay $0x3  }
0x33: {  	p0 =	seq.s32 s10, $0x1;
	s10 =	sld [smem:$0x3FBA];
	_ =	sdelay $0x3  }
0x34: {  	[smem:$0x3FBA] =	sst s10  }
0x35: {  	s10 =	sld [smem:$0x3FB9];
	_ =	sdelay $0x3  }
0x36: {  	p1 =	seq.s32 s10, $0x1;
	s10 =	sld [smem:$0x3FBA];
	_ =	sdelay $0x3  }
0x37: {  	[smem:$0x3FBA] =	sst s10  }
0x38: {  	s10 =	sld [smem:$0x3FBB]  }
0x39: {  	_ = 	snop;
	(pc) =	sbr.ind lr, $3  }
0x3a: {  	_ = 	snop  }
0x3b: {  	_ = 	snop  }
0x3c: {  	p2 =	seq.s32 s10, $0x1;
	s10 =	sld [smem:$0x3FBA]  }
0x3d: {  	_ =	shalt  }
0x3e: {  	_ =	shalt  }
0x3f: {  	_ =	shalt  }
0x40: {  	_ =	shalt  }
0x41: {  	_ =	shalt  }
0x42: {  	_ =	shalt  }
0x43: {  	_ =	shalt  }
0x44: {  	_ =	shalt  }
0x45: {  	_ =	shalt  }
0x46: {  	_ =	shalt  }
0x47: {  	_ =	shalt  }
0x48: {  	_ =	shalt  }
0x49: {  	_ =	shalt  }
0x4a: {  	_ =	shalt  }
0x4b: {  	_ =	shalt  }
0x4c: {  	_ =	shalt  }
0x4d: {  	_ =	shalt  }
0x4e: {  	_ =	shalt  }
0x4f: {  	_ =	shalt  }
0x50: {  	_ =	shalt  }
0x51: {  	_ =	shalt  }
0x52: {  	_ =	shalt  }
0x53: {  	_ =	shalt  }
0x54: {  	_ =	shalt  }
0x55: {  	_ =	shalt  }
0x56: {  	_ =	shalt  }
0x57: {  	_ =	shalt  }
0x58: {  	_ =	shalt  }
0x59: {  	_ =	shalt  }
0x5a: {  	_ =	shalt  }
0x5b: {  	_ =	shalt  }
0x5c: {  	_ =	shalt  }
0x5d: {  	_ =	shalt  }
0x5e: {  	_ =	shalt  }
0x5f: {  	_ =	shalt  }
0x60: {  	_ =	shalt  }
0x61: {  	_ =	shalt  }
0x62: {  	_ =	shalt  }
0x63: {  	_ =	shalt  }
0x64: {  	_ =	shalt  }
0x65: {  	_ =	shalt  }
0x66: {  	_ =	shalt  }
0x67: {  	_ =	shalt  }
0x68: {  	_ =	shalt  }
0x69: {  	_ =	shalt  }
0x6a: {  	_ =	shalt  }
0x6b: {  	_ =	shalt  }
0x6c: {  	_ =	shalt  }
0x6d: {  	_ =	shalt  }
0x6e: {  	_ =	shalt  }
0x6f: {  	_ =	shalt  }
0x70: {  	_ =	shalt  }
0x71: {  	_ =	shalt  }
0x72: {  	_ =	shalt  }
0x73: {  	_ =	shalt  }
0x74: {  	_ =	shalt  }
0x75: {  	_ =	shalt  }
0x76: {  	_ =	shalt  }
0x77: {  	_ =	shalt  }
0x78: {  	_ =	shalt  }
0x79: {  	_ =	shalt  }
0x7a: {  	_ =	shalt  }
0x7b: {  	_ =	shalt  }
0x7c: {  	_ =	shalt  }
0x7d: {  	_ =	shalt  }
0x7e: {  	_ =	shalt  }
0x7f: {  	_ =	shalt  }
0x80: {  	_ =	shalt  }
0x81: {  	_ =	shalt  }
0x82: {  	_ =	shalt  }
0x83: {  	_ =	shalt  }
0x84: {  	_ =	shalt  }
0x85: {  	_ =	shalt  }
0x86: {  	_ =	shalt  }
0x87: {  	_ =	shalt  }
.Lfunc_end0:
.L_simem_size_0:
called_computation_lowered:
.L_overlay_start_0:
0x88: {  	s2 =	sld [smem:$0x3FD9]  }
0x89: {  	s3 =	sld [smem:$0x3FFE];
	_ =	sdelay $0x1  }
0x8a: {  	s1 =	srdreg.scid  }
0x8b: {  	s0 =	sand.u32 $0x1, s1  }
0x8c: {  	s17 =	sshll.u32 s0, $0xA;
	s2 =	sadd.s32 s3, s2  }
0x8d: {  	s2 =	sadd.s32 s2, s17  }
0x8e: {  	[smem:$0x3FC6] =	sst s2  }
0x8f: {  	_ = 	snop  }
0x90: {  	s2 =	sld [smem:$0x3FC8];
	(tm) =	ssettm $0x1  }
0x91: {  	s18 =	sld [smem:$0x3FFB];
	_ =	sdelay $0x3  }
0x92: {  	_ =	strace s18  }
0x93: {  	s3 =	sld [smem:$0x3FFC];
	_ =	sdelay $0x3  }
0x94: {  	_ =	strace s3  }
0x95: {  	s3 =	sld [smem:$0x3FFD];
	_ =	sdelay $0x3  }
0x96: {  	_ =	strace s3  }
0x97: {  	_ =	strace $0x8FFFFFFF  }
0x98: {  	s19 =	sld [smem:$0x3FDB];
	_ =	sdelay $0x1  }
0x99: {  	s4 =	simm.s32 $_scs_section_size  }
0x9a: {  	s5 =	simm.s32 $_size__tile_overlayer_lowered;
	s6 =	simm.s32 $_tile_overlayer_lowered  }
0x9b: {  	s22 =	simm.s32 $0x1BFF;
	s21 =	sshll.u32 s6, $0x1;
	s3 =	sadd.s32 s4, s19  }
0x9c: {  	s7 =	simm.s32 $0x0;
	s20 =	sshll.u32 s5, $0x1;
	s5 =	sadd.s32 s21, s3  }
0x9d: {  	[timem:s7], [sflag:s22] =	dma.local [hbm:s5], s20  }
0x9e: {  	_ =	swait.ge [sflag:s22], s20  }
0x9f: {  	s4 =	ssub.s32 $0x0, s20;
	[sflag:s22] =	ssyncset.done $0x0  }
0xa0: {  	[sflag:s22] =	ssyncadd.s32 s4;
	_ =	sdelay $0x1  }
0xa1: {  	s23 =	simm.s32 $0x1B8B  }
0xa2: {  	_ =	swait.ge [sflag:s23], $0x1  }
0xa3: {  	[sflag:s23] =	ssyncset.done $0x0  }
0xa4: {  	s25 =	simm.s32 $0x1B8E;
	s24 =	sld [smem:$0x3FFE];
	[sflag:s23] =	ssyncadd.s32 $0xFFFFFFFF  }
0xa5: {  	s26 =	simm.s32 $execute0_lowered;
	[smem:$0x3FD2] =	sst s25  }
0xa6: {  	s5 =	sshll.u32 s26, $0x1;
	_ =	strace $0x80000046;
	[dreg:$0x1] =	wrdreg $0xFFFFFFFF  }
0xa7: {  	s28 =	simm.s32 $_size_execute0_lowered;
	s3 =	sadd.s32 s3, s5;
	[dreg:$0x0] =	wrdreg $0x0  }
0xa8: {  	s5 =	sshll.u32 s28, $0x1;
	[dreg:$0x2] =	wrdreg s3  }
0xa9: {  	[dreg:$0x3] =	wrdreg s5  }
0xaa: {  	[dreg:$0x4] =	wrdreg $0xC0  }
0xab: {  	_ =	task [dreg:s7], $0x5FFFF  }
0xac: {  	[dreg:$0x1] =	wrdreg $0xFFFFFFFF  }
0xad: {  	[dreg:$0x0] =	wrdreg $0x60  }
0xae: {  	[dreg:$0x2] =	wrdreg s24  }
0xaf: {  	[dreg:$0x3] =	wrdreg s2  }
0xb0: {  	[dreg:$0x4] =	wrdreg $0x9  }
0xb1: {  	_ =	task.clear_ibuf [dreg:s7], $0x5FFFF;
	_ =	strace $0x90000046  }
0xb2: {  	s29 =	simm.s32 $0x9;
	_ =	strace $0x80000048  }
0xb3: {  	_ =	swait.ge [sflag:s29], $0x1  }
0xb4: {  	[sflag:s29] =	ssyncadd.s32 $0xFFFFFFFF  }
0xb5: {  	_ =	strace $0x90000048  }
0xb6: {  	_ =	sfence  }
0xb7: {  	s30 =	sld [smem:$0x0];
	_ =	sdelay $0x2  }
0xb8: {  	s31 =	sshll.u32 s1, $0xD;
	s1 =	sshrl.u32 s1, $0x2  }
0xb9: {  	s3 =	sand.u32 $0x4000, s31;
	s1 =	sadd.s32 s1, s30  }
0xba: {  	s0 =	sor.u32 s3, s0;
	s1 =	sshll.u32 s1, $0x11  }
0xbb: {  	s0 =	sor.u32 s1, s0  }
0xbc: {  	s0 =	sadd.s32 $0x8F2B, s0  }
0xbd: {  	[sflag:s0] =	ssyncadd.remote.s32 $0x1  }
0xbe: {  	_ =	sfence.sel $0xFFFF  }
0xbf: {  	[dreg:$0x0] =	wrdreg $0xFFFFFFFF;
	(pc) =	sbr.abs _section_cstart, $3  }
0xc0: {  	[dreg:$0x1] =	wrdreg $0xFFFFFFFF  }
0xc1: {  	_ =	task.clear_ibuf [dreg:s7], $0x2FFFF;
	_ =	strace $0x9FFFFFFF  }
0xc2: {  	(tm) =	ssettm $0x7FFFFFFF  }
0xc3: {  	_ =	shalt  }
tec
execute0_lowered:
.L_overlay_start_1:
0x0: {  	(tag) =	ssettag $0x1  }
0x1: {  	s0 =	rddreg [dreg:$0x0];
	s3 =	srdreg.scid  }
0x2: {  	s2 =	rddreg [dreg:$0x1];
	s1 =	stileid.u32;
	s3 =	sand.u32 $0x1, s3  }
0x3: {  	s6 =	sshll.u32 s1, $0xF;
	s5 =	ssub.s32 $0x2, s3;
	s3 =	sshll.u32 s3, $0xE  }
0x4: {  	s11 =	simm.s32 $0x0;
	s4 =	sadd.s32 $0x1400, s0;
	s3 =	sor.u32 s3, s6  }
0x5: {  	[smem:$0x7FF] =	sst s11;
	s29 =	sadd.s32 s4, s3  }
0x6: {  	s0 =	sadd.s32 $0x81400, s0;
	s8 =	sadd.s32 s2, s3;
	[dreg:$0x3] =	wrdreg s29  }
0x7: {  	s6 =	sor.u32 $0x800, s3;
	s12 =	sadd.s32 s0, s3;
	[dreg:$0x6] =	wrdreg s8  }
0x8: {  	s28 =	sor.u32 $0x1000, s3;
	s30 =	sadd.s32 s4, s6;
	[dreg:$0x9] =	wrdreg s12  }
0x9: {  	s31 =	sadd.s32 s4, s28;
	[dreg:$0x4] =	wrdreg s30  }
0xa: {  	s9 =	sadd.s32 s2, s6;
	[dreg:$0x5] =	wrdreg s31  }
0xb: {  	s13 =	sadd.s32 s2, s28;
	[dreg:$0x7] =	wrdreg s9  }
0xc: {  	s15 =	sadd.s32 s0, s6;
	[dreg:$0xa] =	wrdreg s13  }
0xd: {  	s20 =	sor.u32 $0x3000, s3;
	s18 =	sadd.s32 s0, s28;
	[dreg:$0xc] =	wrdreg s15  }
0xe: {  	s21 =	sadd.s32 s4, s20;
	[dreg:$0xf] =	wrdreg s18  }
0xf: {  	s8 =	sor.u32 $0x1800, s3;
	s28 =	sadd.s32 s2, s20;
	[dreg:$0x11] =	wrdreg s21  }
0x10: {  	s10 =	sadd.s32 s4, s8;
	[dreg:$0x17] =	wrdreg s28  }
0x11: {  	s16 =	sadd.s32 s2, s8;
	[dreg:$0x8] =	wrdreg s10  }
0x12: {  	s22 =	sadd.s32 s0, s8;
	[dreg:$0xd] =	wrdreg s16  }
0x13: {  	s9 =	sor.u32 $0x2000, s3;
	s30 =	sadd.s32 s0, s20;
	[dreg:$0x12] =	wrdreg s22  }
0x14: {  	s14 =	sadd.s32 s4, s9;
	[dreg:$0x19] =	wrdreg s30  }
0x15: {  	s19 =	sadd.s32 s2, s9;
	[dreg:$0xb] =	wrdreg s14  }
0x16: {  	s10 =	sor.u32 $0x2800, s3;
	s24 =	sadd.s32 s0, s9;
	[dreg:$0x10] =	wrdreg s19  }
0x17: {  	s3 =	sor.u32 $0x3800, s3;
	s17 =	sadd.s32 s4, s10;
	[dreg:$0x14] =	wrdreg s24  }
0x18: {  	s23 =	sadd.s32 s4, s3;
	[dreg:$0xe] =	wrdreg s17  }
0x19: {  	s7 =	sshrl.u32 s5, $0x1;
	s25 =	sadd.s32 s2, s10;
	[dreg:$0x13] =	wrdreg s23  }
0x1a: {  	s5 =	ssub.s32 s5, s7;
	s26 =	sadd.s32 s0, s10;
	[dreg:$0x15] =	wrdreg s25  }
0x1b: {  	s12 =	simm.s32 $0x0;
	s29 =	sadd.s32 s2, s3;
	[dreg:$0x16] =	wrdreg s26  }
0x1c: {  	s31 =	smax.u32 s5, $0x1;
	s0 =	sadd.s32 s0, s3;
	[dreg:$0x18] =	wrdreg s29  }
0x1d: {  	s10 =	simm.s32 $0x14000;
	s2 =	simm.s32 $0xC000;
	[dreg:$0x1a] =	wrdreg s0  }
0x1e: {  	s3 =	simm.s32 $0x7;
	_ =	strace $0x80000047;
	[dreg:$0x1b] =	wrdreg s31  }
.LBB2_1:
0x1f: {  	s0 =	rddreg [dreg:$0x3]  }
0x20: {  	[tilespmem:s11], [sflag:$0x1] =	stream.linear.gather [hbm4b:s0+s11], $0x4000, $0x38;
	[tilespmem:$0x18000] =	vst v63  }
0x21: {  	s19 =	rddreg [dreg:$0x4];
	s1 =	simm.s32 $0x4000  }
0x22: {  	[tilespmem:s1], [sflag:$0x2] =	stream.linear.gather [hbm4b:s19+s11], $0x4000, $0x38;
	[tilespmem:$0x18000] =	vst v63  }
0x23: {  	s20 =	rddreg [dreg:$0x5];
	s21 =	simm.s32 $0x8000  }
0x24: {  	[tilespmem:s21], [sflag:$0x3] =	stream.linear.gather [hbm4b:s20+s11], $0x4000, $0x38;
	[tilespmem:$0x18000] =	vst v63  }
0x25: {  	s22 =	rddreg [dreg:$0x6];
	s23 =	simm.s32 $0x10000  }
0x26: {  	[tilespmem:s23], [sflag:$0x5] =	stream.linear.gather [hbm4b:s22+s11], $0x4000, $0x38;
	[tilespmem:$0x18000] =	vst v63  }
0x27: {  	s24 =	rddreg [dreg:$0x7]  }
0x28: {  	[tilespmem:s10], [sflag:$0x6] =	stream.linear.gather [hbm4b:s24+s11], $0x4000, $0x38;
	[tilespmem:$0x18000] =	vst v63  }
0x29: {  	s25 =	rddreg [dreg:$0x8];
	s26 =	simm.s32 $0x1  }
0x2a: {  	[tilespmem:s2], [sflag:$0x4] =	stream.linear.gather [hbm4b:s25+s11], $0x4000, $0x38;
	[tilespmem:$0x18000] =	vst v63  }
0x2b: {  	_ =	swait.ge [sflag:s26], $0x4000  }
0x2c: {  	[sflag:s26] =	ssyncset.done $0x0  }
0x2d: {  	s29 =	simm.s32 $0x5;
	[sflag:s26] =	ssyncadd.s32 $0xFFFFC000  }
0x2e: {  	_ =	swait.ge [sflag:s29], $0x4000  }
0x2f: {  	s30 =	sand.u32 $0x60, s11;
	s31 =	sand.u32 $0x1C00, s11;
	[sflag:s29] =	ssyncset.done $0x0  }
0x30: {  	s16 =	sor.u32 s30, s31;
	[sflag:s29] =	ssyncadd.s32 $0xFFFFC000  }
0x31: {  	v0 =	vld [tilespmem:s16+$0x10010];
	_ =	sdelay $0x3  }
0x32: {  	s0 =	sor.u32 $0x10, s16  }
0x33: {  	[tilespmem:s0+$0x0] =	vst.add.f32.msk $0xffff, v0  }
0x34: {  	v0 =	vld [tilespmem:s16+$0x10090];
	_ =	sdelay $0x3  }
0x35: {  	s4 =	sor.u32 $0x90, s16;
	v1 =	vld [tilespmem:s16+$0x10000]  }
0x36: {  	[tilespmem:s4+$0x0] =	vst.add.f32.msk $0xffff, v0  }
0x37: {  	v0 =	vld [tilespmem:s16+$0x10110];
	_ =	sdelay $0x1  }
0x38: {  	v2 =	vld [tilespmem:s16+$0x10080];
	_ =	sdelay $0x1  }
0x39: {  	s5 =	sor.u32 $0x110, s16;
	[tilespmem:s16+$0x0] =	vst.add.f32.msk $0xffff, v1  }
0x3a: {  	[tilespmem:s5+$0x0] =	vst.add.f32.msk $0xffff, v0  }
0x3b: {  	s6 =	sor.u32 $0x80, s16;
	v0 =	vld [tilespmem:s16+$0x10190]  }
0x3c: {  	[tilespmem:s6+$0x0] =	vst.add.f32.msk $0xffff, v2  }
0x3d: {  	v1 =	vld [tilespmem:s16+$0x10100];
	_ =	sdelay $0x1  }
0x3e: {  	s7 =	sor.u32 $0x190, s16  }
0x3f: {  	[tilespmem:s7+$0x0] =	vst.add.f32.msk $0xffff, v0  }
0x40: {  	s8 =	sor.u32 $0x100, s16;
	v0 =	vld [tilespmem:s16+$0x10210]  }
0x41: {  	[tilespmem:s8+$0x0] =	vst.add.f32.msk $0xffff, v1  }
0x42: {  	v1 =	vld [tilespmem:s16+$0x10180];
	_ =	sdelay $0x1  }
0x43: {  	s9 =	sor.u32 $0x210, s16  }
0x44: {  	[tilespmem:s9+$0x0] =	vst.add.f32.msk $0xffff, v0  }
0x45: {  	s10 =	sor.u32 $0x180, s16;
	v0 =	vld [tilespmem:s16+$0x10290]  }
0x46: {  	s13 =	sand.u32 $0x3, s11;
	[tilespmem:s10+$0x0] =	vst.add.f32.msk $0xffff, v1  }
0x47: {  	s0 =	sshll.u32 s13, $0x5;
	v1 =	vld [tilespmem:s16+$0x10200]  }
0x48: {  	s0 =	sadd.s32 $0x0, s0  }
0x49: {  	s2 =	sor.u32 $0x290, s16;
	s7 =	sadd.s32 $0x10, s0  }
0x4a: {  	s14 =	sor.u32 $0x300, s7;
	[tilespmem:s2+$0x0] =	vst.add.f32.msk $0xffff, v0  }
0x4b: {  	s4 =	sor.u32 $0x200, s16;
	v0 =	vld [tilespmem:s14+$0x10000]  }
0x4c: {  	[tilespmem:s4+$0x0] =	vst.add.f32.msk $0xffff, v1  }
0x4d: {  	v1 =	vld [tilespmem:s16+$0x10280];
	_ =	sdelay $0x2  }
0x4e: {  	s15 =	sor.u32 $0x380, s7;
	[tilespmem:s14+$0x0] =	vst.add.f32.msk $0xffff, v0  }
0x4f: {  	s17 =	sor.u32 $0x280, s16;
	v0 =	vld [tilespmem:s15+$0x10000]  }
0x50: {  	s5 =	sor.u32 $0x300, s0;
	[tilespmem:s17+$0x0] =	vst.add.f32.msk $0xffff, v1  }
0x51: {  	v1 =	vld [tilespmem:s5+$0x10000];
	_ =	sdelay $0x2  }
0x52: {  	[tilespmem:s15+$0x0] =	vst.add.f32.msk $0xffff, v0  }
0x53: {  	s2 =	sor.u32 s11, s11;
	v0 =	vld [tilespmem:s16+$0x12010]  }
0x54: {  	s18 =	sor.u32 $0x380, s2;
	[tilespmem:s5+$0x0] =	vst.add.f32.msk $0xffff, v1  }
0x55: {  	v1 =	vld [tilespmem:s18+$0x10000];
	_ =	sdelay $0x1  }
0x56: {  	s19 =	sor.u32 $0x2010, s16  }
0x57: {  	[tilespmem:s19+$0x0] =	vst.add.f32.msk $0xffff, v0  }
0x58: {  	v0 =	vld [tilespmem:s16+$0x12090]  }
0x59: {  	s4 =	simm.s32 $0x100;
	s5 =	simm.s32 $0x20;
	[tilespmem:s18+$0x0] =	vst.add.f32.msk $0xffff, v1  }
0x5a: {  	s9 =	sand.u32 $0x1C00, s4;
	s8 =	sand.u32 $0x60, s5;
	v1 =	vld [tilespmem:s16+$0x12000]  }
0x5b: {  	s13 =	sor.u32 s8, s9  }
0x5c: {  	s20 =	sor.u32 $0x2090, s16;
	v2 =	vld [tilespmem:s13+$0x10010]  }
0x5d: {  	[tilespmem:s20+$0x0] =	vst.add.f32.msk $0xffff, v0  }
0x5e: {  	s21 =	sor.u32 $0x2000, s16;
	v0 =	vld [tilespmem:s16+$0x12110]  }
0x5f: {  	[tilespmem:s21+$0x0] =	vst.add.f32.msk $0xffff, v1  }
0x60: {  	s24 =	sor.u32 $0x10, s13;
	v1 =	vld [tilespmem:s16+$0x12080]  }
0x61: {  	[tilespmem:s24+$0x0] =	vst.add.f32.msk $0xffff, v2  }
0x62: {  	s22 =	sor.u32 $0x2110, s16;
	v2 =	vld [tilespmem:s13+$0x10090]  }
0x63: {  	[tilespmem:s22+$0x0] =	vst.add.f32.msk $0xffff, v0  }
0x64: {  	s23 =	sor.u32 $0x2080, s16;
	v0 =	vld [tilespmem:s16+$0x12190]  }
0x65: {  	[tilespmem:s23+$0x0] =	vst.add.f32.msk $0xffff, v1  }
0x66: {  	v1 =	vld [tilespmem:s13+$0x10000]  }
0x67: {  	v3 =	vld [tilespmem:s13+$0x10080];
	s26 =	sor.u32 $0x90, s13  }
0x68: {  	s25 =	sor.u32 $0x2190, s16;
	[tilespmem:s26+$0x0] =	vst.add.f32.msk $0xffff, v2  }
0x69: {  	[tilespmem:s25+$0x0] =	vst.add.f32.msk $0xffff, v0  }
0x6a: {  	v0 =	vld [tilespmem:s16+$0x12210]  }
0x6b: {  	[tilespmem:s13+$0x0] =	vst.add.f32.msk $0xffff, v1  }
0x6c: {  	s30 =	sor.u32 $0x80, s13;
	v1 =	vld [tilespmem:s13+$0x10110]  }
0x6d: {  	[tilespmem:s30+$0x0] =	vst.add.f32.msk $0xffff, v3  }
0x6e: {  	s29 =	sor.u32 $0x2210, s16;
	v2 =	vld [tilespmem:s13+$0x10100]  }
0x6f: {  	[tilespmem:s29+$0x0] =	vst.add.f32.msk $0xffff, v0  }
0x70: {  	s31 =	sor.u32 $0x110, s13;
	v0 =	vld [tilespmem:s16+$0x12290]  }
0x71: {  	[tilespmem:s31+$0x0] =	vst.add.f32.msk $0xffff, v1  }
0x72: {  	s9 =	sor.u32 $0x100, s13;
	v1 =	vld [tilespmem:s13+$0x10190]  }
0x73: {  	[tilespmem:s9+$0x0] =	vst.add.f32.msk $0xffff, v2  }
0x74: {  	s1 =	sor.u32 $0x2290, s16;
	v2 =	vld [tilespmem:s13+$0x10180]  }
0x75: {  	s6 =	sor.u32 $0x2300, s7;
	[tilespmem:s1+$0x0] =	vst.add.f32.msk $0xffff, v0  }
0x76: {  	s10 =	sor.u32 $0x190, s13;
	v0 =	vld [tilespmem:s6+$0x10000]  }
0x77: {  	[tilespmem:s10+$0x0] =	vst.add.f32.msk $0xffff, v1  }
0x78: {  	s11 =	sor.u32 $0x180, s13;
	v1 =	vld [tilespmem:s13+$0x10210]  }
0x79: {  	[tilespmem:s11+$0x0] =	vst.add.f32.msk $0xffff, v2  }
0x7a: {  	v2 =	vld [tilespmem:s13+$0x10200]  }
0x7b: {  	s7 =	sor.u32 $0x2380, s7;
	[tilespmem:s6+$0x0] =	vst.add.f32.msk $0xffff, v0  }
0x7c: {  	s14 =	sor.u32 $0x210, s13;
	v0 =	vld [tilespmem:s7+$0x10000]  }
0x7d: {  	[tilespmem:s14+$0x0] =	vst.add.f32.msk $0xffff, v1  }
0x7e: {  	s14 =	simm.s32 $0x1;
	v1 =	vld [tilespmem:s13+$0x10290]  }
0x7f: {  	s17 =	sor.u32 $0x200, s13;
	v3 =	vld [tilespmem:s16+$0x12100];
	s15 =	sand.u32 $0x3, s14  }
0x80: {  	s18 =	sshll.u32 s15, $0x5;
	[tilespmem:s17+$0x0] =	vst.add.f32.msk $0xffff, v2  }
0x81: {  	[tilespmem:s7+$0x0] =	vst.add.f32.msk $0xffff, v0;
	s7 =	sadd.s32 $0x100, s18  }
0x82: {  	s19 =	sor.u32 $0x290, s13;
	v0 =	vld [tilespmem:s13+$0x10280];
	s15 =	sadd.s32 $0x10, s7  }
0x83: {  	[tilespmem:s19+$0x0] =	vst.add.f32.msk $0xffff, v1;
	s20 =	sor.u32 $0x300, s15  }
0x84: {  	s21 =	sor.u32 $0x2100, s16;
	v1 =	vld [tilespmem:s20+$0x10000]  }
0x85: {  	[tilespmem:s21+$0x0] =	vst.add.f32.msk $0xffff, v3  }
0x86: {  	s22 =	sor.u32 $0x280, s13;
	v2 =	vld [tilespmem:s16+$0x12180]  }
0x87: {  	s17 =	sor.u32 $0x300, s7;
	[tilespmem:s22+$0x0] =	vst.add.f32.msk $0xffff, v0  }
0x88: {  	v0 =	vld [tilespmem:s17+$0x10000]  }
0x89: {  	s23 =	sor.u32 $0x380, s15;
	[tilespmem:s20+$0x0] =	vst.add.f32.msk $0xffff, v1  }
0x8a: {  	s24 =	sor.u32 $0x2180, s16;
	v1 =	vld [tilespmem:s23+$0x10000]  }
0x8b: {  	[tilespmem:s24+$0x0] =	vst.add.f32.msk $0xffff, v2  }
0x8c: {  	s4 =	sor.u32 s5, s4;
	v2 =	vld [tilespmem:s16+$0x12200]  }
0x8d: {  	s5 =	sor.u32 $0x380, s4;
	[tilespmem:s17+$0x0] =	vst.add.f32.msk $0xffff, v0  }
0x8e: {  	v0 =	vld [tilespmem:s5+$0x10000]  }
0x8f: {  	[tilespmem:s23+$0x0] =	vst.add.f32.msk $0xffff, v1  }
0x90: {  	s25 =	sor.u32 $0x2200, s16;
	v1 =	vld [tilespmem:s13+$0x12010]  }
0x91: {  	[tilespmem:s25+$0x0] =	vst.add.f32.msk $0xffff, v2  }
0x92: {  	v2 =	vld [tilespmem:s16+$0x12280]  }
0x93: {  	[tilespmem:s5+$0x0] =	vst.add.f32.msk $0xffff, v0  }
0x94: {  	s26 =	sor.u32 $0x2010, s13;
	v0 =	vld [tilespmem:s13+$0x12000]  }
0x95: {  	[tilespmem:s26+$0x0] =	vst.add.f32.msk $0xffff, v1  }
0x96: {  	s29 =	sor.u32 $0x2280, s16;
	v1 =	vld [tilespmem:s13+$0x12090]  }
0x97: {  	s0 =	sor.u32 $0x2300, s0;
	[tilespmem:s29+$0x0] =	vst.add.f32.msk $0xffff, v2  }
0x98: {  	s30 =	sor.u32 $0x2000, s13;
	v2 =	vld [tilespmem:s0+$0x10000]  }
0x99: {  	[tilespmem:s30+$0x0] =	vst.add.f32.msk $0xffff, v0  }
0x9a: {  	s28 =	sor.u32 $0x2080, s13;
	s31 =	sor.u32 $0x2090, s13;
	s21 =	sor.u32 $0x2200, s13;
	v0 =	vld [tilespmem:s13+$0x12080]  }
0x9b: {  	s19 =	sor.u32 $0x2280, s13;
	s24 =	simm.s32 $0x2;
	s25 =	simm.s32 $0x200;
	[tilespmem:s31+$0x0] =	vst.add.f32.msk $0xffff, v1  }
0x9c: {  	s16 =	sor.u32 $0x2380, s2;
	s18 =	sor.u32 $0x2300, s7;
	s22 =	sor.u32 $0x2180, s13;
	v1 =	vld [tilespmem:s13+$0x12110]  }
0x9d: {  	[tilespmem:s0+$0x0] =	vst.add.f32.msk $0xffff, v2;
	s17 =	sor.u32 $0x2380, s4;
	s23 =	sor.u32 $0x2100, s13;
	s26 =	simm.s32 $0x40  }
.LBB2_2:
0x9e: {  	s0 =	sand.u32 $0x60, s26;
	s2 =	sand.u32 $0x1C00, s25;
	s24 =	sadd.s32 $0x2, s24;
	v2 =	vld [tilespmem:s16+$0x10000]  }
0x9f: {  	s5 =	sor.u32 s26, s25;
	s29 =	sor.u32 s0, s2;
	p0 =	slt.u32 s24, $0x3E;
	[tilespmem:s28+$0x0] =	vst.add.f32.msk $0xffff, v0  }
0xa0: {  	s0 =	sor.u32 $0x2110, s13;
	s10 =	sor.u32 $0x80, s29;
	s11 =	sor.u32 $0x100, s29;
	v0 =	vld [tilespmem:s29+$0x10010]  }
0xa1: {  	s9 =	sor.u32 $0x180, s29;
	s7 =	sor.u32 $0x200, s29;
	s2 =	sor.u32 $0x280, s29;
	[tilespmem:s0+$0x0] =	vst.add.f32.msk $0xffff, v1  }
0xa2: {  	s31 =	sor.u32 $0x380, s5;
	s30 =	sor.u32 $0x2000, s29;
	s28 =	sor.u32 $0x2080, s29;
	v1 =	vld [tilespmem:s13+$0x12190]  }
0xa3: {  	s8 =	sor.u32 $0x2100, s29;
	s4 =	sor.u32 $0x2180, s29;
	s0 =	sor.u32 $0x2200, s29;
	v3 =	vld [tilespmem:s29+$0x10000]  }
0xa4: {  	s5 =	sor.u32 $0x2380, s5;
	s20 =	sor.u32 $0x2280, s29;
	s1 =	sor.u32 $0x10, s29;
	v4 =	vld [tilespmem:s29+$0x10080]  }
0xa5: {  	[tilespmem:s1+$0x0] =	vst.add.f32.msk $0xffff, v0  }
0xa6: {  	s1 =	sor.u32 $0x2190, s13;
	v0 =	vld [tilespmem:s29+$0x10090]  }
0xa7: {  	[tilespmem:s1+$0x0] =	vst.add.f32.msk $0xffff, v1  }
0xa8: {  	v1 =	vld [tilespmem:s13+$0x12210]  }
0xa9: {  	[tilespmem:s29+$0x0] =	vst.add.f32.msk $0xffff, v3  }
0xaa: {  	s1 =	sor.u32 $0x90, s29;
	[tilespmem:s10+$0x0] =	vst.add.f32.msk $0xffff, v4  }
0xab: {  	[tilespmem:s1+$0x0] =	vst.add.f32.msk $0xffff, v0  }
0xac: {  	s1 =	sor.u32 $0x2210, s13;
	v0 =	vld [tilespmem:s29+$0x10110]  }
0xad: {  	[tilespmem:s1+$0x0] =	vst.add.f32.msk $0xffff, v1  }
0xae: {  	v1 =	vld [tilespmem:s13+$0x12290]  }
0xaf: {  	v3 =	vld [tilespmem:s29+$0x10100]  }
0xb0: {  	s1 =	sor.u32 $0x110, s29;
	v4 =	vld [tilespmem:s13+$0x12100]  }
0xb1: {  	[tilespmem:s1+$0x0] =	vst.add.f32.msk $0xffff, v0  }
0xb2: {  	s1 =	sor.u32 $0x2290, s13;
	v0 =	vld [tilespmem:s29+$0x10190]  }
0xb3: {  	[tilespmem:s1+$0x0] =	vst.add.f32.msk $0xffff, v1;
	s1 =	sor.u32 $0x2300, s15  }
0xb4: {  	v1 =	vld [tilespmem:s1+$0x10000]  }
0xb5: {  	[tilespmem:s11+$0x0] =	vst.add.f32.msk $0xffff, v3  }
0xb6: {  	s10 =	sor.u32 $0x190, s29;
	v3 =	vld [tilespmem:s29+$0x10180]  }
0xb7: {  	[tilespmem:s10+$0x0] =	vst.add.f32.msk $0xffff, v0  }
0xb8: {  	v0 =	vld [tilespmem:s29+$0x10210]  }
0xb9: {  	[tilespmem:s1+$0x0] =	vst.add.f32.msk $0xffff, v1;
	s1 =	sor.u32 $0x2380, s15  }
0xba: {  	v1 =	vld [tilespmem:s1+$0x10000]  }
0xbb: {  	[tilespmem:s9+$0x0] =	vst.add.f32.msk $0xffff, v3  }
0xbc: {  	s9 =	sor.u32 $0x210, s29;
	v3 =	vld [tilespmem:s29+$0x10200]  }
0xbd: {  	[tilespmem:s9+$0x0] =	vst.add.f32.msk $0xffff, v0  }
0xbe: {  	s14 =	sadd.s32 $0x1, s14;
	v0 =	vld [tilespmem:s29+$0x10290]  }
0xbf: {  	s9 =	sand.u32 $0x3, s14;
	[tilespmem:s1+$0x0] =	vst.add.f32.msk $0xffff, v1  }
0xc0: {  	s1 =	sshll.u32 s9, $0x5;
	[tilespmem:s23+$0x0] =	vst.add.f32.msk $0xffff, v4;
	s23 =	smov.u32 s8  }
0xc1: {  	s1 =	sadd.s32 s1, s25;
	[tilespmem:s7+$0x0] =	vst.add.f32.msk $0xffff, v3  }
0xc2: {  	s9 =	sor.u32 $0x290, s29;
	s8 =	sor.u32 $0x300, s1;
	s15 =	sadd.s32 $0x10, s1;
	v1 =	vld [tilespmem:s29+$0x10280]  }
0xc3: {  	s7 =	sor.u32 $0x2300, s1;
	s1 =	sor.u32 $0x300, s15;
	[tilespmem:s9+$0x0] =	vst.add.f32.msk $0xffff, v0  }
0xc4: {  	v0 =	vld [tilespmem:s1+$0x10000]  }
0xc5: {  	v3 =	vld [tilespmem:s13+$0x12180]  }
0xc6: {  	[tilespmem:s16+$0x0] =	vst.add.f32.msk $0xffff, v2;
	s16 =	smov.u32 s17;
	s17 =	smov.u32 s5  }
0xc7: {  	[tilespmem:s2+$0x0] =	vst.add.f32.msk $0xffff, v1  }
0xc8: {  	v1 =	vld [tilespmem:s8+$0x10000]  }
0xc9: {  	[tilespmem:s1+$0x0] =	vst.add.f32.msk $0xffff, v0;
	s1 =	sor.u32 $0x380, s15  }
0xca: {  	v0 =	vld [tilespmem:s1+$0x10000]  }
0xcb: {  	[tilespmem:s22+$0x0] =	vst.add.f32.msk $0xffff, v3;
	s22 =	smov.u32 s4  }
0xcc: {  	v2 =	vld [tilespmem:s13+$0x12200]  }
0xcd: {  	[tilespmem:s8+$0x0] =	vst.add.f32.msk $0xffff, v1  }
0xce: {  	v1 =	vld [tilespmem:s31+$0x10000]  }
0xcf: {  	[tilespmem:s1+$0x0] =	vst.add.f32.msk $0xffff, v0  }
0xd0: {  	v0 =	vld [tilespmem:s29+$0x12010]  }
0xd1: {  	[tilespmem:s21+$0x0] =	vst.add.f32.msk $0xffff, v2;
	s21 =	smov.u32 s0  }
0xd2: {  	v2 =	vld [tilespmem:s13+$0x12280];
	s13 =	smov.u32 s29  }
0xd3: {  	[tilespmem:s31+$0x0] =	vst.add.f32.msk $0xffff, v1  }
0xd4: {  	s0 =	sor.u32 $0x2010, s13;
	v1 =	vld [tilespmem:s13+$0x12000]  }
0xd5: {  	[tilespmem:s0+$0x0] =	vst.add.f32.msk $0xffff, v0  }
0xd6: {  	v3 =	vld [tilespmem:s13+$0x12090]  }
0xd7: {  	[tilespmem:s19+$0x0] =	vst.add.f32.msk $0xffff, v2;
	s19 =	smov.u32 s20  }
0xd8: {  	v2 =	vld [tilespmem:s18+$0x10000]  }
.Ltmp0:
0xd9: {  	[tilespmem:s30+$0x0] =	vst.add.f32.msk $0xffff, v1;
	(pc) =	sbr.rel @p0 .LBB2_2-.Ltmp0, $4  }
0xda: {  	s0 =	sor.u32 $0x2090, s13;
	v0 =	vld [tilespmem:s13+$0x12080]  }
0xdb: {  	[tilespmem:s0+$0x0] =	vst.add.f32.msk $0xffff, v3  }
0xdc: {  	v1 =	vld [tilespmem:s13+$0x12110]  }
0xdd: {  	s26 =	sadd.s32 $0x20, s26;
	s25 =	sadd.s32 $0x100, s25;
	[tilespmem:s18+$0x0] =	vst.add.f32.msk $0xffff, v2;
	s18 =	smov.u32 s7  }
0xde: {  	_ = 	snop  }
0xdf: {  	[tilespmem:s28+$0x0] =	vst.add.f32.msk $0xffff, v0  }
0xe0: {  	v0 =	vld [tilespmem:s13+$0x12100];
	_ =	sdelay $0x1  }
0xe1: {  	s0 =	sor.u32 $0x2110, s13  }
0xe2: {  	[tilespmem:s0+$0x0] =	vst.add.f32.msk $0xffff, v1  }
0xe3: {  	v1 =	vld [tilespmem:s13+$0x12190]  }
0xe4: {  	[tilespmem:s23+$0x0] =	vst.add.f32.msk $0xffff, v0  }
0xe5: {  	v0 =	vld [tilespmem:s13+$0x12180];
	_ =	sdelay $0x1  }
0xe6: {  	s14 =	sor.u32 $0x2190, s13  }
0xe7: {  	[tilespmem:s14+$0x0] =	vst.add.f32.msk $0xffff, v1  }
0xe8: {  	v1 =	vld [tilespmem:s13+$0x12210]  }
0xe9: {  	[tilespmem:s22+$0x0] =	vst.add.f32.msk $0xffff, v0  }
0xea: {  	v0 =	vld [tilespmem:s13+$0x12200];
	_ =	sdelay $0x1  }
0xeb: {  	s20 =	sor.u32 $0x2210, s13  }
0xec: {  	[tilespmem:s20+$0x0] =	vst.add.f32.msk $0xffff, v1  }
0xed: {  	v1 =	vld [tilespmem:s13+$0x12290]  }
0xee: {  	[tilespmem:s21+$0x0] =	vst.add.f32.msk $0xffff, v0  }
0xef: {  	v0 =	vld [tilespmem:s13+$0x12280];
	_ =	sdelay $0x1  }
0xf0: {  	s21 =	sor.u32 $0x2290, s13  }
0xf1: {  	s22 =	sor.u32 $0x2300, s15;
	[tilespmem:s21+$0x0] =	vst.add.f32.msk $0xffff, v1  }
0xf2: {  	v1 =	vld [tilespmem:s22+$0x10000]  }
0xf3: {  	[tilespmem:s19+$0x0] =	vst.add.f32.msk $0xffff, v0  }
0xf4: {  	v0 =	vld [tilespmem:s18+$0x10000];
	_ =	sdelay $0x1  }
0xf5: {  	v2 =	vld [tilespmem:s16+$0x10000]  }
0xf6: {  	s23 =	sor.u32 $0x2380, s15;
	[tilespmem:s22+$0x0] =	vst.add.f32.msk $0xffff, v1  }
0xf7: {  	v1 =	vld [tilespmem:s23+$0x10000]  }
0xf8: {  	[tilespmem:s18+$0x0] =	vst.add.f32.msk $0xffff, v0  }
0xf9: {  	v0 =	vld [tilespmem:s17+$0x10000];
	_ =	sdelay $0x2  }
0xfa: {  	[tilespmem:s16+$0x0] =	vst.add.f32.msk $0xffff, v2  }
0xfb: {  	[tilespmem:s23+$0x0] =	vst.add.f32.msk $0xffff, v1  }
0xfc: {  	[tilespmem:s17+$0x0] =	vst.add.f32.msk $0xffff, v0  }
0xfd: {  	s2 =	simm.s32 $0x0;
	s0 =	rddreg [dreg:$0x9]  }
0xfe: {  	[hbm4b:s0+s2] =	stream.linear.scatter [tilespmem:s2], [sflag:$0x7], $0x4000, $0x38;
	[tilespmem:$0x18000] =	vst v63  }
0xff: {  	s1 =	simm.s32 $0x10000;
	s24 =	rddreg [dreg:$0xa]  }
0x100: {  	[tilespmem:s1], [sflag:$0x5] =	stream.linear.gather [hbm4b:s24+s2], $0x4000, $0x38;
	[tilespmem:$0x18000] =	vst v63  }
0x101: {  	_ =	swait.ge [sflag:s3], $0x4000  }
0x102: {  	[sflag:s3] =	ssyncset.done $0x0  }
0x103: {  	s26 =	simm.s32 $0x2;
	s25 =	rddreg [dreg:$0xb];
	[sflag:s3] =	ssyncadd.s32 $0xFFFFC000  }
0x104: {  	[tilespmem:s2], [sflag:$0x1] =	stream.linear.gather [hbm4b:s25+s2], $0x4000, $0x38;
	[tilespmem:$0x18000] =	vst v63  }
0x105: {  	_ =	swait.ge [sflag:s26], $0x4000  }
0x106: {  	[sflag:s26] =	ssyncset.done $0x0  }
0x107: {  	s29 =	simm.s32 $0x6;
	[sflag:s26] =	ssyncadd.s32 $0xFFFFC000  }
0x108: {  	_ =	swait.ge [sflag:s29], $0x4000  }
0x109: {  	s30 =	sand.u32 $0x60, s2;
	s31 =	sand.u32 $0x1C00, s2;
	[sflag:s29] =	ssyncset.done $0x0  }
0x10a: {  	s16 =	sor.u32 s30, s31;
	[sflag:s29] =	ssyncadd.s32 $0xFFFFC000  }
0x10b: {  	v0 =	vld [tilespmem:s16+$0x14010];
	_ =	sdelay $0x3  }
0x10c: {  	s0 =	sor.u32 $0x4010, s16;
	v1 =	vld [tilespmem:s16+$0x14000]  }
0x10d: {  	[tilespmem:s0+$0x0] =	vst.add.f32.msk $0xffff, v0  }
0x10e: {  	v0 =	vld [tilespmem:s16+$0x14090];
	_ =	sdelay $0x1  }
0x10f: {  	s3 =	sor.u32 $0x4000, s16  }
0x110: {  	[tilespmem:s3+$0x0] =	vst.add.f32.msk $0xffff, v1  }
0x111: {  	s1 =	sor.u32 $0x4090, s16;
	v1 =	vld [tilespmem:s16+$0x14080]  }
0x112: {  	[tilespmem:s1+$0x0] =	vst.add.f32.msk $0xffff, v0  }
0x113: {  	v0 =	vld [tilespmem:s16+$0x14110];
	_ =	sdelay $0x1  }
0x114: {  	s5 =	sor.u32 $0x4080, s16  }
0x115: {  	[tilespmem:s5+$0x0] =	vst.add.f32.msk $0xffff, v1  }
0x116: {  	s4 =	sor.u32 $0x4110, s16;
	v1 =	vld [tilespmem:s16+$0x14100]  }
0x117: {  	[tilespmem:s4+$0x0] =	vst.add.f32.msk $0xffff, v0  }
0x118: {  	v0 =	vld [tilespmem:s16+$0x14190];
	_ =	sdelay $0x1  }
0x119: {  	s7 =	sor.u32 $0x4100, s16  }
0x11a: {  	[tilespmem:s7+$0x0] =	vst.add.f32.msk $0xffff, v1  }
0x11b: {  	s6 =	sor.u32 $0x4190, s16;
	v1 =	vld [tilespmem:s16+$0x14180]  }
0x11c: {  	[tilespmem:s6+$0x0] =	vst.add.f32.msk $0xffff, v0  }
0x11d: {  	v0 =	vld [tilespmem:s16+$0x14210];
	_ =	sdelay $0x1  }
0x11e: {  	s9 =	sor.u32 $0x4180, s16  }
0x11f: {  	[tilespmem:s9+$0x0] =	vst.add.f32.msk $0xffff, v1  }
0x120: {  	s8 =	sor.u32 $0x4210, s16;
	v1 =	vld [tilespmem:s16+$0x14200]  }
0x121: {  	[tilespmem:s8+$0x0] =	vst.add.f32.msk $0xffff, v0  }
0x122: {  	v0 =	vld [tilespmem:s16+$0x14290]  }
0x123: {  	s10 =	sand.u32 $0x3, s2  }
0x124: {  	s0 =	sshll.u32 s10, $0x5;
	s4 =	sor.u32 $0x4200, s16  }
0x125: {  	s0 =	sadd.s32 $0x0, s0;
	[tilespmem:s4+$0x0] =	vst.add.f32.msk $0xffff, v1  }
0x126: {  	s1 =	sor.u32 $0x4290, s16;
	s7 =	sadd.s32 $0x10, s0;
	v1 =	vld [tilespmem:s16+$0x14280]  }
0x127: {  	s11 =	sor.u32 $0x4300, s7;
	[tilespmem:s1+$0x0] =	vst.add.f32.msk $0xffff, v0  }
0x128: {  	v0 =	vld [tilespmem:s11+$0x10000];
	_ =	sdelay $0x1  }
0x129: {  	s14 =	sor.u32 $0x4280, s16  }
0x12a: {  	s5 =	sor.u32 $0x4300, s0;
	[tilespmem:s14+$0x0] =	vst.add.f32.msk $0xffff, v1  }
0x12b: {  	v1 =	vld [tilespmem:s5+$0x10000]  }
0x12c: {  	s13 =	sor.u32 $0x4380, s7;
	[tilespmem:s11+$0x0] =	vst.add.f32.msk $0xffff, v0  }
0x12d: {  	v0 =	vld [tilespmem:s13+$0x10000];
	_ =	sdelay $0x1  }
0x12e: {  	s2 =	sor.u32 s2, s2  }
0x12f: {  	s15 =	sor.u32 $0x4380, s2;
	[tilespmem:s5+$0x0] =	vst.add.f32.msk $0xffff, v1  }
0x130: {  	v1 =	vld [tilespmem:s15+$0x10000]  }
0x131: {  	[tilespmem:s13+$0x0] =	vst.add.f32.msk $0xffff, v0  }
0x132: {  	v0 =	vld [tilespmem:s16+$0x16010];
	_ =	sdelay $0x2  }
0x133: {  	[tilespmem:s15+$0x0] =	vst.add.f32.msk $0xffff, v1  }
0x134: {  	s17 =	sor.u32 $0x6010, s16;
	v1 =	vld [tilespmem:s16+$0x16000]  }
0x135: {  	[tilespmem:s17+$0x0] =	vst.add.f32.msk $0xffff, v0  }
0x136: {  	v0 =	vld [tilespmem:s16+$0x16090];
	_ =	sdelay $0x1  }
0x137: {  	s19 =	sor.u32 $0x6000, s16  }
0x138: {  	[tilespmem:s19+$0x0] =	vst.add.f32.msk $0xffff, v1  }
0x139: {  	s18 =	sor.u32 $0x6090, s16;
	v1 =	vld [tilespmem:s16+$0x16080]  }
0x13a: {  	s4 =	simm.s32 $0x100;
	s5 =	simm.s32 $0x20;
	[tilespmem:s18+$0x0] =	vst.add.f32.msk $0xffff, v0  }
0x13b: {  	s8 =	sand.u32 $0x1C00, s4;
	s20 =	sand.u32 $0x60, s5;
	v0 =	vld [tilespmem:s16+$0x16110]  }
0x13c: {  	s13 =	sor.u32 s20, s8  }
0x13d: {  	s22 =	sor.u32 $0x6080, s16;
	v2 =	vld [tilespmem:s13+$0x14010]  }
0x13e: {  	[tilespmem:s22+$0x0] =	vst.add.f32.msk $0xffff, v1  }
0x13f: {  	s21 =	sor.u32 $0x6110, s16;
	v1 =	vld [tilespmem:s13+$0x14000]  }
0x140: {  	[tilespmem:s21+$0x0] =	vst.add.f32.msk $0xffff, v0  }
0x141: {  	s23 =	sor.u32 $0x4010, s13;
	v0 =	vld [tilespmem:s16+$0x16190]  }
0x142: {  	[tilespmem:s23+$0x0] =	vst.add.f32.msk $0xffff, v2  }
0x143: {  	s25 =	sor.u32 $0x4000, s13;
	v2 =	vld [tilespmem:s13+$0x14090]  }
0x144: {  	[tilespmem:s25+$0x0] =	vst.add.f32.msk $0xffff, v1  }
0x145: {  	s24 =	sor.u32 $0x6190, s16;
	v1 =	vld [tilespmem:s13+$0x14080]  }
0x146: {  	[tilespmem:s24+$0x0] =	vst.add.f32.msk $0xffff, v0  }
0x147: {  	s26 =	sor.u32 $0x4090, s13;
	v0 =	vld [tilespmem:s16+$0x16210]  }
0x148: {  	[tilespmem:s26+$0x0] =	vst.add.f32.msk $0xffff, v2  }
0x149: {  	s30 =	sor.u32 $0x4080, s13;
	v2 =	vld [tilespmem:s13+$0x14110]  }
0x14a: {  	[tilespmem:s30+$0x0] =	vst.add.f32.msk $0xffff, v1  }
0x14b: {  	s29 =	sor.u32 $0x6210, s16;
	v1 =	vld [tilespmem:s13+$0x14100]  }
0x14c: {  	[tilespmem:s29+$0x0] =	vst.add.f32.msk $0xffff, v0  }
0x14d: {  	s31 =	sor.u32 $0x4110, s13;
	v0 =	vld [tilespmem:s16+$0x16290]  }
0x14e: {  	[tilespmem:s31+$0x0] =	vst.add.f32.msk $0xffff, v2  }
0x14f: {  	s8 =	sor.u32 $0x4100, s13;
	v2 =	vld [tilespmem:s13+$0x14190]  }
0x150: {  	[tilespmem:s8+$0x0] =	vst.add.f32.msk $0xffff, v1  }
0x151: {  	s3 =	sor.u32 $0x6290, s16;
	v1 =	vld [tilespmem:s13+$0x14180]  }
0x152: {  	s6 =	sor.u32 $0x6300, s7;
	[tilespmem:s3+$0x0] =	vst.add.f32.msk $0xffff, v0  }
0x153: {  	s9 =	sor.u32 $0x4190, s13;
	v0 =	vld [tilespmem:s6+$0x10000]  }
0x154: {  	[tilespmem:s9+$0x0] =	vst.add.f32.msk $0xffff, v2  }
0x155: {  	s11 =	sor.u32 $0x4180, s13;
	v2 =	vld [tilespmem:s13+$0x14210]  }
0x156: {  	[tilespmem:s11+$0x0] =	vst.add.f32.msk $0xffff, v1  }
0x157: {  	v1 =	vld [tilespmem:s13+$0x14200]  }
0x158: {  	s10 =	sor.u32 $0x6380, s7;
	[tilespmem:s6+$0x0] =	vst.add.f32.msk $0xffff, v0  }
0x159: {  	s14 =	sor.u32 $0x4210, s13;
	v0 =	vld [tilespmem:s10+$0x10000]  }
0x15a: {  	[tilespmem:s14+$0x0] =	vst.add.f32.msk $0xffff, v2  }
0x15b: {  	s14 =	simm.s32 $0x1;
	v2 =	vld [tilespmem:s13+$0x14290]  }
0x15c: {  	s17 =	sor.u32 $0x4200, s13;
	v3 =	vld [tilespmem:s16+$0x16100];
	s15 =	sand.u32 $0x3, s14  }
0x15d: {  	s18 =	sshll.u32 s15, $0x5;
	[tilespmem:s17+$0x0] =	vst.add.f32.msk $0xffff, v1  }
0x15e: {  	s1 =	sadd.s32 $0x100, s18;
	[tilespmem:s10+$0x0] =	vst.add.f32.msk $0xffff, v0  }
0x15f: {  	s19 =	sor.u32 $0x4290, s13;
	s15 =	sadd.s32 $0x10, s1;
	v0 =	vld [tilespmem:s13+$0x14280]  }
0x160: {  	s20 =	sor.u32 $0x4300, s15;
	[tilespmem:s19+$0x0] =	vst.add.f32.msk $0xffff, v2  }
0x161: {  	s21 =	sor.u32 $0x6100, s16;
	v1 =	vld [tilespmem:s20+$0x10000]  }
0x162: {  	[tilespmem:s21+$0x0] =	vst.add.f32.msk $0xffff, v3  }
0x163: {  	s22 =	sor.u32 $0x4280, s13;
	v2 =	vld [tilespmem:s16+$0x16180]  }
0x164: {  	s9 =	sor.u32 $0x4300, s1;
	[tilespmem:s22+$0x0] =	vst.add.f32.msk $0xffff, v0  }
0x165: {  	v0 =	vld [tilespmem:s9+$0x10000]  }
0x166: {  	s23 =	sor.u32 $0x4380, s15;
	[tilespmem:s20+$0x0] =	vst.add.f32.msk $0xffff, v1  }
0x167: {  	s24 =	sor.u32 $0x6180, s16;
	v1 =	vld [tilespmem:s23+$0x10000]  }
0x168: {  	[tilespmem:s24+$0x0] =	vst.add.f32.msk $0xffff, v2  }
0x169: {  	s4 =	sor.u32 s5, s4;
	v2 =	vld [tilespmem:s16+$0x16200]  }
0x16a: {  	s5 =	sor.u32 $0x4380, s4;
	[tilespmem:s9+$0x0] =	vst.add.f32.msk $0xffff, v0  }
0x16b: {  	v0 =	vld [tilespmem:s5+$0x10000]  }
0x16c: {  	[tilespmem:s23+$0x0] =	vst.add.f32.msk $0xffff, v1  }
0x16d: {  	s25 =	sor.u32 $0x6200, s16;
	v1 =	vld [tilespmem:s13+$0x16010]  }
0x16e: {  	[tilespmem:s25+$0x0] =	vst.add.f32.msk $0xffff, v2  }
0x16f: {  	v2 =	vld [tilespmem:s16+$0x16280]  }
0x170: {  	[tilespmem:s5+$0x0] =	vst.add.f32.msk $0xffff, v0  }
0x171: {  	s26 =	sor.u32 $0x6010, s13;
	v0 =	vld [tilespmem:s13+$0x16000]  }
0x172: {  	[tilespmem:s26+$0x0] =	vst.add.f32.msk $0xffff, v1  }
0x173: {  	s29 =	sor.u32 $0x6280, s16;
	v1 =	vld [tilespmem:s13+$0x16090]  }
0x174: {  	s0 =	sor.u32 $0x6300, s0;
	[tilespmem:s29+$0x0] =	vst.add.f32.msk $0xffff, v2  }
0x175: {  	s30 =	sor.u32 $0x6000, s13;
	v2 =	vld [tilespmem:s0+$0x10000]  }
0x176: {  	[tilespmem:s30+$0x0] =	vst.add.f32.msk $0xffff, v0  }
0x177: {  	s28 =	sor.u32 $0x6080, s13;
	s31 =	sor.u32 $0x6090, s13;
	s21 =	sor.u32 $0x6200, s13;
	v0 =	vld [tilespmem:s13+$0x16080]  }
0x178: {  	s18 =	sor.u32 $0x6300, s1;
	s19 =	sor.u32 $0x6280, s13;
	s24 =	simm.s32 $0x2;
	[tilespmem:s31+$0x0] =	vst.add.f32.msk $0xffff, v1  }
0x179: {  	s17 =	sor.u32 $0x6380, s4;
	s25 =	simm.s32 $0x200;
	s16 =	sor.u32 $0x6380, s2;
	v1 =	vld [tilespmem:s13+$0x16110]  }
0x17a: {  	s23 =	sor.u32 $0x6100, s13;
	s22 =	sor.u32 $0x6180, s13;
	s26 =	simm.s32 $0x40;
	[tilespmem:s0+$0x0] =	vst.add.f32.msk $0xffff, v2  }
.LBB2_4:
0x17b: {  	s0 =	sand.u32 $0x60, s26;
	s1 =	sand.u32 $0x1C00, s25;
	s24 =	sadd.s32 $0x2, s24;
	v2 =	vld [tilespmem:s16+$0x10000]  }
0x17c: {  	s29 =	sor.u32 s0, s1;
	s1 =	sor.u32 s26, s25;
	p0 =	slt.u32 s24, $0x3E;
	[tilespmem:s28+$0x0] =	vst.add.f32.msk $0xffff, v0  }
0x17d: {  	s0 =	sor.u32 $0x6110, s13;
	s10 =	sor.u32 $0x4000, s29;
	s11 =	sor.u32 $0x4080, s29;
	v0 =	vld [tilespmem:s29+$0x14010]  }
0x17e: {  	s3 =	sor.u32 $0x4100, s29;
	s9 =	sor.u32 $0x4180, s29;
	s5 =	sor.u32 $0x4200, s29;
	[tilespmem:s0+$0x0] =	vst.add.f32.msk $0xffff, v1  }
0x17f: {  	s4 =	sor.u32 $0x4280, s29;
	s31 =	sor.u32 $0x4380, s1;
	s30 =	sor.u32 $0x6000, s29;
	v1 =	vld [tilespmem:s13+$0x16190]  }
0x180: {  	s28 =	sor.u32 $0x6080, s29;
	s8 =	sor.u32 $0x6100, s29;
	s2 =	sor.u32 $0x6180, s29;
	v3 =	vld [tilespmem:s29+$0x14000]  }
0x181: {  	s20 =	sor.u32 $0x6280, s29;
	s6 =	sor.u32 $0x4010, s29;
	s0 =	sor.u32 $0x6200, s29;
	v4 =	vld [tilespmem:s13+$0x16100]  }
0x182: {  	s7 =	sor.u32 $0x6380, s1;
	[tilespmem:s6+$0x0] =	vst.add.f32.msk $0xffff, v0  }
0x183: {  	s1 =	sor.u32 $0x6190, s13;
	v0 =	vld [tilespmem:s29+$0x14090]  }
0x184: {  	[tilespmem:s1+$0x0] =	vst.add.f32.msk $0xffff, v1  }
0x185: {  	v1 =	vld [tilespmem:s13+$0x16210]  }
0x186: {  	[tilespmem:s10+$0x0] =	vst.add.f32.msk $0xffff, v3  }
0x187: {  	s1 =	sor.u32 $0x4090, s29;
	v3 =	vld [tilespmem:s29+$0x14080]  }
0x188: {  	[tilespmem:s1+$0x0] =	vst.add.f32.msk $0xffff, v0  }
0x189: {  	s1 =	sor.u32 $0x6210, s13;
	v0 =	vld [tilespmem:s29+$0x14110]  }
0x18a: {  	[tilespmem:s1+$0x0] =	vst.add.f32.msk $0xffff, v1  }
0x18b: {  	v1 =	vld [tilespmem:s13+$0x16290]  }
0x18c: {  	[tilespmem:s11+$0x0] =	vst.add.f32.msk $0xffff, v3  }
0x18d: {  	s1 =	sor.u32 $0x4110, s29;
	v3 =	vld [tilespmem:s29+$0x14100]  }
0x18e: {  	[tilespmem:s1+$0x0] =	vst.add.f32.msk $0xffff, v0  }
0x18f: {  	s1 =	sor.u32 $0x6290, s13;
	v0 =	vld [tilespmem:s29+$0x14190]  }
0x190: {  	[tilespmem:s1+$0x0] =	vst.add.f32.msk $0xffff, v1;
	s1 =	sor.u32 $0x6300, s15  }
0x191: {  	v1 =	vld [tilespmem:s1+$0x10000]  }
0x192: {  	[tilespmem:s3+$0x0] =	vst.add.f32.msk $0xffff, v3  }
0x193: {  	s3 =	sor.u32 $0x4190, s29;
	v3 =	vld [tilespmem:s29+$0x14180]  }
0x194: {  	[tilespmem:s3+$0x0] =	vst.add.f32.msk $0xffff, v0  }
0x195: {  	v0 =	vld [tilespmem:s29+$0x14210]  }
0x196: {  	[tilespmem:s1+$0x0] =	vst.add.f32.msk $0xffff, v1;
	s1 =	sor.u32 $0x6380, s15  }
0x197: {  	v1 =	vld [tilespmem:s1+$0x10000]  }
0x198: {  	[tilespmem:s9+$0x0] =	vst.add.f32.msk $0xffff, v3  }
0x199: {  	s3 =	sor.u32 $0x4210, s29;
	v3 =	vld [tilespmem:s29+$0x14200]  }
0x19a: {  	[tilespmem:s3+$0x0] =	vst.add.f32.msk $0xffff, v0  }
0x19b: {  	s14 =	sadd.s32 $0x1, s14;
	v0 =	vld [tilespmem:s29+$0x14290]  }
0x19c: {  	s3 =	sand.u32 $0x3, s14;
	[tilespmem:s1+$0x0] =	vst.add.f32.msk $0xffff, v1  }
0x19d: {  	s1 =	sshll.u32 s3, $0x5;
	[tilespmem:s23+$0x0] =	vst.add.f32.msk $0xffff, v4;
	s23 =	smov.u32 s8  }
0x19e: {  	s1 =	sadd.s32 s1, s25;
	[tilespmem:s5+$0x0] =	vst.add.f32.msk $0xffff, v3  }
0x19f: {  	s6 =	sor.u32 $0x4290, s29;
	s3 =	sor.u32 $0x4300, s1;
	s15 =	sadd.s32 $0x10, s1;
	v1 =	vld [tilespmem:s29+$0x14280]  }
0x1a0: {  	s5 =	sor.u32 $0x6300, s1;
	s1 =	sor.u32 $0x4300, s15;
	[tilespmem:s6+$0x0] =	vst.add.f32.msk $0xffff, v0  }
0x1a1: {  	v0 =	vld [tilespmem:s1+$0x10000]  }
0x1a2: {  	v3 =	vld [tilespmem:s13+$0x16180]  }
0x1a3: {  	[tilespmem:s16+$0x0] =	vst.add.f32.msk $0xffff, v2;
	s16 =	smov.u32 s17;
	s17 =	smov.u32 s7  }
0x1a4: {  	[tilespmem:s4+$0x0] =	vst.add.f32.msk $0xffff, v1  }
0x1a5: {  	v1 =	vld [tilespmem:s3+$0x10000]  }
0x1a6: {  	[tilespmem:s1+$0x0] =	vst.add.f32.msk $0xffff, v0;
	s1 =	sor.u32 $0x4380, s15  }
0x1a7: {  	v0 =	vld [tilespmem:s1+$0x10000]  }
0x1a8: {  	[tilespmem:s22+$0x0] =	vst.add.f32.msk $0xffff, v3;
	s22 =	smov.u32 s2  }
0x1a9: {  	v2 =	vld [tilespmem:s13+$0x16200]  }
0x1aa: {  	[tilespmem:s3+$0x0] =	vst.add.f32.msk $0xffff, v1  }
0x1ab: {  	v1 =	vld [tilespmem:s31+$0x10000]  }
0x1ac: {  	[tilespmem:s1+$0x0] =	vst.add.f32.msk $0xffff, v0  }
0x1ad: {  	v0 =	vld [tilespmem:s29+$0x16010]  }
0x1ae: {  	[tilespmem:s21+$0x0] =	vst.add.f32.msk $0xffff, v2;
	s21 =	smov.u32 s0  }
0x1af: {  	v2 =	vld [tilespmem:s13+$0x16280];
	s13 =	smov.u32 s29  }
0x1b0: {  	[tilespmem:s31+$0x0] =	vst.add.f32.msk $0xffff, v1  }
0x1b1: {  	s0 =	sor.u32 $0x6010, s13;
	v1 =	vld [tilespmem:s13+$0x16000]  }
0x1b2: {  	[tilespmem:s0+$0x0] =	vst.add.f32.msk $0xffff, v0  }
0x1b3: {  	v3 =	vld [tilespmem:s13+$0x16090]  }
0x1b4: {  	[tilespmem:s19+$0x0] =	vst.add.f32.msk $0xffff, v2;
	s19 =	smov.u32 s20  }
0x1b5: {  	v2 =	vld [tilespmem:s18+$0x10000]  }
.Ltmp1:
0x1b6: {  	[tilespmem:s30+$0x0] =	vst.add.f32.msk $0xffff, v1;
	(pc) =	sbr.rel @p0 .LBB2_4-.Ltmp1, $4  }
0x1b7: {  	s0 =	sor.u32 $0x6090, s13;
	v0 =	vld [tilespmem:s13+$0x16080]  }
0x1b8: {  	[tilespmem:s0+$0x0] =	vst.add.f32.msk $0xffff, v3  }
0x1b9: {  	v1 =	vld [tilespmem:s13+$0x16110]  }
0x1ba: {  	s26 =	sadd.s32 $0x20, s26;
	s25 =	sadd.s32 $0x100, s25;
	[tilespmem:s18+$0x0] =	vst.add.f32.msk $0xffff, v2;
	s18 =	smov.u32 s5  }
0x1bb: {  	_ = 	snop  }
0x1bc: {  	[tilespmem:s28+$0x0] =	vst.add.f32.msk $0xffff, v0  }
0x1bd: {  	v0 =	vld [tilespmem:s13+$0x16100];
	_ =	sdelay $0x1  }
0x1be: {  	s0 =	sor.u32 $0x6110, s13  }
0x1bf: {  	[tilespmem:s0+$0x0] =	vst.add.f32.msk $0xffff, v1  }
0x1c0: {  	v1 =	vld [tilespmem:s13+$0x16190]  }
0x1c1: {  	[tilespmem:s23+$0x0] =	vst.add.f32.msk $0xffff, v0  }
0x1c2: {  	v0 =	vld [tilespmem:s13+$0x16180];
	_ =	sdelay $0x1  }
0x1c3: {  	s25 =	sor.u32 $0x6190, s13  }
0x1c4: {  	[tilespmem:s25+$0x0] =	vst.add.f32.msk $0xffff, v1  }
0x1c5: {  	v1 =	vld [tilespmem:s13+$0x16210]  }
0x1c6: {  	[tilespmem:s22+$0x0] =	vst.add.f32.msk $0xffff, v0  }
0x1c7: {  	v0 =	vld [tilespmem:s13+$0x16200];
	_ =	sdelay $0x1  }
0x1c8: {  	s26 =	sor.u32 $0x6210, s13  }
0x1c9: {  	[tilespmem:s26+$0x0] =	vst.add.f32.msk $0xffff, v1  }
0x1ca: {  	v1 =	vld [tilespmem:s13+$0x16290]  }
0x1cb: {  	[tilespmem:s21+$0x0] =	vst.add.f32.msk $0xffff, v0  }
0x1cc: {  	v0 =	vld [tilespmem:s13+$0x16280];
	_ =	sdelay $0x1  }
0x1cd: {  	s28 =	sor.u32 $0x6290, s13  }
0x1ce: {  	s29 =	sor.u32 $0x6300, s15;
	[tilespmem:s28+$0x0] =	vst.add.f32.msk $0xffff, v1  }
0x1cf: {  	v1 =	vld [tilespmem:s29+$0x10000]  }
0x1d0: {  	[tilespmem:s19+$0x0] =	vst.add.f32.msk $0xffff, v0  }
0x1d1: {  	v0 =	vld [tilespmem:s18+$0x10000];
	_ =	sdelay $0x1  }
0x1d2: {  	v2 =	vld [tilespmem:s16+$0x10000]  }
0x1d3: {  	s30 =	sor.u32 $0x6380, s15;
	[tilespmem:s29+$0x0] =	vst.add.f32.msk $0xffff, v1  }
0x1d4: {  	v1 =	vld [tilespmem:s30+$0x10000]  }
0x1d5: {  	[tilespmem:s18+$0x0] =	vst.add.f32.msk $0xffff, v0  }
0x1d6: {  	v0 =	vld [tilespmem:s17+$0x10000];
	_ =	sdelay $0x2  }
0x1d7: {  	[tilespmem:s16+$0x0] =	vst.add.f32.msk $0xffff, v2  }
0x1d8: {  	[tilespmem:s30+$0x0] =	vst.add.f32.msk $0xffff, v1  }
0x1d9: {  	[tilespmem:s17+$0x0] =	vst.add.f32.msk $0xffff, v0  }
0x1da: {  	s2 =	simm.s32 $0x4000;
	s0 =	simm.s32 $0x0;
	s1 =	rddreg [dreg:$0xc]  }
0x1db: {  	[hbm4b:s1+s0] =	stream.linear.scatter [tilespmem:s2], [sflag:$0x8], $0x4000, $0x38;
	[tilespmem:$0x18000] =	vst v63  }
0x1dc: {  	s10 =	simm.s32 $0x14000;
	s3 =	simm.s32 $0x8;
	s31 =	rddreg [dreg:$0xd]  }
0x1dd: {  	[tilespmem:s10], [sflag:$0x6] =	stream.linear.gather [hbm4b:s31+s0], $0x4000, $0x38;
	[tilespmem:$0x18000] =	vst v63  }
0x1de: {  	_ =	swait.ge [sflag:s3], $0x4000  }
0x1df: {  	[sflag:s3] =	ssyncset.done $0x0  }
0x1e0: {  	s5 =	simm.s32 $0x3;
	s4 =	rddreg [dreg:$0xe];
	[sflag:s3] =	ssyncadd.s32 $0xFFFFC000  }
0x1e1: {  	[tilespmem:s2], [sflag:$0x2] =	stream.linear.gather [hbm4b:s4+s0], $0x4000, $0x38;
	[tilespmem:$0x18000] =	vst v63  }
0x1e2: {  	_ =	swait.ge [sflag:s5], $0x4000  }
0x1e3: {  	[sflag:s5] =	ssyncset.done $0x0  }
0x1e4: {  	s6 =	simm.s32 $0x5;
	[sflag:s5] =	ssyncadd.s32 $0xFFFFC000  }
0x1e5: {  	s16 =	sand.u32 $0x1C00, s0;
	s17 =	sand.u32 $0x60, s0;
	_ =	swait.ge [sflag:s6], $0x4000  }
0x1e6: {  	s7 =	sor.u32 $0x10000, s16;
	s18 =	sor.u32 $0x10, s17;
	[sflag:s6] =	ssyncset.done $0x0  }
0x1e7: {  	s8 =	sor.u32 s18, s7;
	[sflag:s6] =	ssyncadd.s32 $0xFFFFC000  }
0x1e8: {  	v0 =	vld [tilespmem:s8+$0x0];
	_ =	sdelay $0x2  }
0x1e9: {  	s1 =	sor.u32 s17, s7;
	s3 =	sor.u32 $0x8000, s16  }
0x1ea: {  	s4 =	sor.u32 s18, s3;
	v1 =	vld [tilespmem:s1+$0x0]  }
0x1eb: {  	[tilespmem:s4+$0x0] =	vst.add.f32.msk $0xffff, v0  }
0x1ec: {  	v0 =	vld [tilespmem:s8+$0x80];
	_ =	sdelay $0x1  }
0x1ed: {  	s3 =	sor.u32 s17, s3  }
0x1ee: {  	s9 =	sor.u32 $0x8080, s16;
	[tilespmem:s3+$0x0] =	vst.add.f32.msk $0xffff, v1  }
0x1ef: {  	s5 =	sor.u32 s18, s9;
	v1 =	vld [tilespmem:s1+$0x80]  }
0x1f0: {  	[tilespmem:s5+$0x0] =	vst.add.f32.msk $0xffff, v0  }
0x1f1: {  	v0 =	vld [tilespmem:s8+$0x100];
	_ =	sdelay $0x1  }
0x1f2: {  	s4 =	sor.u32 s17, s9  }
0x1f3: {  	s11 =	sor.u32 $0x8100, s16;
	[tilespmem:s4+$0x0] =	vst.add.f32.msk $0xffff, v1  }
0x1f4: {  	s13 =	sor.u32 s18, s11;
	v1 =	vld [tilespmem:s1+$0x100]  }
0x1f5: {  	[tilespmem:s13+$0x0] =	vst.add.f32.msk $0xffff, v0  }
0x1f6: {  	v0 =	vld [tilespmem:s8+$0x180];
	_ =	sdelay $0x1  }
0x1f7: {  	s3 =	sor.u32 s17, s11  }
0x1f8: {  	s14 =	sor.u32 $0x8180, s16;
	[tilespmem:s3+$0x0] =	vst.add.f32.msk $0xffff, v1  }
0x1f9: {  	s15 =	sor.u32 s18, s14;
	v1 =	vld [tilespmem:s1+$0x180]  }
0x1fa: {  	[tilespmem:s15+$0x0] =	vst.add.f32.msk $0xffff, v0  }
0x1fb: {  	v0 =	vld [tilespmem:s8+$0x200];
	_ =	sdelay $0x1  }
0x1fc: {  	s4 =	sor.u32 s17, s14  }
0x1fd: {  	s19 =	sor.u32 $0x8200, s16;
	[tilespmem:s4+$0x0] =	vst.add.f32.msk $0xffff, v1  }
0x1fe: {  	s20 =	sor.u32 s18, s19;
	v1 =	vld [tilespmem:s1+$0x200]  }
0x1ff: {  	[tilespmem:s20+$0x0] =	vst.add.f32.msk $0xffff, v0  }
0x200: {  	v0 =	vld [tilespmem:s8+$0x280]  }
0x201: {  	s21 =	sand.u32 $0x3, s0  }
0x202: {  	s2 =	sshll.u32 s21, $0x5;
	s3 =	sor.u32 s17, s19  }
0x203: {  	s22 =	sor.u32 $0x8280, s16;
	s2 =	sadd.s32 $0x0, s2;
	[tilespmem:s3+$0x0] =	vst.add.f32.msk $0xffff, v1  }
0x204: {  	s23 =	sor.u32 s18, s22;
	s6 =	sadd.s32 $0x10, s2;
	v1 =	vld [tilespmem:s1+$0x280]  }
0x205: {  	s24 =	sor.u32 $0x300, s6;
	[tilespmem:s23+$0x0] =	vst.add.f32.msk $0xffff, v0  }
0x206: {  	v0 =	vld [tilespmem:s24+$0x10000];
	_ =	sdelay $0x1  }
0x207: {  	s4 =	sor.u32 s17, s22  }
0x208: {  	s25 =	sor.u32 $0x8300, s16;
	s2 =	sor.u32 $0x300, s2;
	[tilespmem:s4+$0x0] =	vst.add.f32.msk $0xffff, v1  }
0x209: {  	s26 =	sor.u32 s18, s25;
	v1 =	vld [tilespmem:s2+$0x10000]  }
0x20a: {  	s28 =	sor.u32 $0x380, s6;
	[tilespmem:s26+$0x0] =	vst.add.f32.msk $0xffff, v0  }
0x20b: {  	v0 =	vld [tilespmem:s28+$0x10000];
	_ =	sdelay $0x1  }
0x20c: {  	s0 =	sor.u32 s0, s0;
	s1 =	sor.u32 s17, s25  }
0x20d: {  	s29 =	sor.u32 $0x8380, s16;
	s0 =	sor.u32 $0x380, s0;
	[tilespmem:s1+$0x0] =	vst.add.f32.msk $0xffff, v1  }
0x20e: {  	s30 =	sor.u32 $0x12000, s16;
	s31 =	sor.u32 s18, s29;
	v1 =	vld [tilespmem:s0+$0x10000]  }
0x20f: {  	s5 =	sor.u32 s18, s30;
	[tilespmem:s31+$0x0] =	vst.add.f32.msk $0xffff, v0  }
0x210: {  	v0 =	vld [tilespmem:s5+$0x0];
	_ =	sdelay $0x1  }
0x211: {  	s2 =	sor.u32 s17, s29  }
0x212: {  	s6 =	sor.u32 $0xA000, s16;
	s3 =	sor.u32 s17, s30;
	[tilespmem:s2+$0x0] =	vst.add.f32.msk $0xffff, v1  }
0x213: {  	s7 =	sor.u32 $0x12080, s16;
	s8 =	sor.u32 s18, s6;
	v1 =	vld [tilespmem:s3+$0x0]  }
0x214: {  	s9 =	sor.u32 s18, s7;
	[tilespmem:s8+$0x0] =	vst.add.f32.msk $0xffff, v0  }
0x215: {  	v0 =	vld [tilespmem:s9+$0x0];
	_ =	sdelay $0x1  }
0x216: {  	s11 =	sor.u32 $0xA080, s16;
	s24 =	sor.u32 s17, s6  }
0x217: {  	s21 =	sor.u32 s18, s11;
	s1 =	sor.u32 s17, s7;
	[tilespmem:s24+$0x0] =	vst.add.f32.msk $0xffff, v1  }
0x218: {  	s23 =	sor.u32 $0x12100, s16;
	s0 =	simm.s32 $0x100;
	s2 =	simm.s32 $0x20;
	v1 =	vld [tilespmem:s1+$0x0]  }
0x219: {  	s22 =	sor.u32 s18, s23;
	s13 =	sand.u32 $0x1C00, s0;
	s14 =	sand.u32 $0x60, s2;
	[tilespmem:s21+$0x0] =	vst.add.f32.msk $0xffff, v0  }
0x21a: {  	s25 =	sor.u32 $0x10000, s13;
	s15 =	sor.u32 $0x10, s14;
	v0 =	vld [tilespmem:s22+$0x0]  }
0x21b: {  	s28 =	sor.u32 s15, s25  }
0x21c: {  	s3 =	sor.u32 s17, s11;
	v2 =	vld [tilespmem:s28+$0x0]  }
0x21d: {  	s19 =	sor.u32 $0xA100, s16;
	s9 =	sor.u32 s14, s25;
	[tilespmem:s3+$0x0] =	vst.add.f32.msk $0xffff, v1  }
0x21e: {  	s20 =	sor.u32 $0x12180, s16;
	s26 =	sor.u32 s18, s19;
	v1 =	vld [tilespmem:s9+$0x0]  }
0x21f: {  	s29 =	sor.u32 s18, s20;
	s30 =	sor.u32 $0x8000, s13;
	[tilespmem:s26+$0x0] =	vst.add.f32.msk $0xffff, v0  }
0x220: {  	s31 =	sor.u32 s15, s30;
	v0 =	vld [tilespmem:s29+$0x0]  }
0x221: {  	[tilespmem:s31+$0x0] =	vst.add.f32.msk $0xffff, v2  }
0x222: {  	s1 =	sor.u32 s14, s30;
	v2 =	vld [tilespmem:s28+$0x80]  }
0x223: {  	s21 =	sor.u32 $0xA180, s16;
	[tilespmem:s1+$0x0] =	vst.add.f32.msk $0xffff, v1  }
0x224: {  	s22 =	sor.u32 $0x12200, s16;
	s4 =	sor.u32 s18, s21;
	v1 =	vld [tilespmem:s9+$0x80]  }
0x225: {  	s6 =	sor.u32 $0x8080, s13;
	s5 =	sor.u32 s18, s22;
	[tilespmem:s4+$0x0] =	vst.add.f32.msk $0xffff, v0  }
0x226: {  	s8 =	sor.u32 s15, s6;
	v0 =	vld [tilespmem:s5+$0x0]  }
0x227: {  	[tilespmem:s8+$0x0] =	vst.add.f32.msk $0xffff, v2  }
0x228: {  	v2 =	vld [tilespmem:s28+$0x100];
	s1 =	sor.u32 s14, s6  }
0x229: {  	[tilespmem:s1+$0x0] =	vst.add.f32.msk $0xffff, v1;
	s5 =	sor.u32 $0xA200, s16  }
0x22a: {  	s7 =	sor.u32 $0x12280, s16;
	v1 =	vld [tilespmem:s9+$0x100];
	s11 =	sor.u32 s18, s5  }
0x22b: {  	s24 =	sor.u32 s18, s7;
	s25 =	sor.u32 $0x8100, s13;
	[tilespmem:s11+$0x0] =	vst.add.f32.msk $0xffff, v0  }
0x22c: {  	s26 =	sor.u32 s15, s25;
	v0 =	vld [tilespmem:s24+$0x0]  }
0x22d: {  	[tilespmem:s26+$0x0] =	vst.add.f32.msk $0xffff, v2  }
0x22e: {  	v2 =	vld [tilespmem:s28+$0x180];
	s1 =	sor.u32 s14, s25  }
0x22f: {  	s4 =	sor.u32 $0xA280, s16;
	[tilespmem:s1+$0x0] =	vst.add.f32.msk $0xffff, v1  }
0x230: {  	s8 =	sor.u32 $0x12300, s16;
	s29 =	sor.u32 s18, s4;
	v1 =	vld [tilespmem:s9+$0x180]  }
0x231: {  	s31 =	sor.u32 $0x8180, s13;
	s30 =	sor.u32 s18, s8;
	[tilespmem:s29+$0x0] =	vst.add.f32.msk $0xffff, v0  }
0x232: {  	s6 =	sor.u32 s15, s31;
	v0 =	vld [tilespmem:s30+$0x0]  }
0x233: {  	[tilespmem:s6+$0x0] =	vst.add.f32.msk $0xffff, v2  }
0x234: {  	v2 =	vld [tilespmem:s28+$0x200];
	s1 =	sor.u32 s14, s31  }
0x235: {  	s25 =	sor.u32 $0xA300, s16;
	[tilespmem:s1+$0x0] =	vst.add.f32.msk $0xffff, v1  }
0x236: {  	s11 =	sor.u32 s18, s25;
	s24 =	sor.u32 $0x12380, s16;
	v1 =	vld [tilespmem:s9+$0x200]  }
0x237: {  	s26 =	sor.u32 s18, s24;
	s29 =	sor.u32 $0x8200, s13;
	[tilespmem:s11+$0x0] =	vst.add.f32.msk $0xffff, v0  }
0x238: {  	s30 =	sor.u32 s15, s29;
	v0 =	vld [tilespmem:s26+$0x0]  }
0x239: {  	[tilespmem:s30+$0x0] =	vst.add.f32.msk $0xffff, v2  }
0x23a: {  	s31 =	sor.u32 s17, s23;
	v2 =	vld [tilespmem:s28+$0x280];
	s26 =	sor.u32 $0xA380, s16;
	s16 =	simm.s32 $0x1  }
0x23b: {  	v3 =	vld [tilespmem:s31+$0x0];
	s1 =	sor.u32 s14, s29;
	s11 =	sand.u32 $0x3, s16  }
0x23c: {  	[tilespmem:s1+$0x0] =	vst.add.f32.msk $0xffff, v1;
	s6 =	sor.u32 s18, s26;
	s18 =	sshll.u32 s11, $0x5  }
0x23d: {  	s23 =	sor.u32 $0x8280, s13;
	s3 =	sadd.s32 $0x100, s18;
	[tilespmem:s6+$0x0] =	vst.add.f32.msk $0xffff, v0  }
0x23e: {  	s28 =	sor.u32 s15, s23;
	s29 =	sadd.s32 $0x10, s3;
	v0 =	vld [tilespmem:s9+$0x280]  }
0x23f: {  	[tilespmem:s28+$0x0] =	vst.add.f32.msk $0xffff, v2;
	s30 =	sor.u32 $0x300, s29  }
0x240: {  	s31 =	sor.u32 s17, s19;
	v1 =	vld [tilespmem:s30+$0x10000]  }
0x241: {  	[tilespmem:s31+$0x0] =	vst.add.f32.msk $0xffff, v3;
	s11 =	sor.u32 s17, s20  }
0x242: {  	s1 =	sor.u32 s14, s23;
	v2 =	vld [tilespmem:s11+$0x0]  }
0x243: {  	s18 =	sor.u32 $0x8300, s13;
	s3 =	sor.u32 $0x300, s3;
	[tilespmem:s1+$0x0] =	vst.add.f32.msk $0xffff, v0  }
0x244: {  	s19 =	sor.u32 s15, s18;
	v0 =	vld [tilespmem:s3+$0x10000]  }
0x245: {  	s20 =	sor.u32 $0x380, s29;
	[tilespmem:s19+$0x0] =	vst.add.f32.msk $0xffff, v1  }
0x246: {  	s23 =	sor.u32 s17, s21;
	v1 =	vld [tilespmem:s20+$0x10000]  }
0x247: {  	s28 =	sor.u32 s17, s22;
	[tilespmem:s23+$0x0] =	vst.add.f32.msk $0xffff, v2  }
0x248: {  	s0 =	sor.u32 s0, s2;
	v2 =	vld [tilespmem:s28+$0x0];
	s1 =	sor.u32 s14, s18  }
0x249: {  	s0 =	sor.u32 $0x380, s0;
	s29 =	sor.u32 $0x8380, s13;
	[tilespmem:s1+$0x0] =	vst.add.f32.msk $0xffff, v0  }
0x24a: {  	s30 =	sor.u32 $0x12000, s13;
	s31 =	sor.u32 s15, s29;
	v0 =	vld [tilespmem:s0+$0x10000]  }
0x24b: {  	s3 =	sor.u32 s15, s30;
	[tilespmem:s31+$0x0] =	vst.add.f32.msk $0xffff, v1  }
0x24c: {  	s6 =	sor.u32 s17, s5;
	v1 =	vld [tilespmem:s3+$0x0]  }
0x24d: {  	s9 =	sor.u32 s17, s7;
	[tilespmem:s6+$0x0] =	vst.add.f32.msk $0xffff, v2  }
0x24e: {  	v2 =	vld [tilespmem:s9+$0x0];
	s1 =	sor.u32 s14, s29  }
0x24f: {  	s11 =	sor.u32 $0xA000, s13;
	s0 =	sor.u32 s14, s30;
	[tilespmem:s1+$0x0] =	vst.add.f32.msk $0xffff, v0  }
0x250: {  	s19 =	sor.u32 $0x12080, s13;
	s20 =	sor.u32 s15, s11;
	v3 =	vld [tilespmem:s0+$0x0]  }
0x251: {  	s21 =	sor.u32 s15, s19;
	[tilespmem:s20+$0x0] =	vst.add.f32.msk $0xffff, v1  }
0x252: {  	s22 =	sor.u32 s17, s4;
	v4 =	vld [tilespmem:s21+$0x0]  }
0x253: {  	s23 =	sor.u32 s17, s8;
	[tilespmem:s22+$0x0] =	vst.add.f32.msk $0xffff, v2  }
0x254: {  	s28 =	sor.u32 $0xA080, s13;
	s1 =	sor.u32 s14, s11;
	v0 =	vld [tilespmem:s23+$0x0]  }
0x255: {  	s18 =	simm.s32 $0x2;
	s29 =	sor.u32 $0x12100, s13;
	s0 =	sor.u32 s14, s19;
	[tilespmem:s1+$0x0] =	vst.add.f32.msk $0xffff, v3  }
0x256: {  	s30 =	sor.u32 s15, s28;
	s31 =	sor.u32 s15, s29;
	s2 =	sor.u32 s14, s29;
	v1 =	vld [tilespmem:s0+$0x0]  }
0x257: {  	s22 =	sor.u32 s17, s25;
	s23 =	sor.u32 s17, s24;
	s17 =	sor.u32 s17, s26;
	[tilespmem:s30+$0x0] =	vst.add.f32.msk $0xffff, v4  }
0x258: {  	s19 =	simm.s32 $0x200;
	s21 =	simm.s32 $0x40;
	s0 =	sor.u32 s14, s28;
	v2 =	vld [tilespmem:s31+$0x0]  }
.LBB2_6:
0x259: {  	s20 =	sand.u32 $0x60, s21;
	s5 =	sand.u32 $0x1C00, s19;
	s18 =	sadd.s32 $0x2, s18;
	[tilespmem:s22+$0x0] =	vst.add.f32.msk $0xffff, v0  }
0x25a: {  	s1 =	sor.u32 $0x10000, s5;
	s30 =	sor.u32 $0x10, s20;
	p0 =	slt.u32 s18, $0x3E;
	v0 =	vld [tilespmem:s23+$0x0]  }
0x25b: {  	s25 =	sor.u32 s20, s1;
	s8 =	sor.u32 s30, s1;
	[tilespmem:s0+$0x0] =	vst.add.f32.msk $0xffff, v1;
	s0 =	sor.u32 $0xA100, s13  }
0x25c: {  	s3 =	sor.u32 $0x12180, s13;
	s1 =	sor.u32 s19, s21;
	v1 =	vld [tilespmem:s8+$0x0];
	s4 =	sor.u32 s15, s0  }
0x25d: {  	s24 =	sor.u32 $0x380, s1;
	s7 =	sor.u32 s14, s0;
	s1 =	sor.u32 s15, s3;
	[tilespmem:s4+$0x0] =	vst.add.f32.msk $0xffff, v2  }
0x25e: {  	s0 =	sor.u32 s14, s3;
	v2 =	vld [tilespmem:s1+$0x0]  }
0x25f: {  	s1 =	sor.u32 $0x8000, s5;
	v3 =	vld [tilespmem:s25+$0x0]  }
0x260: {  	s3 =	sor.u32 s20, s1;
	s1 =	sor.u32 s30, s1;
	v4 =	vld [tilespmem:s2+$0x0]  }
0x261: {  	[tilespmem:s1+$0x0] =	vst.add.f32.msk $0xffff, v1;
	s1 =	sor.u32 $0xA180, s13  }
0x262: {  	s2 =	sor.u32 $0x12200, s13;
	v1 =	vld [tilespmem:s8+$0x80];
	s26 =	sor.u32 s14, s1;
	s1 =	sor.u32 s15, s1  }
0x263: {  	s28 =	sor.u32 s14, s2;
	[tilespmem:s1+$0x0] =	vst.add.f32.msk $0xffff, v2;
	s1 =	sor.u32 s15, s2  }
0x264: {  	v2 =	vld [tilespmem:s1+$0x0]  }
0x265: {  	s1 =	sor.u32 $0x8080, s5;
	[tilespmem:s3+$0x0] =	vst.add.f32.msk $0xffff, v3  }
0x266: {  	s3 =	sor.u32 s20, s1;
	s1 =	sor.u32 s30, s1;
	v3 =	vld [tilespmem:s25+$0x80]  }
0x267: {  	[tilespmem:s1+$0x0] =	vst.add.f32.msk $0xffff, v1;
	s1 =	sor.u32 $0xA200, s13  }
0x268: {  	s4 =	sor.u32 $0x12280, s13;
	v1 =	vld [tilespmem:s8+$0x100];
	s29 =	sor.u32 s14, s1;
	s1 =	sor.u32 s15, s1  }
0x269: {  	s2 =	sor.u32 s14, s4;
	[tilespmem:s1+$0x0] =	vst.add.f32.msk $0xffff, v2;
	s1 =	sor.u32 s15, s4  }
0x26a: {  	v2 =	vld [tilespmem:s1+$0x0]  }
0x26b: {  	s1 =	sor.u32 $0x8100, s5;
	[tilespmem:s3+$0x0] =	vst.add.f32.msk $0xffff, v3  }
0x26c: {  	s3 =	sor.u32 s20, s1;
	s1 =	sor.u32 s30, s1;
	v3 =	vld [tilespmem:s25+$0x100]  }
0x26d: {  	[tilespmem:s1+$0x0] =	vst.add.f32.msk $0xffff, v1;
	s1 =	sor.u32 $0xA280, s13  }
0x26e: {  	s6 =	sor.u32 $0x12300, s13;
	v1 =	vld [tilespmem:s8+$0x180];
	s31 =	sor.u32 s14, s1;
	s1 =	sor.u32 s15, s1  }
0x26f: {  	s4 =	sor.u32 s14, s6;
	[tilespmem:s1+$0x0] =	vst.add.f32.msk $0xffff, v2;
	s1 =	sor.u32 s15, s6  }
0x270: {  	v2 =	vld [tilespmem:s1+$0x0]  }
0x271: {  	s1 =	sor.u32 $0x8180, s5;
	[tilespmem:s3+$0x0] =	vst.add.f32.msk $0xffff, v3  }
0x272: {  	s3 =	sor.u32 s20, s1;
	s1 =	sor.u32 s30, s1;
	v3 =	vld [tilespmem:s25+$0x180]  }
0x273: {  	[tilespmem:s1+$0x0] =	vst.add.f32.msk $0xffff, v1;
	s1 =	sor.u32 $0xA300, s13  }
0x274: {  	s6 =	sor.u32 $0x12380, s13;
	v1 =	vld [tilespmem:s8+$0x200];
	s22 =	sor.u32 s14, s1;
	s1 =	sor.u32 s15, s1  }
0x275: {  	s23 =	sor.u32 s14, s6;
	[tilespmem:s1+$0x0] =	vst.add.f32.msk $0xffff, v2;
	s1 =	sor.u32 s15, s6  }
0x276: {  	v2 =	vld [tilespmem:s1+$0x0]  }
0x277: {  	s1 =	sor.u32 $0x8200, s5;
	[tilespmem:s3+$0x0] =	vst.add.f32.msk $0xffff, v3  }
0x278: {  	s3 =	sor.u32 s20, s1;
	s1 =	sor.u32 s30, s1;
	v3 =	vld [tilespmem:s25+$0x200]  }
0x279: {  	[tilespmem:s1+$0x0] =	vst.add.f32.msk $0xffff, v1;
	s1 =	sor.u32 $0xA380, s13;
	s13 =	smov.u32 s5  }
0x27a: {  	s16 =	sadd.s32 $0x1, s16;
	v1 =	vld [tilespmem:s8+$0x280];
	s5 =	sor.u32 s14, s1;
	s1 =	sor.u32 s15, s1  }
0x27b: {  	s6 =	sand.u32 $0x3, s16;
	s14 =	smov.u32 s20;
	s15 =	smov.u32 s30;
	[tilespmem:s1+$0x0] =	vst.add.f32.msk $0xffff, v2  }
0x27c: {  	s1 =	sshll.u32 s6, $0x5;
	[tilespmem:s7+$0x0] =	vst.add.f32.msk $0xffff, v4  }
0x27d: {  	s1 =	sadd.s32 s1, s19;
	[tilespmem:s3+$0x0] =	vst.add.f32.msk $0xffff, v3;
	s3 =	sor.u32 $0x8280, s13  }
0x27e: {  	s7 =	sadd.s32 $0x10, s1;
	v2 =	vld [tilespmem:s25+$0x280];
	s6 =	sor.u32 s14, s3;
	s3 =	sor.u32 s15, s3  }
0x27f: {  	s1 =	sor.u32 $0x300, s1;
	[tilespmem:s3+$0x0] =	vst.add.f32.msk $0xffff, v1;
	s3 =	sor.u32 $0x300, s7  }
0x280: {  	v1 =	vld [tilespmem:s3+$0x10000]  }
0x281: {  	v3 =	vld [tilespmem:s0+$0x0]  }
0x282: {  	[tilespmem:s17+$0x0] =	vst.add.f32.msk $0xffff, v0;
	s17 =	smov.u32 s5  }
0x283: {  	s0 =	sor.u32 $0x8300, s13;
	[tilespmem:s6+$0x0] =	vst.add.f32.msk $0xffff, v2  }
0x284: {  	v0 =	vld [tilespmem:s1+$0x10000];
	s1 =	sor.u32 s14, s0;
	s0 =	sor.u32 s15, s0  }
0x285: {  	[tilespmem:s0+$0x0] =	vst.add.f32.msk $0xffff, v1;
	s0 =	sor.u32 $0x380, s7  }
0x286: {  	v1 =	vld [tilespmem:s0+$0x10000]  }
0x287: {  	[tilespmem:s26+$0x0] =	vst.add.f32.msk $0xffff, v3  }
0x288: {  	v2 =	vld [tilespmem:s28+$0x0]  }
0x289: {  	s0 =	sor.u32 $0x8380, s13;
	[tilespmem:s1+$0x0] =	vst.add.f32.msk $0xffff, v0  }
0x28a: {  	s3 =	sor.u32 $0x12000, s13;
	s1 =	sor.u32 s14, s0;
	s0 =	sor.u32 s15, s0;
	v0 =	vld [tilespmem:s24+$0x10000]  }
0x28b: {  	s5 =	sor.u32 s14, s3;
	[tilespmem:s0+$0x0] =	vst.add.f32.msk $0xffff, v1;
	s0 =	sor.u32 s15, s3  }
0x28c: {  	v1 =	vld [tilespmem:s0+$0x0]  }
0x28d: {  	[tilespmem:s29+$0x0] =	vst.add.f32.msk $0xffff, v2  }
0x28e: {  	v2 =	vld [tilespmem:s2+$0x0]  }
0x28f: {  	s0 =	sor.u32 $0xA000, s13;
	[tilespmem:s1+$0x0] =	vst.add.f32.msk $0xffff, v0  }
0x290: {  	s2 =	sor.u32 $0x12080, s13;
	s1 =	sor.u32 s14, s0;
	s0 =	sor.u32 s15, s0;
	v3 =	vld [tilespmem:s5+$0x0]  }
0x291: {  	s3 =	sor.u32 s14, s2;
	[tilespmem:s0+$0x0] =	vst.add.f32.msk $0xffff, v1;
	s0 =	sor.u32 s15, s2  }
0x292: {  	v4 =	vld [tilespmem:s0+$0x0]  }
0x293: {  	[tilespmem:s31+$0x0] =	vst.add.f32.msk $0xffff, v2  }
.Ltmp2:
0x294: {  	v0 =	vld [tilespmem:s4+$0x0];
	(pc) =	sbr.rel @p0 .LBB2_6-.Ltmp2, $4  }
0x295: {  	[tilespmem:s1+$0x0] =	vst.add.f32.msk $0xffff, v3;
	s1 =	sor.u32 $0xA080, s13  }
0x296: {  	v1 =	vld [tilespmem:s3+$0x0];
	s0 =	sor.u32 s14, s1;
	s3 =	sor.u32 $0x12100, s13;
	s1 =	sor.u32 s15, s1  }
0x297: {  	s2 =	sor.u32 s14, s3;
	[tilespmem:s1+$0x0] =	vst.add.f32.msk $0xffff, v4;
	s1 =	sor.u32 s15, s3  }
0x298: {  	s21 =	sadd.s32 $0x20, s21;
	s19 =	sadd.s32 $0x100, s19;
	v2 =	vld [tilespmem:s1+$0x0]  }
0x299: {  	_ =	sdelay $0x1  }
0x29a: {  	[tilespmem:s0+$0x0] =	vst.add.f32.msk $0xffff, v1  }
0x29b: {  	v1 =	vld [tilespmem:s2+$0x0]  }
0x29c: {  	s18 =	sor.u32 $0xA100, s13  }
0x29d: {  	s1 =	sor.u32 $0x12180, s13;
	s19 =	sor.u32 s15, s18  }
0x29e: {  	s20 =	sor.u32 s15, s1;
	[tilespmem:s19+$0x0] =	vst.add.f32.msk $0xffff, v2  }
0x29f: {  	s0 =	sor.u32 s14, s18;
	v2 =	vld [tilespmem:s20+$0x0]  }
0x2a0: {  	s1 =	sor.u32 s14, s1;
	[tilespmem:s0+$0x0] =	vst.add.f32.msk $0xffff, v1  }
0x2a1: {  	v1 =	vld [tilespmem:s1+$0x0]  }
0x2a2: {  	s21 =	sor.u32 $0xA180, s13  }
0x2a3: {  	s24 =	sor.u32 $0x12200, s13;
	s25 =	sor.u32 s15, s21  }
0x2a4: {  	s26 =	sor.u32 s15, s24;
	[tilespmem:s25+$0x0] =	vst.add.f32.msk $0xffff, v2  }
0x2a5: {  	s0 =	sor.u32 s14, s21;
	v2 =	vld [tilespmem:s26+$0x0]  }
0x2a6: {  	s1 =	sor.u32 s14, s24;
	[tilespmem:s0+$0x0] =	vst.add.f32.msk $0xffff, v1  }
0x2a7: {  	v1 =	vld [tilespmem:s1+$0x0]  }
0x2a8: {  	s28 =	sor.u32 $0xA200, s13  }
0x2a9: {  	s29 =	sor.u32 $0x12280, s13;
	s30 =	sor.u32 s15, s28  }
0x2aa: {  	s31 =	sor.u32 s15, s29;
	[tilespmem:s30+$0x0] =	vst.add.f32.msk $0xffff, v2  }
0x2ab: {  	s0 =	sor.u32 s14, s28;
	v2 =	vld [tilespmem:s31+$0x0]  }
0x2ac: {  	s1 =	sor.u32 s14, s29;
	[tilespmem:s0+$0x0] =	vst.add.f32.msk $0xffff, v1  }
0x2ad: {  	v1 =	vld [tilespmem:s1+$0x0]  }
0x2ae: {  	s1 =	sor.u32 $0xA280, s13  }
0x2af: {  	s3 =	sor.u32 $0x12300, s13;
	s4 =	sor.u32 s15, s1  }
0x2b0: {  	s5 =	sor.u32 s15, s3;
	[tilespmem:s4+$0x0] =	vst.add.f32.msk $0xffff, v2  }
0x2b1: {  	s0 =	sor.u32 s14, s1;
	v2 =	vld [tilespmem:s5+$0x0]  }
0x2b2: {  	s1 =	sor.u32 s14, s3;
	[tilespmem:s0+$0x0] =	vst.add.f32.msk $0xffff, v1  }
0x2b3: {  	v1 =	vld [tilespmem:s1+$0x0]  }
0x2b4: {  	[tilespmem:s22+$0x0] =	vst.add.f32.msk $0xffff, v0;
	s6 =	sor.u32 $0xA300, s13  }
0x2b5: {  	s7 =	sor.u32 $0x12380, s13;
	v0 =	vld [tilespmem:s23+$0x0];
	s8 =	sor.u32 s15, s6  }
0x2b6: {  	s9 =	sor.u32 s15, s7;
	[tilespmem:s8+$0x0] =	vst.add.f32.msk $0xffff, v2  }
0x2b7: {  	s0 =	sor.u32 s14, s6;
	v2 =	vld [tilespmem:s9+$0x0]  }
0x2b8: {  	s1 =	sor.u32 s14, s7;
	[tilespmem:s0+$0x0] =	vst.add.f32.msk $0xffff, v1  }
0x2b9: {  	v1 =	vld [tilespmem:s1+$0x0];
	_ =	sdelay $0x1  }
0x2ba: {  	s11 =	sor.u32 $0xA380, s13  }
0x2bb: {  	[tilespmem:s17+$0x0] =	vst.add.f32.msk $0xffff, v0;
	s13 =	sor.u32 s15, s11  }
0x2bc: {  	s0 =	sor.u32 s14, s11;
	[tilespmem:s13+$0x0] =	vst.add.f32.msk $0xffff, v2  }
0x2bd: {  	[tilespmem:s0+$0x0] =	vst.add.f32.msk $0xffff, v1  }
0x2be: {  	s15 =	simm.s32 $0x8000;
	s14 =	simm.s32 $0x0;
	s1 =	rddreg [dreg:$0xf]  }
0x2bf: {  	[hbm4b:s1+s14] =	stream.linear.scatter [tilespmem:s15], [sflag:$0x9], $0x4000, $0x38;
	[tilespmem:$0x18000] =	vst v63  }
0x2c0: {  	s17 =	simm.s32 $0x9;
	s3 =	simm.s32 $0x10000;
	s16 =	rddreg [dreg:$0x10]  }
0x2c1: {  	[tilespmem:s3], [sflag:$0x5] =	stream.linear.gather [hbm4b:s16+s14], $0x4000, $0x38;
	[tilespmem:$0x18000] =	vst v63  }
0x2c2: {  	_ =	swait.ge [sflag:s17], $0x4000  }
0x2c3: {  	[sflag:s17] =	ssyncset.done $0x0  }
0x2c4: {  	s19 =	simm.s32 $0x4;
	s18 =	rddreg [dreg:$0x11];
	[sflag:s17] =	ssyncadd.s32 $0xFFFFC000  }
0x2c5: {  	[tilespmem:s15], [sflag:$0x3] =	stream.linear.gather [hbm4b:s18+s14], $0x4000, $0x38;
	[tilespmem:$0x18000] =	vst v63  }
0x2c6: {  	_ =	swait.ge [sflag:s19], $0x4000  }
0x2c7: {  	[sflag:s19] =	ssyncset.done $0x0  }
0x2c8: {  	s20 =	simm.s32 $0x6;
	[sflag:s19] =	ssyncadd.s32 $0xFFFFC000  }
0x2c9: {  	s16 =	sand.u32 $0x60, s14;
	s17 =	sand.u32 $0x1C00, s14;
	_ =	swait.ge [sflag:s20], $0x4000  }
0x2ca: {  	s0 =	sor.u32 $0x14000, s17;
	s18 =	sor.u32 $0x10, s16;
	[sflag:s20] =	ssyncset.done $0x0  }
0x2cb: {  	s21 =	sor.u32 s18, s0;
	[sflag:s20] =	ssyncadd.s32 $0xFFFFC000  }
0x2cc: {  	v0 =	vld [tilespmem:s21+$0x0];
	_ =	sdelay $0x2  }
0x2cd: {  	s22 =	sor.u32 $0xC000, s17;
	s0 =	sor.u32 s16, s0  }
0x2ce: {  	s23 =	sor.u32 $0x14080, s17;
	s24 =	sor.u32 s18, s22;
	v1 =	vld [tilespmem:s0+$0x0]  }
0x2cf: {  	s25 =	sor.u32 s18, s23;
	[tilespmem:s24+$0x0] =	vst.add.f32.msk $0xffff, v0  }
0x2d0: {  	v0 =	vld [tilespmem:s25+$0x0];
	_ =	sdelay $0x1  }
0x2d1: {  	s1 =	sor.u32 s16, s22  }
0x2d2: {  	s26 =	sor.u32 $0xC080, s17;
	s2 =	sor.u32 s16, s23;
	[tilespmem:s1+$0x0] =	vst.add.f32.msk $0xffff, v1  }
0x2d3: {  	s28 =	sor.u32 $0x14100, s17;
	s4 =	sor.u32 s18, s26;
	v1 =	vld [tilespmem:s2+$0x0]  }
0x2d4: {  	s29 =	sor.u32 s18, s28;
	[tilespmem:s4+$0x0] =	vst.add.f32.msk $0xffff, v0  }
0x2d5: {  	v0 =	vld [tilespmem:s29+$0x0];
	_ =	sdelay $0x1  }
0x2d6: {  	s0 =	sor.u32 s16, s26  }
0x2d7: {  	s30 =	sor.u32 $0xC100, s17;
	s3 =	sor.u32 s16, s28;
	[tilespmem:s0+$0x0] =	vst.add.f32.msk $0xffff, v1  }
0x2d8: {  	s31 =	sor.u32 $0x14180, s17;
	s5 =	sor.u32 s18, s30;
	v1 =	vld [tilespmem:s3+$0x0]  }
0x2d9: {  	s6 =	sor.u32 s18, s31;
	[tilespmem:s5+$0x0] =	vst.add.f32.msk $0xffff, v0  }
0x2da: {  	v0 =	vld [tilespmem:s6+$0x0];
	_ =	sdelay $0x1  }
0x2db: {  	s1 =	sor.u32 s16, s30  }
0x2dc: {  	s7 =	sor.u32 $0xC180, s17;
	s2 =	sor.u32 s16, s31;
	[tilespmem:s1+$0x0] =	vst.add.f32.msk $0xffff, v1  }
0x2dd: {  	s8 =	sor.u32 $0x14200, s17;
	s9 =	sor.u32 s18, s7;
	v1 =	vld [tilespmem:s2+$0x0]  }
0x2de: {  	s11 =	sor.u32 s18, s8;
	[tilespmem:s9+$0x0] =	vst.add.f32.msk $0xffff, v0  }
0x2df: {  	v0 =	vld [tilespmem:s11+$0x0];
	_ =	sdelay $0x1  }
0x2e0: {  	s0 =	sor.u32 s16, s7  }
0x2e1: {  	s13 =	sor.u32 $0xC200, s17;
	s3 =	sor.u32 s16, s8;
	[tilespmem:s0+$0x0] =	vst.add.f32.msk $0xffff, v1  }
0x2e2: {  	s14 =	sor.u32 $0x14280, s17;
	s15 =	sor.u32 s18, s13;
	v1 =	vld [tilespmem:s3+$0x0]  }
0x2e3: {  	s19 =	sor.u32 s18, s14;
	[tilespmem:s15+$0x0] =	vst.add.f32.msk $0xffff, v0  }
0x2e4: {  	v0 =	vld [tilespmem:s19+$0x0];
	_ =	sdelay $0x1  }
0x2e5: {  	s1 =	sor.u32 s16, s13  }
0x2e6: {  	s20 =	sor.u32 $0xC280, s17;
	s2 =	sor.u32 s16, s14;
	[tilespmem:s1+$0x0] =	vst.add.f32.msk $0xffff, v1  }
0x2e7: {  	s21 =	sor.u32 $0x14300, s17;
	s22 =	sor.u32 s18, s20;
	v1 =	vld [tilespmem:s2+$0x0]  }
0x2e8: {  	s23 =	sor.u32 s18, s21;
	[tilespmem:s22+$0x0] =	vst.add.f32.msk $0xffff, v0  }
0x2e9: {  	v0 =	vld [tilespmem:s23+$0x0];
	_ =	sdelay $0x1  }
0x2ea: {  	s0 =	sor.u32 s16, s20  }
0x2eb: {  	s24 =	sor.u32 $0xC300, s17;
	s3 =	sor.u32 s16, s21;
	[tilespmem:s0+$0x0] =	vst.add.f32.msk $0xffff, v1  }
0x2ec: {  	s25 =	sor.u32 $0x14380, s17;
	s26 =	sor.u32 s18, s24;
	v1 =	vld [tilespmem:s3+$0x0]  }
0x2ed: {  	s28 =	sor.u32 s18, s25;
	[tilespmem:s26+$0x0] =	vst.add.f32.msk $0xffff, v0  }
0x2ee: {  	v0 =	vld [tilespmem:s28+$0x0];
	_ =	sdelay $0x1  }
0x2ef: {  	s1 =	sor.u32 s16, s24  }
0x2f0: {  	s29 =	sor.u32 $0xC380, s17;
	s2 =	sor.u32 s16, s25;
	[tilespmem:s1+$0x0] =	vst.add.f32.msk $0xffff, v1  }
0x2f1: {  	s30 =	sor.u32 $0x16000, s17;
	s31 =	sor.u32 s18, s29;
	v1 =	vld [tilespmem:s2+$0x0]  }
0x2f2: {  	s5 =	sor.u32 s18, s30;
	[tilespmem:s31+$0x0] =	vst.add.f32.msk $0xffff, v0  }
0x2f3: {  	v0 =	vld [tilespmem:s5+$0x0];
	_ =	sdelay $0x1  }
0x2f4: {  	s0 =	sor.u32 s16, s29  }
0x2f5: {  	s6 =	sor.u32 $0xE000, s17;
	s3 =	sor.u32 s16, s30;
	[tilespmem:s0+$0x0] =	vst.add.f32.msk $0xffff, v1  }
0x2f6: {  	s7 =	sor.u32 $0x16080, s17;
	s8 =	sor.u32 s18, s6;
	v1 =	vld [tilespmem:s3+$0x0]  }
0x2f7: {  	s9 =	sor.u32 s18, s7;
	[tilespmem:s8+$0x0] =	vst.add.f32.msk $0xffff, v0  }
0x2f8: {  	v0 =	vld [tilespmem:s9+$0x0];
	_ =	sdelay $0x1  }
0x2f9: {  	s1 =	sor.u32 s16, s6  }
0x2fa: {  	s20 =	simm.s32 $0x100;
	s11 =	sor.u32 $0xE080, s17;
	s2 =	sor.u32 s16, s7;
	[tilespmem:s1+$0x0] =	vst.add.f32.msk $0xffff, v1  }
0x2fb: {  	s15 =	sor.u32 s18, s11;
	s0 =	sor.u32 $0x16100, s17;
	s5 =	simm.s32 $0x20;
	v1 =	vld [tilespmem:s2+$0x0]  }
0x2fc: {  	s19 =	sor.u32 s18, s0;
	s13 =	sand.u32 $0x60, s5;
	[tilespmem:s15+$0x0] =	vst.add.f32.msk $0xffff, v0;
	s15 =	sand.u32 $0x1C00, s20  }
0x2fd: {  	s14 =	sor.u32 $0x10, s13;
	v0 =	vld [tilespmem:s19+$0x0];
	s21 =	sor.u32 $0x14000, s15  }
0x2fe: {  	s22 =	sor.u32 s14, s21  }
0x2ff: {  	s3 =	sor.u32 s16, s11;
	v2 =	vld [tilespmem:s22+$0x0]  }
0x300: {  	s2 =	sor.u32 $0xE100, s17;
	[tilespmem:s3+$0x0] =	vst.add.f32.msk $0xffff, v1;
	s1 =	sor.u32 s13, s21  }
0x301: {  	s4 =	sor.u32 $0x16180, s17;
	s23 =	sor.u32 s18, s2;
	v1 =	vld [tilespmem:s1+$0x0]  }
0x302: {  	s24 =	sor.u32 s18, s4;
	s25 =	sor.u32 $0xC000, s15;
	[tilespmem:s23+$0x0] =	vst.add.f32.msk $0xffff, v0  }
0x303: {  	s26 =	sor.u32 $0x14080, s15;
	s28 =	sor.u32 s14, s25;
	v0 =	vld [tilespmem:s24+$0x0]  }
0x304: {  	s6 =	sor.u32 s14, s26;
	[tilespmem:s28+$0x0] =	vst.add.f32.msk $0xffff, v2  }
0x305: {  	s3 =	sor.u32 s13, s25;
	v2 =	vld [tilespmem:s6+$0x0]  }
0x306: {  	s5 =	sor.u32 $0xE180, s17;
	s1 =	sor.u32 s13, s26;
	[tilespmem:s3+$0x0] =	vst.add.f32.msk $0xffff, v1  }
0x307: {  	s7 =	sor.u32 $0x16200, s17;
	s29 =	sor.u32 s18, s5;
	v1 =	vld [tilespmem:s1+$0x0]  }
0x308: {  	s30 =	sor.u32 s18, s7;
	s31 =	sor.u32 $0xC080, s15;
	[tilespmem:s29+$0x0] =	vst.add.f32.msk $0xffff, v0  }
0x309: {  	s9 =	sor.u32 $0x14100, s15;
	s11 =	sor.u32 s14, s31;
	v0 =	vld [tilespmem:s30+$0x0]  }
0x30a: {  	s19 =	sor.u32 s14, s9;
	[tilespmem:s11+$0x0] =	vst.add.f32.msk $0xffff, v2  }
0x30b: {  	s3 =	sor.u32 s13, s31;
	v2 =	vld [tilespmem:s19+$0x0]  }
0x30c: {  	s8 =	sor.u32 $0xE200, s17;
	s1 =	sor.u32 s13, s9;
	[tilespmem:s3+$0x0] =	vst.add.f32.msk $0xffff, v1  }
0x30d: {  	s20 =	sor.u32 s18, s8;
	s19 =	sor.u32 $0x16280, s17;
	v1 =	vld [tilespmem:s1+$0x0]  }
0x30e: {  	s22 =	sor.u32 $0xC100, s15;
	s21 =	sor.u32 s18, s19;
	[tilespmem:s20+$0x0] =	vst.add.f32.msk $0xffff, v0  }
0x30f: {  	s23 =	sor.u32 $0x14180, s15;
	s24 =	sor.u32 s14, s22;
	v0 =	vld [tilespmem:s21+$0x0]  }
0x310: {  	s25 =	sor.u32 s14, s23;
	[tilespmem:s24+$0x0] =	vst.add.f32.msk $0xffff, v2  }
0x311: {  	s3 =	sor.u32 s13, s22;
	v2 =	vld [tilespmem:s25+$0x0]  }
0x312: {  	s1 =	sor.u32 s13, s23;
	s20 =	sor.u32 $0xE280, s17;
	[tilespmem:s3+$0x0] =	vst.add.f32.msk $0xffff, v1  }
0x313: {  	s21 =	sor.u32 $0x16300, s17;
	s26 =	sor.u32 s18, s20;
	v1 =	vld [tilespmem:s1+$0x0]  }
0x314: {  	s29 =	sor.u32 $0xC180, s15;
	s28 =	sor.u32 s18, s21;
	[tilespmem:s26+$0x0] =	vst.add.f32.msk $0xffff, v0  }
0x315: {  	s30 =	sor.u32 $0x14200, s15;
	s31 =	sor.u32 s14, s29;
	v0 =	vld [tilespmem:s28+$0x0]  }
0x316: {  	s9 =	sor.u32 s14, s30;
	[tilespmem:s31+$0x0] =	vst.add.f32.msk $0xffff, v2  }
0x317: {  	s3 =	sor.u32 s13, s29;
	v2 =	vld [tilespmem:s9+$0x0]  }
0x318: {  	s23 =	sor.u32 $0xE300, s17;
	s1 =	sor.u32 s13, s30;
	[tilespmem:s3+$0x0] =	vst.add.f32.msk $0xffff, v1  }
0x319: {  	s22 =	sor.u32 $0x16380, s17;
	s11 =	sor.u32 s18, s23;
	v1 =	vld [tilespmem:s1+$0x0]  }
0x31a: {  	s24 =	sor.u32 s18, s22;
	s25 =	sor.u32 $0xC200, s15;
	[tilespmem:s11+$0x0] =	vst.add.f32.msk $0xffff, v0  }
0x31b: {  	s26 =	sor.u32 $0x14280, s15;
	s28 =	sor.u32 s14, s25;
	v0 =	vld [tilespmem:s24+$0x0]  }
0x31c: {  	s29 =	sor.u32 s14, s26;
	[tilespmem:s28+$0x0] =	vst.add.f32.msk $0xffff, v2  }
0x31d: {  	s30 =	sor.u32 s16, s0;
	v2 =	vld [tilespmem:s29+$0x0]  }
0x31e: {  	s0 =	sor.u32 $0xE380, s17;
	v3 =	vld [tilespmem:s30+$0x0];
	s3 =	sor.u32 s13, s25  }
0x31f: {  	s31 =	sor.u32 s18, s0;
	[tilespmem:s3+$0x0] =	vst.add.f32.msk $0xffff, v1  }
0x320: {  	s1 =	sor.u32 s13, s26;
	s9 =	sor.u32 $0xC280, s15;
	[tilespmem:s31+$0x0] =	vst.add.f32.msk $0xffff, v0  }
0x321: {  	s17 =	sor.u32 s14, s9;
	s11 =	sor.u32 $0x14300, s15;
	v0 =	vld [tilespmem:s1+$0x0]  }
0x322: {  	s18 =	sor.u32 s14, s11;
	[tilespmem:s17+$0x0] =	vst.add.f32.msk $0xffff, v2  }
0x323: {  	s2 =	sor.u32 s16, s2;
	v1 =	vld [tilespmem:s18+$0x0]  }
0x324: {  	[tilespmem:s2+$0x0] =	vst.add.f32.msk $0xffff, v3;
	s24 =	sor.u32 s16, s4  }
0x325: {  	s3 =	sor.u32 s13, s9;
	v2 =	vld [tilespmem:s24+$0x0]  }
0x326: {  	s25 =	sor.u32 $0xC300, s15;
	s1 =	sor.u32 s13, s11;
	[tilespmem:s3+$0x0] =	vst.add.f32.msk $0xffff, v0  }
0x327: {  	s26 =	sor.u32 $0x14380, s15;
	s28 =	sor.u32 s14, s25;
	v0 =	vld [tilespmem:s1+$0x0]  }
0x328: {  	s29 =	sor.u32 s14, s26;
	[tilespmem:s28+$0x0] =	vst.add.f32.msk $0xffff, v1  }
0x329: {  	s30 =	sor.u32 s16, s5;
	v1 =	vld [tilespmem:s29+$0x0]  }
0x32a: {  	s31 =	sor.u32 s16, s7;
	[tilespmem:s30+$0x0] =	vst.add.f32.msk $0xffff, v2  }
0x32b: {  	s2 =	sor.u32 s13, s25;
	v2 =	vld [tilespmem:s31+$0x0]  }
0x32c: {  	s4 =	sor.u32 $0xC380, s15;
	s1 =	sor.u32 s13, s26;
	[tilespmem:s2+$0x0] =	vst.add.f32.msk $0xffff, v0  }
0x32d: {  	s5 =	sor.u32 $0x16000, s15;
	s6 =	sor.u32 s14, s4;
	v0 =	vld [tilespmem:s1+$0x0]  }
0x32e: {  	s7 =	sor.u32 s14, s5;
	[tilespmem:s6+$0x0] =	vst.add.f32.msk $0xffff, v1  }
0x32f: {  	s8 =	sor.u32 s16, s8;
	v1 =	vld [tilespmem:s7+$0x0]  }
0x330: {  	s9 =	sor.u32 s16, s19;
	[tilespmem:s8+$0x0] =	vst.add.f32.msk $0xffff, v2  }
0x331: {  	s2 =	sor.u32 s13, s4;
	v2 =	vld [tilespmem:s9+$0x0]  }
0x332: {  	s11 =	sor.u32 $0xE000, s15;
	s1 =	sor.u32 s13, s5;
	[tilespmem:s2+$0x0] =	vst.add.f32.msk $0xffff, v0  }
0x333: {  	s19 =	sor.u32 s14, s11;
	s18 =	sor.u32 $0x16080, s15;
	v3 =	vld [tilespmem:s1+$0x0]  }
0x334: {  	s24 =	sor.u32 s14, s18;
	[tilespmem:s19+$0x0] =	vst.add.f32.msk $0xffff, v1  }
0x335: {  	s25 =	sor.u32 s16, s20;
	v4 =	vld [tilespmem:s24+$0x0]  }
0x336: {  	s26 =	sor.u32 s16, s21;
	[tilespmem:s25+$0x0] =	vst.add.f32.msk $0xffff, v2  }
0x337: {  	s22 =	sor.u32 s16, s22;
	s2 =	sor.u32 s13, s11;
	v0 =	vld [tilespmem:s26+$0x0]  }
0x338: {  	s17 =	simm.s32 $0x2;
	s28 =	sor.u32 $0xE080, s15;
	s1 =	sor.u32 s13, s18;
	[tilespmem:s2+$0x0] =	vst.add.f32.msk $0xffff, v3  }
0x339: {  	s21 =	sor.u32 s16, s23;
	s29 =	sor.u32 $0x16100, s15;
	s30 =	sor.u32 s14, s28;
	v1 =	vld [tilespmem:s1+$0x0]  }
0x33a: {  	s16 =	sor.u32 s16, s0;
	s31 =	sor.u32 s14, s29;
	s0 =	sor.u32 s13, s29;
	[tilespmem:s30+$0x0] =	vst.add.f32.msk $0xffff, v4  }
0x33b: {  	s18 =	simm.s32 $0x200;
	s19 =	simm.s32 $0x40;
	s2 =	sor.u32 s13, s28;
	v2 =	vld [tilespmem:s31+$0x0]  }
.LBB2_8:
0x33c: {  	s26 =	sand.u32 $0x60, s19;
	s23 =	sand.u32 $0x1C00, s18;
	s17 =	sadd.s32 $0x2, s17;
	[tilespmem:s21+$0x0] =	vst.add.f32.msk $0xffff, v0  }
0x33d: {  	s1 =	sor.u32 $0x14000, s23;
	s29 =	sor.u32 $0x10, s26;
	p0 =	slt.u32 s17, $0x3E;
	v0 =	vld [tilespmem:s22+$0x0]  }
0x33e: {  	s3 =	sor.u32 s26, s1;
	s1 =	sor.u32 s29, s1;
	[tilespmem:s2+$0x0] =	vst.add.f32.msk $0xffff, v1;
	s2 =	sor.u32 $0xE100, s15  }
0x33f: {  	v1 =	vld [tilespmem:s1+$0x0];
	s31 =	sor.u32 s13, s2;
	s1 =	sor.u32 $0x16180, s15;
	s2 =	sor.u32 s14, s2  }
0x340: {  	s24 =	sor.u32 s13, s1;
	[tilespmem:s2+$0x0] =	vst.add.f32.msk $0xffff, v2;
	s1 =	sor.u32 s14, s1  }
0x341: {  	v2 =	vld [tilespmem:s1+$0x0]  }
0x342: {  	s1 =	sor.u32 $0xC000, s23;
	v3 =	vld [tilespmem:s3+$0x0]  }
0x343: {  	s2 =	sor.u32 s26, s1;
	s3 =	sor.u32 $0x14080, s23;
	s1 =	sor.u32 s29, s1;
	v4 =	vld [tilespmem:s0+$0x0]  }
0x344: {  	s0 =	sor.u32 s26, s3;
	[tilespmem:s1+$0x0] =	vst.add.f32.msk $0xffff, v1;
	s1 =	sor.u32 s29, s3;
	s3 =	sor.u32 $0xE180, s15  }
0x345: {  	v1 =	vld [tilespmem:s1+$0x0];
	s25 =	sor.u32 s13, s3;
	s1 =	sor.u32 $0x16200, s15;
	s3 =	sor.u32 s14, s3  }
0x346: {  	s28 =	sor.u32 s13, s1;
	[tilespmem:s3+$0x0] =	vst.add.f32.msk $0xffff, v2;
	s1 =	sor.u32 s14, s1  }
0x347: {  	v2 =	vld [tilespmem:s1+$0x0]  }
0x348: {  	s1 =	sor.u32 $0xC080, s23;
	[tilespmem:s2+$0x0] =	vst.add.f32.msk $0xffff, v3  }
0x349: {  	s2 =	sor.u32 $0x14100, s23;
	v3 =	vld [tilespmem:s0+$0x0];
	s0 =	sor.u32 s26, s1;
	s1 =	sor.u32 s29, s1  }
0x34a: {  	s3 =	sor.u32 s26, s2;
	[tilespmem:s1+$0x0] =	vst.add.f32.msk $0xffff, v1;
	s1 =	sor.u32 s29, s2;
	s2 =	sor.u32 $0xE200, s15  }
0x34b: {  	v1 =	vld [tilespmem:s1+$0x0];
	s30 =	sor.u32 s13, s2;
	s1 =	sor.u32 $0x16280, s15;
	s2 =	sor.u32 s14, s2  }
0x34c: {  	s20 =	sor.u32 s13, s1;
	[tilespmem:s2+$0x0] =	vst.add.f32.msk $0xffff, v2;
	s1 =	sor.u32 s14, s1  }
0x34d: {  	v2 =	vld [tilespmem:s1+$0x0]  }
0x34e: {  	[tilespmem:s0+$0x0] =	vst.add.f32.msk $0xffff, v3;
	s0 =	sor.u32 $0xC100, s23  }
0x34f: {  	s2 =	sor.u32 $0x14180, s23;
	v3 =	vld [tilespmem:s3+$0x0];
	s1 =	sor.u32 s26, s0;
	s0 =	sor.u32 s29, s0  }
0x350: {  	s3 =	sor.u32 s26, s2;
	[tilespmem:s0+$0x0] =	vst.add.f32.msk $0xffff, v1;
	s0 =	sor.u32 s29, s2;
	s2 =	sor.u32 $0xE280, s15  }
0x351: {  	s4 =	sor.u32 $0x16300, s15;
	v1 =	vld [tilespmem:s0+$0x0];
	s0 =	sor.u32 s13, s2;
	s5 =	sor.u32 s14, s2  }
0x352: {  	s2 =	sor.u32 s13, s4;
	s4 =	sor.u32 s14, s4;
	[tilespmem:s5+$0x0] =	vst.add.f32.msk $0xffff, v2  }
0x353: {  	v2 =	vld [tilespmem:s4+$0x0]  }
0x354: {  	[tilespmem:s1+$0x0] =	vst.add.f32.msk $0xffff, v3;
	s1 =	sor.u32 $0xC180, s23  }
0x355: {  	s4 =	sor.u32 $0x14200, s23;
	v3 =	vld [tilespmem:s3+$0x0];
	s3 =	sor.u32 s26, s1;
	s1 =	sor.u32 s29, s1  }
0x356: {  	s5 =	sor.u32 s26, s4;
	[tilespmem:s1+$0x0] =	vst.add.f32.msk $0xffff, v1;
	s1 =	sor.u32 s29, s4;
	s4 =	sor.u32 $0xE300, s15  }
0x357: {  	v1 =	vld [tilespmem:s1+$0x0];
	s21 =	sor.u32 s13, s4;
	s1 =	sor.u32 $0x16380, s15;
	s4 =	sor.u32 s14, s4  }
0x358: {  	s22 =	sor.u32 s13, s1;
	[tilespmem:s4+$0x0] =	vst.add.f32.msk $0xffff, v2;
	s1 =	sor.u32 s14, s1  }
0x359: {  	v2 =	vld [tilespmem:s1+$0x0]  }
0x35a: {  	s1 =	sor.u32 $0xC200, s23;
	[tilespmem:s3+$0x0] =	vst.add.f32.msk $0xffff, v3  }
0x35b: {  	s4 =	sor.u32 $0x14280, s23;
	s3 =	sor.u32 s26, s1;
	s1 =	sor.u32 s29, s1;
	v3 =	vld [tilespmem:s5+$0x0]  }
0x35c: {  	s5 =	sor.u32 s26, s4;
	[tilespmem:s1+$0x0] =	vst.add.f32.msk $0xffff, v1;
	s1 =	sor.u32 s29, s4;
	s4 =	sor.u32 $0xE380, s15  }
0x35d: {  	v1 =	vld [tilespmem:s1+$0x0];
	s1 =	sor.u32 s13, s4;
	s4 =	sor.u32 s14, s4;
	s13 =	smov.u32 s26  }
0x35e: {  	s15 =	smov.u32 s23;
	s14 =	smov.u32 s29;
	[tilespmem:s4+$0x0] =	vst.add.f32.msk $0xffff, v2  }
0x35f: {  	[tilespmem:s31+$0x0] =	vst.add.f32.msk $0xffff, v4  }
0x360: {  	[tilespmem:s3+$0x0] =	vst.add.f32.msk $0xffff, v3;
	s3 =	sor.u32 $0xC280, s15  }
0x361: {  	v2 =	vld [tilespmem:s5+$0x0];
	s4 =	sor.u32 s13, s3;
	s5 =	sor.u32 $0x14300, s15;
	s3 =	sor.u32 s14, s3  }
0x362: {  	s6 =	sor.u32 s13, s5;
	[tilespmem:s3+$0x0] =	vst.add.f32.msk $0xffff, v1;
	s3 =	sor.u32 s14, s5  }
0x363: {  	v1 =	vld [tilespmem:s3+$0x0]  }
0x364: {  	v3 =	vld [tilespmem:s24+$0x0]  }
0x365: {  	[tilespmem:s16+$0x0] =	vst.add.f32.msk $0xffff, v0;
	s16 =	smov.u32 s1  }
0x366: {  	s1 =	sor.u32 $0xC300, s15;
	[tilespmem:s4+$0x0] =	vst.add.f32.msk $0xffff, v2  }
0x367: {  	s3 =	sor.u32 s13, s1;
	s4 =	sor.u32 $0x14380, s15;
	s1 =	sor.u32 s14, s1;
	v0 =	vld [tilespmem:s6+$0x0]  }
0x368: {  	s5 =	sor.u32 s13, s4;
	[tilespmem:s1+$0x0] =	vst.add.f32.msk $0xffff, v1;
	s1 =	sor.u32 s14, s4  }
0x369: {  	v1 =	vld [tilespmem:s1+$0x0]  }
0x36a: {  	[tilespmem:s25+$0x0] =	vst.add.f32.msk $0xffff, v3  }
0x36b: {  	v2 =	vld [tilespmem:s28+$0x0]  }
0x36c: {  	s1 =	sor.u32 $0xC380, s15;
	[tilespmem:s3+$0x0] =	vst.add.f32.msk $0xffff, v0  }
0x36d: {  	s4 =	sor.u32 $0x16000, s15;
	s3 =	sor.u32 s13, s1;
	s1 =	sor.u32 s14, s1;
	v0 =	vld [tilespmem:s5+$0x0]  }
0x36e: {  	s5 =	sor.u32 s13, s4;
	[tilespmem:s1+$0x0] =	vst.add.f32.msk $0xffff, v1;
	s1 =	sor.u32 s14, s4  }
0x36f: {  	v1 =	vld [tilespmem:s1+$0x0]  }
0x370: {  	[tilespmem:s30+$0x0] =	vst.add.f32.msk $0xffff, v2  }
0x371: {  	v2 =	vld [tilespmem:s20+$0x0]  }
0x372: {  	s1 =	sor.u32 $0xE000, s15;
	[tilespmem:s3+$0x0] =	vst.add.f32.msk $0xffff, v0  }
0x373: {  	s4 =	sor.u32 $0x16080, s15;
	s3 =	sor.u32 s13, s1;
	s1 =	sor.u32 s14, s1;
	v3 =	vld [tilespmem:s5+$0x0]  }
0x374: {  	s5 =	sor.u32 s13, s4;
	[tilespmem:s1+$0x0] =	vst.add.f32.msk $0xffff, v1;
	s1 =	sor.u32 s14, s4  }
0x375: {  	v4 =	vld [tilespmem:s1+$0x0]  }
0x376: {  	[tilespmem:s0+$0x0] =	vst.add.f32.msk $0xffff, v2  }
.Ltmp3:
0x377: {  	v0 =	vld [tilespmem:s2+$0x0];
	(pc) =	sbr.rel @p0 .LBB2_8-.Ltmp3, $4  }
0x378: {  	s0 =	sor.u32 $0xE080, s15;
	[tilespmem:s3+$0x0] =	vst.add.f32.msk $0xffff, v3  }
0x379: {  	s1 =	sor.u32 $0x16100, s15;
	s2 =	sor.u32 s13, s0;
	s3 =	sor.u32 s14, s0;
	v1 =	vld [tilespmem:s5+$0x0]  }
0x37a: {  	s0 =	sor.u32 s13, s1;
	s1 =	sor.u32 s14, s1;
	[tilespmem:s3+$0x0] =	vst.add.f32.msk $0xffff, v4  }
0x37b: {  	s18 =	sadd.s32 $0x100, s18;
	s19 =	sadd.s32 $0x20, s19;
	v2 =	vld [tilespmem:s1+$0x0]  }
0x37c: {  	_ =	sdelay $0x1  }
0x37d: {  	[tilespmem:s2+$0x0] =	vst.add.f32.msk $0xffff, v1  }
0x37e: {  	v1 =	vld [tilespmem:s0+$0x0]  }
0x37f: {  	s23 =	sor.u32 $0xE100, s15  }
0x380: {  	s1 =	sor.u32 $0x16180, s15;
	s24 =	sor.u32 s14, s23  }
0x381: {  	s25 =	sor.u32 s14, s1;
	[tilespmem:s24+$0x0] =	vst.add.f32.msk $0xffff, v2  }
0x382: {  	s0 =	sor.u32 s13, s23;
	v2 =	vld [tilespmem:s25+$0x0]  }
0x383: {  	s1 =	sor.u32 s13, s1;
	[tilespmem:s0+$0x0] =	vst.add.f32.msk $0xffff, v1  }
0x384: {  	v1 =	vld [tilespmem:s1+$0x0]  }
0x385: {  	s26 =	sor.u32 $0xE180, s15  }
0x386: {  	s29 =	sor.u32 $0x16200, s15;
	s30 =	sor.u32 s14, s26  }
0x387: {  	s31 =	sor.u32 s14, s29;
	[tilespmem:s30+$0x0] =	vst.add.f32.msk $0xffff, v2  }
0x388: {  	s0 =	sor.u32 s13, s26;
	v2 =	vld [tilespmem:s31+$0x0]  }
0x389: {  	s1 =	sor.u32 s13, s29;
	[tilespmem:s0+$0x0] =	vst.add.f32.msk $0xffff, v1  }
0x38a: {  	v1 =	vld [tilespmem:s1+$0x0]  }
0x38b: {  	s1 =	sor.u32 $0xE200, s15  }
0x38c: {  	s3 =	sor.u32 $0x16280, s15;
	s4 =	sor.u32 s14, s1  }
0x38d: {  	s5 =	sor.u32 s14, s3;
	[tilespmem:s4+$0x0] =	vst.add.f32.msk $0xffff, v2  }
0x38e: {  	s0 =	sor.u32 s13, s1;
	v2 =	vld [tilespmem:s5+$0x0]  }
0x38f: {  	s1 =	sor.u32 s13, s3;
	[tilespmem:s0+$0x0] =	vst.add.f32.msk $0xffff, v1  }
0x390: {  	v1 =	vld [tilespmem:s1+$0x0]  }
0x391: {  	s6 =	sor.u32 $0xE280, s15  }
0x392: {  	s7 =	sor.u32 $0x16300, s15;
	s8 =	sor.u32 s14, s6  }
0x393: {  	s9 =	sor.u32 s14, s7;
	[tilespmem:s8+$0x0] =	vst.add.f32.msk $0xffff, v2  }
0x394: {  	s0 =	sor.u32 s13, s6;
	v2 =	vld [tilespmem:s9+$0x0]  }
0x395: {  	s1 =	sor.u32 s13, s7;
	[tilespmem:s0+$0x0] =	vst.add.f32.msk $0xffff, v1  }
0x396: {  	v1 =	vld [tilespmem:s1+$0x0]  }
0x397: {  	[tilespmem:s21+$0x0] =	vst.add.f32.msk $0xffff, v0;
	s11 =	sor.u32 $0xE300, s15  }
0x398: {  	s17 =	sor.u32 $0x16380, s15;
	v0 =	vld [tilespmem:s22+$0x0];
	s18 =	sor.u32 s14, s11  }
0x399: {  	s19 =	sor.u32 s14, s17;
	[tilespmem:s18+$0x0] =	vst.add.f32.msk $0xffff, v2  }
0x39a: {  	s0 =	sor.u32 s13, s11;
	v2 =	vld [tilespmem:s19+$0x0]  }
0x39b: {  	s1 =	sor.u32 s13, s17;
	[tilespmem:s0+$0x0] =	vst.add.f32.msk $0xffff, v1  }
0x39c: {  	v1 =	vld [tilespmem:s1+$0x0];
	_ =	sdelay $0x1  }
0x39d: {  	s20 =	sor.u32 $0xE380, s15  }
0x39e: {  	s21 =	sor.u32 s14, s20;
	[tilespmem:s16+$0x0] =	vst.add.f32.msk $0xffff, v0  }
0x39f: {  	s0 =	sor.u32 s13, s20;
	[tilespmem:s21+$0x0] =	vst.add.f32.msk $0xffff, v2  }
0x3a0: {  	[tilespmem:s0+$0x0] =	vst.add.f32.msk $0xffff, v1  }
0x3a1: {  	s22 =	simm.s32 $0x0;
	s23 =	simm.s32 $0xC000;
	s0 =	rddreg [dreg:$0x12]  }
0x3a2: {  	[hbm4b:s0+s22] =	stream.linear.scatter [tilespmem:s23], [sflag:$0xA], $0x4000, $0x38;
	[tilespmem:$0x18000] =	vst v63  }
0x3a3: {  	s25 =	simm.s32 $0xA;
	s24 =	rddreg [dreg:$0x15]  }
0x3a4: {  	[tilespmem:s10], [sflag:$0x6] =	stream.linear.gather [hbm4b:s24+s22], $0x4000, $0x38;
	[tilespmem:$0x18000] =	vst v63  }
0x3a5: {  	_ =	swait.ge [sflag:s25], $0x4000  }
0x3a6: {  	[sflag:s25] =	ssyncset.done $0x0  }
0x3a7: {  	s29 =	simm.s32 $0x1;
	s26 =	rddreg [dreg:$0x13];
	[sflag:s25] =	ssyncadd.s32 $0xFFFFC000  }
0x3a8: {  	[tilespmem:s23], [sflag:$0x4] =	stream.linear.gather [hbm4b:s26+s22], $0x4000, $0x38;
	[tilespmem:$0x18000] =	vst v63  }
0x3a9: {  	_ =	swait.ge [sflag:s29], $0x4000  }
0x3aa: {  	[sflag:s29] =	ssyncset.done $0x0  }
0x3ab: {  	s3 =	simm.s32 $0x5;
	[sflag:s29] =	ssyncadd.s32 $0xFFFFC000  }
0x3ac: {  	_ =	swait.ge [sflag:s3], $0x4000  }
0x3ad: {  	s30 =	sand.u32 $0x60, s22;
	s31 =	sand.u32 $0x1C00, s22;
	[sflag:s3] =	ssyncset.done $0x0  }
0x3ae: {  	s16 =	sor.u32 s30, s31;
	[sflag:s3] =	ssyncadd.s32 $0xFFFFC000  }
0x3af: {  	v0 =	vld [tilespmem:s16+$0x10010];
	_ =	sdelay $0x3  }
0x3b0: {  	s0 =	sor.u32 $0x10, s16  }
0x3b1: {  	[tilespmem:s0+$0x0] =	vst.add.f32.msk $0xffff, v0  }
0x3b2: {  	v0 =	vld [tilespmem:s16+$0x10090];
	_ =	sdelay $0x3  }
0x3b3: {  	s3 =	sor.u32 $0x90, s16;
	v1 =	vld [tilespmem:s16+$0x10000]  }
0x3b4: {  	[tilespmem:s3+$0x0] =	vst.add.f32.msk $0xffff, v0  }
0x3b5: {  	v0 =	vld [tilespmem:s16+$0x10110];
	_ =	sdelay $0x1  }
0x3b6: {  	v2 =	vld [tilespmem:s16+$0x10080];
	_ =	sdelay $0x1  }
0x3b7: {  	s4 =	sor.u32 $0x110, s16;
	[tilespmem:s16+$0x0] =	vst.add.f32.msk $0xffff, v1  }
0x3b8: {  	[tilespmem:s4+$0x0] =	vst.add.f32.msk $0xffff, v0  }
0x3b9: {  	s5 =	sor.u32 $0x80, s16;
	v0 =	vld [tilespmem:s16+$0x10190]  }
0x3ba: {  	[tilespmem:s5+$0x0] =	vst.add.f32.msk $0xffff, v2  }
0x3bb: {  	v1 =	vld [tilespmem:s16+$0x10100];
	_ =	sdelay $0x1  }
0x3bc: {  	s6 =	sor.u32 $0x190, s16  }
0x3bd: {  	[tilespmem:s6+$0x0] =	vst.add.f32.msk $0xffff, v0  }
0x3be: {  	s7 =	sor.u32 $0x100, s16;
	v0 =	vld [tilespmem:s16+$0x10210]  }
0x3bf: {  	[tilespmem:s7+$0x0] =	vst.add.f32.msk $0xffff, v1  }
0x3c0: {  	v1 =	vld [tilespmem:s16+$0x10180];
	_ =	sdelay $0x1  }
0x3c1: {  	s8 =	sor.u32 $0x210, s16  }
0x3c2: {  	[tilespmem:s8+$0x0] =	vst.add.f32.msk $0xffff, v0  }
0x3c3: {  	s9 =	sor.u32 $0x180, s16;
	v0 =	vld [tilespmem:s16+$0x10290]  }
0x3c4: {  	s10 =	sand.u32 $0x3, s22;
	[tilespmem:s9+$0x0] =	vst.add.f32.msk $0xffff, v1  }
0x3c5: {  	s0 =	sshll.u32 s10, $0x5;
	v1 =	vld [tilespmem:s16+$0x10200]  }
0x3c6: {  	s0 =	sadd.s32 $0x0, s0  }
0x3c7: {  	s1 =	sor.u32 $0x290, s16;
	s7 =	sadd.s32 $0x10, s0  }
0x3c8: {  	s11 =	sor.u32 $0x300, s7;
	[tilespmem:s1+$0x0] =	vst.add.f32.msk $0xffff, v0  }
0x3c9: {  	s13 =	sor.u32 $0x200, s16;
	v0 =	vld [tilespmem:s11+$0x10000]  }
0x3ca: {  	[tilespmem:s13+$0x0] =	vst.add.f32.msk $0xffff, v1  }
0x3cb: {  	v1 =	vld [tilespmem:s16+$0x10280];
	_ =	sdelay $0x2  }
0x3cc: {  	s14 =	sor.u32 $0x380, s7;
	[tilespmem:s11+$0x0] =	vst.add.f32.msk $0xffff, v0  }
0x3cd: {  	s15 =	sor.u32 $0x280, s16;
	v0 =	vld [tilespmem:s14+$0x10000]  }
0x3ce: {  	s4 =	sor.u32 $0x300, s0;
	[tilespmem:s15+$0x0] =	vst.add.f32.msk $0xffff, v1  }
0x3cf: {  	v1 =	vld [tilespmem:s4+$0x10000];
	_ =	sdelay $0x2  }
0x3d0: {  	[tilespmem:s14+$0x0] =	vst.add.f32.msk $0xffff, v0  }
0x3d1: {  	s2 =	sor.u32 s22, s22;
	v0 =	vld [tilespmem:s16+$0x12010]  }
0x3d2: {  	s17 =	sor.u32 $0x380, s2;
	[tilespmem:s4+$0x0] =	vst.add.f32.msk $0xffff, v1  }
0x3d3: {  	v1 =	vld [tilespmem:s17+$0x10000];
	_ =	sdelay $0x1  }
0x3d4: {  	s18 =	sor.u32 $0x2010, s16  }
0x3d5: {  	[tilespmem:s18+$0x0] =	vst.add.f32.msk $0xffff, v0  }
0x3d6: {  	v0 =	vld [tilespmem:s16+$0x12090]  }
0x3d7: {  	s5 =	simm.s32 $0x20;
	s4 =	simm.s32 $0x100;
	[tilespmem:s17+$0x0] =	vst.add.f32.msk $0xffff, v1  }
0x3d8: {  	s21 =	sand.u32 $0x60, s5;
	s22 =	sand.u32 $0x1C00, s4;
	v1 =	vld [tilespmem:s16+$0x12000]  }
0x3d9: {  	s13 =	sor.u32 s21, s22  }
0x3da: {  	s19 =	sor.u32 $0x2090, s16;
	v2 =	vld [tilespmem:s13+$0x10010]  }
0x3db: {  	[tilespmem:s19+$0x0] =	vst.add.f32.msk $0xffff, v0  }
0x3dc: {  	s20 =	sor.u32 $0x2000, s16;
	v0 =	vld [tilespmem:s16+$0x12110]  }
0x3dd: {  	[tilespmem:s20+$0x0] =	vst.add.f32.msk $0xffff, v1  }
0x3de: {  	s25 =	sor.u32 $0x10, s13;
	v1 =	vld [tilespmem:s16+$0x12080]  }
0x3df: {  	[tilespmem:s25+$0x0] =	vst.add.f32.msk $0xffff, v2  }
0x3e0: {  	s23 =	sor.u32 $0x2110, s16;
	v2 =	vld [tilespmem:s13+$0x10090]  }
0x3e1: {  	[tilespmem:s23+$0x0] =	vst.add.f32.msk $0xffff, v0  }
0x3e2: {  	s24 =	sor.u32 $0x2080, s16;
	v0 =	vld [tilespmem:s16+$0x12190]  }
0x3e3: {  	[tilespmem:s24+$0x0] =	vst.add.f32.msk $0xffff, v1  }
0x3e4: {  	v1 =	vld [tilespmem:s13+$0x10000]  }
0x3e5: {  	v3 =	vld [tilespmem:s13+$0x10080];
	s29 =	sor.u32 $0x90, s13  }
0x3e6: {  	s26 =	sor.u32 $0x2190, s16;
	[tilespmem:s29+$0x0] =	vst.add.f32.msk $0xffff, v2  }
0x3e7: {  	[tilespmem:s26+$0x0] =	vst.add.f32.msk $0xffff, v0  }
0x3e8: {  	v0 =	vld [tilespmem:s16+$0x12210]  }
0x3e9: {  	[tilespmem:s13+$0x0] =	vst.add.f32.msk $0xffff, v1  }
0x3ea: {  	s31 =	sor.u32 $0x80, s13;
	v1 =	vld [tilespmem:s13+$0x10110]  }
0x3eb: {  	[tilespmem:s31+$0x0] =	vst.add.f32.msk $0xffff, v3  }
0x3ec: {  	s30 =	sor.u32 $0x2210, s16;
	v2 =	vld [tilespmem:s13+$0x10100]  }
0x3ed: {  	[tilespmem:s30+$0x0] =	vst.add.f32.msk $0xffff, v0  }
0x3ee: {  	s3 =	sor.u32 $0x110, s13;
	v0 =	vld [tilespmem:s16+$0x12290]  }
0x3ef: {  	[tilespmem:s3+$0x0] =	vst.add.f32.msk $0xffff, v1  }
0x3f0: {  	s3 =	sor.u32 $0x100, s13;
	v1 =	vld [tilespmem:s13+$0x10190]  }
0x3f1: {  	[tilespmem:s3+$0x0] =	vst.add.f32.msk $0xffff, v2  }
0x3f2: {  	s6 =	sor.u32 $0x2290, s16;
	v2 =	vld [tilespmem:s13+$0x10180]  }
0x3f3: {  	s8 =	sor.u32 $0x2300, s7;
	[tilespmem:s6+$0x0] =	vst.add.f32.msk $0xffff, v0  }
0x3f4: {  	s9 =	sor.u32 $0x190, s13;
	v0 =	vld [tilespmem:s8+$0x10000]  }
0x3f5: {  	[tilespmem:s9+$0x0] =	vst.add.f32.msk $0xffff, v1  }
0x3f6: {  	s11 =	sor.u32 $0x180, s13;
	v1 =	vld [tilespmem:s13+$0x10210]  }
0x3f7: {  	[tilespmem:s11+$0x0] =	vst.add.f32.msk $0xffff, v2  }
0x3f8: {  	v2 =	vld [tilespmem:s13+$0x10200]  }
0x3f9: {  	s10 =	sor.u32 $0x2380, s7;
	[tilespmem:s8+$0x0] =	vst.add.f32.msk $0xffff, v0  }
0x3fa: {  	s14 =	sor.u32 $0x210, s13;
	v0 =	vld [tilespmem:s10+$0x10000]  }
0x3fb: {  	[tilespmem:s14+$0x0] =	vst.add.f32.msk $0xffff, v1  }
0x3fc: {  	s14 =	simm.s32 $0x1;
	v1 =	vld [tilespmem:s13+$0x10290]  }
0x3fd: {  	v3 =	vld [tilespmem:s16+$0x12100];
	s15 =	sand.u32 $0x3, s14;
	s6 =	sor.u32 $0x200, s13  }
0x3fe: {  	s17 =	sshll.u32 s15, $0x5;
	[tilespmem:s6+$0x0] =	vst.add.f32.msk $0xffff, v2  }
0x3ff: {  	s1 =	sadd.s32 $0x100, s17;
	[tilespmem:s10+$0x0] =	vst.add.f32.msk $0xffff, v0  }
0x400: {  	s18 =	sor.u32 $0x290, s13;
	s15 =	sadd.s32 $0x10, s1;
	v0 =	vld [tilespmem:s13+$0x10280]  }
0x401: {  	s19 =	sor.u32 $0x300, s15;
	[tilespmem:s18+$0x0] =	vst.add.f32.msk $0xffff, v1  }
0x402: {  	s20 =	sor.u32 $0x2100, s16;
	v1 =	vld [tilespmem:s19+$0x10000]  }
0x403: {  	[tilespmem:s20+$0x0] =	vst.add.f32.msk $0xffff, v3  }
0x404: {  	s21 =	sor.u32 $0x280, s13;
	v2 =	vld [tilespmem:s16+$0x12180]  }
0x405: {  	s22 =	sor.u32 $0x300, s1;
	[tilespmem:s21+$0x0] =	vst.add.f32.msk $0xffff, v0  }
0x406: {  	v0 =	vld [tilespmem:s22+$0x10000]  }
0x407: {  	s23 =	sor.u32 $0x380, s15;
	[tilespmem:s19+$0x0] =	vst.add.f32.msk $0xffff, v1  }
0x408: {  	s24 =	sor.u32 $0x2180, s16;
	v1 =	vld [tilespmem:s23+$0x10000]  }
0x409: {  	[tilespmem:s24+$0x0] =	vst.add.f32.msk $0xffff, v2  }
0x40a: {  	s4 =	sor.u32 s5, s4;
	v2 =	vld [tilespmem:s16+$0x12200]  }
0x40b: {  	s5 =	sor.u32 $0x380, s4;
	[tilespmem:s22+$0x0] =	vst.add.f32.msk $0xffff, v0  }
0x40c: {  	v0 =	vld [tilespmem:s5+$0x10000]  }
0x40d: {  	[tilespmem:s23+$0x0] =	vst.add.f32.msk $0xffff, v1  }
0x40e: {  	s25 =	sor.u32 $0x2200, s16;
	v1 =	vld [tilespmem:s13+$0x12010]  }
0x40f: {  	[tilespmem:s25+$0x0] =	vst.add.f32.msk $0xffff, v2  }
0x410: {  	v2 =	vld [tilespmem:s16+$0x12280]  }
0x411: {  	[tilespmem:s5+$0x0] =	vst.add.f32.msk $0xffff, v0  }
0x412: {  	s26 =	sor.u32 $0x2010, s13;
	v0 =	vld [tilespmem:s13+$0x12000]  }
0x413: {  	[tilespmem:s26+$0x0] =	vst.add.f32.msk $0xffff, v1  }
0x414: {  	s29 =	sor.u32 $0x2280, s16;
	v1 =	vld [tilespmem:s13+$0x12090]  }
0x415: {  	s0 =	sor.u32 $0x2300, s0;
	[tilespmem:s29+$0x0] =	vst.add.f32.msk $0xffff, v2  }
0x416: {  	s30 =	sor.u32 $0x2000, s13;
	v2 =	vld [tilespmem:s0+$0x10000]  }
0x417: {  	[tilespmem:s30+$0x0] =	vst.add.f32.msk $0xffff, v0  }
0x418: {  	s28 =	sor.u32 $0x2080, s13;
	s31 =	sor.u32 $0x2090, s13;
	s17 =	sor.u32 $0x2380, s4;
	v0 =	vld [tilespmem:s13+$0x12080]  }
0x419: {  	s18 =	sor.u32 $0x2300, s1;
	s19 =	sor.u32 $0x2280, s13;
	s24 =	simm.s32 $0x2;
	[tilespmem:s31+$0x0] =	vst.add.f32.msk $0xffff, v1  }
0x41a: {  	s23 =	sor.u32 $0x2100, s13;
	s25 =	simm.s32 $0x200;
	s16 =	sor.u32 $0x2380, s2;
	v1 =	vld [tilespmem:s13+$0x12110]  }
0x41b: {  	s21 =	sor.u32 $0x2200, s13;
	s26 =	simm.s32 $0x40;
	s22 =	sor.u32 $0x2180, s13;
	[tilespmem:s0+$0x0] =	vst.add.f32.msk $0xffff, v2  }
.LBB2_10:
0x41c: {  	s0 =	sand.u32 $0x60, s26;
	s1 =	sand.u32 $0x1C00, s25;
	s24 =	sadd.s32 $0x2, s24;
	v2 =	vld [tilespmem:s16+$0x10000]  }
0x41d: {  	s29 =	sor.u32 s0, s1;
	s1 =	sor.u32 s26, s25;
	p0 =	slt.u32 s24, $0x3E;
	[tilespmem:s28+$0x0] =	vst.add.f32.msk $0xffff, v0  }
0x41e: {  	s0 =	sor.u32 $0x2110, s13;
	s3 =	sor.u32 $0x80, s29;
	s6 =	sor.u32 $0x100, s29;
	v0 =	vld [tilespmem:s29+$0x10010]  }
0x41f: {  	s9 =	sor.u32 $0x180, s29;
	s7 =	sor.u32 $0x200, s29;
	s2 =	sor.u32 $0x280, s29;
	[tilespmem:s0+$0x0] =	vst.add.f32.msk $0xffff, v1  }
0x420: {  	s20 =	sor.u32 $0x380, s1;
	s30 =	sor.u32 $0x2000, s29;
	s28 =	sor.u32 $0x2080, s29;
	v1 =	vld [tilespmem:s13+$0x12190]  }
0x421: {  	s8 =	sor.u32 $0x2100, s29;
	s4 =	sor.u32 $0x2180, s29;
	s0 =	sor.u32 $0x2200, s29;
	v3 =	vld [tilespmem:s29+$0x10000]  }
0x422: {  	s31 =	sor.u32 $0x2280, s29;
	s5 =	sor.u32 $0x2380, s1;
	s1 =	sor.u32 $0x10, s29;
	v4 =	vld [tilespmem:s29+$0x10080]  }
0x423: {  	[tilespmem:s1+$0x0] =	vst.add.f32.msk $0xffff, v0  }
0x424: {  	s1 =	sor.u32 $0x2190, s13;
	v0 =	vld [tilespmem:s29+$0x10090]  }
0x425: {  	[tilespmem:s1+$0x0] =	vst.add.f32.msk $0xffff, v1  }
0x426: {  	v1 =	vld [tilespmem:s13+$0x12210]  }
0x427: {  	[tilespmem:s29+$0x0] =	vst.add.f32.msk $0xffff, v3  }
0x428: {  	s1 =	sor.u32 $0x90, s29;
	[tilespmem:s3+$0x0] =	vst.add.f32.msk $0xffff, v4  }
0x429: {  	[tilespmem:s1+$0x0] =	vst.add.f32.msk $0xffff, v0  }
0x42a: {  	s1 =	sor.u32 $0x2210, s13;
	v0 =	vld [tilespmem:s29+$0x10110]  }
0x42b: {  	[tilespmem:s1+$0x0] =	vst.add.f32.msk $0xffff, v1  }
0x42c: {  	v1 =	vld [tilespmem:s13+$0x12290]  }
0x42d: {  	v3 =	vld [tilespmem:s29+$0x10100]  }
0x42e: {  	s1 =	sor.u32 $0x110, s29;
	v4 =	vld [tilespmem:s13+$0x12100]  }
0x42f: {  	[tilespmem:s1+$0x0] =	vst.add.f32.msk $0xffff, v0  }
0x430: {  	s1 =	sor.u32 $0x2290, s13;
	v0 =	vld [tilespmem:s29+$0x10190]  }
0x431: {  	[tilespmem:s1+$0x0] =	vst.add.f32.msk $0xffff, v1;
	s1 =	sor.u32 $0x2300, s15  }
0x432: {  	v1 =	vld [tilespmem:s1+$0x10000]  }
0x433: {  	[tilespmem:s6+$0x0] =	vst.add.f32.msk $0xffff, v3  }
0x434: {  	s3 =	sor.u32 $0x190, s29;
	v3 =	vld [tilespmem:s29+$0x10180]  }
0x435: {  	[tilespmem:s3+$0x0] =	vst.add.f32.msk $0xffff, v0  }
0x436: {  	v0 =	vld [tilespmem:s29+$0x10210]  }
0x437: {  	[tilespmem:s1+$0x0] =	vst.add.f32.msk $0xffff, v1;
	s1 =	sor.u32 $0x2380, s15  }
0x438: {  	v1 =	vld [tilespmem:s1+$0x10000]  }
0x439: {  	[tilespmem:s9+$0x0] =	vst.add.f32.msk $0xffff, v3  }
0x43a: {  	s3 =	sor.u32 $0x210, s29;
	v3 =	vld [tilespmem:s29+$0x10200]  }
0x43b: {  	[tilespmem:s3+$0x0] =	vst.add.f32.msk $0xffff, v0  }
0x43c: {  	s14 =	sadd.s32 $0x1, s14;
	v0 =	vld [tilespmem:s29+$0x10290]  }
0x43d: {  	s3 =	sand.u32 $0x3, s14;
	[tilespmem:s1+$0x0] =	vst.add.f32.msk $0xffff, v1  }
0x43e: {  	s1 =	sshll.u32 s3, $0x5;
	[tilespmem:s23+$0x0] =	vst.add.f32.msk $0xffff, v4;
	s23 =	smov.u32 s8  }
0x43f: {  	s1 =	sadd.s32 s1, s25;
	[tilespmem:s7+$0x0] =	vst.add.f32.msk $0xffff, v3  }
0x440: {  	s6 =	sor.u32 $0x290, s29;
	s3 =	sor.u32 $0x300, s1;
	s15 =	sadd.s32 $0x10, s1;
	v1 =	vld [tilespmem:s29+$0x10280]  }
0x441: {  	s7 =	sor.u32 $0x2300, s1;
	s1 =	sor.u32 $0x300, s15;
	[tilespmem:s6+$0x0] =	vst.add.f32.msk $0xffff, v0  }
0x442: {  	v0 =	vld [tilespmem:s1+$0x10000]  }
0x443: {  	v3 =	vld [tilespmem:s13+$0x12180]  }
0x444: {  	[tilespmem:s16+$0x0] =	vst.add.f32.msk $0xffff, v2;
	s16 =	smov.u32 s17;
	s17 =	smov.u32 s5  }
0x445: {  	[tilespmem:s2+$0x0] =	vst.add.f32.msk $0xffff, v1  }
0x446: {  	v1 =	vld [tilespmem:s3+$0x10000]  }
0x447: {  	[tilespmem:s1+$0x0] =	vst.add.f32.msk $0xffff, v0;
	s1 =	sor.u32 $0x380, s15  }
0x448: {  	v0 =	vld [tilespmem:s1+$0x10000]  }
0x449: {  	[tilespmem:s22+$0x0] =	vst.add.f32.msk $0xffff, v3;
	s22 =	smov.u32 s4  }
0x44a: {  	v2 =	vld [tilespmem:s13+$0x12200]  }
0x44b: {  	[tilespmem:s3+$0x0] =	vst.add.f32.msk $0xffff, v1  }
0x44c: {  	v1 =	vld [tilespmem:s20+$0x10000]  }
0x44d: {  	[tilespmem:s1+$0x0] =	vst.add.f32.msk $0xffff, v0  }
0x44e: {  	v0 =	vld [tilespmem:s29+$0x12010]  }
0x44f: {  	[tilespmem:s21+$0x0] =	vst.add.f32.msk $0xffff, v2;
	s21 =	smov.u32 s0  }
0x450: {  	v2 =	vld [tilespmem:s13+$0x12280];
	s13 =	smov.u32 s29  }
0x451: {  	[tilespmem:s20+$0x0] =	vst.add.f32.msk $0xffff, v1  }
0x452: {  	s0 =	sor.u32 $0x2010, s13;
	v1 =	vld [tilespmem:s13+$0x12000]  }
0x453: {  	[tilespmem:s0+$0x0] =	vst.add.f32.msk $0xffff, v0  }
0x454: {  	v3 =	vld [tilespmem:s13+$0x12090]  }
0x455: {  	[tilespmem:s19+$0x0] =	vst.add.f32.msk $0xffff, v2;
	s19 =	smov.u32 s31  }
0x456: {  	v2 =	vld [tilespmem:s18+$0x10000]  }
.Ltmp4:
0x457: {  	[tilespmem:s30+$0x0] =	vst.add.f32.msk $0xffff, v1;
	(pc) =	sbr.rel @p0 .LBB2_10-.Ltmp4, $4  }
0x458: {  	s0 =	sor.u32 $0x2090, s13;
	v0 =	vld [tilespmem:s13+$0x12080]  }
0x459: {  	[tilespmem:s0+$0x0] =	vst.add.f32.msk $0xffff, v3  }
0x45a: {  	v1 =	vld [tilespmem:s13+$0x12110]  }
0x45b: {  	s26 =	sadd.s32 $0x20, s26;
	s25 =	sadd.s32 $0x100, s25;
	[tilespmem:s18+$0x0] =	vst.add.f32.msk $0xffff, v2;
	s18 =	smov.u32 s7  }
0x45c: {  	_ = 	snop  }
0x45d: {  	[tilespmem:s28+$0x0] =	vst.add.f32.msk $0xffff, v0  }
0x45e: {  	v0 =	vld [tilespmem:s13+$0x12100];
	_ =	sdelay $0x1  }
0x45f: {  	s0 =	sor.u32 $0x2110, s13  }
0x460: {  	[tilespmem:s0+$0x0] =	vst.add.f32.msk $0xffff, v1  }
0x461: {  	v1 =	vld [tilespmem:s13+$0x12190]  }
0x462: {  	[tilespmem:s23+$0x0] =	vst.add.f32.msk $0xffff, v0  }
0x463: {  	v0 =	vld [tilespmem:s13+$0x12180];
	_ =	sdelay $0x1  }
0x464: {  	s20 =	sor.u32 $0x2190, s13  }
0x465: {  	[tilespmem:s20+$0x0] =	vst.add.f32.msk $0xffff, v1  }
0x466: {  	v1 =	vld [tilespmem:s13+$0x12210]  }
0x467: {  	[tilespmem:s22+$0x0] =	vst.add.f32.msk $0xffff, v0  }
0x468: {  	v0 =	vld [tilespmem:s13+$0x12200];
	_ =	sdelay $0x1  }
0x469: {  	s22 =	sor.u32 $0x2210, s13  }
0x46a: {  	[tilespmem:s22+$0x0] =	vst.add.f32.msk $0xffff, v1  }
0x46b: {  	v1 =	vld [tilespmem:s13+$0x12290]  }
0x46c: {  	[tilespmem:s21+$0x0] =	vst.add.f32.msk $0xffff, v0  }
0x46d: {  	v0 =	vld [tilespmem:s13+$0x12280];
	_ =	sdelay $0x1  }
0x46e: {  	s23 =	sor.u32 $0x2290, s13  }
0x46f: {  	s24 =	sor.u32 $0x2300, s15;
	[tilespmem:s23+$0x0] =	vst.add.f32.msk $0xffff, v1  }
0x470: {  	v1 =	vld [tilespmem:s24+$0x10000]  }
0x471: {  	[tilespmem:s19+$0x0] =	vst.add.f32.msk $0xffff, v0  }
0x472: {  	v0 =	vld [tilespmem:s18+$0x10000];
	_ =	sdelay $0x1  }
0x473: {  	v2 =	vld [tilespmem:s16+$0x10000]  }
0x474: {  	s25 =	sor.u32 $0x2380, s15;
	[tilespmem:s24+$0x0] =	vst.add.f32.msk $0xffff, v1  }
0x475: {  	v1 =	vld [tilespmem:s25+$0x10000]  }
0x476: {  	[tilespmem:s18+$0x0] =	vst.add.f32.msk $0xffff, v0  }
0x477: {  	v0 =	vld [tilespmem:s17+$0x10000];
	_ =	sdelay $0x2  }
0x478: {  	[tilespmem:s16+$0x0] =	vst.add.f32.msk $0xffff, v2  }
0x479: {  	[tilespmem:s25+$0x0] =	vst.add.f32.msk $0xffff, v1  }
0x47a: {  	[tilespmem:s17+$0x0] =	vst.add.f32.msk $0xffff, v0  }
0x47b: {  	s1 =	simm.s32 $0x0;
	s0 =	rddreg [dreg:$0x14]  }
0x47c: {  	[hbm4b:s0+s1] =	stream.linear.scatter [tilespmem:s1], [sflag:$0x7], $0x4000, $0x38;
	[tilespmem:$0x18000] =	vst v63  }
0x47d: {  	s2 =	simm.s32 $0x10000;
	s29 =	simm.s32 $0x2;
	s26 =	rddreg [dreg:$0x17]  }
0x47e: {  	[tilespmem:s2], [sflag:$0x5] =	stream.linear.gather [hbm4b:s26+s1], $0x4000, $0x38;
	[tilespmem:$0x18000] =	vst v63  }
0x47f: {  	_ =	swait.ge [sflag:s29], $0x4000  }
0x480: {  	[sflag:s29] =	ssyncset.done $0x0  }
0x481: {  	s3 =	simm.s32 $0x6;
	[sflag:s29] =	ssyncadd.s32 $0xFFFFC000  }
0x482: {  	_ =	swait.ge [sflag:s3], $0x4000  }
0x483: {  	s30 =	sand.u32 $0x60, s1;
	s31 =	sand.u32 $0x1C00, s1;
	[sflag:s3] =	ssyncset.done $0x0  }
0x484: {  	s16 =	sor.u32 s30, s31;
	[sflag:s3] =	ssyncadd.s32 $0xFFFFC000  }
0x485: {  	v0 =	vld [tilespmem:s16+$0x14010];
	_ =	sdelay $0x3  }
0x486: {  	s0 =	sor.u32 $0x4010, s16;
	v1 =	vld [tilespmem:s16+$0x14000]  }
0x487: {  	[tilespmem:s0+$0x0] =	vst.add.f32.msk $0xffff, v0  }
0x488: {  	v0 =	vld [tilespmem:s16+$0x14090];
	_ =	sdelay $0x1  }
0x489: {  	s3 =	sor.u32 $0x4000, s16  }
0x48a: {  	[tilespmem:s3+$0x0] =	vst.add.f32.msk $0xffff, v1  }
0x48b: {  	s2 =	sor.u32 $0x4090, s16;
	v1 =	vld [tilespmem:s16+$0x14080]  }
0x48c: {  	[tilespmem:s2+$0x0] =	vst.add.f32.msk $0xffff, v0  }
0x48d: {  	v0 =	vld [tilespmem:s16+$0x14110];
	_ =	sdelay $0x1  }
0x48e: {  	s5 =	sor.u32 $0x4080, s16  }
0x48f: {  	[tilespmem:s5+$0x0] =	vst.add.f32.msk $0xffff, v1  }
0x490: {  	s4 =	sor.u32 $0x4110, s16;
	v1 =	vld [tilespmem:s16+$0x14100]  }
0x491: {  	[tilespmem:s4+$0x0] =	vst.add.f32.msk $0xffff, v0  }
0x492: {  	v0 =	vld [tilespmem:s16+$0x14190];
	_ =	sdelay $0x1  }
0x493: {  	s7 =	sor.u32 $0x4100, s16  }
0x494: {  	[tilespmem:s7+$0x0] =	vst.add.f32.msk $0xffff, v1  }
0x495: {  	s6 =	sor.u32 $0x4190, s16;
	v1 =	vld [tilespmem:s16+$0x14180]  }
0x496: {  	[tilespmem:s6+$0x0] =	vst.add.f32.msk $0xffff, v0  }
0x497: {  	v0 =	vld [tilespmem:s16+$0x14210];
	_ =	sdelay $0x1  }
0x498: {  	s9 =	sor.u32 $0x4180, s16  }
0x499: {  	[tilespmem:s9+$0x0] =	vst.add.f32.msk $0xffff, v1  }
0x49a: {  	s8 =	sor.u32 $0x4210, s16;
	v1 =	vld [tilespmem:s16+$0x14200]  }
0x49b: {  	[tilespmem:s8+$0x0] =	vst.add.f32.msk $0xffff, v0  }
0x49c: {  	v0 =	vld [tilespmem:s16+$0x14290]  }
0x49d: {  	s10 =	sand.u32 $0x3, s1  }
0x49e: {  	s13 =	sor.u32 $0x4200, s16;
	s0 =	sshll.u32 s10, $0x5  }
0x49f: {  	s0 =	sadd.s32 $0x0, s0;
	[tilespmem:s13+$0x0] =	vst.add.f32.msk $0xffff, v1  }
0x4a0: {  	s2 =	sor.u32 $0x4290, s16;
	s7 =	sadd.s32 $0x10, s0;
	v1 =	vld [tilespmem:s16+$0x14280]  }
0x4a1: {  	s11 =	sor.u32 $0x4300, s7;
	[tilespmem:s2+$0x0] =	vst.add.f32.msk $0xffff, v0  }
0x4a2: {  	v0 =	vld [tilespmem:s11+$0x10000];
	_ =	sdelay $0x1  }
0x4a3: {  	s15 =	sor.u32 $0x4280, s16  }
0x4a4: {  	s4 =	sor.u32 $0x4300, s0;
	[tilespmem:s15+$0x0] =	vst.add.f32.msk $0xffff, v1  }
0x4a5: {  	v1 =	vld [tilespmem:s4+$0x10000]  }
0x4a6: {  	s14 =	sor.u32 $0x4380, s7;
	[tilespmem:s11+$0x0] =	vst.add.f32.msk $0xffff, v0  }
0x4a7: {  	v0 =	vld [tilespmem:s14+$0x10000];
	_ =	sdelay $0x1  }
0x4a8: {  	s2 =	sor.u32 s1, s1  }
0x4a9: {  	s1 =	sor.u32 $0x4380, s2;
	[tilespmem:s4+$0x0] =	vst.add.f32.msk $0xffff, v1  }
0x4aa: {  	v1 =	vld [tilespmem:s1+$0x10000]  }
0x4ab: {  	[tilespmem:s14+$0x0] =	vst.add.f32.msk $0xffff, v0  }
0x4ac: {  	v0 =	vld [tilespmem:s16+$0x16010];
	_ =	sdelay $0x2  }
0x4ad: {  	[tilespmem:s1+$0x0] =	vst.add.f32.msk $0xffff, v1  }
0x4ae: {  	s17 =	sor.u32 $0x6010, s16;
	v1 =	vld [tilespmem:s16+$0x16000]  }
0x4af: {  	[tilespmem:s17+$0x0] =	vst.add.f32.msk $0xffff, v0  }
0x4b0: {  	v0 =	vld [tilespmem:s16+$0x16090];
	_ =	sdelay $0x1  }
0x4b1: {  	s19 =	sor.u32 $0x6000, s16  }
0x4b2: {  	[tilespmem:s19+$0x0] =	vst.add.f32.msk $0xffff, v1  }
0x4b3: {  	s18 =	sor.u32 $0x6090, s16;
	v1 =	vld [tilespmem:s16+$0x16080]  }
0x4b4: {  	s5 =	simm.s32 $0x20;
	s4 =	simm.s32 $0x100;
	[tilespmem:s18+$0x0] =	vst.add.f32.msk $0xffff, v0  }
0x4b5: {  	s20 =	sand.u32 $0x60, s5;
	s21 =	sand.u32 $0x1C00, s4;
	v0 =	vld [tilespmem:s16+$0x16110]  }
0x4b6: {  	s13 =	sor.u32 s20, s21  }
0x4b7: {  	s23 =	sor.u32 $0x6080, s16;
	v2 =	vld [tilespmem:s13+$0x14010]  }
0x4b8: {  	[tilespmem:s23+$0x0] =	vst.add.f32.msk $0xffff, v1  }
0x4b9: {  	s22 =	sor.u32 $0x6110, s16;
	v1 =	vld [tilespmem:s13+$0x14000]  }
0x4ba: {  	[tilespmem:s22+$0x0] =	vst.add.f32.msk $0xffff, v0  }
0x4bb: {  	s24 =	sor.u32 $0x4010, s13;
	v0 =	vld [tilespmem:s16+$0x16190]  }
0x4bc: {  	[tilespmem:s24+$0x0] =	vst.add.f32.msk $0xffff, v2  }
0x4bd: {  	s26 =	sor.u32 $0x4000, s13;
	v2 =	vld [tilespmem:s13+$0x14090]  }
0x4be: {  	[tilespmem:s26+$0x0] =	vst.add.f32.msk $0xffff, v1  }
0x4bf: {  	s25 =	sor.u32 $0x6190, s16;
	v1 =	vld [tilespmem:s13+$0x14080]  }
0x4c0: {  	[tilespmem:s25+$0x0] =	vst.add.f32.msk $0xffff, v0  }
0x4c1: {  	s29 =	sor.u32 $0x4090, s13;
	v0 =	vld [tilespmem:s16+$0x16210]  }
0x4c2: {  	[tilespmem:s29+$0x0] =	vst.add.f32.msk $0xffff, v2  }
0x4c3: {  	s31 =	sor.u32 $0x4080, s13;
	v2 =	vld [tilespmem:s13+$0x14110]  }
0x4c4: {  	[tilespmem:s31+$0x0] =	vst.add.f32.msk $0xffff, v1  }
0x4c5: {  	s30 =	sor.u32 $0x6210, s16;
	v1 =	vld [tilespmem:s13+$0x14100]  }
0x4c6: {  	[tilespmem:s30+$0x0] =	vst.add.f32.msk $0xffff, v0  }
0x4c7: {  	s3 =	sor.u32 $0x4110, s13;
	v0 =	vld [tilespmem:s16+$0x16290]  }
0x4c8: {  	[tilespmem:s3+$0x0] =	vst.add.f32.msk $0xffff, v2  }
0x4c9: {  	s3 =	sor.u32 $0x4100, s13;
	v2 =	vld [tilespmem:s13+$0x14190]  }
0x4ca: {  	[tilespmem:s3+$0x0] =	vst.add.f32.msk $0xffff, v1  }
0x4cb: {  	s6 =	sor.u32 $0x6290, s16;
	v1 =	vld [tilespmem:s13+$0x14180]  }
0x4cc: {  	s8 =	sor.u32 $0x6300, s7;
	[tilespmem:s6+$0x0] =	vst.add.f32.msk $0xffff, v0  }
0x4cd: {  	s9 =	sor.u32 $0x4190, s13;
	v0 =	vld [tilespmem:s8+$0x10000]  }
0x4ce: {  	[tilespmem:s9+$0x0] =	vst.add.f32.msk $0xffff, v2  }
0x4cf: {  	s11 =	sor.u32 $0x4180, s13;
	v2 =	vld [tilespmem:s13+$0x14210]  }
0x4d0: {  	[tilespmem:s11+$0x0] =	vst.add.f32.msk $0xffff, v1  }
0x4d1: {  	v1 =	vld [tilespmem:s13+$0x14200]  }
0x4d2: {  	s10 =	sor.u32 $0x6380, s7;
	[tilespmem:s8+$0x0] =	vst.add.f32.msk $0xffff, v0  }
0x4d3: {  	s14 =	sor.u32 $0x4210, s13;
	v0 =	vld [tilespmem:s10+$0x10000]  }
0x4d4: {  	[tilespmem:s14+$0x0] =	vst.add.f32.msk $0xffff, v2  }
0x4d5: {  	s14 =	simm.s32 $0x1;
	v2 =	vld [tilespmem:s13+$0x14290]  }
0x4d6: {  	v3 =	vld [tilespmem:s16+$0x16100];
	s15 =	sand.u32 $0x3, s14;
	s6 =	sor.u32 $0x4200, s13  }
0x4d7: {  	s17 =	sshll.u32 s15, $0x5;
	[tilespmem:s6+$0x0] =	vst.add.f32.msk $0xffff, v1  }
0x4d8: {  	s1 =	sadd.s32 $0x100, s17;
	[tilespmem:s10+$0x0] =	vst.add.f32.msk $0xffff, v0  }
0x4d9: {  	s18 =	sor.u32 $0x4290, s13;
	s15 =	sadd.s32 $0x10, s1;
	v0 =	vld [tilespmem:s13+$0x14280]  }
0x4da: {  	s19 =	sor.u32 $0x4300, s15;
	[tilespmem:s18+$0x0] =	vst.add.f32.msk $0xffff, v2  }
0x4db: {  	s20 =	sor.u32 $0x6100, s16;
	v1 =	vld [tilespmem:s19+$0x10000]  }
0x4dc: {  	[tilespmem:s20+$0x0] =	vst.add.f32.msk $0xffff, v3  }
0x4dd: {  	s21 =	sor.u32 $0x4280, s13;
	v2 =	vld [tilespmem:s16+$0x16180]  }
0x4de: {  	s22 =	sor.u32 $0x4300, s1;
	[tilespmem:s21+$0x0] =	vst.add.f32.msk $0xffff, v0  }
0x4df: {  	v0 =	vld [tilespmem:s22+$0x10000]  }
0x4e0: {  	s23 =	sor.u32 $0x4380, s15;
	[tilespmem:s19+$0x0] =	vst.add.f32.msk $0xffff, v1  }
0x4e1: {  	s24 =	sor.u32 $0x6180, s16;
	v1 =	vld [tilespmem:s23+$0x10000]  }
0x4e2: {  	[tilespmem:s24+$0x0] =	vst.add.f32.msk $0xffff, v2  }
0x4e3: {  	s4 =	sor.u32 s5, s4;
	v2 =	vld [tilespmem:s16+$0x16200]  }
0x4e4: {  	s5 =	sor.u32 $0x4380, s4;
	[tilespmem:s22+$0x0] =	vst.add.f32.msk $0xffff, v0  }
0x4e5: {  	v0 =	vld [tilespmem:s5+$0x10000]  }
0x4e6: {  	[tilespmem:s23+$0x0] =	vst.add.f32.msk $0xffff, v1  }
0x4e7: {  	s25 =	sor.u32 $0x6200, s16;
	v1 =	vld [tilespmem:s13+$0x16010]  }
0x4e8: {  	[tilespmem:s25+$0x0] =	vst.add.f32.msk $0xffff, v2  }
0x4e9: {  	v2 =	vld [tilespmem:s16+$0x16280]  }
0x4ea: {  	[tilespmem:s5+$0x0] =	vst.add.f32.msk $0xffff, v0  }
0x4eb: {  	s26 =	sor.u32 $0x6010, s13;
	v0 =	vld [tilespmem:s13+$0x16000]  }
0x4ec: {  	[tilespmem:s26+$0x0] =	vst.add.f32.msk $0xffff, v1  }
0x4ed: {  	s29 =	sor.u32 $0x6280, s16;
	v1 =	vld [tilespmem:s13+$0x16090]  }
0x4ee: {  	s0 =	sor.u32 $0x6300, s0;
	[tilespmem:s29+$0x0] =	vst.add.f32.msk $0xffff, v2  }
0x4ef: {  	s30 =	sor.u32 $0x6000, s13;
	v2 =	vld [tilespmem:s0+$0x10000]  }
0x4f0: {  	[tilespmem:s30+$0x0] =	vst.add.f32.msk $0xffff, v0  }
0x4f1: {  	s28 =	sor.u32 $0x6080, s13;
	s31 =	sor.u32 $0x6090, s13;
	s17 =	sor.u32 $0x6380, s4;
	v0 =	vld [tilespmem:s13+$0x16080]  }
0x4f2: {  	s18 =	sor.u32 $0x6300, s1;
	s24 =	simm.s32 $0x2;
	s25 =	simm.s32 $0x200;
	[tilespmem:s31+$0x0] =	vst.add.f32.msk $0xffff, v1  }
0x4f3: {  	s16 =	sor.u32 $0x6380, s2;
	s19 =	sor.u32 $0x6280, s13;
	s23 =	sor.u32 $0x6100, s13;
	v1 =	vld [tilespmem:s13+$0x16110]  }
0x4f4: {  	s21 =	sor.u32 $0x6200, s13;
	[tilespmem:s0+$0x0] =	vst.add.f32.msk $0xffff, v2;
	s26 =	simm.s32 $0x40;
	s22 =	sor.u32 $0x6180, s13  }
.LBB2_12:
0x4f5: {  	s0 =	sand.u32 $0x60, s26;
	s1 =	sand.u32 $0x1C00, s25;
	s24 =	sadd.s32 $0x2, s24;
	v2 =	vld [tilespmem:s16+$0x10000]  }
0x4f6: {  	s29 =	sor.u32 s0, s1;
	s1 =	sor.u32 s26, s25;
	p0 =	slt.u32 s24, $0x3E;
	[tilespmem:s28+$0x0] =	vst.add.f32.msk $0xffff, v0  }
0x4f7: {  	s0 =	sor.u32 $0x6110, s13;
	s3 =	sor.u32 $0x4000, s29;
	s6 =	sor.u32 $0x4080, s29;
	v0 =	vld [tilespmem:s29+$0x14010]  }
0x4f8: {  	s10 =	sor.u32 $0x4100, s29;
	s9 =	sor.u32 $0x4180, s29;
	s5 =	sor.u32 $0x4200, s29;
	[tilespmem:s0+$0x0] =	vst.add.f32.msk $0xffff, v1  }
0x4f9: {  	s4 =	sor.u32 $0x4280, s29;
	s20 =	sor.u32 $0x4380, s1;
	s30 =	sor.u32 $0x6000, s29;
	v1 =	vld [tilespmem:s13+$0x16190]  }
0x4fa: {  	s28 =	sor.u32 $0x6080, s29;
	s8 =	sor.u32 $0x6100, s29;
	s2 =	sor.u32 $0x6180, s29;
	v3 =	vld [tilespmem:s29+$0x14000]  }
0x4fb: {  	s31 =	sor.u32 $0x6280, s29;
	s11 =	sor.u32 $0x4010, s29;
	s0 =	sor.u32 $0x6200, s29;
	v4 =	vld [tilespmem:s13+$0x16100]  }
0x4fc: {  	s7 =	sor.u32 $0x6380, s1;
	[tilespmem:s11+$0x0] =	vst.add.f32.msk $0xffff, v0  }
0x4fd: {  	s1 =	sor.u32 $0x6190, s13;
	v0 =	vld [tilespmem:s29+$0x14090]  }
0x4fe: {  	[tilespmem:s1+$0x0] =	vst.add.f32.msk $0xffff, v1  }
0x4ff: {  	v1 =	vld [tilespmem:s13+$0x16210]  }
0x500: {  	[tilespmem:s3+$0x0] =	vst.add.f32.msk $0xffff, v3  }
0x501: {  	s1 =	sor.u32 $0x4090, s29;
	v3 =	vld [tilespmem:s29+$0x14080]  }
0x502: {  	[tilespmem:s1+$0x0] =	vst.add.f32.msk $0xffff, v0  }
0x503: {  	s1 =	sor.u32 $0x6210, s13;
	v0 =	vld [tilespmem:s29+$0x14110]  }
0x504: {  	[tilespmem:s1+$0x0] =	vst.add.f32.msk $0xffff, v1  }
0x505: {  	v1 =	vld [tilespmem:s13+$0x16290]  }
0x506: {  	[tilespmem:s6+$0x0] =	vst.add.f32.msk $0xffff, v3  }
0x507: {  	s1 =	sor.u32 $0x4110, s29;
	v3 =	vld [tilespmem:s29+$0x14100]  }
0x508: {  	[tilespmem:s1+$0x0] =	vst.add.f32.msk $0xffff, v0  }
0x509: {  	s1 =	sor.u32 $0x6290, s13;
	v0 =	vld [tilespmem:s29+$0x14190]  }
0x50a: {  	[tilespmem:s1+$0x0] =	vst.add.f32.msk $0xffff, v1;
	s1 =	sor.u32 $0x6300, s15  }
0x50b: {  	v1 =	vld [tilespmem:s1+$0x10000]  }
0x50c: {  	[tilespmem:s10+$0x0] =	vst.add.f32.msk $0xffff, v3  }
0x50d: {  	s3 =	sor.u32 $0x4190, s29;
	v3 =	vld [tilespmem:s29+$0x14180]  }
0x50e: {  	[tilespmem:s3+$0x0] =	vst.add.f32.msk $0xffff, v0  }
0x50f: {  	v0 =	vld [tilespmem:s29+$0x14210]  }
0x510: {  	[tilespmem:s1+$0x0] =	vst.add.f32.msk $0xffff, v1;
	s1 =	sor.u32 $0x6380, s15  }
0x511: {  	v1 =	vld [tilespmem:s1+$0x10000]  }
0x512: {  	[tilespmem:s9+$0x0] =	vst.add.f32.msk $0xffff, v3  }
0x513: {  	s3 =	sor.u32 $0x4210, s29;
	v3 =	vld [tilespmem:s29+$0x14200]  }
0x514: {  	[tilespmem:s3+$0x0] =	vst.add.f32.msk $0xffff, v0  }
0x515: {  	s14 =	sadd.s32 $0x1, s14;
	v0 =	vld [tilespmem:s29+$0x14290]  }
0x516: {  	s3 =	sand.u32 $0x3, s14;
	[tilespmem:s1+$0x0] =	vst.add.f32.msk $0xffff, v1  }
0x517: {  	s1 =	sshll.u32 s3, $0x5;
	[tilespmem:s23+$0x0] =	vst.add.f32.msk $0xffff, v4;
	s23 =	smov.u32 s8  }
0x518: {  	s1 =	sadd.s32 s1, s25;
	[tilespmem:s5+$0x0] =	vst.add.f32.msk $0xffff, v3  }
0x519: {  	s6 =	sor.u32 $0x4290, s29;
	s3 =	sor.u32 $0x4300, s1;
	s15 =	sadd.s32 $0x10, s1;
	v1 =	vld [tilespmem:s29+$0x14280]  }
0x51a: {  	s5 =	sor.u32 $0x6300, s1;
	s1 =	sor.u32 $0x4300, s15;
	[tilespmem:s6+$0x0] =	vst.add.f32.msk $0xffff, v0  }
0x51b: {  	v0 =	vld [tilespmem:s1+$0x10000]  }
0x51c: {  	v3 =	vld [tilespmem:s13+$0x16180]  }
0x51d: {  	[tilespmem:s16+$0x0] =	vst.add.f32.msk $0xffff, v2;
	s16 =	smov.u32 s17;
	s17 =	smov.u32 s7  }
0x51e: {  	[tilespmem:s4+$0x0] =	vst.add.f32.msk $0xffff, v1  }
0x51f: {  	v1 =	vld [tilespmem:s3+$0x10000]  }
0x520: {  	[tilespmem:s1+$0x0] =	vst.add.f32.msk $0xffff, v0;
	s1 =	sor.u32 $0x4380, s15  }
0x521: {  	v0 =	vld [tilespmem:s1+$0x10000]  }
0x522: {  	[tilespmem:s22+$0x0] =	vst.add.f32.msk $0xffff, v3;
	s22 =	smov.u32 s2  }
0x523: {  	v2 =	vld [tilespmem:s13+$0x16200]  }
0x524: {  	[tilespmem:s3+$0x0] =	vst.add.f32.msk $0xffff, v1  }
0x525: {  	v1 =	vld [tilespmem:s20+$0x10000]  }
0x526: {  	[tilespmem:s1+$0x0] =	vst.add.f32.msk $0xffff, v0  }
0x527: {  	v0 =	vld [tilespmem:s29+$0x16010]  }
0x528: {  	[tilespmem:s21+$0x0] =	vst.add.f32.msk $0xffff, v2;
	s21 =	smov.u32 s0  }
0x529: {  	v2 =	vld [tilespmem:s13+$0x16280];
	s13 =	smov.u32 s29  }
0x52a: {  	[tilespmem:s20+$0x0] =	vst.add.f32.msk $0xffff, v1  }
0x52b: {  	s0 =	sor.u32 $0x6010, s13;
	v1 =	vld [tilespmem:s13+$0x16000]  }
0x52c: {  	[tilespmem:s0+$0x0] =	vst.add.f32.msk $0xffff, v0  }
0x52d: {  	v3 =	vld [tilespmem:s13+$0x16090]  }
0x52e: {  	[tilespmem:s19+$0x0] =	vst.add.f32.msk $0xffff, v2;
	s19 =	smov.u32 s31  }
0x52f: {  	v2 =	vld [tilespmem:s18+$0x10000]  }
.Ltmp5:
0x530: {  	[tilespmem:s30+$0x0] =	vst.add.f32.msk $0xffff, v1;
	(pc) =	sbr.rel @p0 .LBB2_12-.Ltmp5, $4  }
0x531: {  	s0 =	sor.u32 $0x6090, s13;
	v0 =	vld [tilespmem:s13+$0x16080]  }
0x532: {  	[tilespmem:s0+$0x0] =	vst.add.f32.msk $0xffff, v3  }
0x533: {  	v1 =	vld [tilespmem:s13+$0x16110]  }
0x534: {  	s26 =	sadd.s32 $0x20, s26;
	s25 =	sadd.s32 $0x100, s25;
	[tilespmem:s18+$0x0] =	vst.add.f32.msk $0xffff, v2;
	s18 =	smov.u32 s5  }
0x535: {  	_ = 	snop  }
0x536: {  	[tilespmem:s28+$0x0] =	vst.add.f32.msk $0xffff, v0  }
0x537: {  	v0 =	vld [tilespmem:s13+$0x16100];
	_ =	sdelay $0x1  }
0x538: {  	s0 =	sor.u32 $0x6110, s13  }
0x539: {  	[tilespmem:s0+$0x0] =	vst.add.f32.msk $0xffff, v1  }
0x53a: {  	v1 =	vld [tilespmem:s13+$0x16190]  }
0x53b: {  	[tilespmem:s23+$0x0] =	vst.add.f32.msk $0xffff, v0  }
0x53c: {  	v0 =	vld [tilespmem:s13+$0x16180];
	_ =	sdelay $0x1  }
0x53d: {  	s30 =	sor.u32 $0x6190, s13  }
0x53e: {  	[tilespmem:s30+$0x0] =	vst.add.f32.msk $0xffff, v1  }
0x53f: {  	v1 =	vld [tilespmem:s13+$0x16210]  }
0x540: {  	[tilespmem:s22+$0x0] =	vst.add.f32.msk $0xffff, v0  }
0x541: {  	v0 =	vld [tilespmem:s13+$0x16200];
	_ =	sdelay $0x1  }
0x542: {  	s31 =	sor.u32 $0x6210, s13  }
0x543: {  	[tilespmem:s31+$0x0] =	vst.add.f32.msk $0xffff, v1  }
0x544: {  	v1 =	vld [tilespmem:s13+$0x16290]  }
0x545: {  	[tilespmem:s21+$0x0] =	vst.add.f32.msk $0xffff, v0  }
0x546: {  	v0 =	vld [tilespmem:s13+$0x16280];
	_ =	sdelay $0x1  }
0x547: {  	s1 =	sor.u32 $0x6290, s13  }
0x548: {  	s2 =	sor.u32 $0x6300, s15;
	[tilespmem:s1+$0x0] =	vst.add.f32.msk $0xffff, v1  }
0x549: {  	v1 =	vld [tilespmem:s2+$0x10000]  }
0x54a: {  	[tilespmem:s19+$0x0] =	vst.add.f32.msk $0xffff, v0  }
0x54b: {  	v0 =	vld [tilespmem:s18+$0x10000];
	_ =	sdelay $0x1  }
0x54c: {  	v2 =	vld [tilespmem:s16+$0x10000]  }
0x54d: {  	s3 =	sor.u32 $0x6380, s15;
	[tilespmem:s2+$0x0] =	vst.add.f32.msk $0xffff, v1  }
0x54e: {  	v1 =	vld [tilespmem:s3+$0x10000]  }
0x54f: {  	[tilespmem:s18+$0x0] =	vst.add.f32.msk $0xffff, v0  }
0x550: {  	v0 =	vld [tilespmem:s17+$0x10000];
	_ =	sdelay $0x2  }
0x551: {  	[tilespmem:s16+$0x0] =	vst.add.f32.msk $0xffff, v2  }
0x552: {  	[tilespmem:s3+$0x0] =	vst.add.f32.msk $0xffff, v1  }
0x553: {  	[tilespmem:s17+$0x0] =	vst.add.f32.msk $0xffff, v0  }
0x554: {  	s0 =	simm.s32 $0x0;
	s2 =	simm.s32 $0x4000;
	s1 =	rddreg [dreg:$0x16]  }
0x555: {  	[hbm4b:s1+s0] =	stream.linear.scatter [tilespmem:s2], [sflag:$0x8], $0x4000, $0x38;
	[tilespmem:$0x18000] =	vst v63  }
0x556: {  	s10 =	simm.s32 $0x14000;
	s5 =	simm.s32 $0x3;
	s4 =	rddreg [dreg:$0x18]  }
0x557: {  	[tilespmem:s10], [sflag:$0x6] =	stream.linear.gather [hbm4b:s4+s0], $0x4000, $0x38;
	[tilespmem:$0x18000] =	vst v63  }
0x558: {  	_ =	swait.ge [sflag:s5], $0x4000  }
0x559: {  	[sflag:s5] =	ssyncset.done $0x0  }
0x55a: {  	s6 =	simm.s32 $0x5;
	[sflag:s5] =	ssyncadd.s32 $0xFFFFC000  }
0x55b: {  	s16 =	sand.u32 $0x1C00, s0;
	s17 =	sand.u32 $0x60, s0;
	_ =	swait.ge [sflag:s6], $0x4000  }
0x55c: {  	s7 =	sor.u32 $0x10000, s16;
	s18 =	sor.u32 $0x10, s17;
	[sflag:s6] =	ssyncset.done $0x0  }
0x55d: {  	s8 =	sor.u32 s18, s7;
	[sflag:s6] =	ssyncadd.s32 $0xFFFFC000  }
0x55e: {  	v0 =	vld [tilespmem:s8+$0x0];
	_ =	sdelay $0x2  }
0x55f: {  	s3 =	sor.u32 $0x8000, s16;
	s1 =	sor.u32 s17, s7  }
0x560: {  	s4 =	sor.u32 s18, s3;
	v1 =	vld [tilespmem:s1+$0x0]  }
0x561: {  	[tilespmem:s4+$0x0] =	vst.add.f32.msk $0xffff, v0  }
0x562: {  	v0 =	vld [tilespmem:s8+$0x80];
	_ =	sdelay $0x1  }
0x563: {  	s3 =	sor.u32 s17, s3  }
0x564: {  	s9 =	sor.u32 $0x8080, s16;
	[tilespmem:s3+$0x0] =	vst.add.f32.msk $0xffff, v1  }
0x565: {  	s5 =	sor.u32 s18, s9;
	v1 =	vld [tilespmem:s1+$0x80]  }
0x566: {  	[tilespmem:s5+$0x0] =	vst.add.f32.msk $0xffff, v0  }
0x567: {  	v0 =	vld [tilespmem:s8+$0x100];
	_ =	sdelay $0x1  }
0x568: {  	s4 =	sor.u32 s17, s9  }
0x569: {  	s11 =	sor.u32 $0x8100, s16;
	[tilespmem:s4+$0x0] =	vst.add.f32.msk $0xffff, v1  }
0x56a: {  	s13 =	sor.u32 s18, s11;
	v1 =	vld [tilespmem:s1+$0x100]  }
0x56b: {  	[tilespmem:s13+$0x0] =	vst.add.f32.msk $0xffff, v0  }
0x56c: {  	v0 =	vld [tilespmem:s8+$0x180];
	_ =	sdelay $0x1  }
0x56d: {  	s3 =	sor.u32 s17, s11  }
0x56e: {  	s14 =	sor.u32 $0x8180, s16;
	[tilespmem:s3+$0x0] =	vst.add.f32.msk $0xffff, v1  }
0x56f: {  	s15 =	sor.u32 s18, s14;
	v1 =	vld [tilespmem:s1+$0x180]  }
0x570: {  	[tilespmem:s15+$0x0] =	vst.add.f32.msk $0xffff, v0  }
0x571: {  	v0 =	vld [tilespmem:s8+$0x200];
	_ =	sdelay $0x1  }
0x572: {  	s4 =	sor.u32 s17, s14  }
0x573: {  	s19 =	sor.u32 $0x8200, s16;
	[tilespmem:s4+$0x0] =	vst.add.f32.msk $0xffff, v1  }
0x574: {  	s20 =	sor.u32 s18, s19;
	v1 =	vld [tilespmem:s1+$0x200]  }
0x575: {  	[tilespmem:s20+$0x0] =	vst.add.f32.msk $0xffff, v0  }
0x576: {  	v0 =	vld [tilespmem:s8+$0x280]  }
0x577: {  	s21 =	sand.u32 $0x3, s0  }
0x578: {  	s2 =	sshll.u32 s21, $0x5;
	s3 =	sor.u32 s17, s19  }
0x579: {  	s22 =	sor.u32 $0x8280, s16;
	s2 =	sadd.s32 $0x0, s2;
	[tilespmem:s3+$0x0] =	vst.add.f32.msk $0xffff, v1  }
0x57a: {  	s23 =	sor.u32 s18, s22;
	s6 =	sadd.s32 $0x10, s2;
	v1 =	vld [tilespmem:s1+$0x280]  }
0x57b: {  	s24 =	sor.u32 $0x300, s6;
	[tilespmem:s23+$0x0] =	vst.add.f32.msk $0xffff, v0  }
0x57c: {  	v0 =	vld [tilespmem:s24+$0x10000];
	_ =	sdelay $0x1  }
0x57d: {  	s4 =	sor.u32 s17, s22  }
0x57e: {  	s25 =	sor.u32 $0x8300, s16;
	s2 =	sor.u32 $0x300, s2;
	[tilespmem:s4+$0x0] =	vst.add.f32.msk $0xffff, v1  }
0x57f: {  	s26 =	sor.u32 s18, s25;
	v1 =	vld [tilespmem:s2+$0x10000]  }
0x580: {  	s28 =	sor.u32 $0x380, s6;
	[tilespmem:s26+$0x0] =	vst.add.f32.msk $0xffff, v0  }
0x581: {  	v0 =	vld [tilespmem:s28+$0x10000];
	_ =	sdelay $0x1  }
0x582: {  	s0 =	sor.u32 s0, s0;
	s1 =	sor.u32 s17, s25  }
0x583: {  	s29 =	sor.u32 $0x8380, s16;
	s0 =	sor.u32 $0x380, s0;
	[tilespmem:s1+$0x0] =	vst.add.f32.msk $0xffff, v1  }
0x584: {  	s30 =	sor.u32 $0x12000, s16;
	s31 =	sor.u32 s18, s29;
	v1 =	vld [tilespmem:s0+$0x10000]  }
0x585: {  	s5 =	sor.u32 s18, s30;
	[tilespmem:s31+$0x0] =	vst.add.f32.msk $0xffff, v0  }
0x586: {  	v0 =	vld [tilespmem:s5+$0x0];
	_ =	sdelay $0x1  }
0x587: {  	s2 =	sor.u32 s17, s29  }
0x588: {  	s6 =	sor.u32 $0xA000, s16;
	s3 =	sor.u32 s17, s30;
	[tilespmem:s2+$0x0] =	vst.add.f32.msk $0xffff, v1  }
0x589: {  	s7 =	sor.u32 $0x12080, s16;
	s8 =	sor.u32 s18, s6;
	v1 =	vld [tilespmem:s3+$0x0]  }
0x58a: {  	s9 =	sor.u32 s18, s7;
	[tilespmem:s8+$0x0] =	vst.add.f32.msk $0xffff, v0  }
0x58b: {  	v0 =	vld [tilespmem:s9+$0x0];
	_ =	sdelay $0x1  }
0x58c: {  	s11 =	sor.u32 $0xA080, s16;
	s24 =	sor.u32 s17, s6  }
0x58d: {  	s21 =	sor.u32 s18, s11;
	s1 =	sor.u32 s17, s7;
	[tilespmem:s24+$0x0] =	vst.add.f32.msk $0xffff, v1  }
0x58e: {  	s23 =	sor.u32 $0x12100, s16;
	s0 =	simm.s32 $0x100;
	s2 =	simm.s32 $0x20;
	v1 =	vld [tilespmem:s1+$0x0]  }
0x58f: {  	s22 =	sor.u32 s18, s23;
	s13 =	sand.u32 $0x1C00, s0;
	s14 =	sand.u32 $0x60, s2;
	[tilespmem:s21+$0x0] =	vst.add.f32.msk $0xffff, v0  }
0x590: {  	s25 =	sor.u32 $0x10000, s13;
	s15 =	sor.u32 $0x10, s14;
	v0 =	vld [tilespmem:s22+$0x0]  }
0x591: {  	s28 =	sor.u32 s15, s25  }
0x592: {  	s3 =	sor.u32 s17, s11;
	v2 =	vld [tilespmem:s28+$0x0]  }
0x593: {  	s19 =	sor.u32 $0xA100, s16;
	s9 =	sor.u32 s14, s25;
	[tilespmem:s3+$0x0] =	vst.add.f32.msk $0xffff, v1  }
0x594: {  	s20 =	sor.u32 $0x12180, s16;
	s26 =	sor.u32 s18, s19;
	v1 =	vld [tilespmem:s9+$0x0]  }
0x595: {  	s29 =	sor.u32 s18, s20;
	s30 =	sor.u32 $0x8000, s13;
	[tilespmem:s26+$0x0] =	vst.add.f32.msk $0xffff, v0  }
0x596: {  	s31 =	sor.u32 s15, s30;
	v0 =	vld [tilespmem:s29+$0x0]  }
0x597: {  	[tilespmem:s31+$0x0] =	vst.add.f32.msk $0xffff, v2  }
0x598: {  	s1 =	sor.u32 s14, s30;
	v2 =	vld [tilespmem:s28+$0x80]  }
0x599: {  	s21 =	sor.u32 $0xA180, s16;
	[tilespmem:s1+$0x0] =	vst.add.f32.msk $0xffff, v1  }
0x59a: {  	s22 =	sor.u32 $0x12200, s16;
	s4 =	sor.u32 s18, s21;
	v1 =	vld [tilespmem:s9+$0x80]  }
0x59b: {  	s6 =	sor.u32 $0x8080, s13;
	s5 =	sor.u32 s18, s22;
	[tilespmem:s4+$0x0] =	vst.add.f32.msk $0xffff, v0  }
0x59c: {  	s8 =	sor.u32 s15, s6;
	v0 =	vld [tilespmem:s5+$0x0]  }
0x59d: {  	[tilespmem:s8+$0x0] =	vst.add.f32.msk $0xffff, v2  }
0x59e: {  	v2 =	vld [tilespmem:s28+$0x100];
	s1 =	sor.u32 s14, s6  }
0x59f: {  	[tilespmem:s1+$0x0] =	vst.add.f32.msk $0xffff, v1;
	s5 =	sor.u32 $0xA200, s16  }
0x5a0: {  	s7 =	sor.u32 $0x12280, s16;
	v1 =	vld [tilespmem:s9+$0x100];
	s11 =	sor.u32 s18, s5  }
0x5a1: {  	s24 =	sor.u32 s18, s7;
	s25 =	sor.u32 $0x8100, s13;
	[tilespmem:s11+$0x0] =	vst.add.f32.msk $0xffff, v0  }
0x5a2: {  	s26 =	sor.u32 s15, s25;
	v0 =	vld [tilespmem:s24+$0x0]  }
0x5a3: {  	[tilespmem:s26+$0x0] =	vst.add.f32.msk $0xffff, v2  }
0x5a4: {  	v2 =	vld [tilespmem:s28+$0x180];
	s1 =	sor.u32 s14, s25  }
0x5a5: {  	s4 =	sor.u32 $0xA280, s16;
	[tilespmem:s1+$0x0] =	vst.add.f32.msk $0xffff, v1  }
0x5a6: {  	s8 =	sor.u32 $0x12300, s16;
	s29 =	sor.u32 s18, s4;
	v1 =	vld [tilespmem:s9+$0x180]  }
0x5a7: {  	s31 =	sor.u32 $0x8180, s13;
	s30 =	sor.u32 s18, s8;
	[tilespmem:s29+$0x0] =	vst.add.f32.msk $0xffff, v0  }
0x5a8: {  	s6 =	sor.u32 s15, s31;
	v0 =	vld [tilespmem:s30+$0x0]  }
0x5a9: {  	[tilespmem:s6+$0x0] =	vst.add.f32.msk $0xffff, v2  }
0x5aa: {  	v2 =	vld [tilespmem:s28+$0x200];
	s1 =	sor.u32 s14, s31  }
0x5ab: {  	s25 =	sor.u32 $0xA300, s16;
	[tilespmem:s1+$0x0] =	vst.add.f32.msk $0xffff, v1  }
0x5ac: {  	s11 =	sor.u32 s18, s25;
	s24 =	sor.u32 $0x12380, s16;
	v1 =	vld [tilespmem:s9+$0x200]  }
0x5ad: {  	s26 =	sor.u32 s18, s24;
	s29 =	sor.u32 $0x8200, s13;
	[tilespmem:s11+$0x0] =	vst.add.f32.msk $0xffff, v0  }
0x5ae: {  	s30 =	sor.u32 s15, s29;
	v0 =	vld [tilespmem:s26+$0x0]  }
0x5af: {  	[tilespmem:s30+$0x0] =	vst.add.f32.msk $0xffff, v2  }
0x5b0: {  	s31 =	sor.u32 s17, s23;
	v2 =	vld [tilespmem:s28+$0x280];
	s26 =	sor.u32 $0xA380, s16;
	s16 =	simm.s32 $0x1  }
0x5b1: {  	v3 =	vld [tilespmem:s31+$0x0];
	s1 =	sor.u32 s14, s29;
	s11 =	sand.u32 $0x3, s16  }
0x5b2: {  	[tilespmem:s1+$0x0] =	vst.add.f32.msk $0xffff, v1;
	s6 =	sor.u32 s18, s26;
	s18 =	sshll.u32 s11, $0x5  }
0x5b3: {  	s23 =	sor.u32 $0x8280, s13;
	s3 =	sadd.s32 $0x100, s18;
	[tilespmem:s6+$0x0] =	vst.add.f32.msk $0xffff, v0  }
0x5b4: {  	s28 =	sor.u32 s15, s23;
	s29 =	sadd.s32 $0x10, s3;
	v0 =	vld [tilespmem:s9+$0x280]  }
0x5b5: {  	[tilespmem:s28+$0x0] =	vst.add.f32.msk $0xffff, v2;
	s30 =	sor.u32 $0x300, s29  }
0x5b6: {  	s31 =	sor.u32 s17, s19;
	v1 =	vld [tilespmem:s30+$0x10000]  }
0x5b7: {  	[tilespmem:s31+$0x0] =	vst.add.f32.msk $0xffff, v3;
	s11 =	sor.u32 s17, s20  }
0x5b8: {  	s1 =	sor.u32 s14, s23;
	v2 =	vld [tilespmem:s11+$0x0]  }
0x5b9: {  	s18 =	sor.u32 $0x8300, s13;
	s3 =	sor.u32 $0x300, s3;
	[tilespmem:s1+$0x0] =	vst.add.f32.msk $0xffff, v0  }
0x5ba: {  	s19 =	sor.u32 s15, s18;
	v0 =	vld [tilespmem:s3+$0x10000]  }
0x5bb: {  	s20 =	sor.u32 $0x380, s29;
	[tilespmem:s19+$0x0] =	vst.add.f32.msk $0xffff, v1  }
0x5bc: {  	s23 =	sor.u32 s17, s21;
	v1 =	vld [tilespmem:s20+$0x10000]  }
0x5bd: {  	s28 =	sor.u32 s17, s22;
	[tilespmem:s23+$0x0] =	vst.add.f32.msk $0xffff, v2  }
0x5be: {  	s0 =	sor.u32 s0, s2;
	v2 =	vld [tilespmem:s28+$0x0];
	s1 =	sor.u32 s14, s18  }
0x5bf: {  	s0 =	sor.u32 $0x380, s0;
	s29 =	sor.u32 $0x8380, s13;
	[tilespmem:s1+$0x0] =	vst.add.f32.msk $0xffff, v0  }
0x5c0: {  	s30 =	sor.u32 $0x12000, s13;
	s31 =	sor.u32 s15, s29;
	v0 =	vld [tilespmem:s0+$0x10000]  }
0x5c1: {  	s3 =	sor.u32 s15, s30;
	[tilespmem:s31+$0x0] =	vst.add.f32.msk $0xffff, v1  }
0x5c2: {  	s6 =	sor.u32 s17, s5;
	v1 =	vld [tilespmem:s3+$0x0]  }
0x5c3: {  	s9 =	sor.u32 s17, s7;
	[tilespmem:s6+$0x0] =	vst.add.f32.msk $0xffff, v2  }
0x5c4: {  	v2 =	vld [tilespmem:s9+$0x0];
	s1 =	sor.u32 s14, s29  }
0x5c5: {  	s11 =	sor.u32 $0xA000, s13;
	s0 =	sor.u32 s14, s30;
	[tilespmem:s1+$0x0] =	vst.add.f32.msk $0xffff, v0  }
0x5c6: {  	s19 =	sor.u32 $0x12080, s13;
	s20 =	sor.u32 s15, s11;
	v3 =	vld [tilespmem:s0+$0x0]  }
0x5c7: {  	s21 =	sor.u32 s15, s19;
	[tilespmem:s20+$0x0] =	vst.add.f32.msk $0xffff, v1  }
0x5c8: {  	s22 =	sor.u32 s17, s4;
	v4 =	vld [tilespmem:s21+$0x0]  }
0x5c9: {  	s23 =	sor.u32 s17, s8;
	[tilespmem:s22+$0x0] =	vst.add.f32.msk $0xffff, v2  }
0x5ca: {  	s28 =	sor.u32 $0xA080, s13;
	s1 =	sor.u32 s14, s11;
	v0 =	vld [tilespmem:s23+$0x0]  }
0x5cb: {  	s18 =	simm.s32 $0x2;
	s29 =	sor.u32 $0x12100, s13;
	s0 =	sor.u32 s14, s19;
	[tilespmem:s1+$0x0] =	vst.add.f32.msk $0xffff, v3  }
0x5cc: {  	s4 =	sor.u32 s14, s28;
	s30 =	sor.u32 s15, s28;
	s31 =	sor.u32 s15, s29;
	v1 =	vld [tilespmem:s0+$0x0]  }
0x5cd: {  	s22 =	sor.u32 s17, s25;
	s23 =	sor.u32 s17, s24;
	s17 =	sor.u32 s17, s26;
	[tilespmem:s30+$0x0] =	vst.add.f32.msk $0xffff, v4  }
0x5ce: {  	s19 =	simm.s32 $0x200;
	s21 =	simm.s32 $0x40;
	s0 =	sor.u32 s14, s29;
	v2 =	vld [tilespmem:s31+$0x0]  }
.LBB2_14:
0x5cf: {  	s20 =	sand.u32 $0x60, s21;
	s5 =	sand.u32 $0x1C00, s19;
	s18 =	sadd.s32 $0x2, s18;
	[tilespmem:s22+$0x0] =	vst.add.f32.msk $0xffff, v0  }
0x5d0: {  	s1 =	sor.u32 $0x10000, s5;
	s2 =	sor.u32 $0x10, s20;
	p0 =	slt.u32 s18, $0x3E;
	v0 =	vld [tilespmem:s23+$0x0]  }
0x5d1: {  	s25 =	sor.u32 s20, s1;
	s8 =	sor.u32 s2, s1;
	[tilespmem:s4+$0x0] =	vst.add.f32.msk $0xffff, v1;
	s1 =	sor.u32 $0xA100, s13  }
0x5d2: {  	s3 =	sor.u32 s19, s21;
	s4 =	sor.u32 $0x12180, s13;
	v1 =	vld [tilespmem:s8+$0x0];
	s6 =	sor.u32 s15, s1  }
0x5d3: {  	s24 =	sor.u32 $0x380, s3;
	s7 =	sor.u32 s14, s1;
	s1 =	sor.u32 s15, s4;
	[tilespmem:s6+$0x0] =	vst.add.f32.msk $0xffff, v2  }
0x5d4: {  	s28 =	sor.u32 s14, s4;
	v2 =	vld [tilespmem:s1+$0x0]  }
0x5d5: {  	s1 =	sor.u32 $0x8000, s5;
	v3 =	vld [tilespmem:s25+$0x0]  }
0x5d6: {  	s3 =	sor.u32 s20, s1;
	s1 =	sor.u32 s2, s1;
	v4 =	vld [tilespmem:s0+$0x0]  }
0x5d7: {  	s0 =	sor.u32 $0xA180, s13;
	[tilespmem:s1+$0x0] =	vst.add.f32.msk $0xffff, v1  }
0x5d8: {  	s26 =	sor.u32 s14, s0;
	s1 =	sor.u32 $0x12200, s13;
	s4 =	sor.u32 s15, s0;
	v1 =	vld [tilespmem:s8+$0x80]  }
0x5d9: {  	s0 =	sor.u32 s14, s1;
	s1 =	sor.u32 s15, s1;
	[tilespmem:s4+$0x0] =	vst.add.f32.msk $0xffff, v2  }
0x5da: {  	v2 =	vld [tilespmem:s1+$0x0]  }
0x5db: {  	s1 =	sor.u32 $0x8080, s5;
	[tilespmem:s3+$0x0] =	vst.add.f32.msk $0xffff, v3  }
0x5dc: {  	s3 =	sor.u32 s20, s1;
	s1 =	sor.u32 s2, s1;
	v3 =	vld [tilespmem:s25+$0x80]  }
0x5dd: {  	[tilespmem:s1+$0x0] =	vst.add.f32.msk $0xffff, v1;
	s1 =	sor.u32 $0xA200, s13  }
0x5de: {  	s4 =	sor.u32 $0x12280, s13;
	v1 =	vld [tilespmem:s8+$0x100];
	s29 =	sor.u32 s14, s1;
	s1 =	sor.u32 s15, s1  }
0x5df: {  	s30 =	sor.u32 s14, s4;
	[tilespmem:s1+$0x0] =	vst.add.f32.msk $0xffff, v2;
	s1 =	sor.u32 s15, s4  }
0x5e0: {  	v2 =	vld [tilespmem:s1+$0x0]  }
0x5e1: {  	s1 =	sor.u32 $0x8100, s5;
	[tilespmem:s3+$0x0] =	vst.add.f32.msk $0xffff, v3  }
0x5e2: {  	s3 =	sor.u32 s20, s1;
	s1 =	sor.u32 s2, s1;
	v3 =	vld [tilespmem:s25+$0x100]  }
0x5e3: {  	[tilespmem:s1+$0x0] =	vst.add.f32.msk $0xffff, v1;
	s1 =	sor.u32 $0xA280, s13  }
0x5e4: {  	s6 =	sor.u32 $0x12300, s13;
	v1 =	vld [tilespmem:s8+$0x180];
	s31 =	sor.u32 s14, s1;
	s1 =	sor.u32 s15, s1  }
0x5e5: {  	s4 =	sor.u32 s14, s6;
	[tilespmem:s1+$0x0] =	vst.add.f32.msk $0xffff, v2;
	s1 =	sor.u32 s15, s6  }
0x5e6: {  	v2 =	vld [tilespmem:s1+$0x0]  }
0x5e7: {  	s1 =	sor.u32 $0x8180, s5;
	[tilespmem:s3+$0x0] =	vst.add.f32.msk $0xffff, v3  }
0x5e8: {  	s3 =	sor.u32 s20, s1;
	s1 =	sor.u32 s2, s1;
	v3 =	vld [tilespmem:s25+$0x180]  }
0x5e9: {  	[tilespmem:s1+$0x0] =	vst.add.f32.msk $0xffff, v1;
	s1 =	sor.u32 $0xA300, s13  }
0x5ea: {  	s6 =	sor.u32 $0x12380, s13;
	v1 =	vld [tilespmem:s8+$0x200];
	s22 =	sor.u32 s14, s1;
	s1 =	sor.u32 s15, s1  }
0x5eb: {  	s23 =	sor.u32 s14, s6;
	[tilespmem:s1+$0x0] =	vst.add.f32.msk $0xffff, v2;
	s1 =	sor.u32 s15, s6  }
0x5ec: {  	v2 =	vld [tilespmem:s1+$0x0]  }
0x5ed: {  	s1 =	sor.u32 $0x8200, s5;
	[tilespmem:s3+$0x0] =	vst.add.f32.msk $0xffff, v3  }
0x5ee: {  	s3 =	sor.u32 s20, s1;
	s1 =	sor.u32 s2, s1;
	v3 =	vld [tilespmem:s25+$0x200]  }
0x5ef: {  	[tilespmem:s1+$0x0] =	vst.add.f32.msk $0xffff, v1;
	s1 =	sor.u32 $0xA380, s13;
	s13 =	smov.u32 s5  }
0x5f0: {  	s16 =	sadd.s32 $0x1, s16;
	v1 =	vld [tilespmem:s8+$0x280];
	s5 =	sor.u32 s14, s1;
	s1 =	sor.u32 s15, s1  }
0x5f1: {  	s6 =	sand.u32 $0x3, s16;
	s14 =	smov.u32 s20;
	s15 =	smov.u32 s2;
	[tilespmem:s1+$0x0] =	vst.add.f32.msk $0xffff, v2  }
0x5f2: {  	s1 =	sshll.u32 s6, $0x5;
	[tilespmem:s7+$0x0] =	vst.add.f32.msk $0xffff, v4  }
0x5f3: {  	s2 =	sor.u32 $0x8280, s13;
	s1 =	sadd.s32 s1, s19;
	[tilespmem:s3+$0x0] =	vst.add.f32.msk $0xffff, v3  }
0x5f4: {  	s3 =	sor.u32 s14, s2;
	s2 =	sor.u32 s15, s2;
	s6 =	sadd.s32 $0x10, s1;
	v2 =	vld [tilespmem:s25+$0x280]  }
0x5f5: {  	s1 =	sor.u32 $0x300, s1;
	[tilespmem:s2+$0x0] =	vst.add.f32.msk $0xffff, v1;
	s2 =	sor.u32 $0x300, s6  }
0x5f6: {  	v1 =	vld [tilespmem:s2+$0x10000]  }
0x5f7: {  	v3 =	vld [tilespmem:s28+$0x0]  }
0x5f8: {  	[tilespmem:s17+$0x0] =	vst.add.f32.msk $0xffff, v0;
	s17 =	smov.u32 s5  }
0x5f9: {  	s2 =	sor.u32 $0x8300, s13;
	[tilespmem:s3+$0x0] =	vst.add.f32.msk $0xffff, v2  }
0x5fa: {  	v0 =	vld [tilespmem:s1+$0x10000];
	s1 =	sor.u32 s14, s2;
	s2 =	sor.u32 s15, s2  }
0x5fb: {  	[tilespmem:s2+$0x0] =	vst.add.f32.msk $0xffff, v1;
	s2 =	sor.u32 $0x380, s6  }
0x5fc: {  	v1 =	vld [tilespmem:s2+$0x10000]  }
0x5fd: {  	[tilespmem:s26+$0x0] =	vst.add.f32.msk $0xffff, v3  }
0x5fe: {  	v2 =	vld [tilespmem:s0+$0x0]  }
0x5ff: {  	s0 =	sor.u32 $0x8380, s13;
	[tilespmem:s1+$0x0] =	vst.add.f32.msk $0xffff, v0  }
0x600: {  	s2 =	sor.u32 $0x12000, s13;
	s1 =	sor.u32 s14, s0;
	s0 =	sor.u32 s15, s0;
	v0 =	vld [tilespmem:s24+$0x10000]  }
0x601: {  	s3 =	sor.u32 s14, s2;
	[tilespmem:s0+$0x0] =	vst.add.f32.msk $0xffff, v1;
	s0 =	sor.u32 s15, s2  }
0x602: {  	v1 =	vld [tilespmem:s0+$0x0]  }
0x603: {  	[tilespmem:s29+$0x0] =	vst.add.f32.msk $0xffff, v2  }
0x604: {  	v2 =	vld [tilespmem:s30+$0x0]  }
0x605: {  	s0 =	sor.u32 $0xA000, s13;
	[tilespmem:s1+$0x0] =	vst.add.f32.msk $0xffff, v0  }
0x606: {  	s2 =	sor.u32 $0x12080, s13;
	s1 =	sor.u32 s14, s0;
	s0 =	sor.u32 s15, s0;
	v3 =	vld [tilespmem:s3+$0x0]  }
0x607: {  	s3 =	sor.u32 s14, s2;
	[tilespmem:s0+$0x0] =	vst.add.f32.msk $0xffff, v1;
	s0 =	sor.u32 s15, s2  }
0x608: {  	v4 =	vld [tilespmem:s0+$0x0]  }
0x609: {  	[tilespmem:s31+$0x0] =	vst.add.f32.msk $0xffff, v2  }
.Ltmp6:
0x60a: {  	v0 =	vld [tilespmem:s4+$0x0];
	(pc) =	sbr.rel @p0 .LBB2_14-.Ltmp6, $4  }
0x60b: {  	s0 =	sor.u32 $0xA080, s13;
	[tilespmem:s1+$0x0] =	vst.add.f32.msk $0xffff, v3  }
0x60c: {  	s2 =	sor.u32 s15, s0;
	s4 =	sor.u32 s14, s0;
	s1 =	sor.u32 $0x12100, s13;
	v1 =	vld [tilespmem:s3+$0x0]  }
0x60d: {  	s0 =	sor.u32 s14, s1;
	s1 =	sor.u32 s15, s1;
	[tilespmem:s2+$0x0] =	vst.add.f32.msk $0xffff, v4  }
0x60e: {  	s21 =	sadd.s32 $0x20, s21;
	s19 =	sadd.s32 $0x100, s19;
	v2 =	vld [tilespmem:s1+$0x0]  }
0x60f: {  	_ =	sdelay $0x1  }
0x610: {  	[tilespmem:s4+$0x0] =	vst.add.f32.msk $0xffff, v1  }
0x611: {  	v1 =	vld [tilespmem:s0+$0x0]  }
0x612: {  	s19 =	sor.u32 $0xA100, s13  }
0x613: {  	s1 =	sor.u32 $0x12180, s13;
	s2 =	sor.u32 s15, s19  }
0x614: {  	s20 =	sor.u32 s15, s1;
	[tilespmem:s2+$0x0] =	vst.add.f32.msk $0xffff, v2  }
0x615: {  	s0 =	sor.u32 s14, s19;
	v2 =	vld [tilespmem:s20+$0x0]  }
0x616: {  	s1 =	sor.u32 s14, s1;
	[tilespmem:s0+$0x0] =	vst.add.f32.msk $0xffff, v1  }
0x617: {  	v1 =	vld [tilespmem:s1+$0x0]  }
0x618: {  	s21 =	sor.u32 $0xA180, s13  }
0x619: {  	s24 =	sor.u32 $0x12200, s13;
	s25 =	sor.u32 s15, s21  }
0x61a: {  	s26 =	sor.u32 s15, s24;
	[tilespmem:s25+$0x0] =	vst.add.f32.msk $0xffff, v2  }
0x61b: {  	s0 =	sor.u32 s14, s21;
	v2 =	vld [tilespmem:s26+$0x0]  }
0x61c: {  	s1 =	sor.u32 s14, s24;
	[tilespmem:s0+$0x0] =	vst.add.f32.msk $0xffff, v1  }
0x61d: {  	v1 =	vld [tilespmem:s1+$0x0]  }
0x61e: {  	s28 =	sor.u32 $0xA200, s13  }
0x61f: {  	s29 =	sor.u32 $0x12280, s13;
	s30 =	sor.u32 s15, s28  }
0x620: {  	s31 =	sor.u32 s15, s29;
	[tilespmem:s30+$0x0] =	vst.add.f32.msk $0xffff, v2  }
0x621: {  	s0 =	sor.u32 s14, s28;
	v2 =	vld [tilespmem:s31+$0x0]  }
0x622: {  	s1 =	sor.u32 s14, s29;
	[tilespmem:s0+$0x0] =	vst.add.f32.msk $0xffff, v1  }
0x623: {  	v1 =	vld [tilespmem:s1+$0x0]  }
0x624: {  	s3 =	sor.u32 $0xA280, s13  }
0x625: {  	s5 =	sor.u32 s15, s3;
	s4 =	sor.u32 $0x12300, s13  }
0x626: {  	s6 =	sor.u32 s15, s4;
	[tilespmem:s5+$0x0] =	vst.add.f32.msk $0xffff, v2  }
0x627: {  	s0 =	sor.u32 s14, s3;
	v2 =	vld [tilespmem:s6+$0x0]  }
0x628: {  	s1 =	sor.u32 s14, s4;
	[tilespmem:s0+$0x0] =	vst.add.f32.msk $0xffff, v1  }
0x629: {  	v1 =	vld [tilespmem:s1+$0x0]  }
0x62a: {  	[tilespmem:s22+$0x0] =	vst.add.f32.msk $0xffff, v0;
	s7 =	sor.u32 $0xA300, s13  }
0x62b: {  	s8 =	sor.u32 $0x12380, s13;
	v0 =	vld [tilespmem:s23+$0x0];
	s9 =	sor.u32 s15, s7  }
0x62c: {  	s11 =	sor.u32 s15, s8;
	[tilespmem:s9+$0x0] =	vst.add.f32.msk $0xffff, v2  }
0x62d: {  	s0 =	sor.u32 s14, s7;
	v2 =	vld [tilespmem:s11+$0x0]  }
0x62e: {  	s1 =	sor.u32 s14, s8;
	[tilespmem:s0+$0x0] =	vst.add.f32.msk $0xffff, v1  }
0x62f: {  	v1 =	vld [tilespmem:s1+$0x0];
	_ =	sdelay $0x1  }
0x630: {  	s13 =	sor.u32 $0xA380, s13  }
0x631: {  	s16 =	sor.u32 s15, s13;
	[tilespmem:s17+$0x0] =	vst.add.f32.msk $0xffff, v0  }
0x632: {  	s0 =	sor.u32 s14, s13;
	[tilespmem:s16+$0x0] =	vst.add.f32.msk $0xffff, v2  }
0x633: {  	s18 =	simm.s32 $0x8000;
	[tilespmem:s0+$0x0] =	vst.add.f32.msk $0xffff, v1  }
0x634: {  	s19 =	simm.s32 $0x4;
	s17 =	simm.s32 $0x0;
	s1 =	rddreg [dreg:$0x19]  }
0x635: {  	[hbm4b:s1+s17] =	stream.linear.scatter [tilespmem:s18], [sflag:$0x9], $0x4000, $0x38;
	[tilespmem:$0x18000] =	vst v63  }
0x636: {  	_ =	swait.ge [sflag:s19], $0x4000  }
0x637: {  	[sflag:s19] =	ssyncset.done $0x0  }
0x638: {  	s20 =	simm.s32 $0x6;
	[sflag:s19] =	ssyncadd.s32 $0xFFFFC000  }
0x639: {  	s16 =	sand.u32 $0x60, s17;
	s17 =	sand.u32 $0x1C00, s17;
	_ =	swait.ge [sflag:s20], $0x4000  }
0x63a: {  	s18 =	sor.u32 $0x10, s16;
	s0 =	sor.u32 $0x14000, s17;
	[sflag:s20] =	ssyncset.done $0x0  }
0x63b: {  	s21 =	sor.u32 s18, s0;
	[sflag:s20] =	ssyncadd.s32 $0xFFFFC000  }
0x63c: {  	v0 =	vld [tilespmem:s21+$0x0];
	_ =	sdelay $0x2  }
0x63d: {  	s22 =	sor.u32 $0xC000, s17;
	s0 =	sor.u32 s16, s0  }
0x63e: {  	s23 =	sor.u32 $0x14080, s17;
	s3 =	sor.u32 s18, s22;
	v1 =	vld [tilespmem:s0+$0x0]  }
0x63f: {  	s24 =	sor.u32 s18, s23;
	[tilespmem:s3+$0x0] =	vst.add.f32.msk $0xffff, v0  }
0x640: {  	v0 =	vld [tilespmem:s24+$0x0];
	_ =	sdelay $0x1  }
0x641: {  	s1 =	sor.u32 s16, s22  }
0x642: {  	s25 =	sor.u32 $0xC080, s17;
	s2 =	sor.u32 s16, s23;
	[tilespmem:s1+$0x0] =	vst.add.f32.msk $0xffff, v1  }
0x643: {  	s26 =	sor.u32 $0x14100, s17;
	s28 =	sor.u32 s18, s25;
	v1 =	vld [tilespmem:s2+$0x0]  }
0x644: {  	s29 =	sor.u32 s18, s26;
	[tilespmem:s28+$0x0] =	vst.add.f32.msk $0xffff, v0  }
0x645: {  	v0 =	vld [tilespmem:s29+$0x0];
	_ =	sdelay $0x1  }
0x646: {  	s0 =	sor.u32 s16, s25  }
0x647: {  	s30 =	sor.u32 $0xC100, s17;
	s3 =	sor.u32 s16, s26;
	[tilespmem:s0+$0x0] =	vst.add.f32.msk $0xffff, v1  }
0x648: {  	s31 =	sor.u32 $0x14180, s17;
	s5 =	sor.u32 s18, s30;
	v1 =	vld [tilespmem:s3+$0x0]  }
0x649: {  	s6 =	sor.u32 s18, s31;
	[tilespmem:s5+$0x0] =	vst.add.f32.msk $0xffff, v0  }
0x64a: {  	v0 =	vld [tilespmem:s6+$0x0];
	_ =	sdelay $0x1  }
0x64b: {  	s1 =	sor.u32 s16, s30  }
0x64c: {  	s7 =	sor.u32 $0xC180, s17;
	s2 =	sor.u32 s16, s31;
	[tilespmem:s1+$0x0] =	vst.add.f32.msk $0xffff, v1  }
0x64d: {  	s8 =	sor.u32 $0x14200, s17;
	s9 =	sor.u32 s18, s7;
	v1 =	vld [tilespmem:s2+$0x0]  }
0x64e: {  	s11 =	sor.u32 s18, s8;
	[tilespmem:s9+$0x0] =	vst.add.f32.msk $0xffff, v0  }
0x64f: {  	v0 =	vld [tilespmem:s11+$0x0];
	_ =	sdelay $0x1  }
0x650: {  	s0 =	sor.u32 s16, s7  }
0x651: {  	s13 =	sor.u32 $0xC200, s17;
	s3 =	sor.u32 s16, s8;
	[tilespmem:s0+$0x0] =	vst.add.f32.msk $0xffff, v1  }
0x652: {  	s14 =	sor.u32 $0x14280, s17;
	s15 =	sor.u32 s18, s13;
	v1 =	vld [tilespmem:s3+$0x0]  }
0x653: {  	s19 =	sor.u32 s18, s14;
	[tilespmem:s15+$0x0] =	vst.add.f32.msk $0xffff, v0  }
0x654: {  	v0 =	vld [tilespmem:s19+$0x0];
	_ =	sdelay $0x1  }
0x655: {  	s1 =	sor.u32 s16, s13  }
0x656: {  	s20 =	sor.u32 $0xC280, s17;
	s2 =	sor.u32 s16, s14;
	[tilespmem:s1+$0x0] =	vst.add.f32.msk $0xffff, v1  }
0x657: {  	s21 =	sor.u32 $0x14300, s17;
	s22 =	sor.u32 s18, s20;
	v1 =	vld [tilespmem:s2+$0x0]  }
0x658: {  	s23 =	sor.u32 s18, s21;
	[tilespmem:s22+$0x0] =	vst.add.f32.msk $0xffff, v0  }
0x659: {  	v0 =	vld [tilespmem:s23+$0x0];
	_ =	sdelay $0x1  }
0x65a: {  	s0 =	sor.u32 s16, s20  }
0x65b: {  	s24 =	sor.u32 $0xC300, s17;
	s3 =	sor.u32 s16, s21;
	[tilespmem:s0+$0x0] =	vst.add.f32.msk $0xffff, v1  }
0x65c: {  	s25 =	sor.u32 $0x14380, s17;
	s26 =	sor.u32 s18, s24;
	v1 =	vld [tilespmem:s3+$0x0]  }
0x65d: {  	s28 =	sor.u32 s18, s25;
	[tilespmem:s26+$0x0] =	vst.add.f32.msk $0xffff, v0  }
0x65e: {  	v0 =	vld [tilespmem:s28+$0x0];
	_ =	sdelay $0x1  }
0x65f: {  	s1 =	sor.u32 s16, s24  }
0x660: {  	s29 =	sor.u32 $0xC380, s17;
	s2 =	sor.u32 s16, s25;
	[tilespmem:s1+$0x0] =	vst.add.f32.msk $0xffff, v1  }
0x661: {  	s30 =	sor.u32 $0x16000, s17;
	s31 =	sor.u32 s18, s29;
	v1 =	vld [tilespmem:s2+$0x0]  }
0x662: {  	s5 =	sor.u32 s18, s30;
	[tilespmem:s31+$0x0] =	vst.add.f32.msk $0xffff, v0  }
0x663: {  	v0 =	vld [tilespmem:s5+$0x0];
	_ =	sdelay $0x1  }
0x664: {  	s0 =	sor.u32 s16, s29  }
0x665: {  	s6 =	sor.u32 $0xE000, s17;
	s3 =	sor.u32 s16, s30;
	[tilespmem:s0+$0x0] =	vst.add.f32.msk $0xffff, v1  }
0x666: {  	s7 =	sor.u32 $0x16080, s17;
	s8 =	sor.u32 s18, s6;
	v1 =	vld [tilespmem:s3+$0x0]  }
0x667: {  	s9 =	sor.u32 s18, s7;
	[tilespmem:s8+$0x0] =	vst.add.f32.msk $0xffff, v0  }
0x668: {  	v0 =	vld [tilespmem:s9+$0x0];
	_ =	sdelay $0x1  }
0x669: {  	s1 =	sor.u32 s16, s6  }
0x66a: {  	s20 =	simm.s32 $0x100;
	s11 =	sor.u32 $0xE080, s17;
	s2 =	sor.u32 s16, s7;
	[tilespmem:s1+$0x0] =	vst.add.f32.msk $0xffff, v1  }
0x66b: {  	s15 =	sor.u32 s18, s11;
	s0 =	sor.u32 $0x16100, s17;
	s5 =	simm.s32 $0x20;
	v1 =	vld [tilespmem:s2+$0x0]  }
0x66c: {  	s19 =	sor.u32 s18, s0;
	s13 =	sand.u32 $0x60, s5;
	[tilespmem:s15+$0x0] =	vst.add.f32.msk $0xffff, v0;
	s15 =	sand.u32 $0x1C00, s20  }
0x66d: {  	s14 =	sor.u32 $0x10, s13;
	v0 =	vld [tilespmem:s19+$0x0];
	s21 =	sor.u32 $0x14000, s15  }
0x66e: {  	s22 =	sor.u32 s14, s21  }
0x66f: {  	s3 =	sor.u32 s16, s11;
	v2 =	vld [tilespmem:s22+$0x0]  }
0x670: {  	s2 =	sor.u32 $0xE100, s17;
	[tilespmem:s3+$0x0] =	vst.add.f32.msk $0xffff, v1;
	s1 =	sor.u32 s13, s21  }
0x671: {  	s4 =	sor.u32 $0x16180, s17;
	s23 =	sor.u32 s18, s2;
	v1 =	vld [tilespmem:s1+$0x0]  }
0x672: {  	s24 =	sor.u32 s18, s4;
	s25 =	sor.u32 $0xC000, s15;
	[tilespmem:s23+$0x0] =	vst.add.f32.msk $0xffff, v0  }
0x673: {  	s26 =	sor.u32 $0x14080, s15;
	s28 =	sor.u32 s14, s25;
	v0 =	vld [tilespmem:s24+$0x0]  }
0x674: {  	s6 =	sor.u32 s14, s26;
	[tilespmem:s28+$0x0] =	vst.add.f32.msk $0xffff, v2  }
0x675: {  	s3 =	sor.u32 s13, s25;
	v2 =	vld [tilespmem:s6+$0x0]  }
0x676: {  	s5 =	sor.u32 $0xE180, s17;
	s1 =	sor.u32 s13, s26;
	[tilespmem:s3+$0x0] =	vst.add.f32.msk $0xffff, v1  }
0x677: {  	s7 =	sor.u32 $0x16200, s17;
	s29 =	sor.u32 s18, s5;
	v1 =	vld [tilespmem:s1+$0x0]  }
0x678: {  	s30 =	sor.u32 s18, s7;
	s31 =	sor.u32 $0xC080, s15;
	[tilespmem:s29+$0x0] =	vst.add.f32.msk $0xffff, v0  }
0x679: {  	s9 =	sor.u32 $0x14100, s15;
	s11 =	sor.u32 s14, s31;
	v0 =	vld [tilespmem:s30+$0x0]  }
0x67a: {  	s19 =	sor.u32 s14, s9;
	[tilespmem:s11+$0x0] =	vst.add.f32.msk $0xffff, v2  }
0x67b: {  	s3 =	sor.u32 s13, s31;
	v2 =	vld [tilespmem:s19+$0x0]  }
0x67c: {  	s8 =	sor.u32 $0xE200, s17;
	s1 =	sor.u32 s13, s9;
	[tilespmem:s3+$0x0] =	vst.add.f32.msk $0xffff, v1  }
0x67d: {  	s20 =	sor.u32 s18, s8;
	s19 =	sor.u32 $0x16280, s17;
	v1 =	vld [tilespmem:s1+$0x0]  }
0x67e: {  	s22 =	sor.u32 $0xC100, s15;
	s21 =	sor.u32 s18, s19;
	[tilespmem:s20+$0x0] =	vst.add.f32.msk $0xffff, v0  }
0x67f: {  	s23 =	sor.u32 $0x14180, s15;
	s24 =	sor.u32 s14, s22;
	v0 =	vld [tilespmem:s21+$0x0]  }
0x680: {  	s25 =	sor.u32 s14, s23;
	[tilespmem:s24+$0x0] =	vst.add.f32.msk $0xffff, v2  }
0x681: {  	s3 =	sor.u32 s13, s22;
	v2 =	vld [tilespmem:s25+$0x0]  }
0x682: {  	s1 =	sor.u32 s13, s23;
	s20 =	sor.u32 $0xE280, s17;
	[tilespmem:s3+$0x0] =	vst.add.f32.msk $0xffff, v1  }
0x683: {  	s21 =	sor.u32 $0x16300, s17;
	s26 =	sor.u32 s18, s20;
	v1 =	vld [tilespmem:s1+$0x0]  }
0x684: {  	s29 =	sor.u32 $0xC180, s15;
	s28 =	sor.u32 s18, s21;
	[tilespmem:s26+$0x0] =	vst.add.f32.msk $0xffff, v0  }
0x685: {  	s30 =	sor.u32 $0x14200, s15;
	s31 =	sor.u32 s14, s29;
	v0 =	vld [tilespmem:s28+$0x0]  }
0x686: {  	s9 =	sor.u32 s14, s30;
	[tilespmem:s31+$0x0] =	vst.add.f32.msk $0xffff, v2  }
0x687: {  	s3 =	sor.u32 s13, s29;
	v2 =	vld [tilespmem:s9+$0x0]  }
0x688: {  	s23 =	sor.u32 $0xE300, s17;
	s1 =	sor.u32 s13, s30;
	[tilespmem:s3+$0x0] =	vst.add.f32.msk $0xffff, v1  }
0x689: {  	s22 =	sor.u32 $0x16380, s17;
	s11 =	sor.u32 s18, s23;
	v1 =	vld [tilespmem:s1+$0x0]  }
0x68a: {  	s24 =	sor.u32 s18, s22;
	s25 =	sor.u32 $0xC200, s15;
	[tilespmem:s11+$0x0] =	vst.add.f32.msk $0xffff, v0  }
0x68b: {  	s26 =	sor.u32 $0x14280, s15;
	s28 =	sor.u32 s14, s25;
	v0 =	vld [tilespmem:s24+$0x0]  }
0x68c: {  	s29 =	sor.u32 s14, s26;
	[tilespmem:s28+$0x0] =	vst.add.f32.msk $0xffff, v2  }
0x68d: {  	s9 =	sor.u32 s16, s0;
	v2 =	vld [tilespmem:s29+$0x0]  }
0x68e: {  	s3 =	sor.u32 s13, s25;
	s0 =	sor.u32 $0xE380, s17;
	v3 =	vld [tilespmem:s9+$0x0]  }
0x68f: {  	s30 =	sor.u32 s18, s0;
	[tilespmem:s3+$0x0] =	vst.add.f32.msk $0xffff, v1  }
0x690: {  	s31 =	sor.u32 $0xC280, s15;
	s1 =	sor.u32 s13, s26;
	[tilespmem:s30+$0x0] =	vst.add.f32.msk $0xffff, v0  }
0x691: {  	s9 =	sor.u32 $0x14300, s15;
	s11 =	sor.u32 s14, s31;
	v0 =	vld [tilespmem:s1+$0x0]  }
0x692: {  	s17 =	sor.u32 s14, s9;
	[tilespmem:s11+$0x0] =	vst.add.f32.msk $0xffff, v2  }
0x693: {  	s2 =	sor.u32 s16, s2;
	v1 =	vld [tilespmem:s17+$0x0]  }
0x694: {  	s4 =	sor.u32 s16, s4;
	[tilespmem:s2+$0x0] =	vst.add.f32.msk $0xffff, v3  }
0x695: {  	s18 =	sor.u32 s13, s31;
	v2 =	vld [tilespmem:s4+$0x0]  }
0x696: {  	s24 =	sor.u32 $0xC300, s15;
	s1 =	sor.u32 s13, s9;
	[tilespmem:s18+$0x0] =	vst.add.f32.msk $0xffff, v0  }
0x697: {  	s25 =	sor.u32 $0x14380, s15;
	s26 =	sor.u32 s14, s24;
	v0 =	vld [tilespmem:s1+$0x0]  }
0x698: {  	s28 =	sor.u32 s14, s25;
	[tilespmem:s26+$0x0] =	vst.add.f32.msk $0xffff, v1  }
0x699: {  	s29 =	sor.u32 s16, s5;
	v1 =	vld [tilespmem:s28+$0x0]  }
0x69a: {  	s30 =	sor.u32 s16, s7;
	[tilespmem:s29+$0x0] =	vst.add.f32.msk $0xffff, v2  }
0x69b: {  	s2 =	sor.u32 s13, s24;
	v2 =	vld [tilespmem:s30+$0x0]  }
0x69c: {  	s31 =	sor.u32 $0xC380, s15;
	s1 =	sor.u32 s13, s25;
	[tilespmem:s2+$0x0] =	vst.add.f32.msk $0xffff, v0  }
0x69d: {  	s6 =	sor.u32 s14, s31;
	s5 =	sor.u32 $0x16000, s15;
	v0 =	vld [tilespmem:s1+$0x0]  }
0x69e: {  	s7 =	sor.u32 s14, s5;
	[tilespmem:s6+$0x0] =	vst.add.f32.msk $0xffff, v1  }
0x69f: {  	s8 =	sor.u32 s16, s8;
	v1 =	vld [tilespmem:s7+$0x0]  }
0x6a0: {  	s9 =	sor.u32 s16, s19;
	[tilespmem:s8+$0x0] =	vst.add.f32.msk $0xffff, v2  }
0x6a1: {  	s2 =	sor.u32 s13, s31;
	v2 =	vld [tilespmem:s9+$0x0]  }
0x6a2: {  	s11 =	sor.u32 $0xE000, s15;
	s1 =	sor.u32 s13, s5;
	[tilespmem:s2+$0x0] =	vst.add.f32.msk $0xffff, v0  }
0x6a3: {  	s19 =	sor.u32 s14, s11;
	s18 =	sor.u32 $0x16080, s15;
	v3 =	vld [tilespmem:s1+$0x0]  }
0x6a4: {  	s24 =	sor.u32 s14, s18;
	[tilespmem:s19+$0x0] =	vst.add.f32.msk $0xffff, v1  }
0x6a5: {  	s25 =	sor.u32 s16, s20;
	v4 =	vld [tilespmem:s24+$0x0]  }
0x6a6: {  	s26 =	sor.u32 s16, s21;
	[tilespmem:s25+$0x0] =	vst.add.f32.msk $0xffff, v2  }
0x6a7: {  	s22 =	sor.u32 s16, s22;
	s17 =	simm.s32 $0x2;
	s2 =	sor.u32 s13, s11;
	v0 =	vld [tilespmem:s26+$0x0]  }
0x6a8: {  	s29 =	sor.u32 $0x16100, s15;
	s28 =	sor.u32 $0xE080, s15;
	s1 =	sor.u32 s13, s18;
	[tilespmem:s2+$0x0] =	vst.add.f32.msk $0xffff, v3  }
0x6a9: {  	s21 =	sor.u32 s16, s23;
	s16 =	sor.u32 s16, s0;
	s30 =	sor.u32 s14, s28;
	v1 =	vld [tilespmem:s1+$0x0]  }
0x6aa: {  	s0 =	sor.u32 s13, s29;
	s31 =	sor.u32 s14, s29;
	s11 =	simm.s32 $0x0;
	[tilespmem:s30+$0x0] =	vst.add.f32.msk $0xffff, v4  }
0x6ab: {  	s18 =	simm.s32 $0x200;
	s19 =	simm.s32 $0x40;
	s2 =	sor.u32 s13, s28;
	v2 =	vld [tilespmem:s31+$0x0]  }
.LBB2_16:
0x6ac: {  	s26 =	sand.u32 $0x60, s19;
	s23 =	sand.u32 $0x1C00, s18;
	s17 =	sadd.s32 $0x2, s17;
	[tilespmem:s21+$0x0] =	vst.add.f32.msk $0xffff, v0  }
0x6ad: {  	s1 =	sor.u32 $0x14000, s23;
	s29 =	sor.u32 $0x10, s26;
	p0 =	slt.u32 s17, $0x3E;
	v0 =	vld [tilespmem:s22+$0x0]  }
0x6ae: {  	s3 =	sor.u32 s26, s1;
	s1 =	sor.u32 s29, s1;
	[tilespmem:s2+$0x0] =	vst.add.f32.msk $0xffff, v1;
	s2 =	sor.u32 $0xE100, s15  }
0x6af: {  	v1 =	vld [tilespmem:s1+$0x0];
	s31 =	sor.u32 s13, s2;
	s1 =	sor.u32 $0x16180, s15;
	s2 =	sor.u32 s14, s2  }
0x6b0: {  	s24 =	sor.u32 s13, s1;
	[tilespmem:s2+$0x0] =	vst.add.f32.msk $0xffff, v2;
	s1 =	sor.u32 s14, s1  }
0x6b1: {  	v2 =	vld [tilespmem:s1+$0x0]  }
0x6b2: {  	s1 =	sor.u32 $0xC000, s23;
	v3 =	vld [tilespmem:s3+$0x0]  }
0x6b3: {  	s2 =	sor.u32 s26, s1;
	s3 =	sor.u32 $0x14080, s23;
	s1 =	sor.u32 s29, s1;
	v4 =	vld [tilespmem:s0+$0x0]  }
0x6b4: {  	s0 =	sor.u32 s26, s3;
	[tilespmem:s1+$0x0] =	vst.add.f32.msk $0xffff, v1;
	s1 =	sor.u32 s29, s3;
	s3 =	sor.u32 $0xE180, s15  }
0x6b5: {  	v1 =	vld [tilespmem:s1+$0x0];
	s25 =	sor.u32 s13, s3;
	s1 =	sor.u32 $0x16200, s15;
	s3 =	sor.u32 s14, s3  }
0x6b6: {  	s28 =	sor.u32 s13, s1;
	[tilespmem:s3+$0x0] =	vst.add.f32.msk $0xffff, v2;
	s1 =	sor.u32 s14, s1  }
0x6b7: {  	v2 =	vld [tilespmem:s1+$0x0]  }
0x6b8: {  	s1 =	sor.u32 $0xC080, s23;
	[tilespmem:s2+$0x0] =	vst.add.f32.msk $0xffff, v3  }
0x6b9: {  	s2 =	sor.u32 $0x14100, s23;
	v3 =	vld [tilespmem:s0+$0x0];
	s0 =	sor.u32 s26, s1;
	s1 =	sor.u32 s29, s1  }
0x6ba: {  	s3 =	sor.u32 s26, s2;
	[tilespmem:s1+$0x0] =	vst.add.f32.msk $0xffff, v1;
	s1 =	sor.u32 s29, s2;
	s2 =	sor.u32 $0xE200, s15  }
0x6bb: {  	v1 =	vld [tilespmem:s1+$0x0];
	s30 =	sor.u32 s13, s2;
	s1 =	sor.u32 $0x16280, s15;
	s2 =	sor.u32 s14, s2  }
0x6bc: {  	s20 =	sor.u32 s13, s1;
	[tilespmem:s2+$0x0] =	vst.add.f32.msk $0xffff, v2;
	s1 =	sor.u32 s14, s1  }
0x6bd: {  	v2 =	vld [tilespmem:s1+$0x0]  }
0x6be: {  	[tilespmem:s0+$0x0] =	vst.add.f32.msk $0xffff, v3;
	s0 =	sor.u32 $0xC100, s23  }
0x6bf: {  	s2 =	sor.u32 $0x14180, s23;
	v3 =	vld [tilespmem:s3+$0x0];
	s1 =	sor.u32 s26, s0;
	s0 =	sor.u32 s29, s0  }
0x6c0: {  	s3 =	sor.u32 s26, s2;
	[tilespmem:s0+$0x0] =	vst.add.f32.msk $0xffff, v1;
	s0 =	sor.u32 s29, s2;
	s2 =	sor.u32 $0xE280, s15  }
0x6c1: {  	s4 =	sor.u32 $0x16300, s15;
	v1 =	vld [tilespmem:s0+$0x0];
	s0 =	sor.u32 s13, s2;
	s5 =	sor.u32 s14, s2  }
0x6c2: {  	s2 =	sor.u32 s13, s4;
	s4 =	sor.u32 s14, s4;
	[tilespmem:s5+$0x0] =	vst.add.f32.msk $0xffff, v2  }
0x6c3: {  	v2 =	vld [tilespmem:s4+$0x0]  }
0x6c4: {  	[tilespmem:s1+$0x0] =	vst.add.f32.msk $0xffff, v3;
	s1 =	sor.u32 $0xC180, s23  }
0x6c5: {  	s4 =	sor.u32 $0x14200, s23;
	v3 =	vld [tilespmem:s3+$0x0];
	s3 =	sor.u32 s26, s1;
	s1 =	sor.u32 s29, s1  }
0x6c6: {  	s5 =	sor.u32 s26, s4;
	[tilespmem:s1+$0x0] =	vst.add.f32.msk $0xffff, v1;
	s1 =	sor.u32 s29, s4;
	s4 =	sor.u32 $0xE300, s15  }
0x6c7: {  	v1 =	vld [tilespmem:s1+$0x0];
	s21 =	sor.u32 s13, s4;
	s1 =	sor.u32 $0x16380, s15;
	s4 =	sor.u32 s14, s4  }
0x6c8: {  	s22 =	sor.u32 s13, s1;
	[tilespmem:s4+$0x0] =	vst.add.f32.msk $0xffff, v2;
	s1 =	sor.u32 s14, s1  }
0x6c9: {  	v2 =	vld [tilespmem:s1+$0x0]  }
0x6ca: {  	s1 =	sor.u32 $0xC200, s23;
	[tilespmem:s3+$0x0] =	vst.add.f32.msk $0xffff, v3  }
0x6cb: {  	s4 =	sor.u32 $0x14280, s23;
	s3 =	sor.u32 s26, s1;
	s1 =	sor.u32 s29, s1;
	v3 =	vld [tilespmem:s5+$0x0]  }
0x6cc: {  	s5 =	sor.u32 s26, s4;
	[tilespmem:s1+$0x0] =	vst.add.f32.msk $0xffff, v1;
	s1 =	sor.u32 s29, s4;
	s4 =	sor.u32 $0xE380, s15  }
0x6cd: {  	v1 =	vld [tilespmem:s1+$0x0];
	s1 =	sor.u32 s13, s4;
	s4 =	sor.u32 s14, s4;
	s13 =	smov.u32 s26  }
0x6ce: {  	s15 =	smov.u32 s23;
	s14 =	smov.u32 s29;
	[tilespmem:s4+$0x0] =	vst.add.f32.msk $0xffff, v2  }
0x6cf: {  	[tilespmem:s31+$0x0] =	vst.add.f32.msk $0xffff, v4  }
0x6d0: {  	[tilespmem:s3+$0x0] =	vst.add.f32.msk $0xffff, v3;
	s3 =	sor.u32 $0xC280, s15  }
0x6d1: {  	v2 =	vld [tilespmem:s5+$0x0];
	s4 =	sor.u32 s13, s3;
	s5 =	sor.u32 $0x14300, s15;
	s3 =	sor.u32 s14, s3  }
0x6d2: {  	s6 =	sor.u32 s13, s5;
	[tilespmem:s3+$0x0] =	vst.add.f32.msk $0xffff, v1;
	s3 =	sor.u32 s14, s5  }
0x6d3: {  	v1 =	vld [tilespmem:s3+$0x0]  }
0x6d4: {  	v3 =	vld [tilespmem:s24+$0x0]  }
0x6d5: {  	[tilespmem:s16+$0x0] =	vst.add.f32.msk $0xffff, v0;
	s16 =	smov.u32 s1  }
0x6d6: {  	s1 =	sor.u32 $0xC300, s15;
	[tilespmem:s4+$0x0] =	vst.add.f32.msk $0xffff, v2  }
0x6d7: {  	s3 =	sor.u32 s13, s1;
	s4 =	sor.u32 $0x14380, s15;
	s1 =	sor.u32 s14, s1;
	v0 =	vld [tilespmem:s6+$0x0]  }
0x6d8: {  	s5 =	sor.u32 s13, s4;
	[tilespmem:s1+$0x0] =	vst.add.f32.msk $0xffff, v1;
	s1 =	sor.u32 s14, s4  }
0x6d9: {  	v1 =	vld [tilespmem:s1+$0x0]  }
0x6da: {  	[tilespmem:s25+$0x0] =	vst.add.f32.msk $0xffff, v3  }
0x6db: {  	v2 =	vld [tilespmem:s28+$0x0]  }
0x6dc: {  	s1 =	sor.u32 $0xC380, s15;
	[tilespmem:s3+$0x0] =	vst.add.f32.msk $0xffff, v0  }
0x6dd: {  	s4 =	sor.u32 $0x16000, s15;
	s3 =	sor.u32 s13, s1;
	s1 =	sor.u32 s14, s1;
	v0 =	vld [tilespmem:s5+$0x0]  }
0x6de: {  	s5 =	sor.u32 s13, s4;
	[tilespmem:s1+$0x0] =	vst.add.f32.msk $0xffff, v1;
	s1 =	sor.u32 s14, s4  }
0x6df: {  	v1 =	vld [tilespmem:s1+$0x0]  }
0x6e0: {  	[tilespmem:s30+$0x0] =	vst.add.f32.msk $0xffff, v2  }
0x6e1: {  	v2 =	vld [tilespmem:s20+$0x0]  }
0x6e2: {  	s1 =	sor.u32 $0xE000, s15;
	[tilespmem:s3+$0x0] =	vst.add.f32.msk $0xffff, v0  }
0x6e3: {  	s4 =	sor.u32 $0x16080, s15;
	s3 =	sor.u32 s13, s1;
	s1 =	sor.u32 s14, s1;
	v3 =	vld [tilespmem:s5+$0x0]  }
0x6e4: {  	s5 =	sor.u32 s13, s4;
	[tilespmem:s1+$0x0] =	vst.add.f32.msk $0xffff, v1;
	s1 =	sor.u32 s14, s4  }
0x6e5: {  	v4 =	vld [tilespmem:s1+$0x0]  }
0x6e6: {  	[tilespmem:s0+$0x0] =	vst.add.f32.msk $0xffff, v2  }
.Ltmp7:
0x6e7: {  	v0 =	vld [tilespmem:s2+$0x0];
	(pc) =	sbr.rel @p0 .LBB2_16-.Ltmp7, $4  }
0x6e8: {  	s0 =	sor.u32 $0xE080, s15;
	[tilespmem:s3+$0x0] =	vst.add.f32.msk $0xffff, v3  }
0x6e9: {  	s1 =	sor.u32 $0x16100, s15;
	s2 =	sor.u32 s13, s0;
	s3 =	sor.u32 s14, s0;
	v1 =	vld [tilespmem:s5+$0x0]  }
0x6ea: {  	s0 =	sor.u32 s13, s1;
	s1 =	sor.u32 s14, s1;
	[tilespmem:s3+$0x0] =	vst.add.f32.msk $0xffff, v4  }
0x6eb: {  	s18 =	sadd.s32 $0x100, s18;
	s19 =	sadd.s32 $0x20, s19;
	v2 =	vld [tilespmem:s1+$0x0]  }
0x6ec: {  	_ =	sdelay $0x1  }
0x6ed: {  	[tilespmem:s2+$0x0] =	vst.add.f32.msk $0xffff, v1  }
0x6ee: {  	v1 =	vld [tilespmem:s0+$0x0]  }
0x6ef: {  	s29 =	sor.u32 $0xE100, s15  }
0x6f0: {  	s1 =	sor.u32 $0x16180, s15;
	s30 =	sor.u32 s14, s29  }
0x6f1: {  	s31 =	sor.u32 s14, s1;
	[tilespmem:s30+$0x0] =	vst.add.f32.msk $0xffff, v2  }
0x6f2: {  	s0 =	sor.u32 s13, s29;
	v2 =	vld [tilespmem:s31+$0x0]  }
0x6f3: {  	s1 =	sor.u32 s13, s1;
	[tilespmem:s0+$0x0] =	vst.add.f32.msk $0xffff, v1  }
0x6f4: {  	v1 =	vld [tilespmem:s1+$0x0]  }
0x6f5: {  	s1 =	sor.u32 $0xE180, s15  }
0x6f6: {  	s3 =	sor.u32 $0x16200, s15;
	s4 =	sor.u32 s14, s1  }
0x6f7: {  	s5 =	sor.u32 s14, s3;
	[tilespmem:s4+$0x0] =	vst.add.f32.msk $0xffff, v2  }
0x6f8: {  	s0 =	sor.u32 s13, s1;
	v2 =	vld [tilespmem:s5+$0x0]  }
0x6f9: {  	s1 =	sor.u32 s13, s3;
	[tilespmem:s0+$0x0] =	vst.add.f32.msk $0xffff, v1  }
0x6fa: {  	v1 =	vld [tilespmem:s1+$0x0]  }
0x6fb: {  	s6 =	sor.u32 $0xE200, s15  }
0x6fc: {  	s7 =	sor.u32 $0x16280, s15;
	s8 =	sor.u32 s14, s6  }
0x6fd: {  	s9 =	sor.u32 s14, s7;
	[tilespmem:s8+$0x0] =	vst.add.f32.msk $0xffff, v2  }
0x6fe: {  	s0 =	sor.u32 s13, s6;
	v2 =	vld [tilespmem:s9+$0x0]  }
0x6ff: {  	s1 =	sor.u32 s13, s7;
	[tilespmem:s0+$0x0] =	vst.add.f32.msk $0xffff, v1  }
0x700: {  	v1 =	vld [tilespmem:s1+$0x0]  }
0x701: {  	s17 =	sor.u32 $0xE280, s15  }
0x702: {  	s18 =	sor.u32 $0x16300, s15;
	s19 =	sor.u32 s14, s17  }
0x703: {  	s20 =	sor.u32 s14, s18;
	[tilespmem:s19+$0x0] =	vst.add.f32.msk $0xffff, v2  }
0x704: {  	s0 =	sor.u32 s13, s17;
	v2 =	vld [tilespmem:s20+$0x0]  }
0x705: {  	s1 =	sor.u32 s13, s18;
	[tilespmem:s0+$0x0] =	vst.add.f32.msk $0xffff, v1  }
0x706: {  	v1 =	vld [tilespmem:s1+$0x0]  }
0x707: {  	[tilespmem:s21+$0x0] =	vst.add.f32.msk $0xffff, v0;
	s21 =	sor.u32 $0xE300, s15  }
0x708: {  	v0 =	vld [tilespmem:s22+$0x0];
	s22 =	sor.u32 $0x16380, s15;
	s23 =	sor.u32 s14, s21  }
0x709: {  	s24 =	sor.u32 s14, s22;
	[tilespmem:s23+$0x0] =	vst.add.f32.msk $0xffff, v2  }
0x70a: {  	s0 =	sor.u32 s13, s21;
	v2 =	vld [tilespmem:s24+$0x0]  }
0x70b: {  	s1 =	sor.u32 s13, s22;
	[tilespmem:s0+$0x0] =	vst.add.f32.msk $0xffff, v1  }
0x70c: {  	v1 =	vld [tilespmem:s1+$0x0];
	_ =	sdelay $0x1  }
0x70d: {  	s25 =	sor.u32 $0xE380, s15  }
0x70e: {  	s26 =	sor.u32 s14, s25;
	[tilespmem:s16+$0x0] =	vst.add.f32.msk $0xffff, v0  }
0x70f: {  	s0 =	sor.u32 s13, s25;
	[tilespmem:s26+$0x0] =	vst.add.f32.msk $0xffff, v2  }
0x710: {  	[tilespmem:s0+$0x0] =	vst.add.f32.msk $0xffff, v1  }
0x711: {  	s2 =	simm.s32 $0xC000;
	s3 =	simm.s32 $0x7;
	s0 =	rddreg [dreg:$0x1a]  }
0x712: {  	[hbm4b:s0+s11] =	stream.linear.scatter [tilespmem:s2], [sflag:$0xA], $0x4000, $0x38;
	[tilespmem:$0x18000] =	vst v63  }
0x713: {  	_ =	swait.ge [sflag:s3], $0x4000  }
0x714: {  	[sflag:s3] =	ssyncset.done $0x0  }
0x715: {  	s28 =	simm.s32 $0x8;
	[sflag:s3] =	ssyncadd.s32 $0xFFFFC000  }
0x716: {  	_ =	swait.ge [sflag:s28], $0x4000  }
0x717: {  	[sflag:s28] =	ssyncset.done $0x0  }
0x718: {  	s29 =	simm.s32 $0x9;
	[sflag:s28] =	ssyncadd.s32 $0xFFFFC000  }
0x719: {  	_ =	swait.ge [sflag:s29], $0x4000  }
0x71a: {  	[sflag:s29] =	ssyncset.done $0x0  }
0x71b: {  	s30 =	simm.s32 $0xA;
	[sflag:s29] =	ssyncadd.s32 $0xFFFFC000  }
0x71c: {  	_ =	swait.ge [sflag:s30], $0x4000  }
0x71d: {  	s12 =	sadd.s32 $0x1, s12;
	s31 =	rddreg [dreg:$0x1b]  }
0x71e: {  	p0 =	sne.s32 s12, s31  }
.Ltmp8:
0x71f: {  	_ = 	snop;
	(pc) =	sbr.rel @p0 .LBB2_1-.Ltmp8, $3  }
0x720: {  	_ =	sdelay $0x1  }
0x721: {  	[sflag:s30] =	ssyncset.done $0x0  }
0x722: {  	[sflag:s30] =	ssyncadd.s32 $0xFFFFC000  }
0x723: {  	_ =	sfence.sel $0x180000  }
0x724: {  	[bflag:$0x0] =	sbarrier.arrive $0xFFFF  }
0x725: {  	_ =	strace $0x90000047  }
0x726: {  	s0 =	stileid.u32;
	[bflag:$0x2] =	sbarrier.arrive $0xFFFF  }
0x727: {  	p0 =	sne.s32 s0, $0x0;
	s0 =	rddreg [dreg:$0x2]  }
0x728: {  	s0 =	sadd.s32 @!p0 $0x100000, s0  }
0x729: {  	[sflag:s0] =	ssyncadd.tile.s32 @!p0 $0x1;
	_ =	shalt  }
.Lfunc_end2:
_tile_overlayer_lowered:
.L_overlay_start_2:
0x72a: {  	(tag) =	ssettag $0x2  }
0x72b: {  	s0 =	rddreg [dreg:$0x0];
	s2 =	stileid.u32  }
0x72c: {  	s1 =	rddreg [dreg:$0x1];
	p0 =	sne.s32 s2, $0x0  }
0x72d: {  	s3 =	rddreg [dreg:$0x2];
	[bflag:$0x3] =	sbarrier.arrive $0xFFFF;
	s2 =	simm.s32 @!p0 $0x1C0B  }
0x72e: {  	[timem:s3], [sflag:s2] =	dma.local @!p0 [hbm:s0], s1  }
0x72f: {  	s0 =	simm.s32 @!p0 $0xB  }
0x730: {  	_ =	swait.ge @!p0 [sflag:s0], s1  }
0x731: {  	s1 =	ssub.s32 @!p0 $0x0, s1;
	[sflag:s0] =	ssyncset.done @!p0 $0x0  }
0x732: {  	[sflag:s0] =	ssyncadd.s32 @!p0 s1  }
0x733: {  	[bflag:$0x3] =	sbarrier.arrive $0xFFFF  }
0x734: {  	_ =	shalt  }

</sc_bundles>
